<compile_context>
chip_gen: v7x
topology: tpu7x:2x2x1
jax: 0.10.2.dev20260603
libtpu: 0.0.44.dev20260713+nightly
codegen_flags: <defaults>
</compile_context>

<pallas_src>
import functools

import jax
import jax.numpy as jnp
from jax import lax
from jax.experimental import pallas as pl
from jax.experimental.pallas import tpu as pltpu
from jax.experimental.pallas import tpu_sc as plsc

_D = 2048
_K = 307
_NC = 2
_NS = 16
_NW = _NC * _NS
_CH = 16
_NB1 = 1024
_NBS = 128
_CAP = 1008


def _sc_gating_mask(xf):
    R = xf.shape[0]
    rows_per_w = R // _NW
    nch = rows_per_w // _CH

    mesh = plsc.VectorSubcoreMesh(core_axis_name="c", subcore_axis_name="s")

    @functools.partial(
        pl.kernel,
        mesh=mesh,
        compiler_params=pltpu.CompilerParams(
            needs_layout_passes=False, use_tc_tiling_on_sc=True
        ),
        out_type=jax.ShapeDtypeStruct((R, _D), jnp.float32),
        scratch_types=[
            pltpu.VMEM((_CH, _D), jnp.float32),
            pltpu.VMEM((_CH, _D), jnp.float32),
            pltpu.VMEM((_CH, _D), jnp.float32),
            pltpu.VMEM((_NB1 * 16,), jnp.int32),
            pltpu.VMEM((_CAP * 16,), jnp.int32),
            pltpu.VMEM((16,), jnp.int32),
            pltpu.SemaphoreType.DMA,
            pltpu.SemaphoreType.DMA,
            pltpu.SemaphoreType.DMA,
        ],
    )
    def k(x_hbm, m_hbm, in0, in1, outb, hist, cand, tref, s0, s1, s_out):
        wid = lax.axis_index("c") * _NS + lax.axis_index("s")
        rbase = wid * rows_per_w
        lane = lax.iota(jnp.int32, 16)
        ones = jnp.full((16,), 1, jnp.int32)
        zeros = jnp.zeros((16,), jnp.int32)
        kvec = jnp.full((16,), _K, jnp.int32)

        def roff(i):
            return rbase + i * _CH

        def start_in(i, buf, sem):
            pltpu.make_async_copy(
                x_hbm.at[pl.ds(roff(i), _CH), :], buf, sem
            ).start()

        def wait_in(i, buf, sem):
            pltpu.make_async_copy(
                x_hbm.at[pl.ds(roff(i), _CH), :], buf, sem
            ).wait()

        @plsc.parallel_loop(0, _NB1, unroll=4)
        def _(j):
            hist[pl.ds(j * 16, 16)] = zeros

        def scan(nb, kk):
            @plsc.parallel_loop(0, nb, unroll=4, carry=(zeros, zeros, zeros))
            def res(j, carry):
                acc, nc_cnt, cnt_above = carry
                beta = nb - 1 - j
                v = hist[pl.ds(beta * 16, 16)]
                hist[pl.ds(beta * 16, 16)] = zeros
                acc = acc + v
                nc = acc < kk
                nc_cnt = nc_cnt + jnp.where(nc, 1, 0)
                cnt_above = jnp.where(nc, acc, cnt_above)
                return acc, nc_cnt, cnt_above

            _, nc_cnt, cnt_above = res
            return (nb - 1) - nc_cnt, kk - cnt_above

        def gat_u(buf, d):
            v = plsc.load_gather(buf, [lane, d ^ lane])
            return lax.bitcast_convert_type(v, jnp.int32) & jnp.int32(
                0x7FFFFFFF
            )

        def refine(kk1, b1, loop_hi, load_u, valid_fn):
            @plsc.parallel_loop(0, loop_hi, unroll=4)
            def _(j):
                u = load_u(j)
                m = valid_fn(j, u >> 21, b1)
                addr = ((u >> 10) & jnp.int32(0x7F0)) | lane
                plsc.addupdate_scatter(hist, [addr], ones, mask=m)

            b2, kk2 = scan(_NBS, kk1)
            pfx = (b1 << 7) | b2

            @plsc.parallel_loop(0, loop_hi, unroll=4)
            def _(j):
                u = load_u(j)
                m = valid_fn(j, u >> 14, pfx)
                addr = ((u >> 3) & jnp.int32(0x7F0)) | lane
                plsc.addupdate_scatter(hist, [addr], ones, mask=m)

            b3, kk3 = scan(_NBS, kk2)
            pfx = (pfx << 7) | b3

            @plsc.parallel_loop(0, loop_hi, unroll=4)
            def _(j):
                u = load_u(j)
                m = valid_fn(j, u >> 7, pfx)
                addr = ((u << 4) & jnp.int32(0x7F0)) | lane
                plsc.addupdate_scatter(hist, [addr], ones, mask=m)

            b4, _ = scan(_NBS, kk3)
            tref[...] = (pfx << 7) | b4

        def process(i, buf, pbuf, sem, psem):
            wait_in(i, buf, sem)

            @pl.when(i > 1)
            def _():
                pltpu.make_async_copy(
                    outb, m_hbm.at[pl.ds(roff(i) - 2 * _CH, _CH), :], s_out
                ).wait()

            tvec = tref[...]

            @plsc.parallel_loop(0, _D, unroll=8)
            def _(d):
                col = d ^ lane
                vp = plsc.load_gather(pbuf, [lane, col])
                up = lax.bitcast_convert_type(vp, jnp.int32) & jnp.int32(
                    0x7FFFFFFF
                )
                m = jnp.where(up >= tvec, 1.0, 0.0).astype(jnp.float32)
                plsc.store_scatter(outb, [lane, col], m)
                v = plsc.load_gather(buf, [lane, col])
                u = lax.bitcast_convert_type(v, jnp.int32) & jnp.int32(
                    0x7FFFFFFF
                )
                addr = ((u >> 17) & jnp.int32(0x3FF0)) | lane
                plsc.addupdate_scatter(hist, [addr], ones)

            @pl.when(i > 0)
            def _():
                pltpu.make_async_copy(
                    outb, m_hbm.at[pl.ds(roff(i) - _CH, _CH), :], s_out
                ).start()

            @pl.when(i + 1 < nch)
            def _():
                start_in(i + 1, pbuf, psem)

            b1, kk1 = scan(_NB1, kvec)

            @plsc.parallel_loop(0, _D, unroll=8, carry=zeros)
            def cnt(d, c):
                u = gat_u(buf, d)
                m = ((u >> 21) == b1) & (c < _CAP)
                plsc.store_scatter(cand, [(c << 4) | lane], u, mask=m)
                return c + jnp.where(m, 1, 0)

            m_max = jnp.max(cnt)

            refine(
                kk1,
                b1,
                m_max,
                lambda j: cand[pl.ds(j * 16, 16)],
                lambda j, upart, pfx: (j < cnt) & (upart == pfx),
            )

            @pl.when(m_max >= _CAP)
            def _():
                refine(
                    kk1,
                    b1,
                    _D,
                    lambda d: gat_u(buf, d),
                    lambda d, upart, pfx: upart == pfx,
                )

        start_in(0, in0, s0)

        def pair(p, c):
            process(p * 2, in0, in1, s0, s1)
            process(p * 2 + 1, in1, in0, s1, s0)
            return c

        lax.fori_loop(0, nch // 2, pair, 0)

        pltpu.make_async_copy(
            outb, m_hbm.at[pl.ds(roff(nch - 2), _CH), :], s_out
        ).wait()
        tvec = tref[...]
        lbuf = in1 if (nch - 1) % 2 else in0

        @plsc.parallel_loop(0, _D, unroll=8)
        def _(d):
            u = gat_u(lbuf, d)
            m = jnp.where(u >= tvec, 1.0, 0.0).astype(jnp.float32)
            plsc.store_scatter(outb, [lane, d ^ lane], m)

        pltpu.make_async_copy(
            outb, m_hbm.at[pl.ds(roff(nch - 1), _CH), :], s_out
        ).start()
        pltpu.make_async_copy(
            outb, m_hbm.at[pl.ds(roff(nch - 1), _CH), :], s_out
        ).wait()

    return k(xf)


def kernel(x):
    B, T, D = x.shape
    xf = x.reshape(B * T, D)
    mask = _sc_gating_mask(xf)
    return x, mask.reshape(B, T, D)

# --- scband reference (transcript-rebuilt; emitter-appended) ---
"""Pipeline reference for scband-sparse-gating-73289321939550 (READ-ONLY COPY).

The authoritative reference and input builder live on the scoring server;
editing this copy changes nothing except your own understanding.
"""

import jax, jax.numpy as jnp
import numpy as np

TARGET_DENSITY = 0.15


def setup_inputs(seed: int = 0) -> dict:
    key = jax.random.key(seed)
    x = jax.random.normal(key, (4, 8192, 2048), dtype=jnp.float32)
    return {"x": x}


def reference(x):
    # SparseGating, mode='per_token', target_density=0.15, straight_through=True
    # x: [B, T, D] -> (y, mask), both [B, T, D]
    B, T, D = x.shape
    k = max(1, int(round(TARGET_DENSITY * D)))
    scores = jnp.abs(x)
    # per-token top-k over last dim
    flat_scores = scores.reshape(B * T, D)
    _, topk_idx = jax.lax.top_k(flat_scores, k)  # [B*T, k]
    rows = jnp.arange(B * T)[:, None]  # [B*T, 1]
    mask_flat = jnp.zeros((B * T, D), dtype=x.dtype).at[rows, topk_idx].set(1.0)
    mask = mask_flat.reshape(B, T, D)
    # straight-through: y == x in value, grads only flow through masked dims
    y = x * mask + jax.lax.stop_gradient(x) * (1.0 - mask)
    return y, mask

if __name__ == "__main__":
    import jax
    _d = setup_inputs()
    print(jax.jit(kernel)(*tuple(_d.values())))

</pallas_src>

<mosaic_0001>
#map = affine_map<(d0, d1) -> (0, 0)>
module attributes {stable_mosaic.version = 14 : i64} {
  func.func @k(%arg0: i32, %arg1: i32, %arg2: memref<32768x2048xf32, #tpu.memory_space<hbm>>, %arg3: memref<32768x2048xf32, #tpu.memory_space<hbm>>, %arg4: memref<16x2048xf32, #tpu.memory_space<vmem>>, %arg5: memref<16x2048xf32, #tpu.memory_space<vmem>>, %arg6: memref<16x2048xf32, #tpu.memory_space<vmem>>, %arg7: memref<16384xi32, #tpu.memory_space<vmem>>, %arg8: memref<16128xi32, #tpu.memory_space<vmem>>, %arg9: memref<16xi32, #tpu.memory_space<vmem>>, %arg10: memref<!tpu.dma_semaphore, #tpu.memory_space<semaphore_mem>>, %arg11: memref<!tpu.dma_semaphore, #tpu.memory_space<semaphore_mem>>, %arg12: memref<!tpu.dma_semaphore, #tpu.memory_space<semaphore_mem>>) attributes {dimension_semantics = [#tpu.dimension_semantics<core_parallel>, #tpu.dimension_semantics<subcore_parallel>], iteration_bounds = array<i64: 2, 16>, scalar_prefetch = 0 : i64, scratch_operands = 9 : i64, tpu.core_type = #tpu.core_type<sc_vector_subcore>, window_params = [{transform_indices = #map}, {transform_indices = #map}]} {
    %mul3A = arith.constant 16 : i32
    %mul3A_0 = arith.muli %arg0, %mul3A : i32
    %add3A = arith.addi %mul3A_0, %arg1 : i32
    %mul3A_1 = arith.constant 1024 : i32
    %mul3A_2 = arith.muli %add3A, %mul3A_1 : i32
    %iota3A = tpu.iota {dimensions = array<i32: 0>} : vector<16xi32>
    %broadcast_in_dim3A = arith.constant 1 : i32
    %broadcast_in_dim3A_3 = vector.broadcast %broadcast_in_dim3A : i32 to vector<16xi32>
    %broadcast_in_dim3A_4 = arith.constant 0 : i32
    %broadcast_in_dim3A_5 = vector.broadcast %broadcast_in_dim3A_4 : i32 to vector<16xi32>
    %broadcast_in_dim3A_6 = arith.constant 307 : i32
    %broadcast_in_dim3A_7 = vector.broadcast %broadcast_in_dim3A_6 : i32 to vector<16xi32>
    %parallel_loop3A = arith.constant 0 : i32
    %parallel_loop3A_8 = arith.constant 1024 : i32
    %parallel_loop3A_9 = arith.constant 1 : i32
    scf.for %parallel_loop3A_41 = %parallel_loop3A to %parallel_loop3A_8 step %parallel_loop3A_9  : i32 {
      %parallel_loop3A_42 = arith.constant 16 : i32
      %parallel_loop3A_43 = arith.muli %parallel_loop3A_41, %parallel_loop3A_42 : i32
      %parallel_loop3A_44 = arith.index_cast %parallel_loop3A_43 : i32 to index
      %parallel_loop3A_45 = tpu.vector_load %arg7[%parallel_loop3A_44] {strides = array<i32>} : memref<16384xi32, #tpu.memory_space<vmem>>, vector<16xi32>,
      tpu.vector_store %arg7[%parallel_loop3A_44], %broadcast_in_dim3A_5 {strides = array<i32>} : memref<16384xi32, #tpu.memory_space<vmem>>, vector<16xi32>,
    } {sc.loop_unroll_factor = 4 : i64, sc.parallel_access}
    %add3A_10 = arith.constant 0 : i32
    %add3A_11 = arith.addi %mul3A_2, %add3A_10 : i32
    %dma_start3A = arith.constant 0 : i32
    %dma_start3A_12 = tpu.memref_slice %arg2[%add3A_11, %dma_start3A] : memref<32768x2048xf32, #tpu.memory_space<hbm>> -> memref<16x2048xf32, #tpu.memory_space<hbm>>
    %dma_start3A_13 = arith.constant 0 : i32
    %dma_start3A_14 = tpu.memref_slice %arg2[%add3A_11, %dma_start3A_13] : memref<32768x2048xf32, #tpu.memory_space<hbm>> -> memref<16x2048xf32, #tpu.memory_space<hbm>>
    tpu.enqueue_dma source(%dma_start3A_14 : memref<16x2048xf32, #tpu.memory_space<hbm>>) target(%arg4 : memref<16x2048xf32, #tpu.memory_space<vmem>>) target_semaphore(%arg10 : memref<!tpu.dma_semaphore, #tpu.memory_space<semaphore_mem>>)
    %scan3A = arith.constant 0 : i32
    %scan3A_15 = arith.constant 0 : i32
    %scan3A_16 = arith.constant 32 : i32
    %scan3A_17 = arith.addi %scan3A_15, %scan3A_16 : i32
    %scan3A_18 = arith.constant 1 : i32
    scf.for %scan3A_41 = %scan3A_15 to %scan3A_17 step %scan3A_18  : i32 {
      %mul3A_42 = arith.constant 2 : i32
      %mul3A_43 = arith.muli %scan3A_41, %mul3A_42 : i32
      %mul3A_44 = arith.constant 16 : i32
      %mul3A_45 = arith.muli %mul3A_43, %mul3A_44 : i32
      %add3A_46 = arith.addi %mul3A_2, %mul3A_45 : i32
      %dma_wait3A_47 = arith.constant 0 : i32
      %dma_wait3A_48 = tpu.memref_slice %arg2[%add3A_46, %dma_wait3A_47] : memref<32768x2048xf32, #tpu.memory_space<hbm>> -> memref<16x2048xf32, #tpu.memory_space<hbm>>
      %dma_wait3A_49 = arith.constant 0 : i32
      %dma_wait3A_50 = tpu.memref_slice %arg2[%add3A_46, %dma_wait3A_49] : memref<32768x2048xf32, #tpu.memory_space<hbm>> -> memref<16x2048xf32, #tpu.memory_space<hbm>>
      tpu.wait_dma2 semaphore(%arg10 : memref<!tpu.dma_semaphore, #tpu.memory_space<semaphore_mem>>) src(%dma_wait3A_50 : memref<16x2048xf32, #tpu.memory_space<hbm>>) dst(%arg4 : memref<16x2048xf32, #tpu.memory_space<vmem>>)
      %gt3A = arith.constant 1 : i32
      %gt3A_51 = arith.cmpi sgt, %mul3A_43, %gt3A : i32
      %convert_element_type3A = arith.extui %gt3A_51 : i1 to i32
      %cond3A = arith.constant 0 : i32
      %cond3A_52 = arith.cmpi ne, %convert_element_type3A, %cond3A : i32
      scf.if %cond3A_52 {
        %mul3A_234 = arith.constant 16 : i32
        %mul3A_235 = arith.muli %mul3A_43, %mul3A_234 : i32
        %add3A_236 = arith.addi %mul3A_2, %mul3A_235 : i32
        %sub3A_237 = arith.constant 32 : i32
        %sub3A_238 = arith.subi %add3A_236, %sub3A_237 : i32
        %dma_wait3A_239 = arith.constant 0 : i32
        %dma_wait3A_240 = tpu.memref_slice %arg3[%sub3A_238, %dma_wait3A_239] : memref<32768x2048xf32, #tpu.memory_space<hbm>> -> memref<16x2048xf32, #tpu.memory_space<hbm>>
        %dma_wait3A_241 = arith.constant 0 : i32
        %dma_wait3A_242 = tpu.memref_slice %arg3[%sub3A_238, %dma_wait3A_241] : memref<32768x2048xf32, #tpu.memory_space<hbm>> -> memref<16x2048xf32, #tpu.memory_space<hbm>>
        tpu.wait_dma2 semaphore(%arg12 : memref<!tpu.dma_semaphore, #tpu.memory_space<semaphore_mem>>) src(%arg6 : memref<16x2048xf32, #tpu.memory_space<vmem>>) dst(%dma_wait3A_242 : memref<16x2048xf32, #tpu.memory_space<hbm>>)
      } else {
      }
      %get3A_53 = arith.constant 0 : index
      %get3A_54 = tpu.vector_load %arg9[%get3A_53] {strides = array<i32>} : memref<16xi32, #tpu.memory_space<vmem>>, vector<16xi32>,
      %parallel_loop3A_55 = arith.constant 0 : i32
      %parallel_loop3A_56 = arith.constant 2048 : i32
      %parallel_loop3A_57 = arith.constant 1 : i32
      scf.for %parallel_loop3A_234 = %parallel_loop3A_55 to %parallel_loop3A_56 step %parallel_loop3A_57  : i32 {
        %parallel_loop3A_235 = vector.broadcast %parallel_loop3A_234 : i32 to vector<16xi32>
        %parallel_loop3A_236 = arith.xori %parallel_loop3A_235, %iota3A : vector<16xi32>
        %parallel_loop3A_237 = tpu.vector_load_idx %arg5[%iota3A, %parallel_loop3A_236] : memref<16x2048xf32, #tpu.memory_space<vmem>>[vector<16xi32>, vector<16xi32>], vector<16xf32>,
        %parallel_loop3A_238 = tpu.bitcast %parallel_loop3A_237 : vector<16xf32> -> vector<16xi32>
        %parallel_loop3A_239 = arith.constant 2147483647 : i32
        %parallel_loop3A_240 = vector.broadcast %parallel_loop3A_239 : i32 to vector<16xi32>
        %parallel_loop3A_241 = arith.andi %parallel_loop3A_238, %parallel_loop3A_240 : vector<16xi32>
        %parallel_loop3A_242 = arith.cmpi sge, %parallel_loop3A_241, %get3A_54 : vector<16xi32>
        %parallel_loop3A_243 = arith.constant 1.000000e+00 : f32
        %parallel_loop3A_244 = arith.constant 0.000000e+00 : f32
        %parallel_loop3A_245 = vector.broadcast %parallel_loop3A_243 : f32 to vector<16xf32>
        %parallel_loop3A_246 = vector.broadcast %parallel_loop3A_244 : f32 to vector<16xf32>
        %parallel_loop3A_247 = arith.select %parallel_loop3A_242, %parallel_loop3A_245, %parallel_loop3A_246 : vector<16xi1>, vector<16xf32>
        tpu.vector_store_idx %arg6[%iota3A, %parallel_loop3A_236], %parallel_loop3A_247 : memref<16x2048xf32, #tpu.memory_space<vmem>>[vector<16xi32>, vector<16xi32>], vector<16xf32>,
        %parallel_loop3A_248 = tpu.vector_load_idx %arg4[%iota3A, %parallel_loop3A_236] : memref<16x2048xf32, #tpu.memory_space<vmem>>[vector<16xi32>, vector<16xi32>], vector<16xf32>,
        %parallel_loop3A_249 = tpu.bitcast %parallel_loop3A_248 : vector<16xf32> -> vector<16xi32>
        %parallel_loop3A_250 = arith.constant 2147483647 : i32
        %parallel_loop3A_251 = vector.broadcast %parallel_loop3A_250 : i32 to vector<16xi32>
        %parallel_loop3A_252 = arith.andi %parallel_loop3A_249, %parallel_loop3A_251 : vector<16xi32>
        %parallel_loop3A_253 = arith.constant 17 : i32
        %parallel_loop3A_254 = vector.broadcast %parallel_loop3A_253 : i32 to vector<16xi32>
        %parallel_loop3A_255 = arith.shrsi %parallel_loop3A_252, %parallel_loop3A_254 : vector<16xi32>
        %parallel_loop3A_256 = arith.constant 16368 : i32
        %parallel_loop3A_257 = vector.broadcast %parallel_loop3A_256 : i32 to vector<16xi32>
        %parallel_loop3A_258 = arith.andi %parallel_loop3A_255, %parallel_loop3A_257 : vector<16xi32>
        %parallel_loop3A_259 = arith.ori %parallel_loop3A_258, %iota3A : vector<16xi32>
        tpu.vector_store_idx %arg7[%parallel_loop3A_259], %broadcast_in_dim3A_3 {add = true} : memref<16384xi32, #tpu.memory_space<vmem>>[vector<16xi32>], vector<16xi32>,
      } {sc.loop_unroll_factor = 8 : i64, sc.parallel_access}
      %gt3A_58 = arith.constant 0 : i32
      %gt3A_59 = arith.cmpi sgt, %mul3A_43, %gt3A_58 : i32
      %convert_element_type3A_60 = arith.extui %gt3A_59 : i1 to i32
      %cond3A_61 = arith.constant 0 : i32
      %cond3A_62 = arith.cmpi ne, %convert_element_type3A_60, %cond3A_61 : i32
      scf.if %cond3A_62 {
        %mul3A_234 = arith.constant 16 : i32
        %mul3A_235 = arith.muli %mul3A_43, %mul3A_234 : i32
        %add3A_236 = arith.addi %mul3A_2, %mul3A_235 : i32
        %sub3A_237 = arith.constant 16 : i32
        %sub3A_238 = arith.subi %add3A_236, %sub3A_237 : i32
        %dma_start3A_239 = arith.constant 0 : i32
        %dma_start3A_240 = tpu.memref_slice %arg3[%sub3A_238, %dma_start3A_239] : memref<32768x2048xf32, #tpu.memory_space<hbm>> -> memref<16x2048xf32, #tpu.memory_space<hbm>>
        %dma_start3A_241 = arith.constant 0 : i32
        %dma_start3A_242 = tpu.memref_slice %arg3[%sub3A_238, %dma_start3A_241] : memref<32768x2048xf32, #tpu.memory_space<hbm>> -> memref<16x2048xf32, #tpu.memory_space<hbm>>
        tpu.enqueue_dma source(%arg6 : memref<16x2048xf32, #tpu.memory_space<vmem>>) target(%dma_start3A_242 : memref<16x2048xf32, #tpu.memory_space<hbm>>) target_semaphore(%arg12 : memref<!tpu.dma_semaphore, #tpu.memory_space<semaphore_mem>>)
      } else {
      }
      %add3A_63 = arith.constant 1 : i32
      %add3A_64 = arith.addi %mul3A_43, %add3A_63 : i32
      %lt3A = arith.constant 64 : i32
      %lt3A_65 = arith.cmpi slt, %add3A_64, %lt3A : i32
      %convert_element_type3A_66 = arith.extui %lt3A_65 : i1 to i32
      %cond3A_67 = arith.constant 0 : i32
      %cond3A_68 = arith.cmpi ne, %convert_element_type3A_66, %cond3A_67 : i32
      scf.if %cond3A_68 {
        %add3A_234 = arith.constant 1 : i32
        %add3A_235 = arith.addi %mul3A_43, %add3A_234 : i32
        %mul3A_236 = arith.constant 16 : i32
        %mul3A_237 = arith.muli %add3A_235, %mul3A_236 : i32
        %add3A_238 = arith.addi %mul3A_2, %mul3A_237 : i32
        %dma_start3A_239 = arith.constant 0 : i32
        %dma_start3A_240 = tpu.memref_slice %arg2[%add3A_238, %dma_start3A_239] : memref<32768x2048xf32, #tpu.memory_space<hbm>> -> memref<16x2048xf32, #tpu.memory_space<hbm>>
        %dma_start3A_241 = arith.constant 0 : i32
        %dma_start3A_242 = tpu.memref_slice %arg2[%add3A_238, %dma_start3A_241] : memref<32768x2048xf32, #tpu.memory_space<hbm>> -> memref<16x2048xf32, #tpu.memory_space<hbm>>
        tpu.enqueue_dma source(%dma_start3A_242 : memref<16x2048xf32, #tpu.memory_space<hbm>>) target(%arg5 : memref<16x2048xf32, #tpu.memory_space<vmem>>) target_semaphore(%arg11 : memref<!tpu.dma_semaphore, #tpu.memory_space<semaphore_mem>>)
      } else {
      }
      %parallel_loop3A_69 = arith.constant 0 : i32
      %parallel_loop3A_70 = arith.constant 1024 : i32
      %parallel_loop3A_71 = arith.constant 1 : i32
      %parallel_loop3A_72:3 = scf.for %parallel_loop3A_234 = %parallel_loop3A_69 to %parallel_loop3A_70 step %parallel_loop3A_71 iter_args(%parallel_loop3A_235 = %broadcast_in_dim3A_5, %parallel_loop3A_236 = %broadcast_in_dim3A_5, %parallel_loop3A_237 = %broadcast_in_dim3A_5) -> (vector<16xi32>, vector<16xi32>, vector<16xi32>)  : i32 {
        %parallel_loop3A_238 = arith.constant 1023 : i32
        %parallel_loop3A_239 = arith.subi %parallel_loop3A_238, %parallel_loop3A_234 : i32
        %parallel_loop3A_240 = arith.constant 16 : i32
        %parallel_loop3A_241 = arith.muli %parallel_loop3A_239, %parallel_loop3A_240 : i32
        %parallel_loop3A_242 = arith.index_cast %parallel_loop3A_241 : i32 to index
        %parallel_loop3A_243 = tpu.vector_load %arg7[%parallel_loop3A_242] {strides = array<i32>} : memref<16384xi32, #tpu.memory_space<vmem>>, vector<16xi32>,
        %parallel_loop3A_244 = arith.constant 16 : i32
        %parallel_loop3A_245 = arith.muli %parallel_loop3A_239, %parallel_loop3A_244 : i32
        %parallel_loop3A_246 = arith.index_cast %parallel_loop3A_245 : i32 to index
        %parallel_loop3A_247 = tpu.vector_load %arg7[%parallel_loop3A_246] {strides = array<i32>} : memref<16384xi32, #tpu.memory_space<vmem>>, vector<16xi32>,
        tpu.vector_store %arg7[%parallel_loop3A_246], %broadcast_in_dim3A_5 {strides = array<i32>} : memref<16384xi32, #tpu.memory_space<vmem>>, vector<16xi32>,
        %parallel_loop3A_248 = arith.addi %parallel_loop3A_235, %parallel_loop3A_243 : vector<16xi32>
        %parallel_loop3A_249 = arith.cmpi slt, %parallel_loop3A_248, %broadcast_in_dim3A_7 : vector<16xi32>
        %parallel_loop3A_250 = arith.constant 1 : i32
        %parallel_loop3A_251 = arith.constant 0 : i32
        %parallel_loop3A_252 = vector.broadcast %parallel_loop3A_250 : i32 to vector<16xi32>
        %parallel_loop3A_253 = vector.broadcast %parallel_loop3A_251 : i32 to vector<16xi32>
        %parallel_loop3A_254 = arith.select %parallel_loop3A_249, %parallel_loop3A_252, %parallel_loop3A_253 : vector<16xi1>, vector<16xi32>
        %parallel_loop3A_255 = arith.addi %parallel_loop3A_236, %parallel_loop3A_254 : vector<16xi32>
        %parallel_loop3A_256 = arith.select %parallel_loop3A_249, %parallel_loop3A_248, %parallel_loop3A_237 : vector<16xi1>, vector<16xi32>
        scf.yield %parallel_loop3A_248, %parallel_loop3A_255, %parallel_loop3A_256 : vector<16xi32>, vector<16xi32>, vector<16xi32>
      } {sc.loop_unroll_factor = 4 : i64, sc.parallel_access}
      %sub3A = arith.constant 1023 : i32
      %sub3A_73 = vector.broadcast %sub3A : i32 to vector<16xi32>
      %sub3A_74 = arith.subi %sub3A_73, %parallel_loop3A_72#1 : vector<16xi32>
      %sub3A_75 = arith.subi %broadcast_in_dim3A_7, %parallel_loop3A_72#2 : vector<16xi32>
      %parallel_loop3A_76 = arith.constant 0 : i32
      %parallel_loop3A_77 = arith.constant 2048 : i32
      %parallel_loop3A_78 = arith.constant 1 : i32
      %parallel_loop3A_79 = scf.for %parallel_loop3A_234 = %parallel_loop3A_76 to %parallel_loop3A_77 step %parallel_loop3A_78 iter_args(%parallel_loop3A_235 = %broadcast_in_dim3A_5) -> (vector<16xi32>)  : i32 {
        %parallel_loop3A_236 = vector.broadcast %parallel_loop3A_234 : i32 to vector<16xi32>
        %parallel_loop3A_237 = arith.xori %parallel_loop3A_236, %iota3A : vector<16xi32>
        %parallel_loop3A_238 = tpu.vector_load_idx %arg4[%iota3A, %parallel_loop3A_237] : memref<16x2048xf32, #tpu.memory_space<vmem>>[vector<16xi32>, vector<16xi32>], vector<16xf32>,
        %parallel_loop3A_239 = tpu.bitcast %parallel_loop3A_238 : vector<16xf32> -> vector<16xi32>
        %parallel_loop3A_240 = arith.constant 2147483647 : i32
        %parallel_loop3A_241 = vector.broadcast %parallel_loop3A_240 : i32 to vector<16xi32>
        %parallel_loop3A_242 = arith.andi %parallel_loop3A_239, %parallel_loop3A_241 : vector<16xi32>
        %parallel_loop3A_243 = arith.constant 21 : i32
        %parallel_loop3A_244 = vector.broadcast %parallel_loop3A_243 : i32 to vector<16xi32>
        %parallel_loop3A_245 = arith.shrsi %parallel_loop3A_242, %parallel_loop3A_244 : vector<16xi32>
        %parallel_loop3A_246 = arith.cmpi eq, %parallel_loop3A_245, %sub3A_74 : vector<16xi32>
        %parallel_loop3A_247 = arith.constant 1008 : i32
        %parallel_loop3A_248 = vector.broadcast %parallel_loop3A_247 : i32 to vector<16xi32>
        %parallel_loop3A_249 = arith.cmpi slt, %parallel_loop3A_235, %parallel_loop3A_248 : vector<16xi32>
        %parallel_loop3A_250 = arith.andi %parallel_loop3A_246, %parallel_loop3A_249 : vector<16xi1>
        %parallel_loop3A_251 = arith.constant 4 : i32
        %parallel_loop3A_252 = vector.broadcast %parallel_loop3A_251 : i32 to vector<16xi32>
        %parallel_loop3A_253 = arith.shli %parallel_loop3A_235, %parallel_loop3A_252 : vector<16xi32>
        %parallel_loop3A_254 = arith.ori %parallel_loop3A_253, %iota3A : vector<16xi32>
        tpu.vector_store_idx %arg8[%parallel_loop3A_254], %parallel_loop3A_242 masked %parallel_loop3A_250 : memref<16128xi32, #tpu.memory_space<vmem>>[vector<16xi32>], vector<16xi32>, vector<16xi1>
        %parallel_loop3A_255 = arith.constant 1 : i32
        %parallel_loop3A_256 = arith.constant 0 : i32
        %parallel_loop3A_257 = vector.broadcast %parallel_loop3A_255 : i32 to vector<16xi32>
        %parallel_loop3A_258 = vector.broadcast %parallel_loop3A_256 : i32 to vector<16xi32>
        %parallel_loop3A_259 = arith.select %parallel_loop3A_250, %parallel_loop3A_257, %parallel_loop3A_258 : vector<16xi1>, vector<16xi32>
        %parallel_loop3A_260 = arith.addi %parallel_loop3A_235, %parallel_loop3A_259 : vector<16xi32>
        scf.yield %parallel_loop3A_260 : vector<16xi32>
      } {sc.loop_unroll_factor = 8 : i64, sc.parallel_access}
      %reduce_max3A = arith.constant true
      %reduce_max3A_80 = vector.broadcast %reduce_max3A : i1 to vector<16xi1>
      %reduce_max3A_81 = arith.constant -2147483648 : i32
      %reduce_max3A_82 = vector.broadcast %reduce_max3A_81 : i32 to vector<16xi32>
      %reduce_max3A_83 = arith.xori %parallel_loop3A_79, %reduce_max3A_82 : vector<16xi32>
      %reduce_max3A_84 = tpu.scan <max>, %reduce_max3A_83 masked %reduce_max3A_80 : vector<16xi32>, vector<16xi1> -> vector<16xi32>
      %reduce_max3A_85 = arith.xori %reduce_max3A_84, %reduce_max3A_82 : vector<16xi32>
      %reduce_max3A_86 = vector.extract %reduce_max3A_85[15] : i32 from vector<16xi32>
      %parallel_loop3A_87 = arith.constant 0 : i32
      %parallel_loop3A_88 = arith.constant 1 : i32
      scf.for %parallel_loop3A_234 = %parallel_loop3A_87 to %reduce_max3A_86 step %parallel_loop3A_88  : i32 {
        %parallel_loop3A_235 = arith.constant 16 : i32
        %parallel_loop3A_236 = arith.muli %parallel_loop3A_234, %parallel_loop3A_235 : i32
        %parallel_loop3A_237 = arith.index_cast %parallel_loop3A_236 : i32 to index
        %parallel_loop3A_238 = tpu.vector_load %arg8[%parallel_loop3A_237] {strides = array<i32>} : memref<16128xi32, #tpu.memory_space<vmem>>, vector<16xi32>,
        %parallel_loop3A_239 = arith.constant 21 : i32
        %parallel_loop3A_240 = vector.broadcast %parallel_loop3A_239 : i32 to vector<16xi32>
        %parallel_loop3A_241 = arith.shrsi %parallel_loop3A_238, %parallel_loop3A_240 : vector<16xi32>
        %parallel_loop3A_242 = vector.broadcast %parallel_loop3A_234 : i32 to vector<16xi32>
        %parallel_loop3A_243 = arith.cmpi slt, %parallel_loop3A_242, %parallel_loop3A_79 : vector<16xi32>
        %parallel_loop3A_244 = arith.cmpi eq, %parallel_loop3A_241, %sub3A_74 : vector<16xi32>
        %parallel_loop3A_245 = arith.andi %parallel_loop3A_243, %parallel_loop3A_244 : vector<16xi1>
        %parallel_loop3A_246 = arith.constant 10 : i32
        %parallel_loop3A_247 = vector.broadcast %parallel_loop3A_246 : i32 to vector<16xi32>
        %parallel_loop3A_248 = arith.shrsi %parallel_loop3A_238, %parallel_loop3A_247 : vector<16xi32>
        %parallel_loop3A_249 = arith.constant 2032 : i32
        %parallel_loop3A_250 = vector.broadcast %parallel_loop3A_249 : i32 to vector<16xi32>
        %parallel_loop3A_251 = arith.andi %parallel_loop3A_248, %parallel_loop3A_250 : vector<16xi32>
        %parallel_loop3A_252 = arith.ori %parallel_loop3A_251, %iota3A : vector<16xi32>
        tpu.vector_store_idx %arg7[%parallel_loop3A_252], %broadcast_in_dim3A_3 masked %parallel_loop3A_245 {add = true} : memref<16384xi32, #tpu.memory_space<vmem>>[vector<16xi32>], vector<16xi32>, vector<16xi1>
      } {sc.loop_unroll_factor = 4 : i64, sc.parallel_access}
      %parallel_loop3A_89 = arith.constant 0 : i32
      %parallel_loop3A_90 = arith.constant 128 : i32
      %parallel_loop3A_91 = arith.constant 1 : i32
      %parallel_loop3A_92:3 = scf.for %parallel_loop3A_234 = %parallel_loop3A_89 to %parallel_loop3A_90 step %parallel_loop3A_91 iter_args(%parallel_loop3A_235 = %broadcast_in_dim3A_5, %parallel_loop3A_236 = %broadcast_in_dim3A_5, %parallel_loop3A_237 = %broadcast_in_dim3A_5) -> (vector<16xi32>, vector<16xi32>, vector<16xi32>)  : i32 {
        %parallel_loop3A_238 = arith.constant 127 : i32
        %parallel_loop3A_239 = arith.subi %parallel_loop3A_238, %parallel_loop3A_234 : i32
        %parallel_loop3A_240 = arith.constant 16 : i32
        %parallel_loop3A_241 = arith.muli %parallel_loop3A_239, %parallel_loop3A_240 : i32
        %parallel_loop3A_242 = arith.index_cast %parallel_loop3A_241 : i32 to index
        %parallel_loop3A_243 = tpu.vector_load %arg7[%parallel_loop3A_242] {strides = array<i32>} : memref<16384xi32, #tpu.memory_space<vmem>>, vector<16xi32>,
        %parallel_loop3A_244 = arith.constant 16 : i32
        %parallel_loop3A_245 = arith.muli %parallel_loop3A_239, %parallel_loop3A_244 : i32
        %parallel_loop3A_246 = arith.index_cast %parallel_loop3A_245 : i32 to index
        %parallel_loop3A_247 = tpu.vector_load %arg7[%parallel_loop3A_246] {strides = array<i32>} : memref<16384xi32, #tpu.memory_space<vmem>>, vector<16xi32>,
        tpu.vector_store %arg7[%parallel_loop3A_246], %broadcast_in_dim3A_5 {strides = array<i32>} : memref<16384xi32, #tpu.memory_space<vmem>>, vector<16xi32>,
        %parallel_loop3A_248 = arith.addi %parallel_loop3A_235, %parallel_loop3A_243 : vector<16xi32>
        %parallel_loop3A_249 = arith.cmpi slt, %parallel_loop3A_248, %sub3A_75 : vector<16xi32>
        %parallel_loop3A_250 = arith.constant 1 : i32
        %parallel_loop3A_251 = arith.constant 0 : i32
        %parallel_loop3A_252 = vector.broadcast %parallel_loop3A_250 : i32 to vector<16xi32>
        %parallel_loop3A_253 = vector.broadcast %parallel_loop3A_251 : i32 to vector<16xi32>
        %parallel_loop3A_254 = arith.select %parallel_loop3A_249, %parallel_loop3A_252, %parallel_loop3A_253 : vector<16xi1>, vector<16xi32>
        %parallel_loop3A_255 = arith.addi %parallel_loop3A_236, %parallel_loop3A_254 : vector<16xi32>
        %parallel_loop3A_256 = arith.select %parallel_loop3A_249, %parallel_loop3A_248, %parallel_loop3A_237 : vector<16xi1>, vector<16xi32>
        scf.yield %parallel_loop3A_248, %parallel_loop3A_255, %parallel_loop3A_256 : vector<16xi32>, vector<16xi32>, vector<16xi32>
      } {sc.loop_unroll_factor = 4 : i64, sc.parallel_access}
      %sub3A_93 = arith.constant 127 : i32
      %sub3A_94 = vector.broadcast %sub3A_93 : i32 to vector<16xi32>
      %sub3A_95 = arith.subi %sub3A_94, %parallel_loop3A_92#1 : vector<16xi32>
      %sub3A_96 = arith.subi %sub3A_75, %parallel_loop3A_92#2 : vector<16xi32>
      %shift_left3A = arith.constant 7 : i32
      %shift_left3A_97 = vector.broadcast %shift_left3A : i32 to vector<16xi32>
      %shift_left3A_98 = arith.shli %sub3A_74, %shift_left3A_97 : vector<16xi32>
      %or3A = arith.ori %shift_left3A_98, %sub3A_95 : vector<16xi32>
      %parallel_loop3A_99 = arith.constant 0 : i32
      %parallel_loop3A_100 = arith.constant 1 : i32
      scf.for %parallel_loop3A_234 = %parallel_loop3A_99 to %reduce_max3A_86 step %parallel_loop3A_100  : i32 {
        %parallel_loop3A_235 = arith.constant 16 : i32
        %parallel_loop3A_236 = arith.muli %parallel_loop3A_234, %parallel_loop3A_235 : i32
        %parallel_loop3A_237 = arith.index_cast %parallel_loop3A_236 : i32 to index
        %parallel_loop3A_238 = tpu.vector_load %arg8[%parallel_loop3A_237] {strides = array<i32>} : memref<16128xi32, #tpu.memory_space<vmem>>, vector<16xi32>,
        %parallel_loop3A_239 = arith.constant 14 : i32
        %parallel_loop3A_240 = vector.broadcast %parallel_loop3A_239 : i32 to vector<16xi32>
        %parallel_loop3A_241 = arith.shrsi %parallel_loop3A_238, %parallel_loop3A_240 : vector<16xi32>
        %parallel_loop3A_242 = vector.broadcast %parallel_loop3A_234 : i32 to vector<16xi32>
        %parallel_loop3A_243 = arith.cmpi slt, %parallel_loop3A_242, %parallel_loop3A_79 : vector<16xi32>
        %parallel_loop3A_244 = arith.cmpi eq, %parallel_loop3A_241, %or3A : vector<16xi32>
        %parallel_loop3A_245 = arith.andi %parallel_loop3A_243, %parallel_loop3A_244 : vector<16xi1>
        %parallel_loop3A_246 = arith.constant 3 : i32
        %parallel_loop3A_247 = vector.broadcast %parallel_loop3A_246 : i32 to vector<16xi32>
        %parallel_loop3A_248 = arith.shrsi %parallel_loop3A_238, %parallel_loop3A_247 : vector<16xi32>
        %parallel_loop3A_249 = arith.constant 2032 : i32
        %parallel_loop3A_250 = vector.broadcast %parallel_loop3A_249 : i32 to vector<16xi32>
        %parallel_loop3A_251 = arith.andi %parallel_loop3A_248, %parallel_loop3A_250 : vector<16xi32>
        %parallel_loop3A_252 = arith.ori %parallel_loop3A_251, %iota3A : vector<16xi32>
        tpu.vector_store_idx %arg7[%parallel_loop3A_252], %broadcast_in_dim3A_3 masked %parallel_loop3A_245 {add = true} : memref<16384xi32, #tpu.memory_space<vmem>>[vector<16xi32>], vector<16xi32>, vector<16xi1>
      } {sc.loop_unroll_factor = 4 : i64, sc.parallel_access}
      %parallel_loop3A_101 = arith.constant 0 : i32
      %parallel_loop3A_102 = arith.constant 128 : i32
      %parallel_loop3A_103 = arith.constant 1 : i32
      %parallel_loop3A_104:3 = scf.for %parallel_loop3A_234 = %parallel_loop3A_101 to %parallel_loop3A_102 step %parallel_loop3A_103 iter_args(%parallel_loop3A_235 = %broadcast_in_dim3A_5, %parallel_loop3A_236 = %broadcast_in_dim3A_5, %parallel_loop3A_237 = %broadcast_in_dim3A_5) -> (vector<16xi32>, vector<16xi32>, vector<16xi32>)  : i32 {
        %parallel_loop3A_238 = arith.constant 127 : i32
        %parallel_loop3A_239 = arith.subi %parallel_loop3A_238, %parallel_loop3A_234 : i32
        %parallel_loop3A_240 = arith.constant 16 : i32
        %parallel_loop3A_241 = arith.muli %parallel_loop3A_239, %parallel_loop3A_240 : i32
        %parallel_loop3A_242 = arith.index_cast %parallel_loop3A_241 : i32 to index
        %parallel_loop3A_243 = tpu.vector_load %arg7[%parallel_loop3A_242] {strides = array<i32>} : memref<16384xi32, #tpu.memory_space<vmem>>, vector<16xi32>,
        %parallel_loop3A_244 = arith.constant 16 : i32
        %parallel_loop3A_245 = arith.muli %parallel_loop3A_239, %parallel_loop3A_244 : i32
        %parallel_loop3A_246 = arith.index_cast %parallel_loop3A_245 : i32 to index
        %parallel_loop3A_247 = tpu.vector_load %arg7[%parallel_loop3A_246] {strides = array<i32>} : memref<16384xi32, #tpu.memory_space<vmem>>, vector<16xi32>,
        tpu.vector_store %arg7[%parallel_loop3A_246], %broadcast_in_dim3A_5 {strides = array<i32>} : memref<16384xi32, #tpu.memory_space<vmem>>, vector<16xi32>,
        %parallel_loop3A_248 = arith.addi %parallel_loop3A_235, %parallel_loop3A_243 : vector<16xi32>
        %parallel_loop3A_249 = arith.cmpi slt, %parallel_loop3A_248, %sub3A_96 : vector<16xi32>
        %parallel_loop3A_250 = arith.constant 1 : i32
        %parallel_loop3A_251 = arith.constant 0 : i32
        %parallel_loop3A_252 = vector.broadcast %parallel_loop3A_250 : i32 to vector<16xi32>
        %parallel_loop3A_253 = vector.broadcast %parallel_loop3A_251 : i32 to vector<16xi32>
        %parallel_loop3A_254 = arith.select %parallel_loop3A_249, %parallel_loop3A_252, %parallel_loop3A_253 : vector<16xi1>, vector<16xi32>
        %parallel_loop3A_255 = arith.addi %parallel_loop3A_236, %parallel_loop3A_254 : vector<16xi32>
        %parallel_loop3A_256 = arith.select %parallel_loop3A_249, %parallel_loop3A_248, %parallel_loop3A_237 : vector<16xi1>, vector<16xi32>
        scf.yield %parallel_loop3A_248, %parallel_loop3A_255, %parallel_loop3A_256 : vector<16xi32>, vector<16xi32>, vector<16xi32>
      } {sc.loop_unroll_factor = 4 : i64, sc.parallel_access}
      %sub3A_105 = arith.constant 127 : i32
      %sub3A_106 = vector.broadcast %sub3A_105 : i32 to vector<16xi32>
      %sub3A_107 = arith.subi %sub3A_106, %parallel_loop3A_104#1 : vector<16xi32>
      %sub3A_108 = arith.subi %sub3A_96, %parallel_loop3A_104#2 : vector<16xi32>
      %shift_left3A_109 = arith.constant 7 : i32
      %shift_left3A_110 = vector.broadcast %shift_left3A_109 : i32 to vector<16xi32>
      %shift_left3A_111 = arith.shli %or3A, %shift_left3A_110 : vector<16xi32>
      %or3A_112 = arith.ori %shift_left3A_111, %sub3A_107 : vector<16xi32>
      %parallel_loop3A_113 = arith.constant 0 : i32
      %parallel_loop3A_114 = arith.constant 1 : i32
      scf.for %parallel_loop3A_234 = %parallel_loop3A_113 to %reduce_max3A_86 step %parallel_loop3A_114  : i32 {
        %parallel_loop3A_235 = arith.constant 16 : i32
        %parallel_loop3A_236 = arith.muli %parallel_loop3A_234, %parallel_loop3A_235 : i32
        %parallel_loop3A_237 = arith.index_cast %parallel_loop3A_236 : i32 to index
        %parallel_loop3A_238 = tpu.vector_load %arg8[%parallel_loop3A_237] {strides = array<i32>} : memref<16128xi32, #tpu.memory_space<vmem>>, vector<16xi32>,
        %parallel_loop3A_239 = arith.constant 7 : i32
        %parallel_loop3A_240 = vector.broadcast %parallel_loop3A_239 : i32 to vector<16xi32>
        %parallel_loop3A_241 = arith.shrsi %parallel_loop3A_238, %parallel_loop3A_240 : vector<16xi32>
        %parallel_loop3A_242 = vector.broadcast %parallel_loop3A_234 : i32 to vector<16xi32>
        %parallel_loop3A_243 = arith.cmpi slt, %parallel_loop3A_242, %parallel_loop3A_79 : vector<16xi32>
        %parallel_loop3A_244 = arith.cmpi eq, %parallel_loop3A_241, %or3A_112 : vector<16xi32>
        %parallel_loop3A_245 = arith.andi %parallel_loop3A_243, %parallel_loop3A_244 : vector<16xi1>
        %parallel_loop3A_246 = arith.constant 4 : i32
        %parallel_loop3A_247 = vector.broadcast %parallel_loop3A_246 : i32 to vector<16xi32>
        %parallel_loop3A_248 = arith.shli %parallel_loop3A_238, %parallel_loop3A_247 : vector<16xi32>
        %parallel_loop3A_249 = arith.constant 2032 : i32
        %parallel_loop3A_250 = vector.broadcast %parallel_loop3A_249 : i32 to vector<16xi32>
        %parallel_loop3A_251 = arith.andi %parallel_loop3A_248, %parallel_loop3A_250 : vector<16xi32>
        %parallel_loop3A_252 = arith.ori %parallel_loop3A_251, %iota3A : vector<16xi32>
        tpu.vector_store_idx %arg7[%parallel_loop3A_252], %broadcast_in_dim3A_3 masked %parallel_loop3A_245 {add = true} : memref<16384xi32, #tpu.memory_space<vmem>>[vector<16xi32>], vector<16xi32>, vector<16xi1>
      } {sc.loop_unroll_factor = 4 : i64, sc.parallel_access}
      %parallel_loop3A_115 = arith.constant 0 : i32
      %parallel_loop3A_116 = arith.constant 128 : i32
      %parallel_loop3A_117 = arith.constant 1 : i32
      %parallel_loop3A_118:3 = scf.for %parallel_loop3A_234 = %parallel_loop3A_115 to %parallel_loop3A_116 step %parallel_loop3A_117 iter_args(%parallel_loop3A_235 = %broadcast_in_dim3A_5, %parallel_loop3A_236 = %broadcast_in_dim3A_5, %parallel_loop3A_237 = %broadcast_in_dim3A_5) -> (vector<16xi32>, vector<16xi32>, vector<16xi32>)  : i32 {
        %parallel_loop3A_238 = arith.constant 127 : i32
        %parallel_loop3A_239 = arith.subi %parallel_loop3A_238, %parallel_loop3A_234 : i32
        %parallel_loop3A_240 = arith.constant 16 : i32
        %parallel_loop3A_241 = arith.muli %parallel_loop3A_239, %parallel_loop3A_240 : i32
        %parallel_loop3A_242 = arith.index_cast %parallel_loop3A_241 : i32 to index
        %parallel_loop3A_243 = tpu.vector_load %arg7[%parallel_loop3A_242] {strides = array<i32>} : memref<16384xi32, #tpu.memory_space<vmem>>, vector<16xi32>,
        %parallel_loop3A_244 = arith.constant 16 : i32
        %parallel_loop3A_245 = arith.muli %parallel_loop3A_239, %parallel_loop3A_244 : i32
        %parallel_loop3A_246 = arith.index_cast %parallel_loop3A_245 : i32 to index
        %parallel_loop3A_247 = tpu.vector_load %arg7[%parallel_loop3A_246] {strides = array<i32>} : memref<16384xi32, #tpu.memory_space<vmem>>, vector<16xi32>,
        tpu.vector_store %arg7[%parallel_loop3A_246], %broadcast_in_dim3A_5 {strides = array<i32>} : memref<16384xi32, #tpu.memory_space<vmem>>, vector<16xi32>,
        %parallel_loop3A_248 = arith.addi %parallel_loop3A_235, %parallel_loop3A_243 : vector<16xi32>
        %parallel_loop3A_249 = arith.cmpi slt, %parallel_loop3A_248, %sub3A_108 : vector<16xi32>
        %parallel_loop3A_250 = arith.constant 1 : i32
        %parallel_loop3A_251 = arith.constant 0 : i32
        %parallel_loop3A_252 = vector.broadcast %parallel_loop3A_250 : i32 to vector<16xi32>
        %parallel_loop3A_253 = vector.broadcast %parallel_loop3A_251 : i32 to vector<16xi32>
        %parallel_loop3A_254 = arith.select %parallel_loop3A_249, %parallel_loop3A_252, %parallel_loop3A_253 : vector<16xi1>, vector<16xi32>
        %parallel_loop3A_255 = arith.addi %parallel_loop3A_236, %parallel_loop3A_254 : vector<16xi32>
        %parallel_loop3A_256 = arith.select %parallel_loop3A_249, %parallel_loop3A_248, %parallel_loop3A_237 : vector<16xi1>, vector<16xi32>
        scf.yield %parallel_loop3A_248, %parallel_loop3A_255, %parallel_loop3A_256 : vector<16xi32>, vector<16xi32>, vector<16xi32>
      } {sc.loop_unroll_factor = 4 : i64, sc.parallel_access}
      %sub3A_119 = arith.constant 127 : i32
      %sub3A_120 = vector.broadcast %sub3A_119 : i32 to vector<16xi32>
      %sub3A_121 = arith.subi %sub3A_120, %parallel_loop3A_118#1 : vector<16xi32>
      %sub3A_122 = arith.subi %sub3A_108, %parallel_loop3A_118#2 : vector<16xi32>
      %shift_left3A_123 = arith.constant 7 : i32
      %shift_left3A_124 = vector.broadcast %shift_left3A_123 : i32 to vector<16xi32>
      %shift_left3A_125 = arith.shli %or3A_112, %shift_left3A_124 : vector<16xi32>
      %or3A_126 = arith.ori %shift_left3A_125, %sub3A_121 : vector<16xi32>
      %swap3A = arith.constant 0 : index
      %swap3A_127 = tpu.vector_load %arg9[%swap3A] {strides = array<i32>} : memref<16xi32, #tpu.memory_space<vmem>>, vector<16xi32>,
      tpu.vector_store %arg9[%swap3A], %or3A_126 {strides = array<i32>} : memref<16xi32, #tpu.memory_space<vmem>>, vector<16xi32>,
      %ge3A = arith.constant 1008 : i32
      %ge3A_128 = arith.cmpi sge, %reduce_max3A_86, %ge3A : i32
      %convert_element_type3A_129 = arith.extui %ge3A_128 : i1 to i32
      %cond3A_130 = arith.constant 0 : i32
      %cond3A_131 = arith.cmpi ne, %convert_element_type3A_129, %cond3A_130 : i32
      scf.if %cond3A_131 {
        %parallel_loop3A_234 = arith.constant 0 : i32
        %parallel_loop3A_235 = arith.constant 2048 : i32
        %parallel_loop3A_236 = arith.constant 1 : i32
        scf.for %parallel_loop3A_281 = %parallel_loop3A_234 to %parallel_loop3A_235 step %parallel_loop3A_236  : i32 {
          %parallel_loop3A_282 = vector.broadcast %parallel_loop3A_281 : i32 to vector<16xi32>
          %parallel_loop3A_283 = arith.xori %parallel_loop3A_282, %iota3A : vector<16xi32>
          %parallel_loop3A_284 = tpu.vector_load_idx %arg4[%iota3A, %parallel_loop3A_283] : memref<16x2048xf32, #tpu.memory_space<vmem>>[vector<16xi32>, vector<16xi32>], vector<16xf32>,
          %parallel_loop3A_285 = tpu.bitcast %parallel_loop3A_284 : vector<16xf32> -> vector<16xi32>
          %parallel_loop3A_286 = arith.constant 2147483647 : i32
          %parallel_loop3A_287 = vector.broadcast %parallel_loop3A_286 : i32 to vector<16xi32>
          %parallel_loop3A_288 = arith.andi %parallel_loop3A_285, %parallel_loop3A_287 : vector<16xi32>
          %parallel_loop3A_289 = arith.constant 21 : i32
          %parallel_loop3A_290 = vector.broadcast %parallel_loop3A_289 : i32 to vector<16xi32>
          %parallel_loop3A_291 = arith.shrsi %parallel_loop3A_288, %parallel_loop3A_290 : vector<16xi32>
          %parallel_loop3A_292 = arith.cmpi eq, %parallel_loop3A_291, %sub3A_74 : vector<16xi32>
          %parallel_loop3A_293 = arith.constant 10 : i32
          %parallel_loop3A_294 = vector.broadcast %parallel_loop3A_293 : i32 to vector<16xi32>
          %parallel_loop3A_295 = arith.shrsi %parallel_loop3A_288, %parallel_loop3A_294 : vector<16xi32>
          %parallel_loop3A_296 = arith.constant 2032 : i32
          %parallel_loop3A_297 = vector.broadcast %parallel_loop3A_296 : i32 to vector<16xi32>
          %parallel_loop3A_298 = arith.andi %parallel_loop3A_295, %parallel_loop3A_297 : vector<16xi32>
          %parallel_loop3A_299 = arith.ori %parallel_loop3A_298, %iota3A : vector<16xi32>
          tpu.vector_store_idx %arg7[%parallel_loop3A_299], %broadcast_in_dim3A_3 masked %parallel_loop3A_292 {add = true} : memref<16384xi32, #tpu.memory_space<vmem>>[vector<16xi32>], vector<16xi32>, vector<16xi1>
        } {sc.loop_unroll_factor = 4 : i64, sc.parallel_access}
        %parallel_loop3A_237 = arith.constant 0 : i32
        %parallel_loop3A_238 = arith.constant 128 : i32
        %parallel_loop3A_239 = arith.constant 1 : i32
        %parallel_loop3A_240:3 = scf.for %parallel_loop3A_281 = %parallel_loop3A_237 to %parallel_loop3A_238 step %parallel_loop3A_239 iter_args(%parallel_loop3A_282 = %broadcast_in_dim3A_5, %parallel_loop3A_283 = %broadcast_in_dim3A_5, %parallel_loop3A_284 = %broadcast_in_dim3A_5) -> (vector<16xi32>, vector<16xi32>, vector<16xi32>)  : i32 {
          %parallel_loop3A_285 = arith.constant 127 : i32
          %parallel_loop3A_286 = arith.subi %parallel_loop3A_285, %parallel_loop3A_281 : i32
          %parallel_loop3A_287 = arith.constant 16 : i32
          %parallel_loop3A_288 = arith.muli %parallel_loop3A_286, %parallel_loop3A_287 : i32
          %parallel_loop3A_289 = arith.index_cast %parallel_loop3A_288 : i32 to index
          %parallel_loop3A_290 = tpu.vector_load %arg7[%parallel_loop3A_289] {strides = array<i32>} : memref<16384xi32, #tpu.memory_space<vmem>>, vector<16xi32>,
          %parallel_loop3A_291 = arith.constant 16 : i32
          %parallel_loop3A_292 = arith.muli %parallel_loop3A_286, %parallel_loop3A_291 : i32
          %parallel_loop3A_293 = arith.index_cast %parallel_loop3A_292 : i32 to index
          %parallel_loop3A_294 = tpu.vector_load %arg7[%parallel_loop3A_293] {strides = array<i32>} : memref<16384xi32, #tpu.memory_space<vmem>>, vector<16xi32>,
          tpu.vector_store %arg7[%parallel_loop3A_293], %broadcast_in_dim3A_5 {strides = array<i32>} : memref<16384xi32, #tpu.memory_space<vmem>>, vector<16xi32>,
          %parallel_loop3A_295 = arith.addi %parallel_loop3A_282, %parallel_loop3A_290 : vector<16xi32>
          %parallel_loop3A_296 = arith.cmpi slt, %parallel_loop3A_295, %sub3A_75 : vector<16xi32>
          %parallel_loop3A_297 = arith.constant 1 : i32
          %parallel_loop3A_298 = arith.constant 0 : i32
          %parallel_loop3A_299 = vector.broadcast %parallel_loop3A_297 : i32 to vector<16xi32>
          %parallel_loop3A_300 = vector.broadcast %parallel_loop3A_298 : i32 to vector<16xi32>
          %parallel_loop3A_301 = arith.select %parallel_loop3A_296, %parallel_loop3A_299, %parallel_loop3A_300 : vector<16xi1>, vector<16xi32>
          %parallel_loop3A_302 = arith.addi %parallel_loop3A_283, %parallel_loop3A_301 : vector<16xi32>
          %parallel_loop3A_303 = arith.select %parallel_loop3A_296, %parallel_loop3A_295, %parallel_loop3A_284 : vector<16xi1>, vector<16xi32>
          scf.yield %parallel_loop3A_295, %parallel_loop3A_302, %parallel_loop3A_303 : vector<16xi32>, vector<16xi32>, vector<16xi32>
        } {sc.loop_unroll_factor = 4 : i64, sc.parallel_access}
        %sub3A_241 = arith.constant 127 : i32
        %sub3A_242 = vector.broadcast %sub3A_241 : i32 to vector<16xi32>
        %sub3A_243 = arith.subi %sub3A_242, %parallel_loop3A_240#1 : vector<16xi32>
        %sub3A_244 = arith.subi %sub3A_75, %parallel_loop3A_240#2 : vector<16xi32>
        %shift_left3A_245 = arith.constant 7 : i32
        %shift_left3A_246 = vector.broadcast %shift_left3A_245 : i32 to vector<16xi32>
        %shift_left3A_247 = arith.shli %sub3A_74, %shift_left3A_246 : vector<16xi32>
        %or3A_248 = arith.ori %shift_left3A_247, %sub3A_243 : vector<16xi32>
        %parallel_loop3A_249 = arith.constant 0 : i32
        %parallel_loop3A_250 = arith.constant 2048 : i32
        %parallel_loop3A_251 = arith.constant 1 : i32
        scf.for %parallel_loop3A_281 = %parallel_loop3A_249 to %parallel_loop3A_250 step %parallel_loop3A_251  : i32 {
          %parallel_loop3A_282 = vector.broadcast %parallel_loop3A_281 : i32 to vector<16xi32>
          %parallel_loop3A_283 = arith.xori %parallel_loop3A_282, %iota3A : vector<16xi32>
          %parallel_loop3A_284 = tpu.vector_load_idx %arg4[%iota3A, %parallel_loop3A_283] : memref<16x2048xf32, #tpu.memory_space<vmem>>[vector<16xi32>, vector<16xi32>], vector<16xf32>,
          %parallel_loop3A_285 = tpu.bitcast %parallel_loop3A_284 : vector<16xf32> -> vector<16xi32>
          %parallel_loop3A_286 = arith.constant 2147483647 : i32
          %parallel_loop3A_287 = vector.broadcast %parallel_loop3A_286 : i32 to vector<16xi32>
          %parallel_loop3A_288 = arith.andi %parallel_loop3A_285, %parallel_loop3A_287 : vector<16xi32>
          %parallel_loop3A_289 = arith.constant 14 : i32
          %parallel_loop3A_290 = vector.broadcast %parallel_loop3A_289 : i32 to vector<16xi32>
          %parallel_loop3A_291 = arith.shrsi %parallel_loop3A_288, %parallel_loop3A_290 : vector<16xi32>
          %parallel_loop3A_292 = arith.cmpi eq, %parallel_loop3A_291, %or3A_248 : vector<16xi32>
          %parallel_loop3A_293 = arith.constant 3 : i32
          %parallel_loop3A_294 = vector.broadcast %parallel_loop3A_293 : i32 to vector<16xi32>
          %parallel_loop3A_295 = arith.shrsi %parallel_loop3A_288, %parallel_loop3A_294 : vector<16xi32>
          %parallel_loop3A_296 = arith.constant 2032 : i32
          %parallel_loop3A_297 = vector.broadcast %parallel_loop3A_296 : i32 to vector<16xi32>
          %parallel_loop3A_298 = arith.andi %parallel_loop3A_295, %parallel_loop3A_297 : vector<16xi32>
          %parallel_loop3A_299 = arith.ori %parallel_loop3A_298, %iota3A : vector<16xi32>
          tpu.vector_store_idx %arg7[%parallel_loop3A_299], %broadcast_in_dim3A_3 masked %parallel_loop3A_292 {add = true} : memref<16384xi32, #tpu.memory_space<vmem>>[vector<16xi32>], vector<16xi32>, vector<16xi1>
        } {sc.loop_unroll_factor = 4 : i64, sc.parallel_access}
        %parallel_loop3A_252 = arith.constant 0 : i32
        %parallel_loop3A_253 = arith.constant 128 : i32
        %parallel_loop3A_254 = arith.constant 1 : i32
        %parallel_loop3A_255:3 = scf.for %parallel_loop3A_281 = %parallel_loop3A_252 to %parallel_loop3A_253 step %parallel_loop3A_254 iter_args(%parallel_loop3A_282 = %broadcast_in_dim3A_5, %parallel_loop3A_283 = %broadcast_in_dim3A_5, %parallel_loop3A_284 = %broadcast_in_dim3A_5) -> (vector<16xi32>, vector<16xi32>, vector<16xi32>)  : i32 {
          %parallel_loop3A_285 = arith.constant 127 : i32
          %parallel_loop3A_286 = arith.subi %parallel_loop3A_285, %parallel_loop3A_281 : i32
          %parallel_loop3A_287 = arith.constant 16 : i32
          %parallel_loop3A_288 = arith.muli %parallel_loop3A_286, %parallel_loop3A_287 : i32
          %parallel_loop3A_289 = arith.index_cast %parallel_loop3A_288 : i32 to index
          %parallel_loop3A_290 = tpu.vector_load %arg7[%parallel_loop3A_289] {strides = array<i32>} : memref<16384xi32, #tpu.memory_space<vmem>>, vector<16xi32>,
          %parallel_loop3A_291 = arith.constant 16 : i32
          %parallel_loop3A_292 = arith.muli %parallel_loop3A_286, %parallel_loop3A_291 : i32
          %parallel_loop3A_293 = arith.index_cast %parallel_loop3A_292 : i32 to index
          %parallel_loop3A_294 = tpu.vector_load %arg7[%parallel_loop3A_293] {strides = array<i32>} : memref<16384xi32, #tpu.memory_space<vmem>>, vector<16xi32>,
          tpu.vector_store %arg7[%parallel_loop3A_293], %broadcast_in_dim3A_5 {strides = array<i32>} : memref<16384xi32, #tpu.memory_space<vmem>>, vector<16xi32>,
          %parallel_loop3A_295 = arith.addi %parallel_loop3A_282, %parallel_loop3A_290 : vector<16xi32>
          %parallel_loop3A_296 = arith.cmpi slt, %parallel_loop3A_295, %sub3A_244 : vector<16xi32>
          %parallel_loop3A_297 = arith.constant 1 : i32
          %parallel_loop3A_298 = arith.constant 0 : i32
          %parallel_loop3A_299 = vector.broadcast %parallel_loop3A_297 : i32 to vector<16xi32>
          %parallel_loop3A_300 = vector.broadcast %parallel_loop3A_298 : i32 to vector<16xi32>
          %parallel_loop3A_301 = arith.select %parallel_loop3A_296, %parallel_loop3A_299, %parallel_loop3A_300 : vector<16xi1>, vector<16xi32>
          %parallel_loop3A_302 = arith.addi %parallel_loop3A_283, %parallel_loop3A_301 : vector<16xi32>
          %parallel_loop3A_303 = arith.select %parallel_loop3A_296, %parallel_loop3A_295, %parallel_loop3A_284 : vector<16xi1>, vector<16xi32>
          scf.yield %parallel_loop3A_295, %parallel_loop3A_302, %parallel_loop3A_303 : vector<16xi32>, vector<16xi32>, vector<16xi32>
        } {sc.loop_unroll_factor = 4 : i64, sc.parallel_access}
        %sub3A_256 = arith.constant 127 : i32
        %sub3A_257 = vector.broadcast %sub3A_256 : i32 to vector<16xi32>
        %sub3A_258 = arith.subi %sub3A_257, %parallel_loop3A_255#1 : vector<16xi32>
        %sub3A_259 = arith.subi %sub3A_244, %parallel_loop3A_255#2 : vector<16xi32>
        %shift_left3A_260 = arith.constant 7 : i32
        %shift_left3A_261 = vector.broadcast %shift_left3A_260 : i32 to vector<16xi32>
        %shift_left3A_262 = arith.shli %or3A_248, %shift_left3A_261 : vector<16xi32>
        %or3A_263 = arith.ori %shift_left3A_262, %sub3A_258 : vector<16xi32>
        %parallel_loop3A_264 = arith.constant 0 : i32
        %parallel_loop3A_265 = arith.constant 2048 : i32
        %parallel_loop3A_266 = arith.constant 1 : i32
        scf.for %parallel_loop3A_281 = %parallel_loop3A_264 to %parallel_loop3A_265 step %parallel_loop3A_266  : i32 {
          %parallel_loop3A_282 = vector.broadcast %parallel_loop3A_281 : i32 to vector<16xi32>
          %parallel_loop3A_283 = arith.xori %parallel_loop3A_282, %iota3A : vector<16xi32>
          %parallel_loop3A_284 = tpu.vector_load_idx %arg4[%iota3A, %parallel_loop3A_283] : memref<16x2048xf32, #tpu.memory_space<vmem>>[vector<16xi32>, vector<16xi32>], vector<16xf32>,
          %parallel_loop3A_285 = tpu.bitcast %parallel_loop3A_284 : vector<16xf32> -> vector<16xi32>
          %parallel_loop3A_286 = arith.constant 2147483647 : i32
          %parallel_loop3A_287 = vector.broadcast %parallel_loop3A_286 : i32 to vector<16xi32>
          %parallel_loop3A_288 = arith.andi %parallel_loop3A_285, %parallel_loop3A_287 : vector<16xi32>
          %parallel_loop3A_289 = arith.constant 7 : i32
          %parallel_loop3A_290 = vector.broadcast %parallel_loop3A_289 : i32 to vector<16xi32>
          %parallel_loop3A_291 = arith.shrsi %parallel_loop3A_288, %parallel_loop3A_290 : vector<16xi32>
          %parallel_loop3A_292 = arith.cmpi eq, %parallel_loop3A_291, %or3A_263 : vector<16xi32>
          %parallel_loop3A_293 = arith.constant 4 : i32
          %parallel_loop3A_294 = vector.broadcast %parallel_loop3A_293 : i32 to vector<16xi32>
          %parallel_loop3A_295 = arith.shli %parallel_loop3A_288, %parallel_loop3A_294 : vector<16xi32>
          %parallel_loop3A_296 = arith.constant 2032 : i32
          %parallel_loop3A_297 = vector.broadcast %parallel_loop3A_296 : i32 to vector<16xi32>
          %parallel_loop3A_298 = arith.andi %parallel_loop3A_295, %parallel_loop3A_297 : vector<16xi32>
          %parallel_loop3A_299 = arith.ori %parallel_loop3A_298, %iota3A : vector<16xi32>
          tpu.vector_store_idx %arg7[%parallel_loop3A_299], %broadcast_in_dim3A_3 masked %parallel_loop3A_292 {add = true} : memref<16384xi32, #tpu.memory_space<vmem>>[vector<16xi32>], vector<16xi32>, vector<16xi1>
        } {sc.loop_unroll_factor = 4 : i64, sc.parallel_access}
        %parallel_loop3A_267 = arith.constant 0 : i32
        %parallel_loop3A_268 = arith.constant 128 : i32
        %parallel_loop3A_269 = arith.constant 1 : i32
        %parallel_loop3A_270:3 = scf.for %parallel_loop3A_281 = %parallel_loop3A_267 to %parallel_loop3A_268 step %parallel_loop3A_269 iter_args(%parallel_loop3A_282 = %broadcast_in_dim3A_5, %parallel_loop3A_283 = %broadcast_in_dim3A_5, %parallel_loop3A_284 = %broadcast_in_dim3A_5) -> (vector<16xi32>, vector<16xi32>, vector<16xi32>)  : i32 {
          %parallel_loop3A_285 = arith.constant 127 : i32
          %parallel_loop3A_286 = arith.subi %parallel_loop3A_285, %parallel_loop3A_281 : i32
          %parallel_loop3A_287 = arith.constant 16 : i32
          %parallel_loop3A_288 = arith.muli %parallel_loop3A_286, %parallel_loop3A_287 : i32
          %parallel_loop3A_289 = arith.index_cast %parallel_loop3A_288 : i32 to index
          %parallel_loop3A_290 = tpu.vector_load %arg7[%parallel_loop3A_289] {strides = array<i32>} : memref<16384xi32, #tpu.memory_space<vmem>>, vector<16xi32>,
          %parallel_loop3A_291 = arith.constant 16 : i32
          %parallel_loop3A_292 = arith.muli %parallel_loop3A_286, %parallel_loop3A_291 : i32
          %parallel_loop3A_293 = arith.index_cast %parallel_loop3A_292 : i32 to index
          %parallel_loop3A_294 = tpu.vector_load %arg7[%parallel_loop3A_293] {strides = array<i32>} : memref<16384xi32, #tpu.memory_space<vmem>>, vector<16xi32>,
          tpu.vector_store %arg7[%parallel_loop3A_293], %broadcast_in_dim3A_5 {strides = array<i32>} : memref<16384xi32, #tpu.memory_space<vmem>>, vector<16xi32>,
          %parallel_loop3A_295 = arith.addi %parallel_loop3A_282, %parallel_loop3A_290 : vector<16xi32>
          %parallel_loop3A_296 = arith.cmpi slt, %parallel_loop3A_295, %sub3A_259 : vector<16xi32>
          %parallel_loop3A_297 = arith.constant 1 : i32
          %parallel_loop3A_298 = arith.constant 0 : i32
          %parallel_loop3A_299 = vector.broadcast %parallel_loop3A_297 : i32 to vector<16xi32>
          %parallel_loop3A_300 = vector.broadcast %parallel_loop3A_298 : i32 to vector<16xi32>
          %parallel_loop3A_301 = arith.select %parallel_loop3A_296, %parallel_loop3A_299, %parallel_loop3A_300 : vector<16xi1>, vector<16xi32>
          %parallel_loop3A_302 = arith.addi %parallel_loop3A_283, %parallel_loop3A_301 : vector<16xi32>
          %parallel_loop3A_303 = arith.select %parallel_loop3A_296, %parallel_loop3A_295, %parallel_loop3A_284 : vector<16xi1>, vector<16xi32>
          scf.yield %parallel_loop3A_295, %parallel_loop3A_302, %parallel_loop3A_303 : vector<16xi32>, vector<16xi32>, vector<16xi32>
        } {sc.loop_unroll_factor = 4 : i64, sc.parallel_access}
        %sub3A_271 = arith.constant 127 : i32
        %sub3A_272 = vector.broadcast %sub3A_271 : i32 to vector<16xi32>
        %sub3A_273 = arith.subi %sub3A_272, %parallel_loop3A_270#1 : vector<16xi32>
        %sub3A_274 = arith.subi %sub3A_259, %parallel_loop3A_270#2 : vector<16xi32>
        %shift_left3A_275 = arith.constant 7 : i32
        %shift_left3A_276 = vector.broadcast %shift_left3A_275 : i32 to vector<16xi32>
        %shift_left3A_277 = arith.shli %or3A_263, %shift_left3A_276 : vector<16xi32>
        %or3A_278 = arith.ori %shift_left3A_277, %sub3A_273 : vector<16xi32>
        %swap3A_279 = arith.constant 0 : index
        %swap3A_280 = tpu.vector_load %arg9[%swap3A_279] {strides = array<i32>} : memref<16xi32, #tpu.memory_space<vmem>>, vector<16xi32>,
        tpu.vector_store %arg9[%swap3A_279], %or3A_278 {strides = array<i32>} : memref<16xi32, #tpu.memory_space<vmem>>, vector<16xi32>,
      } else {
      }
      %mul3A_132 = arith.constant 2 : i32
      %mul3A_133 = arith.muli %scan3A_41, %mul3A_132 : i32
      %add3A_134 = arith.constant 1 : i32
      %add3A_135 = arith.addi %mul3A_133, %add3A_134 : i32
      %mul3A_136 = arith.constant 16 : i32
      %mul3A_137 = arith.muli %add3A_135, %mul3A_136 : i32
      %add3A_138 = arith.addi %mul3A_2, %mul3A_137 : i32
      %dma_wait3A_139 = arith.constant 0 : i32
      %dma_wait3A_140 = tpu.memref_slice %arg2[%add3A_138, %dma_wait3A_139] : memref<32768x2048xf32, #tpu.memory_space<hbm>> -> memref<16x2048xf32, #tpu.memory_space<hbm>>
      %dma_wait3A_141 = arith.constant 0 : i32
      %dma_wait3A_142 = tpu.memref_slice %arg2[%add3A_138, %dma_wait3A_141] : memref<32768x2048xf32, #tpu.memory_space<hbm>> -> memref<16x2048xf32, #tpu.memory_space<hbm>>
      tpu.wait_dma2 semaphore(%arg11 : memref<!tpu.dma_semaphore, #tpu.memory_space<semaphore_mem>>) src(%dma_wait3A_142 : memref<16x2048xf32, #tpu.memory_space<hbm>>) dst(%arg5 : memref<16x2048xf32, #tpu.memory_space<vmem>>)
      %gt3A_143 = arith.constant 1 : i32
      %gt3A_144 = arith.cmpi sgt, %add3A_135, %gt3A_143 : i32
      %convert_element_type3A_145 = arith.extui %gt3A_144 : i1 to i32
      %cond3A_146 = arith.constant 0 : i32
      %cond3A_147 = arith.cmpi ne, %convert_element_type3A_145, %cond3A_146 : i32
      scf.if %cond3A_147 {
        %mul3A_234 = arith.constant 16 : i32
        %mul3A_235 = arith.muli %add3A_135, %mul3A_234 : i32
        %add3A_236 = arith.addi %mul3A_2, %mul3A_235 : i32
        %sub3A_237 = arith.constant 32 : i32
        %sub3A_238 = arith.subi %add3A_236, %sub3A_237 : i32
        %dma_wait3A_239 = arith.constant 0 : i32
        %dma_wait3A_240 = tpu.memref_slice %arg3[%sub3A_238, %dma_wait3A_239] : memref<32768x2048xf32, #tpu.memory_space<hbm>> -> memref<16x2048xf32, #tpu.memory_space<hbm>>
        %dma_wait3A_241 = arith.constant 0 : i32
        %dma_wait3A_242 = tpu.memref_slice %arg3[%sub3A_238, %dma_wait3A_241] : memref<32768x2048xf32, #tpu.memory_space<hbm>> -> memref<16x2048xf32, #tpu.memory_space<hbm>>
        tpu.wait_dma2 semaphore(%arg12 : memref<!tpu.dma_semaphore, #tpu.memory_space<semaphore_mem>>) src(%arg6 : memref<16x2048xf32, #tpu.memory_space<vmem>>) dst(%dma_wait3A_242 : memref<16x2048xf32, #tpu.memory_space<hbm>>)
      } else {
      }
      %get3A_148 = arith.constant 0 : index
      %get3A_149 = tpu.vector_load %arg9[%get3A_148] {strides = array<i32>} : memref<16xi32, #tpu.memory_space<vmem>>, vector<16xi32>,
      %parallel_loop3A_150 = arith.constant 0 : i32
      %parallel_loop3A_151 = arith.constant 2048 : i32
      %parallel_loop3A_152 = arith.constant 1 : i32
      scf.for %parallel_loop3A_234 = %parallel_loop3A_150 to %parallel_loop3A_151 step %parallel_loop3A_152  : i32 {
        %parallel_loop3A_235 = vector.broadcast %parallel_loop3A_234 : i32 to vector<16xi32>
        %parallel_loop3A_236 = arith.xori %parallel_loop3A_235, %iota3A : vector<16xi32>
        %parallel_loop3A_237 = tpu.vector_load_idx %arg4[%iota3A, %parallel_loop3A_236] : memref<16x2048xf32, #tpu.memory_space<vmem>>[vector<16xi32>, vector<16xi32>], vector<16xf32>,
        %parallel_loop3A_238 = tpu.bitcast %parallel_loop3A_237 : vector<16xf32> -> vector<16xi32>
        %parallel_loop3A_239 = arith.constant 2147483647 : i32
        %parallel_loop3A_240 = vector.broadcast %parallel_loop3A_239 : i32 to vector<16xi32>
        %parallel_loop3A_241 = arith.andi %parallel_loop3A_238, %parallel_loop3A_240 : vector<16xi32>
        %parallel_loop3A_242 = arith.cmpi sge, %parallel_loop3A_241, %get3A_149 : vector<16xi32>
        %parallel_loop3A_243 = arith.constant 1.000000e+00 : f32
        %parallel_loop3A_244 = arith.constant 0.000000e+00 : f32
        %parallel_loop3A_245 = vector.broadcast %parallel_loop3A_243 : f32 to vector<16xf32>
        %parallel_loop3A_246 = vector.broadcast %parallel_loop3A_244 : f32 to vector<16xf32>
        %parallel_loop3A_247 = arith.select %parallel_loop3A_242, %parallel_loop3A_245, %parallel_loop3A_246 : vector<16xi1>, vector<16xf32>
        tpu.vector_store_idx %arg6[%iota3A, %parallel_loop3A_236], %parallel_loop3A_247 : memref<16x2048xf32, #tpu.memory_space<vmem>>[vector<16xi32>, vector<16xi32>], vector<16xf32>,
        %parallel_loop3A_248 = tpu.vector_load_idx %arg5[%iota3A, %parallel_loop3A_236] : memref<16x2048xf32, #tpu.memory_space<vmem>>[vector<16xi32>, vector<16xi32>], vector<16xf32>,
        %parallel_loop3A_249 = tpu.bitcast %parallel_loop3A_248 : vector<16xf32> -> vector<16xi32>
        %parallel_loop3A_250 = arith.constant 2147483647 : i32
        %parallel_loop3A_251 = vector.broadcast %parallel_loop3A_250 : i32 to vector<16xi32>
        %parallel_loop3A_252 = arith.andi %parallel_loop3A_249, %parallel_loop3A_251 : vector<16xi32>
        %parallel_loop3A_253 = arith.constant 17 : i32
        %parallel_loop3A_254 = vector.broadcast %parallel_loop3A_253 : i32 to vector<16xi32>
        %parallel_loop3A_255 = arith.shrsi %parallel_loop3A_252, %parallel_loop3A_254 : vector<16xi32>
        %parallel_loop3A_256 = arith.constant 16368 : i32
        %parallel_loop3A_257 = vector.broadcast %parallel_loop3A_256 : i32 to vector<16xi32>
        %parallel_loop3A_258 = arith.andi %parallel_loop3A_255, %parallel_loop3A_257 : vector<16xi32>
        %parallel_loop3A_259 = arith.ori %parallel_loop3A_258, %iota3A : vector<16xi32>
        tpu.vector_store_idx %arg7[%parallel_loop3A_259], %broadcast_in_dim3A_3 {add = true} : memref<16384xi32, #tpu.memory_space<vmem>>[vector<16xi32>], vector<16xi32>,
      } {sc.loop_unroll_factor = 8 : i64, sc.parallel_access}
      %gt3A_153 = arith.constant 0 : i32
      %gt3A_154 = arith.cmpi sgt, %add3A_135, %gt3A_153 : i32
      %convert_element_type3A_155 = arith.extui %gt3A_154 : i1 to i32
      %cond3A_156 = arith.constant 0 : i32
      %cond3A_157 = arith.cmpi ne, %convert_element_type3A_155, %cond3A_156 : i32
      scf.if %cond3A_157 {
        %mul3A_234 = arith.constant 16 : i32
        %mul3A_235 = arith.muli %add3A_135, %mul3A_234 : i32
        %add3A_236 = arith.addi %mul3A_2, %mul3A_235 : i32
        %sub3A_237 = arith.constant 16 : i32
        %sub3A_238 = arith.subi %add3A_236, %sub3A_237 : i32
        %dma_start3A_239 = arith.constant 0 : i32
        %dma_start3A_240 = tpu.memref_slice %arg3[%sub3A_238, %dma_start3A_239] : memref<32768x2048xf32, #tpu.memory_space<hbm>> -> memref<16x2048xf32, #tpu.memory_space<hbm>>
        %dma_start3A_241 = arith.constant 0 : i32
        %dma_start3A_242 = tpu.memref_slice %arg3[%sub3A_238, %dma_start3A_241] : memref<32768x2048xf32, #tpu.memory_space<hbm>> -> memref<16x2048xf32, #tpu.memory_space<hbm>>
        tpu.enqueue_dma source(%arg6 : memref<16x2048xf32, #tpu.memory_space<vmem>>) target(%dma_start3A_242 : memref<16x2048xf32, #tpu.memory_space<hbm>>) target_semaphore(%arg12 : memref<!tpu.dma_semaphore, #tpu.memory_space<semaphore_mem>>)
      } else {
      }
      %add3A_158 = arith.constant 1 : i32
      %add3A_159 = arith.addi %add3A_135, %add3A_158 : i32
      %lt3A_160 = arith.constant 64 : i32
      %lt3A_161 = arith.cmpi slt, %add3A_159, %lt3A_160 : i32
      %convert_element_type3A_162 = arith.extui %lt3A_161 : i1 to i32
      %cond3A_163 = arith.constant 0 : i32
      %cond3A_164 = arith.cmpi ne, %convert_element_type3A_162, %cond3A_163 : i32
      scf.if %cond3A_164 {
        %add3A_234 = arith.constant 1 : i32
        %add3A_235 = arith.addi %add3A_135, %add3A_234 : i32
        %mul3A_236 = arith.constant 16 : i32
        %mul3A_237 = arith.muli %add3A_235, %mul3A_236 : i32
        %add3A_238 = arith.addi %mul3A_2, %mul3A_237 : i32
        %dma_start3A_239 = arith.constant 0 : i32
        %dma_start3A_240 = tpu.memref_slice %arg2[%add3A_238, %dma_start3A_239] : memref<32768x2048xf32, #tpu.memory_space<hbm>> -> memref<16x2048xf32, #tpu.memory_space<hbm>>
        %dma_start3A_241 = arith.constant 0 : i32
        %dma_start3A_242 = tpu.memref_slice %arg2[%add3A_238, %dma_start3A_241] : memref<32768x2048xf32, #tpu.memory_space<hbm>> -> memref<16x2048xf32, #tpu.memory_space<hbm>>
        tpu.enqueue_dma source(%dma_start3A_242 : memref<16x2048xf32, #tpu.memory_space<hbm>>) target(%arg4 : memref<16x2048xf32, #tpu.memory_space<vmem>>) target_semaphore(%arg10 : memref<!tpu.dma_semaphore, #tpu.memory_space<semaphore_mem>>)
      } else {
      }
      %parallel_loop3A_165 = arith.constant 0 : i32
      %parallel_loop3A_166 = arith.constant 1024 : i32
      %parallel_loop3A_167 = arith.constant 1 : i32
      %parallel_loop3A_168:3 = scf.for %parallel_loop3A_234 = %parallel_loop3A_165 to %parallel_loop3A_166 step %parallel_loop3A_167 iter_args(%parallel_loop3A_235 = %broadcast_in_dim3A_5, %parallel_loop3A_236 = %broadcast_in_dim3A_5, %parallel_loop3A_237 = %broadcast_in_dim3A_5) -> (vector<16xi32>, vector<16xi32>, vector<16xi32>)  : i32 {
        %parallel_loop3A_238 = arith.constant 1023 : i32
        %parallel_loop3A_239 = arith.subi %parallel_loop3A_238, %parallel_loop3A_234 : i32
        %parallel_loop3A_240 = arith.constant 16 : i32
        %parallel_loop3A_241 = arith.muli %parallel_loop3A_239, %parallel_loop3A_240 : i32
        %parallel_loop3A_242 = arith.index_cast %parallel_loop3A_241 : i32 to index
        %parallel_loop3A_243 = tpu.vector_load %arg7[%parallel_loop3A_242] {strides = array<i32>} : memref<16384xi32, #tpu.memory_space<vmem>>, vector<16xi32>,
        %parallel_loop3A_244 = arith.constant 16 : i32
        %parallel_loop3A_245 = arith.muli %parallel_loop3A_239, %parallel_loop3A_244 : i32
        %parallel_loop3A_246 = arith.index_cast %parallel_loop3A_245 : i32 to index
        %parallel_loop3A_247 = tpu.vector_load %arg7[%parallel_loop3A_246] {strides = array<i32>} : memref<16384xi32, #tpu.memory_space<vmem>>, vector<16xi32>,
        tpu.vector_store %arg7[%parallel_loop3A_246], %broadcast_in_dim3A_5 {strides = array<i32>} : memref<16384xi32, #tpu.memory_space<vmem>>, vector<16xi32>,
        %parallel_loop3A_248 = arith.addi %parallel_loop3A_235, %parallel_loop3A_243 : vector<16xi32>
        %parallel_loop3A_249 = arith.cmpi slt, %parallel_loop3A_248, %broadcast_in_dim3A_7 : vector<16xi32>
        %parallel_loop3A_250 = arith.constant 1 : i32
        %parallel_loop3A_251 = arith.constant 0 : i32
        %parallel_loop3A_252 = vector.broadcast %parallel_loop3A_250 : i32 to vector<16xi32>
        %parallel_loop3A_253 = vector.broadcast %parallel_loop3A_251 : i32 to vector<16xi32>
        %parallel_loop3A_254 = arith.select %parallel_loop3A_249, %parallel_loop3A_252, %parallel_loop3A_253 : vector<16xi1>, vector<16xi32>
        %parallel_loop3A_255 = arith.addi %parallel_loop3A_236, %parallel_loop3A_254 : vector<16xi32>
        %parallel_loop3A_256 = arith.select %parallel_loop3A_249, %parallel_loop3A_248, %parallel_loop3A_237 : vector<16xi1>, vector<16xi32>
        scf.yield %parallel_loop3A_248, %parallel_loop3A_255, %parallel_loop3A_256 : vector<16xi32>, vector<16xi32>, vector<16xi32>
      } {sc.loop_unroll_factor = 4 : i64, sc.parallel_access}
      %sub3A_169 = arith.constant 1023 : i32
      %sub3A_170 = vector.broadcast %sub3A_169 : i32 to vector<16xi32>
      %sub3A_171 = arith.subi %sub3A_170, %parallel_loop3A_168#1 : vector<16xi32>
      %sub3A_172 = arith.subi %broadcast_in_dim3A_7, %parallel_loop3A_168#2 : vector<16xi32>
      %parallel_loop3A_173 = arith.constant 0 : i32
      %parallel_loop3A_174 = arith.constant 2048 : i32
      %parallel_loop3A_175 = arith.constant 1 : i32
      %parallel_loop3A_176 = scf.for %parallel_loop3A_234 = %parallel_loop3A_173 to %parallel_loop3A_174 step %parallel_loop3A_175 iter_args(%parallel_loop3A_235 = %broadcast_in_dim3A_5) -> (vector<16xi32>)  : i32 {
        %parallel_loop3A_236 = vector.broadcast %parallel_loop3A_234 : i32 to vector<16xi32>
        %parallel_loop3A_237 = arith.xori %parallel_loop3A_236, %iota3A : vector<16xi32>
        %parallel_loop3A_238 = tpu.vector_load_idx %arg5[%iota3A, %parallel_loop3A_237] : memref<16x2048xf32, #tpu.memory_space<vmem>>[vector<16xi32>, vector<16xi32>], vector<16xf32>,
        %parallel_loop3A_239 = tpu.bitcast %parallel_loop3A_238 : vector<16xf32> -> vector<16xi32>
        %parallel_loop3A_240 = arith.constant 2147483647 : i32
        %parallel_loop3A_241 = vector.broadcast %parallel_loop3A_240 : i32 to vector<16xi32>
        %parallel_loop3A_242 = arith.andi %parallel_loop3A_239, %parallel_loop3A_241 : vector<16xi32>
        %parallel_loop3A_243 = arith.constant 21 : i32
        %parallel_loop3A_244 = vector.broadcast %parallel_loop3A_243 : i32 to vector<16xi32>
        %parallel_loop3A_245 = arith.shrsi %parallel_loop3A_242, %parallel_loop3A_244 : vector<16xi32>
        %parallel_loop3A_246 = arith.cmpi eq, %parallel_loop3A_245, %sub3A_171 : vector<16xi32>
        %parallel_loop3A_247 = arith.constant 1008 : i32
        %parallel_loop3A_248 = vector.broadcast %parallel_loop3A_247 : i32 to vector<16xi32>
        %parallel_loop3A_249 = arith.cmpi slt, %parallel_loop3A_235, %parallel_loop3A_248 : vector<16xi32>
        %parallel_loop3A_250 = arith.andi %parallel_loop3A_246, %parallel_loop3A_249 : vector<16xi1>
        %parallel_loop3A_251 = arith.constant 4 : i32
        %parallel_loop3A_252 = vector.broadcast %parallel_loop3A_251 : i32 to vector<16xi32>
        %parallel_loop3A_253 = arith.shli %parallel_loop3A_235, %parallel_loop3A_252 : vector<16xi32>
        %parallel_loop3A_254 = arith.ori %parallel_loop3A_253, %iota3A : vector<16xi32>
        tpu.vector_store_idx %arg8[%parallel_loop3A_254], %parallel_loop3A_242 masked %parallel_loop3A_250 : memref<16128xi32, #tpu.memory_space<vmem>>[vector<16xi32>], vector<16xi32>, vector<16xi1>
        %parallel_loop3A_255 = arith.constant 1 : i32
        %parallel_loop3A_256 = arith.constant 0 : i32
        %parallel_loop3A_257 = vector.broadcast %parallel_loop3A_255 : i32 to vector<16xi32>
        %parallel_loop3A_258 = vector.broadcast %parallel_loop3A_256 : i32 to vector<16xi32>
        %parallel_loop3A_259 = arith.select %parallel_loop3A_250, %parallel_loop3A_257, %parallel_loop3A_258 : vector<16xi1>, vector<16xi32>
        %parallel_loop3A_260 = arith.addi %parallel_loop3A_235, %parallel_loop3A_259 : vector<16xi32>
        scf.yield %parallel_loop3A_260 : vector<16xi32>
      } {sc.loop_unroll_factor = 8 : i64, sc.parallel_access}
      %reduce_max3A_177 = arith.constant true
      %reduce_max3A_178 = vector.broadcast %reduce_max3A_177 : i1 to vector<16xi1>
      %reduce_max3A_179 = arith.constant -2147483648 : i32
      %reduce_max3A_180 = vector.broadcast %reduce_max3A_179 : i32 to vector<16xi32>
      %reduce_max3A_181 = arith.xori %parallel_loop3A_176, %reduce_max3A_180 : vector<16xi32>
      %reduce_max3A_182 = tpu.scan <max>, %reduce_max3A_181 masked %reduce_max3A_178 : vector<16xi32>, vector<16xi1> -> vector<16xi32>
      %reduce_max3A_183 = arith.xori %reduce_max3A_182, %reduce_max3A_180 : vector<16xi32>
      %reduce_max3A_184 = vector.extract %reduce_max3A_183[15] : i32 from vector<16xi32>
      %parallel_loop3A_185 = arith.constant 0 : i32
      %parallel_loop3A_186 = arith.constant 1 : i32
      scf.for %parallel_loop3A_234 = %parallel_loop3A_185 to %reduce_max3A_184 step %parallel_loop3A_186  : i32 {
        %parallel_loop3A_235 = arith.constant 16 : i32
        %parallel_loop3A_236 = arith.muli %parallel_loop3A_234, %parallel_loop3A_235 : i32
        %parallel_loop3A_237 = arith.index_cast %parallel_loop3A_236 : i32 to index
        %parallel_loop3A_238 = tpu.vector_load %arg8[%parallel_loop3A_237] {strides = array<i32>} : memref<16128xi32, #tpu.memory_space<vmem>>, vector<16xi32>,
        %parallel_loop3A_239 = arith.constant 21 : i32
        %parallel_loop3A_240 = vector.broadcast %parallel_loop3A_239 : i32 to vector<16xi32>
        %parallel_loop3A_241 = arith.shrsi %parallel_loop3A_238, %parallel_loop3A_240 : vector<16xi32>
        %parallel_loop3A_242 = vector.broadcast %parallel_loop3A_234 : i32 to vector<16xi32>
        %parallel_loop3A_243 = arith.cmpi slt, %parallel_loop3A_242, %parallel_loop3A_176 : vector<16xi32>
        %parallel_loop3A_244 = arith.cmpi eq, %parallel_loop3A_241, %sub3A_171 : vector<16xi32>
        %parallel_loop3A_245 = arith.andi %parallel_loop3A_243, %parallel_loop3A_244 : vector<16xi1>
        %parallel_loop3A_246 = arith.constant 10 : i32
        %parallel_loop3A_247 = vector.broadcast %parallel_loop3A_246 : i32 to vector<16xi32>
        %parallel_loop3A_248 = arith.shrsi %parallel_loop3A_238, %parallel_loop3A_247 : vector<16xi32>
        %parallel_loop3A_249 = arith.constant 2032 : i32
        %parallel_loop3A_250 = vector.broadcast %parallel_loop3A_249 : i32 to vector<16xi32>
        %parallel_loop3A_251 = arith.andi %parallel_loop3A_248, %parallel_loop3A_250 : vector<16xi32>
        %parallel_loop3A_252 = arith.ori %parallel_loop3A_251, %iota3A : vector<16xi32>
        tpu.vector_store_idx %arg7[%parallel_loop3A_252], %broadcast_in_dim3A_3 masked %parallel_loop3A_245 {add = true} : memref<16384xi32, #tpu.memory_space<vmem>>[vector<16xi32>], vector<16xi32>, vector<16xi1>
      } {sc.loop_unroll_factor = 4 : i64, sc.parallel_access}
      %parallel_loop3A_187 = arith.constant 0 : i32
      %parallel_loop3A_188 = arith.constant 128 : i32
      %parallel_loop3A_189 = arith.constant 1 : i32
      %parallel_loop3A_190:3 = scf.for %parallel_loop3A_234 = %parallel_loop3A_187 to %parallel_loop3A_188 step %parallel_loop3A_189 iter_args(%parallel_loop3A_235 = %broadcast_in_dim3A_5, %parallel_loop3A_236 = %broadcast_in_dim3A_5, %parallel_loop3A_237 = %broadcast_in_dim3A_5) -> (vector<16xi32>, vector<16xi32>, vector<16xi32>)  : i32 {
        %parallel_loop3A_238 = arith.constant 127 : i32
        %parallel_loop3A_239 = arith.subi %parallel_loop3A_238, %parallel_loop3A_234 : i32
        %parallel_loop3A_240 = arith.constant 16 : i32
        %parallel_loop3A_241 = arith.muli %parallel_loop3A_239, %parallel_loop3A_240 : i32
        %parallel_loop3A_242 = arith.index_cast %parallel_loop3A_241 : i32 to index
        %parallel_loop3A_243 = tpu.vector_load %arg7[%parallel_loop3A_242] {strides = array<i32>} : memref<16384xi32, #tpu.memory_space<vmem>>, vector<16xi32>,
        %parallel_loop3A_244 = arith.constant 16 : i32
        %parallel_loop3A_245 = arith.muli %parallel_loop3A_239, %parallel_loop3A_244 : i32
        %parallel_loop3A_246 = arith.index_cast %parallel_loop3A_245 : i32 to index
        %parallel_loop3A_247 = tpu.vector_load %arg7[%parallel_loop3A_246] {strides = array<i32>} : memref<16384xi32, #tpu.memory_space<vmem>>, vector<16xi32>,
        tpu.vector_store %arg7[%parallel_loop3A_246], %broadcast_in_dim3A_5 {strides = array<i32>} : memref<16384xi32, #tpu.memory_space<vmem>>, vector<16xi32>,
        %parallel_loop3A_248 = arith.addi %parallel_loop3A_235, %parallel_loop3A_243 : vector<16xi32>
        %parallel_loop3A_249 = arith.cmpi slt, %parallel_loop3A_248, %sub3A_172 : vector<16xi32>
        %parallel_loop3A_250 = arith.constant 1 : i32
        %parallel_loop3A_251 = arith.constant 0 : i32
        %parallel_loop3A_252 = vector.broadcast %parallel_loop3A_250 : i32 to vector<16xi32>
        %parallel_loop3A_253 = vector.broadcast %parallel_loop3A_251 : i32 to vector<16xi32>
        %parallel_loop3A_254 = arith.select %parallel_loop3A_249, %parallel_loop3A_252, %parallel_loop3A_253 : vector<16xi1>, vector<16xi32>
        %parallel_loop3A_255 = arith.addi %parallel_loop3A_236, %parallel_loop3A_254 : vector<16xi32>
        %parallel_loop3A_256 = arith.select %parallel_loop3A_249, %parallel_loop3A_248, %parallel_loop3A_237 : vector<16xi1>, vector<16xi32>
        scf.yield %parallel_loop3A_248, %parallel_loop3A_255, %parallel_loop3A_256 : vector<16xi32>, vector<16xi32>, vector<16xi32>
      } {sc.loop_unroll_factor = 4 : i64, sc.parallel_access}
      %sub3A_191 = arith.constant 127 : i32
      %sub3A_192 = vector.broadcast %sub3A_191 : i32 to vector<16xi32>
      %sub3A_193 = arith.subi %sub3A_192, %parallel_loop3A_190#1 : vector<16xi32>
      %sub3A_194 = arith.subi %sub3A_172, %parallel_loop3A_190#2 : vector<16xi32>
      %shift_left3A_195 = arith.constant 7 : i32
      %shift_left3A_196 = vector.broadcast %shift_left3A_195 : i32 to vector<16xi32>
      %shift_left3A_197 = arith.shli %sub3A_171, %shift_left3A_196 : vector<16xi32>
      %or3A_198 = arith.ori %shift_left3A_197, %sub3A_193 : vector<16xi32>
      %parallel_loop3A_199 = arith.constant 0 : i32
      %parallel_loop3A_200 = arith.constant 1 : i32
      scf.for %parallel_loop3A_234 = %parallel_loop3A_199 to %reduce_max3A_184 step %parallel_loop3A_200  : i32 {
        %parallel_loop3A_235 = arith.constant 16 : i32
        %parallel_loop3A_236 = arith.muli %parallel_loop3A_234, %parallel_loop3A_235 : i32
        %parallel_loop3A_237 = arith.index_cast %parallel_loop3A_236 : i32 to index
        %parallel_loop3A_238 = tpu.vector_load %arg8[%parallel_loop3A_237] {strides = array<i32>} : memref<16128xi32, #tpu.memory_space<vmem>>, vector<16xi32>,
        %parallel_loop3A_239 = arith.constant 14 : i32
        %parallel_loop3A_240 = vector.broadcast %parallel_loop3A_239 : i32 to vector<16xi32>
        %parallel_loop3A_241 = arith.shrsi %parallel_loop3A_238, %parallel_loop3A_240 : vector<16xi32>
        %parallel_loop3A_242 = vector.broadcast %parallel_loop3A_234 : i32 to vector<16xi32>
        %parallel_loop3A_243 = arith.cmpi slt, %parallel_loop3A_242, %parallel_loop3A_176 : vector<16xi32>
        %parallel_loop3A_244 = arith.cmpi eq, %parallel_loop3A_241, %or3A_198 : vector<16xi32>
        %parallel_loop3A_245 = arith.andi %parallel_loop3A_243, %parallel_loop3A_244 : vector<16xi1>
        %parallel_loop3A_246 = arith.constant 3 : i32
        %parallel_loop3A_247 = vector.broadcast %parallel_loop3A_246 : i32 to vector<16xi32>
        %parallel_loop3A_248 = arith.shrsi %parallel_loop3A_238, %parallel_loop3A_247 : vector<16xi32>
        %parallel_loop3A_249 = arith.constant 2032 : i32
        %parallel_loop3A_250 = vector.broadcast %parallel_loop3A_249 : i32 to vector<16xi32>
        %parallel_loop3A_251 = arith.andi %parallel_loop3A_248, %parallel_loop3A_250 : vector<16xi32>
        %parallel_loop3A_252 = arith.ori %parallel_loop3A_251, %iota3A : vector<16xi32>
        tpu.vector_store_idx %arg7[%parallel_loop3A_252], %broadcast_in_dim3A_3 masked %parallel_loop3A_245 {add = true} : memref<16384xi32, #tpu.memory_space<vmem>>[vector<16xi32>], vector<16xi32>, vector<16xi1>
      } {sc.loop_unroll_factor = 4 : i64, sc.parallel_access}
      %parallel_loop3A_201 = arith.constant 0 : i32
      %parallel_loop3A_202 = arith.constant 128 : i32
      %parallel_loop3A_203 = arith.constant 1 : i32
      %parallel_loop3A_204:3 = scf.for %parallel_loop3A_234 = %parallel_loop3A_201 to %parallel_loop3A_202 step %parallel_loop3A_203 iter_args(%parallel_loop3A_235 = %broadcast_in_dim3A_5, %parallel_loop3A_236 = %broadcast_in_dim3A_5, %parallel_loop3A_237 = %broadcast_in_dim3A_5) -> (vector<16xi32>, vector<16xi32>, vector<16xi32>)  : i32 {
        %parallel_loop3A_238 = arith.constant 127 : i32
        %parallel_loop3A_239 = arith.subi %parallel_loop3A_238, %parallel_loop3A_234 : i32
        %parallel_loop3A_240 = arith.constant 16 : i32
        %parallel_loop3A_241 = arith.muli %parallel_loop3A_239, %parallel_loop3A_240 : i32
        %parallel_loop3A_242 = arith.index_cast %parallel_loop3A_241 : i32 to index
        %parallel_loop3A_243 = tpu.vector_load %arg7[%parallel_loop3A_242] {strides = array<i32>} : memref<16384xi32, #tpu.memory_space<vmem>>, vector<16xi32>,
        %parallel_loop3A_244 = arith.constant 16 : i32
        %parallel_loop3A_245 = arith.muli %parallel_loop3A_239, %parallel_loop3A_244 : i32
        %parallel_loop3A_246 = arith.index_cast %parallel_loop3A_245 : i32 to index
        %parallel_loop3A_247 = tpu.vector_load %arg7[%parallel_loop3A_246] {strides = array<i32>} : memref<16384xi32, #tpu.memory_space<vmem>>, vector<16xi32>,
        tpu.vector_store %arg7[%parallel_loop3A_246], %broadcast_in_dim3A_5 {strides = array<i32>} : memref<16384xi32, #tpu.memory_space<vmem>>, vector<16xi32>,
        %parallel_loop3A_248 = arith.addi %parallel_loop3A_235, %parallel_loop3A_243 : vector<16xi32>
        %parallel_loop3A_249 = arith.cmpi slt, %parallel_loop3A_248, %sub3A_194 : vector<16xi32>
        %parallel_loop3A_250 = arith.constant 1 : i32
        %parallel_loop3A_251 = arith.constant 0 : i32
        %parallel_loop3A_252 = vector.broadcast %parallel_loop3A_250 : i32 to vector<16xi32>
        %parallel_loop3A_253 = vector.broadcast %parallel_loop3A_251 : i32 to vector<16xi32>
        %parallel_loop3A_254 = arith.select %parallel_loop3A_249, %parallel_loop3A_252, %parallel_loop3A_253 : vector<16xi1>, vector<16xi32>
        %parallel_loop3A_255 = arith.addi %parallel_loop3A_236, %parallel_loop3A_254 : vector<16xi32>
        %parallel_loop3A_256 = arith.select %parallel_loop3A_249, %parallel_loop3A_248, %parallel_loop3A_237 : vector<16xi1>, vector<16xi32>
        scf.yield %parallel_loop3A_248, %parallel_loop3A_255, %parallel_loop3A_256 : vector<16xi32>, vector<16xi32>, vector<16xi32>
      } {sc.loop_unroll_factor = 4 : i64, sc.parallel_access}
      %sub3A_205 = arith.constant 127 : i32
      %sub3A_206 = vector.broadcast %sub3A_205 : i32 to vector<16xi32>
      %sub3A_207 = arith.subi %sub3A_206, %parallel_loop3A_204#1 : vector<16xi32>
      %sub3A_208 = arith.subi %sub3A_194, %parallel_loop3A_204#2 : vector<16xi32>
      %shift_left3A_209 = arith.constant 7 : i32
      %shift_left3A_210 = vector.broadcast %shift_left3A_209 : i32 to vector<16xi32>
      %shift_left3A_211 = arith.shli %or3A_198, %shift_left3A_210 : vector<16xi32>
      %or3A_212 = arith.ori %shift_left3A_211, %sub3A_207 : vector<16xi32>
      %parallel_loop3A_213 = arith.constant 0 : i32
      %parallel_loop3A_214 = arith.constant 1 : i32
      scf.for %parallel_loop3A_234 = %parallel_loop3A_213 to %reduce_max3A_184 step %parallel_loop3A_214  : i32 {
        %parallel_loop3A_235 = arith.constant 16 : i32
        %parallel_loop3A_236 = arith.muli %parallel_loop3A_234, %parallel_loop3A_235 : i32
        %parallel_loop3A_237 = arith.index_cast %parallel_loop3A_236 : i32 to index
        %parallel_loop3A_238 = tpu.vector_load %arg8[%parallel_loop3A_237] {strides = array<i32>} : memref<16128xi32, #tpu.memory_space<vmem>>, vector<16xi32>,
        %parallel_loop3A_239 = arith.constant 7 : i32
        %parallel_loop3A_240 = vector.broadcast %parallel_loop3A_239 : i32 to vector<16xi32>
        %parallel_loop3A_241 = arith.shrsi %parallel_loop3A_238, %parallel_loop3A_240 : vector<16xi32>
        %parallel_loop3A_242 = vector.broadcast %parallel_loop3A_234 : i32 to vector<16xi32>
        %parallel_loop3A_243 = arith.cmpi slt, %parallel_loop3A_242, %parallel_loop3A_176 : vector<16xi32>
        %parallel_loop3A_244 = arith.cmpi eq, %parallel_loop3A_241, %or3A_212 : vector<16xi32>
        %parallel_loop3A_245 = arith.andi %parallel_loop3A_243, %parallel_loop3A_244 : vector<16xi1>
        %parallel_loop3A_246 = arith.constant 4 : i32
        %parallel_loop3A_247 = vector.broadcast %parallel_loop3A_246 : i32 to vector<16xi32>
        %parallel_loop3A_248 = arith.shli %parallel_loop3A_238, %parallel_loop3A_247 : vector<16xi32>
        %parallel_loop3A_249 = arith.constant 2032 : i32
        %parallel_loop3A_250 = vector.broadcast %parallel_loop3A_249 : i32 to vector<16xi32>
        %parallel_loop3A_251 = arith.andi %parallel_loop3A_248, %parallel_loop3A_250 : vector<16xi32>
        %parallel_loop3A_252 = arith.ori %parallel_loop3A_251, %iota3A : vector<16xi32>
        tpu.vector_store_idx %arg7[%parallel_loop3A_252], %broadcast_in_dim3A_3 masked %parallel_loop3A_245 {add = true} : memref<16384xi32, #tpu.memory_space<vmem>>[vector<16xi32>], vector<16xi32>, vector<16xi1>
      } {sc.loop_unroll_factor = 4 : i64, sc.parallel_access}
      %parallel_loop3A_215 = arith.constant 0 : i32
      %parallel_loop3A_216 = arith.constant 128 : i32
      %parallel_loop3A_217 = arith.constant 1 : i32
      %parallel_loop3A_218:3 = scf.for %parallel_loop3A_234 = %parallel_loop3A_215 to %parallel_loop3A_216 step %parallel_loop3A_217 iter_args(%parallel_loop3A_235 = %broadcast_in_dim3A_5, %parallel_loop3A_236 = %broadcast_in_dim3A_5, %parallel_loop3A_237 = %broadcast_in_dim3A_5) -> (vector<16xi32>, vector<16xi32>, vector<16xi32>)  : i32 {
        %parallel_loop3A_238 = arith.constant 127 : i32
        %parallel_loop3A_239 = arith.subi %parallel_loop3A_238, %parallel_loop3A_234 : i32
        %parallel_loop3A_240 = arith.constant 16 : i32
        %parallel_loop3A_241 = arith.muli %parallel_loop3A_239, %parallel_loop3A_240 : i32
        %parallel_loop3A_242 = arith.index_cast %parallel_loop3A_241 : i32 to index
        %parallel_loop3A_243 = tpu.vector_load %arg7[%parallel_loop3A_242] {strides = array<i32>} : memref<16384xi32, #tpu.memory_space<vmem>>, vector<16xi32>,
        %parallel_loop3A_244 = arith.constant 16 : i32
        %parallel_loop3A_245 = arith.muli %parallel_loop3A_239, %parallel_loop3A_244 : i32
        %parallel_loop3A_246 = arith.index_cast %parallel_loop3A_245 : i32 to index
        %parallel_loop3A_247 = tpu.vector_load %arg7[%parallel_loop3A_246] {strides = array<i32>} : memref<16384xi32, #tpu.memory_space<vmem>>, vector<16xi32>,
        tpu.vector_store %arg7[%parallel_loop3A_246], %broadcast_in_dim3A_5 {strides = array<i32>} : memref<16384xi32, #tpu.memory_space<vmem>>, vector<16xi32>,
        %parallel_loop3A_248 = arith.addi %parallel_loop3A_235, %parallel_loop3A_243 : vector<16xi32>
        %parallel_loop3A_249 = arith.cmpi slt, %parallel_loop3A_248, %sub3A_208 : vector<16xi32>
        %parallel_loop3A_250 = arith.constant 1 : i32
        %parallel_loop3A_251 = arith.constant 0 : i32
        %parallel_loop3A_252 = vector.broadcast %parallel_loop3A_250 : i32 to vector<16xi32>
        %parallel_loop3A_253 = vector.broadcast %parallel_loop3A_251 : i32 to vector<16xi32>
        %parallel_loop3A_254 = arith.select %parallel_loop3A_249, %parallel_loop3A_252, %parallel_loop3A_253 : vector<16xi1>, vector<16xi32>
        %parallel_loop3A_255 = arith.addi %parallel_loop3A_236, %parallel_loop3A_254 : vector<16xi32>
        %parallel_loop3A_256 = arith.select %parallel_loop3A_249, %parallel_loop3A_248, %parallel_loop3A_237 : vector<16xi1>, vector<16xi32>
        scf.yield %parallel_loop3A_248, %parallel_loop3A_255, %parallel_loop3A_256 : vector<16xi32>, vector<16xi32>, vector<16xi32>
      } {sc.loop_unroll_factor = 4 : i64, sc.parallel_access}
      %sub3A_219 = arith.constant 127 : i32
      %sub3A_220 = vector.broadcast %sub3A_219 : i32 to vector<16xi32>
      %sub3A_221 = arith.subi %sub3A_220, %parallel_loop3A_218#1 : vector<16xi32>
      %sub3A_222 = arith.subi %sub3A_208, %parallel_loop3A_218#2 : vector<16xi32>
      %shift_left3A_223 = arith.constant 7 : i32
      %shift_left3A_224 = vector.broadcast %shift_left3A_223 : i32 to vector<16xi32>
      %shift_left3A_225 = arith.shli %or3A_212, %shift_left3A_224 : vector<16xi32>
      %or3A_226 = arith.ori %shift_left3A_225, %sub3A_221 : vector<16xi32>
      %swap3A_227 = arith.constant 0 : index
      %swap3A_228 = tpu.vector_load %arg9[%swap3A_227] {strides = array<i32>} : memref<16xi32, #tpu.memory_space<vmem>>, vector<16xi32>,
      tpu.vector_store %arg9[%swap3A_227], %or3A_226 {strides = array<i32>} : memref<16xi32, #tpu.memory_space<vmem>>, vector<16xi32>,
      %ge3A_229 = arith.constant 1008 : i32
      %ge3A_230 = arith.cmpi sge, %reduce_max3A_184, %ge3A_229 : i32
      %convert_element_type3A_231 = arith.extui %ge3A_230 : i1 to i32
      %cond3A_232 = arith.constant 0 : i32
      %cond3A_233 = arith.cmpi ne, %convert_element_type3A_231, %cond3A_232 : i32
      scf.if %cond3A_233 {
        %parallel_loop3A_234 = arith.constant 0 : i32
        %parallel_loop3A_235 = arith.constant 2048 : i32
        %parallel_loop3A_236 = arith.constant 1 : i32
        scf.for %parallel_loop3A_281 = %parallel_loop3A_234 to %parallel_loop3A_235 step %parallel_loop3A_236  : i32 {
          %parallel_loop3A_282 = vector.broadcast %parallel_loop3A_281 : i32 to vector<16xi32>
          %parallel_loop3A_283 = arith.xori %parallel_loop3A_282, %iota3A : vector<16xi32>
          %parallel_loop3A_284 = tpu.vector_load_idx %arg5[%iota3A, %parallel_loop3A_283] : memref<16x2048xf32, #tpu.memory_space<vmem>>[vector<16xi32>, vector<16xi32>], vector<16xf32>,
          %parallel_loop3A_285 = tpu.bitcast %parallel_loop3A_284 : vector<16xf32> -> vector<16xi32>
          %parallel_loop3A_286 = arith.constant 2147483647 : i32
          %parallel_loop3A_287 = vector.broadcast %parallel_loop3A_286 : i32 to vector<16xi32>
          %parallel_loop3A_288 = arith.andi %parallel_loop3A_285, %parallel_loop3A_287 : vector<16xi32>
          %parallel_loop3A_289 = arith.constant 21 : i32
          %parallel_loop3A_290 = vector.broadcast %parallel_loop3A_289 : i32 to vector<16xi32>
          %parallel_loop3A_291 = arith.shrsi %parallel_loop3A_288, %parallel_loop3A_290 : vector<16xi32>
          %parallel_loop3A_292 = arith.cmpi eq, %parallel_loop3A_291, %sub3A_171 : vector<16xi32>
          %parallel_loop3A_293 = arith.constant 10 : i32
          %parallel_loop3A_294 = vector.broadcast %parallel_loop3A_293 : i32 to vector<16xi32>
          %parallel_loop3A_295 = arith.shrsi %parallel_loop3A_288, %parallel_loop3A_294 : vector<16xi32>
          %parallel_loop3A_296 = arith.constant 2032 : i32
          %parallel_loop3A_297 = vector.broadcast %parallel_loop3A_296 : i32 to vector<16xi32>
          %parallel_loop3A_298 = arith.andi %parallel_loop3A_295, %parallel_loop3A_297 : vector<16xi32>
          %parallel_loop3A_299 = arith.ori %parallel_loop3A_298, %iota3A : vector<16xi32>
          tpu.vector_store_idx %arg7[%parallel_loop3A_299], %broadcast_in_dim3A_3 masked %parallel_loop3A_292 {add = true} : memref<16384xi32, #tpu.memory_space<vmem>>[vector<16xi32>], vector<16xi32>, vector<16xi1>
        } {sc.loop_unroll_factor = 4 : i64, sc.parallel_access}
        %parallel_loop3A_237 = arith.constant 0 : i32
        %parallel_loop3A_238 = arith.constant 128 : i32
        %parallel_loop3A_239 = arith.constant 1 : i32
        %parallel_loop3A_240:3 = scf.for %parallel_loop3A_281 = %parallel_loop3A_237 to %parallel_loop3A_238 step %parallel_loop3A_239 iter_args(%parallel_loop3A_282 = %broadcast_in_dim3A_5, %parallel_loop3A_283 = %broadcast_in_dim3A_5, %parallel_loop3A_284 = %broadcast_in_dim3A_5) -> (vector<16xi32>, vector<16xi32>, vector<16xi32>)  : i32 {
          %parallel_loop3A_285 = arith.constant 127 : i32
          %parallel_loop3A_286 = arith.subi %parallel_loop3A_285, %parallel_loop3A_281 : i32
          %parallel_loop3A_287 = arith.constant 16 : i32
          %parallel_loop3A_288 = arith.muli %parallel_loop3A_286, %parallel_loop3A_287 : i32
          %parallel_loop3A_289 = arith.index_cast %parallel_loop3A_288 : i32 to index
          %parallel_loop3A_290 = tpu.vector_load %arg7[%parallel_loop3A_289] {strides = array<i32>} : memref<16384xi32, #tpu.memory_space<vmem>>, vector<16xi32>,
          %parallel_loop3A_291 = arith.constant 16 : i32
          %parallel_loop3A_292 = arith.muli %parallel_loop3A_286, %parallel_loop3A_291 : i32
          %parallel_loop3A_293 = arith.index_cast %parallel_loop3A_292 : i32 to index
          %parallel_loop3A_294 = tpu.vector_load %arg7[%parallel_loop3A_293] {strides = array<i32>} : memref<16384xi32, #tpu.memory_space<vmem>>, vector<16xi32>,
          tpu.vector_store %arg7[%parallel_loop3A_293], %broadcast_in_dim3A_5 {strides = array<i32>} : memref<16384xi32, #tpu.memory_space<vmem>>, vector<16xi32>,
          %parallel_loop3A_295 = arith.addi %parallel_loop3A_282, %parallel_loop3A_290 : vector<16xi32>
          %parallel_loop3A_296 = arith.cmpi slt, %parallel_loop3A_295, %sub3A_172 : vector<16xi32>
          %parallel_loop3A_297 = arith.constant 1 : i32
          %parallel_loop3A_298 = arith.constant 0 : i32
          %parallel_loop3A_299 = vector.broadcast %parallel_loop3A_297 : i32 to vector<16xi32>
          %parallel_loop3A_300 = vector.broadcast %parallel_loop3A_298 : i32 to vector<16xi32>
          %parallel_loop3A_301 = arith.select %parallel_loop3A_296, %parallel_loop3A_299, %parallel_loop3A_300 : vector<16xi1>, vector<16xi32>
          %parallel_loop3A_302 = arith.addi %parallel_loop3A_283, %parallel_loop3A_301 : vector<16xi32>
          %parallel_loop3A_303 = arith.select %parallel_loop3A_296, %parallel_loop3A_295, %parallel_loop3A_284 : vector<16xi1>, vector<16xi32>
          scf.yield %parallel_loop3A_295, %parallel_loop3A_302, %parallel_loop3A_303 : vector<16xi32>, vector<16xi32>, vector<16xi32>
        } {sc.loop_unroll_factor = 4 : i64, sc.parallel_access}
        %sub3A_241 = arith.constant 127 : i32
        %sub3A_242 = vector.broadcast %sub3A_241 : i32 to vector<16xi32>
        %sub3A_243 = arith.subi %sub3A_242, %parallel_loop3A_240#1 : vector<16xi32>
        %sub3A_244 = arith.subi %sub3A_172, %parallel_loop3A_240#2 : vector<16xi32>
        %shift_left3A_245 = arith.constant 7 : i32
        %shift_left3A_246 = vector.broadcast %shift_left3A_245 : i32 to vector<16xi32>
        %shift_left3A_247 = arith.shli %sub3A_171, %shift_left3A_246 : vector<16xi32>
        %or3A_248 = arith.ori %shift_left3A_247, %sub3A_243 : vector<16xi32>
        %parallel_loop3A_249 = arith.constant 0 : i32
        %parallel_loop3A_250 = arith.constant 2048 : i32
        %parallel_loop3A_251 = arith.constant 1 : i32
        scf.for %parallel_loop3A_281 = %parallel_loop3A_249 to %parallel_loop3A_250 step %parallel_loop3A_251  : i32 {
          %parallel_loop3A_282 = vector.broadcast %parallel_loop3A_281 : i32 to vector<16xi32>
          %parallel_loop3A_283 = arith.xori %parallel_loop3A_282, %iota3A : vector<16xi32>
          %parallel_loop3A_284 = tpu.vector_load_idx %arg5[%iota3A, %parallel_loop3A_283] : memref<16x2048xf32, #tpu.memory_space<vmem>>[vector<16xi32>, vector<16xi32>], vector<16xf32>,
          %parallel_loop3A_285 = tpu.bitcast %parallel_loop3A_284 : vector<16xf32> -> vector<16xi32>
          %parallel_loop3A_286 = arith.constant 2147483647 : i32
          %parallel_loop3A_287 = vector.broadcast %parallel_loop3A_286 : i32 to vector<16xi32>
          %parallel_loop3A_288 = arith.andi %parallel_loop3A_285, %parallel_loop3A_287 : vector<16xi32>
          %parallel_loop3A_289 = arith.constant 14 : i32
          %parallel_loop3A_290 = vector.broadcast %parallel_loop3A_289 : i32 to vector<16xi32>
          %parallel_loop3A_291 = arith.shrsi %parallel_loop3A_288, %parallel_loop3A_290 : vector<16xi32>
          %parallel_loop3A_292 = arith.cmpi eq, %parallel_loop3A_291, %or3A_248 : vector<16xi32>
          %parallel_loop3A_293 = arith.constant 3 : i32
          %parallel_loop3A_294 = vector.broadcast %parallel_loop3A_293 : i32 to vector<16xi32>
          %parallel_loop3A_295 = arith.shrsi %parallel_loop3A_288, %parallel_loop3A_294 : vector<16xi32>
          %parallel_loop3A_296 = arith.constant 2032 : i32
          %parallel_loop3A_297 = vector.broadcast %parallel_loop3A_296 : i32 to vector<16xi32>
          %parallel_loop3A_298 = arith.andi %parallel_loop3A_295, %parallel_loop3A_297 : vector<16xi32>
          %parallel_loop3A_299 = arith.ori %parallel_loop3A_298, %iota3A : vector<16xi32>
          tpu.vector_store_idx %arg7[%parallel_loop3A_299], %broadcast_in_dim3A_3 masked %parallel_loop3A_292 {add = true} : memref<16384xi32, #tpu.memory_space<vmem>>[vector<16xi32>], vector<16xi32>, vector<16xi1>
        } {sc.loop_unroll_factor = 4 : i64, sc.parallel_access}
        %parallel_loop3A_252 = arith.constant 0 : i32
        %parallel_loop3A_253 = arith.constant 128 : i32
        %parallel_loop3A_254 = arith.constant 1 : i32
        %parallel_loop3A_255:3 = scf.for %parallel_loop3A_281 = %parallel_loop3A_252 to %parallel_loop3A_253 step %parallel_loop3A_254 iter_args(%parallel_loop3A_282 = %broadcast_in_dim3A_5, %parallel_loop3A_283 = %broadcast_in_dim3A_5, %parallel_loop3A_284 = %broadcast_in_dim3A_5) -> (vector<16xi32>, vector<16xi32>, vector<16xi32>)  : i32 {
          %parallel_loop3A_285 = arith.constant 127 : i32
          %parallel_loop3A_286 = arith.subi %parallel_loop3A_285, %parallel_loop3A_281 : i32
          %parallel_loop3A_287 = arith.constant 16 : i32
          %parallel_loop3A_288 = arith.muli %parallel_loop3A_286, %parallel_loop3A_287 : i32
          %parallel_loop3A_289 = arith.index_cast %parallel_loop3A_288 : i32 to index
          %parallel_loop3A_290 = tpu.vector_load %arg7[%parallel_loop3A_289] {strides = array<i32>} : memref<16384xi32, #tpu.memory_space<vmem>>, vector<16xi32>,
          %parallel_loop3A_291 = arith.constant 16 : i32
          %parallel_loop3A_292 = arith.muli %parallel_loop3A_286, %parallel_loop3A_291 : i32
          %parallel_loop3A_293 = arith.index_cast %parallel_loop3A_292 : i32 to index
          %parallel_loop3A_294 = tpu.vector_load %arg7[%parallel_loop3A_293] {strides = array<i32>} : memref<16384xi32, #tpu.memory_space<vmem>>, vector<16xi32>,
          tpu.vector_store %arg7[%parallel_loop3A_293], %broadcast_in_dim3A_5 {strides = array<i32>} : memref<16384xi32, #tpu.memory_space<vmem>>, vector<16xi32>,
          %parallel_loop3A_295 = arith.addi %parallel_loop3A_282, %parallel_loop3A_290 : vector<16xi32>
          %parallel_loop3A_296 = arith.cmpi slt, %parallel_loop3A_295, %sub3A_244 : vector<16xi32>
          %parallel_loop3A_297 = arith.constant 1 : i32
          %parallel_loop3A_298 = arith.constant 0 : i32
          %parallel_loop3A_299 = vector.broadcast %parallel_loop3A_297 : i32 to vector<16xi32>
          %parallel_loop3A_300 = vector.broadcast %parallel_loop3A_298 : i32 to vector<16xi32>
          %parallel_loop3A_301 = arith.select %parallel_loop3A_296, %parallel_loop3A_299, %parallel_loop3A_300 : vector<16xi1>, vector<16xi32>
          %parallel_loop3A_302 = arith.addi %parallel_loop3A_283, %parallel_loop3A_301 : vector<16xi32>
          %parallel_loop3A_303 = arith.select %parallel_loop3A_296, %parallel_loop3A_295, %parallel_loop3A_284 : vector<16xi1>, vector<16xi32>
          scf.yield %parallel_loop3A_295, %parallel_loop3A_302, %parallel_loop3A_303 : vector<16xi32>, vector<16xi32>, vector<16xi32>
        } {sc.loop_unroll_factor = 4 : i64, sc.parallel_access}
        %sub3A_256 = arith.constant 127 : i32
        %sub3A_257 = vector.broadcast %sub3A_256 : i32 to vector<16xi32>
        %sub3A_258 = arith.subi %sub3A_257, %parallel_loop3A_255#1 : vector<16xi32>
        %sub3A_259 = arith.subi %sub3A_244, %parallel_loop3A_255#2 : vector<16xi32>
        %shift_left3A_260 = arith.constant 7 : i32
        %shift_left3A_261 = vector.broadcast %shift_left3A_260 : i32 to vector<16xi32>
        %shift_left3A_262 = arith.shli %or3A_248, %shift_left3A_261 : vector<16xi32>
        %or3A_263 = arith.ori %shift_left3A_262, %sub3A_258 : vector<16xi32>
        %parallel_loop3A_264 = arith.constant 0 : i32
        %parallel_loop3A_265 = arith.constant 2048 : i32
        %parallel_loop3A_266 = arith.constant 1 : i32
        scf.for %parallel_loop3A_281 = %parallel_loop3A_264 to %parallel_loop3A_265 step %parallel_loop3A_266  : i32 {
          %parallel_loop3A_282 = vector.broadcast %parallel_loop3A_281 : i32 to vector<16xi32>
          %parallel_loop3A_283 = arith.xori %parallel_loop3A_282, %iota3A : vector<16xi32>
          %parallel_loop3A_284 = tpu.vector_load_idx %arg5[%iota3A, %parallel_loop3A_283] : memref<16x2048xf32, #tpu.memory_space<vmem>>[vector<16xi32>, vector<16xi32>], vector<16xf32>,
          %parallel_loop3A_285 = tpu.bitcast %parallel_loop3A_284 : vector<16xf32> -> vector<16xi32>
          %parallel_loop3A_286 = arith.constant 2147483647 : i32
          %parallel_loop3A_287 = vector.broadcast %parallel_loop3A_286 : i32 to vector<16xi32>
          %parallel_loop3A_288 = arith.andi %parallel_loop3A_285, %parallel_loop3A_287 : vector<16xi32>
          %parallel_loop3A_289 = arith.constant 7 : i32
          %parallel_loop3A_290 = vector.broadcast %parallel_loop3A_289 : i32 to vector<16xi32>
          %parallel_loop3A_291 = arith.shrsi %parallel_loop3A_288, %parallel_loop3A_290 : vector<16xi32>
          %parallel_loop3A_292 = arith.cmpi eq, %parallel_loop3A_291, %or3A_263 : vector<16xi32>
          %parallel_loop3A_293 = arith.constant 4 : i32
          %parallel_loop3A_294 = vector.broadcast %parallel_loop3A_293 : i32 to vector<16xi32>
          %parallel_loop3A_295 = arith.shli %parallel_loop3A_288, %parallel_loop3A_294 : vector<16xi32>
          %parallel_loop3A_296 = arith.constant 2032 : i32
          %parallel_loop3A_297 = vector.broadcast %parallel_loop3A_296 : i32 to vector<16xi32>
          %parallel_loop3A_298 = arith.andi %parallel_loop3A_295, %parallel_loop3A_297 : vector<16xi32>
          %parallel_loop3A_299 = arith.ori %parallel_loop3A_298, %iota3A : vector<16xi32>
          tpu.vector_store_idx %arg7[%parallel_loop3A_299], %broadcast_in_dim3A_3 masked %parallel_loop3A_292 {add = true} : memref<16384xi32, #tpu.memory_space<vmem>>[vector<16xi32>], vector<16xi32>, vector<16xi1>
        } {sc.loop_unroll_factor = 4 : i64, sc.parallel_access}
        %parallel_loop3A_267 = arith.constant 0 : i32
        %parallel_loop3A_268 = arith.constant 128 : i32
        %parallel_loop3A_269 = arith.constant 1 : i32
        %parallel_loop3A_270:3 = scf.for %parallel_loop3A_281 = %parallel_loop3A_267 to %parallel_loop3A_268 step %parallel_loop3A_269 iter_args(%parallel_loop3A_282 = %broadcast_in_dim3A_5, %parallel_loop3A_283 = %broadcast_in_dim3A_5, %parallel_loop3A_284 = %broadcast_in_dim3A_5) -> (vector<16xi32>, vector<16xi32>, vector<16xi32>)  : i32 {
          %parallel_loop3A_285 = arith.constant 127 : i32
          %parallel_loop3A_286 = arith.subi %parallel_loop3A_285, %parallel_loop3A_281 : i32
          %parallel_loop3A_287 = arith.constant 16 : i32
          %parallel_loop3A_288 = arith.muli %parallel_loop3A_286, %parallel_loop3A_287 : i32
          %parallel_loop3A_289 = arith.index_cast %parallel_loop3A_288 : i32 to index
          %parallel_loop3A_290 = tpu.vector_load %arg7[%parallel_loop3A_289] {strides = array<i32>} : memref<16384xi32, #tpu.memory_space<vmem>>, vector<16xi32>,
          %parallel_loop3A_291 = arith.constant 16 : i32
          %parallel_loop3A_292 = arith.muli %parallel_loop3A_286, %parallel_loop3A_291 : i32
          %parallel_loop3A_293 = arith.index_cast %parallel_loop3A_292 : i32 to index
          %parallel_loop3A_294 = tpu.vector_load %arg7[%parallel_loop3A_293] {strides = array<i32>} : memref<16384xi32, #tpu.memory_space<vmem>>, vector<16xi32>,
          tpu.vector_store %arg7[%parallel_loop3A_293], %broadcast_in_dim3A_5 {strides = array<i32>} : memref<16384xi32, #tpu.memory_space<vmem>>, vector<16xi32>,
          %parallel_loop3A_295 = arith.addi %parallel_loop3A_282, %parallel_loop3A_290 : vector<16xi32>
          %parallel_loop3A_296 = arith.cmpi slt, %parallel_loop3A_295, %sub3A_259 : vector<16xi32>
          %parallel_loop3A_297 = arith.constant 1 : i32
          %parallel_loop3A_298 = arith.constant 0 : i32
          %parallel_loop3A_299 = vector.broadcast %parallel_loop3A_297 : i32 to vector<16xi32>
          %parallel_loop3A_300 = vector.broadcast %parallel_loop3A_298 : i32 to vector<16xi32>
          %parallel_loop3A_301 = arith.select %parallel_loop3A_296, %parallel_loop3A_299, %parallel_loop3A_300 : vector<16xi1>, vector<16xi32>
          %parallel_loop3A_302 = arith.addi %parallel_loop3A_283, %parallel_loop3A_301 : vector<16xi32>
          %parallel_loop3A_303 = arith.select %parallel_loop3A_296, %parallel_loop3A_295, %parallel_loop3A_284 : vector<16xi1>, vector<16xi32>
          scf.yield %parallel_loop3A_295, %parallel_loop3A_302, %parallel_loop3A_303 : vector<16xi32>, vector<16xi32>, vector<16xi32>
        } {sc.loop_unroll_factor = 4 : i64, sc.parallel_access}
        %sub3A_271 = arith.constant 127 : i32
        %sub3A_272 = vector.broadcast %sub3A_271 : i32 to vector<16xi32>
        %sub3A_273 = arith.subi %sub3A_272, %parallel_loop3A_270#1 : vector<16xi32>
        %sub3A_274 = arith.subi %sub3A_259, %parallel_loop3A_270#2 : vector<16xi32>
        %shift_left3A_275 = arith.constant 7 : i32
        %shift_left3A_276 = vector.broadcast %shift_left3A_275 : i32 to vector<16xi32>
        %shift_left3A_277 = arith.shli %or3A_263, %shift_left3A_276 : vector<16xi32>
        %or3A_278 = arith.ori %shift_left3A_277, %sub3A_273 : vector<16xi32>
        %swap3A_279 = arith.constant 0 : index
        %swap3A_280 = tpu.vector_load %arg9[%swap3A_279] {strides = array<i32>} : memref<16xi32, #tpu.memory_space<vmem>>, vector<16xi32>,
        tpu.vector_store %arg9[%swap3A_279], %or3A_278 {strides = array<i32>} : memref<16xi32, #tpu.memory_space<vmem>>, vector<16xi32>,
      } else {
      }
    }
    %scan3A_19 = arith.constant 32 : i32
    %add3A_20 = arith.constant 992 : i32
    %add3A_21 = arith.addi %mul3A_2, %add3A_20 : i32
    %dma_wait3A = arith.constant 0 : i32
    %dma_wait3A_22 = tpu.memref_slice %arg3[%add3A_21, %dma_wait3A] : memref<32768x2048xf32, #tpu.memory_space<hbm>> -> memref<16x2048xf32, #tpu.memory_space<hbm>>
    %dma_wait3A_23 = arith.constant 0 : i32
    %dma_wait3A_24 = tpu.memref_slice %arg3[%add3A_21, %dma_wait3A_23] : memref<32768x2048xf32, #tpu.memory_space<hbm>> -> memref<16x2048xf32, #tpu.memory_space<hbm>>
    tpu.wait_dma2 semaphore(%arg12 : memref<!tpu.dma_semaphore, #tpu.memory_space<semaphore_mem>>) src(%arg6 : memref<16x2048xf32, #tpu.memory_space<vmem>>) dst(%dma_wait3A_24 : memref<16x2048xf32, #tpu.memory_space<hbm>>)
    %get3A = arith.constant 0 : index
    %get3A_25 = tpu.vector_load %arg9[%get3A] {strides = array<i32>} : memref<16xi32, #tpu.memory_space<vmem>>, vector<16xi32>,
    %parallel_loop3A_26 = arith.constant 0 : i32
    %parallel_loop3A_27 = arith.constant 2048 : i32
    %parallel_loop3A_28 = arith.constant 1 : i32
    scf.for %parallel_loop3A_41 = %parallel_loop3A_26 to %parallel_loop3A_27 step %parallel_loop3A_28  : i32 {
      %parallel_loop3A_42 = vector.broadcast %parallel_loop3A_41 : i32 to vector<16xi32>
      %parallel_loop3A_43 = arith.xori %parallel_loop3A_42, %iota3A : vector<16xi32>
      %parallel_loop3A_44 = tpu.vector_load_idx %arg5[%iota3A, %parallel_loop3A_43] : memref<16x2048xf32, #tpu.memory_space<vmem>>[vector<16xi32>, vector<16xi32>], vector<16xf32>,
      %parallel_loop3A_45 = tpu.bitcast %parallel_loop3A_44 : vector<16xf32> -> vector<16xi32>
      %parallel_loop3A_46 = arith.constant 2147483647 : i32
      %parallel_loop3A_47 = vector.broadcast %parallel_loop3A_46 : i32 to vector<16xi32>
      %parallel_loop3A_48 = arith.andi %parallel_loop3A_45, %parallel_loop3A_47 : vector<16xi32>
      %parallel_loop3A_49 = arith.cmpi sge, %parallel_loop3A_48, %get3A_25 : vector<16xi32>
      %parallel_loop3A_50 = arith.constant 1.000000e+00 : f32
      %parallel_loop3A_51 = arith.constant 0.000000e+00 : f32
      %parallel_loop3A_52 = vector.broadcast %parallel_loop3A_50 : f32 to vector<16xf32>
      %parallel_loop3A_53 = vector.broadcast %parallel_loop3A_51 : f32 to vector<16xf32>
      %parallel_loop3A_54 = arith.select %parallel_loop3A_49, %parallel_loop3A_52, %parallel_loop3A_53 : vector<16xi1>, vector<16xf32>
      %parallel_loop3A_55 = vector.broadcast %parallel_loop3A_41 : i32 to vector<16xi32>
      %parallel_loop3A_56 = arith.xori %parallel_loop3A_55, %iota3A : vector<16xi32>
      tpu.vector_store_idx %arg6[%iota3A, %parallel_loop3A_56], %parallel_loop3A_54 : memref<16x2048xf32, #tpu.memory_space<vmem>>[vector<16xi32>, vector<16xi32>], vector<16xf32>,
    } {sc.loop_unroll_factor = 8 : i64, sc.parallel_access}
    %add3A_29 = arith.constant 1008 : i32
    %add3A_30 = arith.addi %mul3A_2, %add3A_29 : i32
    %dma_start3A_31 = arith.constant 0 : i32
    %dma_start3A_32 = tpu.memref_slice %arg3[%add3A_30, %dma_start3A_31] : memref<32768x2048xf32, #tpu.memory_space<hbm>> -> memref<16x2048xf32, #tpu.memory_space<hbm>>
    %dma_start3A_33 = arith.constant 0 : i32
    %dma_start3A_34 = tpu.memref_slice %arg3[%add3A_30, %dma_start3A_33] : memref<32768x2048xf32, #tpu.memory_space<hbm>> -> memref<16x2048xf32, #tpu.memory_space<hbm>>
    tpu.enqueue_dma source(%arg6 : memref<16x2048xf32, #tpu.memory_space<vmem>>) target(%dma_start3A_34 : memref<16x2048xf32, #tpu.memory_space<hbm>>) target_semaphore(%arg12 : memref<!tpu.dma_semaphore, #tpu.memory_space<semaphore_mem>>)
    %add3A_35 = arith.constant 1008 : i32
    %add3A_36 = arith.addi %mul3A_2, %add3A_35 : i32
    %dma_wait3A_37 = arith.constant 0 : i32
    %dma_wait3A_38 = tpu.memref_slice %arg3[%add3A_36, %dma_wait3A_37] : memref<32768x2048xf32, #tpu.memory_space<hbm>> -> memref<16x2048xf32, #tpu.memory_space<hbm>>
    %dma_wait3A_39 = arith.constant 0 : i32
    %dma_wait3A_40 = tpu.memref_slice %arg3[%add3A_36, %dma_wait3A_39] : memref<32768x2048xf32, #tpu.memory_space<hbm>> -> memref<16x2048xf32, #tpu.memory_space<hbm>>
    tpu.wait_dma2 semaphore(%arg12 : memref<!tpu.dma_semaphore, #tpu.memory_space<semaphore_mem>>) src(%arg6 : memref<16x2048xf32, #tpu.memory_space<vmem>>) dst(%dma_wait3A_40 : memref<16x2048xf32, #tpu.memory_space<hbm>>)
    return
  }
}

</mosaic_0001>

<sc_bundles>
// kernel: kernel.3.cloned.1.call-start
scs
__scs_entry_jumppad:
0x0: {  	(pc) =	sbr.rel $0x88, $3  }
0x1: {  	(tag) =	ssettag $0x0;
	lr =	simm.s32 $0x1  }
0x2: {  	[smem:$0x3FA0] =	sst lr;
	_ =	strace $0xD0000000  }
0x3: {  	_ = 	snop  }
0x4: {  	_ = 	snop  }
0x5: {  	_ = 	snop  }
0x6: {  	_ = 	snop  }
0x7: {  	_ = 	snop  }
__scs_overlays_trampoline_lowered:
0x8: {  	[smem:$0x3FAF] =	sst s0  }
0x9: {  	[smem:$0x3FB0] =	sst s1  }
0xa: {  	[smem:$0x3FB1] =	sst s2  }
0xb: {  	[smem:$0x3FB2] =	sst s3  }
0xc: {  	[smem:$0x3FB3] =	sst s4  }
0xd: {  	[smem:$0x3FB4] =	sst s5  }
0xe: {  	[smem:$0x3FB5] =	sst s6  }
0xf: {  	[smem:$0x3FB6] =	sst s7  }
0x10: {  	[smem:$0x3FB7] =	sst s8  }
0x11: {  	[smem:$0x3FB8] =	sst s9;
	s0 =	simm.s32 @!p0 $0x0  }
0x12: {  	s1 =	sld [smem:$0x3F9E];
	s0 =	simm.s32 @p0 $0x1  }
0x13: {  	[smem:$0x3FB9] =	sst s0;
	s0 =	simm.s32 @!p1 $0x0  }
0x14: {  	s2 =	sld [smem:$0x3F9D];
	s0 =	simm.s32 @p1 $0x1  }
0x15: {  	[smem:$0x3FBA] =	sst s0;
	s0 =	simm.s32 @!p2 $0x0  }
0x16: {  	s3 =	sld [smem:$0x3FDB];
	s0 =	simm.s32 @p2 $0x1  }
0x17: {  	s4 =	simm.s32 $0x1BF5;
	[smem:$0x3FBC] =	sst s0  }
0x18: {  	s0 =	sld [smem:$0x3F9F];
	_ =	swait.ge [sflag:s4], $0x0  }
0x19: {  	s7 =	sld [smem:$0x3FA0]  }
0x1a: {  	s8 =	sadd.s32 $0xFFFFE003, lr  }
0x1b: {  	s9 =	sadd.s32 $0xFFFFFEF7, lr;
	s5 =	simm.s32 $0xFFFFFFFF;
	p2 =	slt.u32 s8, $0xFFFFF086  }
0x1c: {  	p1 =	slt.u32 s9, $0xF7A;
	s5 =	simm.s32 @!p2 $0x0  }
0x1d: {  	s5 =	simm.s32 @p1 $0x1;
	p0 =	seq.s32 s7, s2  }
0x1e: {  	s7 =	smul.u32 @!p0 $0xF7A, s2;
	p2 =	seq.s32 @!p0 s5, $0x0  }
0x1f: {  	s9 =	smul.u32 $0xF7A, s1;
	s8 =	simm.s32 @!p0 $0x1BF5;
	p2 =	por !p2, p0  }
0x20: {  	[sflag:s8] =	ssyncset.s32 @!p0 $0xFFFFF086;
	s6 =	sadd.s32 @!p0 s3, s7;
	s7 =	simm.s32 @!p0 $0x108  }
0x21: {  	s3 =	sadd.s32 s3, s9;
	s6 =	sadd.s32 @!p0 $0x88, s6;
	s7 =	simm.s32 @p2 $0x1082  }
0x22: {  	[simem:s7], [sflag:s8] =	dma.local @!p0 [hbm:s6], $0xF7A  }
0x23: {  	s9 =	sor.u32 $0xD0000000, s2;
	s6 =	simm.s32 $0x108;
	_ =	swait.ge @!p0 [sflag:s8], $0x0  }
0x24: {  	s3 =	sadd.s32 $0x88, s3;
	s6 =	simm.s32 @!p1 $0x1082;
	[sflag:s4] =	ssyncset.s32 $0xFFFFF086  }
0x25: {  	[simem:s6], [sflag:s4] =	dma.local [hbm:s3], $0xF7A  }
0x26: {  	[smem:$0x3FA0] =	sst s1;
	(tag) =	ssettag s2;
	_ =	strace s9  }
0x27: {  	s1 =	sld [smem:$0x3FB0]  }
0x28: {  	s2 =	sld [smem:$0x3FB1]  }
0x29: {  	s4 =	sld [smem:$0x3FB3]  }
0x2a: {  	p0 =	seq.s32 s5, $0x0;
	s5 =	sld [smem:$0x3FB4]  }
0x2b: {  	s6 =	sld [smem:$0x3FB5]  }
0x2c: {  	s7 =	sld [smem:$0x3FB6]  }
0x2d: {  	s3 =	simm.s32 $0x108;
	s8 =	sld [smem:$0x3FB7]  }
0x2e: {  	s3 =	simm.s32 @!p0 $0x1082;
	s9 =	sld [smem:$0x3FB8]  }
0x2f: {  	lr =	sadd.s32 s0, s3;
	s0 =	sld [smem:$0x3FAF]  }
0x30: {  	s3 =	sld [smem:$0x3FB2]  }
0x31: {  	[smem:$0x3FBB] =	sst s10  }
0x32: {  	s10 =	sld [smem:$0x3FB9];
	_ =	sdelay $0x3  }
0x33: {  	p0 =	seq.s32 s10, $0x1;
	s10 =	sld [smem:$0x3FBB];
	_ =	sdelay $0x3  }
0x34: {  	[smem:$0x3FBB] =	sst s10  }
0x35: {  	s10 =	sld [smem:$0x3FBA];
	_ =	sdelay $0x3  }
0x36: {  	p1 =	seq.s32 s10, $0x1;
	s10 =	sld [smem:$0x3FBB];
	_ =	sdelay $0x3  }
0x37: {  	[smem:$0x3FBB] =	sst s10  }
0x38: {  	s10 =	sld [smem:$0x3FBC]  }
0x39: {  	_ = 	snop;
	(pc) =	sbr.ind lr, $3  }
0x3a: {  	_ = 	snop  }
0x3b: {  	_ = 	snop  }
0x3c: {  	p2 =	seq.s32 s10, $0x1;
	s10 =	sld [smem:$0x3FBB]  }
0x3d: {  	_ =	shalt  }
0x3e: {  	_ =	shalt  }
0x3f: {  	_ =	shalt  }
0x40: {  	_ =	shalt  }
0x41: {  	_ =	shalt  }
0x42: {  	_ =	shalt  }
0x43: {  	_ =	shalt  }
0x44: {  	_ =	shalt  }
0x45: {  	_ =	shalt  }
0x46: {  	_ =	shalt  }
0x47: {  	_ =	shalt  }
0x48: {  	_ =	shalt  }
0x49: {  	_ =	shalt  }
0x4a: {  	_ =	shalt  }
0x4b: {  	_ =	shalt  }
0x4c: {  	_ =	shalt  }
0x4d: {  	_ =	shalt  }
0x4e: {  	_ =	shalt  }
0x4f: {  	_ =	shalt  }
0x50: {  	_ =	shalt  }
0x51: {  	_ =	shalt  }
0x52: {  	_ =	shalt  }
0x53: {  	_ =	shalt  }
0x54: {  	_ =	shalt  }
0x55: {  	_ =	shalt  }
0x56: {  	_ =	shalt  }
0x57: {  	_ =	shalt  }
0x58: {  	_ =	shalt  }
0x59: {  	_ =	shalt  }
0x5a: {  	_ =	shalt  }
0x5b: {  	_ =	shalt  }
0x5c: {  	_ =	shalt  }
0x5d: {  	_ =	shalt  }
0x5e: {  	_ =	shalt  }
0x5f: {  	_ =	shalt  }
0x60: {  	_ =	shalt  }
0x61: {  	_ =	shalt  }
0x62: {  	_ =	shalt  }
0x63: {  	_ =	shalt  }
0x64: {  	_ =	shalt  }
0x65: {  	_ =	shalt  }
0x66: {  	_ =	shalt  }
0x67: {  	_ =	shalt  }
0x68: {  	_ =	shalt  }
0x69: {  	_ =	shalt  }
0x6a: {  	_ =	shalt  }
0x6b: {  	_ =	shalt  }
0x6c: {  	_ =	shalt  }
0x6d: {  	_ =	shalt  }
0x6e: {  	_ =	shalt  }
0x6f: {  	_ =	shalt  }
0x70: {  	_ =	shalt  }
0x71: {  	_ =	shalt  }
0x72: {  	_ =	shalt  }
0x73: {  	_ =	shalt  }
0x74: {  	_ =	shalt  }
0x75: {  	_ =	shalt  }
0x76: {  	_ =	shalt  }
0x77: {  	_ =	shalt  }
0x78: {  	_ =	shalt  }
0x79: {  	_ =	shalt  }
0x7a: {  	_ =	shalt  }
0x7b: {  	_ =	shalt  }
0x7c: {  	_ =	shalt  }
0x7d: {  	_ =	shalt  }
0x7e: {  	_ =	shalt  }
0x7f: {  	_ =	shalt  }
0x80: {  	_ =	shalt  }
0x81: {  	_ =	shalt  }
0x82: {  	_ =	shalt  }
0x83: {  	_ =	shalt  }
0x84: {  	_ =	shalt  }
0x85: {  	_ =	shalt  }
0x86: {  	_ =	shalt  }
0x87: {  	_ =	shalt  }
.Lfunc_end0:
.L_simem_size_0:
called_computation_lowered:
.L_overlay_start_0:
0x88: {  	s2 =	sld [smem:$0x3FD9]  }
0x89: {  	s3 =	sld [smem:$0x3FFE];
	_ =	sdelay $0x1  }
0x8a: {  	s1 =	srdreg.scid  }
0x8b: {  	s0 =	sand.u32 $0x1, s1  }
0x8c: {  	s15 =	sshll.u32 s0, $0xA;
	s2 =	sadd.s32 s3, s2  }
0x8d: {  	s2 =	sadd.s32 s2, s15  }
0x8e: {  	[smem:$0x3FC7] =	sst s2  }
0x8f: {  	_ = 	snop  }
0x90: {  	s2 =	sld [smem:$0x3FD0];
	_ =	sdelay $0x2  }
0x91: {  	s4 =	simm.s32 $0xA;
	s5 =	simm.s32 $0x10;
	s16 =	sld [smem:$0x3FC9]  }
0x92: {  	[smem:s5], [sflag:s4] =	dma.local [hbm:s2], $0x1  }
0x93: {  	_ =	swait.eq [sflag:s4], $0x1  }
0x94: {  	[sflag:s4] =	ssyncset.done $0x0  }
0x95: {  	[sflag:s4] =	ssyncadd.s32 $0xFFFFFFFF  }
0x96: {  	s17 =	sld [smem:$0x11];
	(tm) =	ssettm $0x1  }
0x97: {  	s18 =	sld [smem:$0x3FFB];
	_ =	sdelay $0x3  }
0x98: {  	_ =	strace s18  }
0x99: {  	s4 =	sld [smem:$0x3FFC];
	_ =	sdelay $0x3  }
0x9a: {  	_ =	strace s4  }
0x9b: {  	s4 =	sld [smem:$0x3FFD];
	_ =	sdelay $0x3  }
0x9c: {  	_ =	strace s4  }
0x9d: {  	_ =	strace $0x8FFFFFFF  }
0x9e: {  	s19 =	sld [smem:$0x3FDB];
	_ =	sdelay $0x1  }
0x9f: {  	s20 =	simm.s32 $_scs_section_size  }
0xa0: {  	s6 =	simm.s32 $_size__tile_overlayer_lowered;
	s7 =	simm.s32 $_tile_overlayer_lowered  }
0xa1: {  	s23 =	simm.s32 $0x1BFF;
	s22 =	sshll.u32 s7, $0x1;
	s4 =	sadd.s32 s20, s19  }
0xa2: {  	s8 =	simm.s32 $0x0;
	s21 =	sshll.u32 s6, $0x1;
	s6 =	sadd.s32 s22, s4  }
0xa3: {  	[timem:s8], [sflag:s23] =	dma.local [hbm:s6], s21  }
0xa4: {  	_ =	swait.ge [sflag:s23], s21  }
0xa5: {  	s5 =	ssub.s32 $0x0, s21;
	[sflag:s23] =	ssyncset.done $0x0  }
0xa6: {  	[sflag:s23] =	ssyncadd.s32 s5;
	_ =	sdelay $0x1  }
0xa7: {  	s24 =	simm.s32 $0x1B8B  }
0xa8: {  	_ =	swait.ge [sflag:s24], $0x1  }
0xa9: {  	[sflag:s24] =	ssyncset.done $0x0  }
0xaa: {  	s25 =	simm.s32 $0x1B8E;
	[sflag:s24] =	ssyncadd.s32 $0xFFFFFFFF  }
0xab: {  	s26 =	simm.s32 $execute0_lowered;
	[smem:$0x3FD2] =	sst s25  }
0xac: {  	s5 =	sshll.u32 s26, $0x1;
	_ =	strace $0x80000046;
	[dreg:$0x1] =	wrdreg $0xFFFFFFFF  }
0xad: {  	s28 =	simm.s32 $_size_execute0_lowered;
	s4 =	sadd.s32 s4, s5;
	[dreg:$0x0] =	wrdreg $0x0  }
0xae: {  	s5 =	sshll.u32 s28, $0x1;
	[dreg:$0x2] =	wrdreg s4  }
0xaf: {  	[dreg:$0x3] =	wrdreg s5  }
0xb0: {  	[dreg:$0x4] =	wrdreg $0xC0  }
0xb1: {  	_ =	task [dreg:s8], $0x5FFFF  }
0xb2: {  	[dreg:$0x1] =	wrdreg $0xFFFFFFFF  }
0xb3: {  	[dreg:$0x0] =	wrdreg $0x60  }
0xb4: {  	[dreg:$0x2] =	wrdreg s16  }
0xb5: {  	[dreg:$0x3] =	wrdreg s17  }
0xb6: {  	[dreg:$0x4] =	wrdreg $0x9  }
0xb7: {  	_ =	task.clear_ibuf [dreg:s8], $0x5FFFF;
	_ =	strace $0x90000046  }
0xb8: {  	s29 =	simm.s32 $0x9;
	_ =	strace $0x80000048  }
0xb9: {  	_ =	swait.ge [sflag:s29], $0x1  }
0xba: {  	[sflag:s29] =	ssyncadd.s32 $0xFFFFFFFF  }
0xbb: {  	_ =	strace $0x90000048  }
0xbc: {  	_ =	sfence  }
0xbd: {  	s30 =	sld [smem:$0x0];
	_ =	sdelay $0x2  }
0xbe: {  	s31 =	sshll.u32 s1, $0xD;
	s1 =	sshrl.u32 s1, $0x2  }
0xbf: {  	s3 =	sand.u32 $0x4000, s31;
	s1 =	sadd.s32 s1, s30  }
0xc0: {  	s0 =	sor.u32 s3, s0;
	s1 =	sshll.u32 s1, $0x11  }
0xc1: {  	s0 =	sor.u32 s1, s0  }
0xc2: {  	s0 =	sadd.s32 $0x8F2B, s0  }
0xc3: {  	[sflag:s0] =	ssyncadd.remote.s32 $0x1  }
0xc4: {  	_ =	sfence.sel $0xFFFF  }
0xc5: {  	[dreg:$0x0] =	wrdreg $0xFFFFFFFF;
	(pc) =	sbr.abs _section_cstart, $3  }
0xc6: {  	[dreg:$0x1] =	wrdreg $0xFFFFFFFF  }
0xc7: {  	_ =	task.clear_ibuf [dreg:s8], $0x2FFFF;
	_ =	strace $0x9FFFFFFF  }
0xc8: {  	(tm) =	ssettm $0x7FFFFFFF  }
0xc9: {  	_ =	shalt  }
tec
execute0_lowered:
.L_overlay_start_1:
0x0: {  	(tag) =	ssettag $0x1  }
0x1: {  	v0 =	vimm.s32 $0x4380;
	vm0 =	vcmask $0x300  }
0x2: {  	vm14 =	vcmask $0x704;
	v0 =	vsel vm0, $0x0, v0  }
0x3: {  	vm15 =	vcmask $0xB08;
	v0 =	vsel vm14, $0x80, v0  }
0x4: {  	vm4 =	vcmask $0xF0C;
	v0 =	vsel vm15, $0x100, v0  }
0x5: {  	s4 =	rddreg [dreg:$0x0];
	vm5 =	vcmask $0x1310;
	v0 =	vsel vm4, $0x180, v0  }
0x6: {  	s1 =	rddreg [dreg:$0x1];
	vm6 =	vcmask $0x1714;
	v0 =	vsel vm5, $0x200, v0  }
0x7: {  	s0 =	rddreg [dreg:$0x2];
	s5 =	srdreg.scid;
	vm7 =	vcmask $0x1B18;
	v0 =	vsel vm6, $0x280, v0  }
0x8: {  	s3 =	simm.s32 $0x0;
	s2 =	stileid.u32;
	vm8 =	vcmask $0x1F1C;
	s9 =	simm.s32 $0x1;
	v0 =	vsel vm7, $0x300, v0  }
0x9: {  	vm9 =	vcmask $0x2320;
	s10 =	simm.s32 $0x8000;
	s11 =	simm.s32 $0x10000;
	s12 =	simm.s32 $0x18000;
	v0 =	vsel vm8, $0x380, v0  }
0xa: {  	vm10 =	vcmask $0x2724;
	s13 =	simm.s32 $0x1C000;
	s14 =	simm.s32 $0x2;
	s15 =	simm.s32 $0x3;
	v0 =	vsel vm9, $0x4000, v0  }
0xb: {  	vm11 =	vcmask $0x2B28;
	s16 =	simm.s32 $0x0;
	s5 =	sand.u32 $0x1, s5;
	s7 =	sshll.u32 s2, $0xA;
	v0 =	vsel vm10, $0x4080, v0  }
0xc: {  	vm12 =	vcmask $0x2F2C;
	[smem:$0x7FF] =	sst s3;
	s6 =	ssub.s32 $0x2, s5;
	s5 =	sshll.u32 s5, $0xE;
	v0 =	vsel vm11, $0x4100, v0  }
0xd: {  	vm13 =	vcmask $0x3330;
	_ =	strace $0x80000047;
	s8 =	sshrl.u32 s6, $0x1;
	s5 =	sor.u32 s7, s5;
	v1 =	vsel vm12, $0x4180, v0  }
0xe: {  	v3 =	vimm.f32 $1.000000000e+00;
	vm14 =	vcmask $0x3734;
	s8 =	ssub.s32 s6, s8;
	s30 =	sshll.u32 s5, $0x8;
	s5 =	sshll.u32 s5, $0xB;
	v2 =	vsel vm13, $0x4200, v1  }
0xf: {  	v4 =	vimm.s32 $0x1;
	vm15 =	vcmask $0x3B38;
	s4 =	sadd.s32 s4, s30;
	s31 =	sadd.s32 s30, s1;
	s5 =	sadd.s32 $0xFFFF8000, s5;
	v2 =	vsel vm14, $0x4280, v2  }
0x10: {  	s8 =	smax.u32 s8, $0x1;
	s6 =	sadd.s32 $0x2000, s4;
	s7 =	sadd.s32 $0x3F000, s31;
	v0 =	vimm.s32 $0x0;
	v1 =	vlaneseq.u32;
	v2 =	vsel vm15, $0x4300, v2  }
.LBB2_1:
0x11: {  	s17 =	simm.s32 $0x18020  }
0x12: {  	[tilespmem:s17+$0xFFFFFFE0] =	vst v0  }
0x13: {  	[tilespmem:s17+$0x10] =	vst v0  }
0x14: {  	s18 =	simm.s32 $0x0;
	[tilespmem:s17+$0x0] =	vst v0  }
.LBB2_2:
0x15: {  	s18 =	sadd.s32 $0x4, s18  }
0x16: {  	[tilespmem:s17+$0xFFFFFFF0] =	vst v0;
	s17 =	sadd.s32 $0x40, s17;
	p0 =	slt.u32 s18, $0x3FC  }
.Ltmp0:
0x17: {  	[tilespmem:s17+$0xFFFFFFE0] =	vst v0;
	(pc) =	sbr.rel @p0 .LBB2_2-.Ltmp0, $3  }
0x18: {  	_ =	sdelay $0x1  }
0x19: {  	[tilespmem:s17+$0x10] =	vst v0  }
0x1a: {  	[tilespmem:s17+$0x0] =	vst v0  }
.Ltmp1:
0x1b: {  	(pc) =	sbr.rel .LBB2_4-.Ltmp1, $3  }
0x1c: {  	_ =	sdelay $0x1  }
0x1d: {  	[tilespmem:s17+$0xFFFFFFF0] =	vst v0;
	s17 =	simm.s32 $0x0;
	s18 =	simm.s32 $0x0  }
0x1e: {  	[tilespmem:s17], [sflag:$0x1] =	stream.linear.gather [hbm4b:s4+s17], $0x8000, $0x38;
	[tilespmem:$0x1FF80] =	vst v63  }
.LBB2_86:
0x1f: {  	s18 =	sadd.s32 $0x1, s18  }
0x20: {  	p0 =	sne.s32 s18, $0x20  }
.Ltmp2:
0x21: {  	_ = 	snop;
	(pc) =	sbr.rel @!p0 .LBB2_87-.Ltmp2, $1  }
0x22: {  	_ =	sdelay $0x3  }
.LBB2_4:
0x23: {  	v5 =	vxor.u32 s17, v1;
	s19 =	simm.s32 $0x1;
	s20 =	simm.s32 $0x4  }
0x24: {  	v6 =	vmov s17;
	s21 =	simm.s32 $0x6;
	s22 =	simm.s32 $0x7;
	v7 =	vmov s19;
	v8 =	vmov s20  }
0x25: {  	v6 =	vshll.u32 v6, $0x3;
	v9 =	vmov s21;
	v10 =	vxor.u32 s22, v1  }
0x26: {  	s25 =	simm.s32 $0x5;
	v5 =	vand.u32 $0x7F, v5;
	v11 =	vxor.u32 s21, v1;
	v12 =	vmov s22  }
0x27: {  	s24 =	simm.s32 $0x3;
	s28 =	simm.s32 $0x9;
	s29 =	simm.s32 $0xA;
	v13 =	vxor.u32 s20, v1;
	v14 =	vxor.u32 s19, v1;
	v16 =	vxor.u32 s25, v1  }
0x28: {  	s26 =	simm.s32 $0x8;
	s30 =	simm.s32 $0xB;
	s31 =	simm.s32 $0xF;
	v18 =	vxor.u32 s24, v1;
	v20 =	vmov s28;
	v21 =	vmov s29  }
0x29: {  	v22 =	vmov s30;
	v26 =	vmov s26;
	v28 =	vxor.u32 s31, v1  }
0x2a: {  	v30 =	vmov s31;
	v31 =	vxor.u32 s29, v1;
	v33 =	vxor.u32 s30, v1  }
0x2b: {  	v55 =	vxor.u32 s28, v1;
	v7 =	vshll.u32 v7, $0x3;
	v6 =	vand.u32 $0x3C00, v6  }
0x2c: {  	v8 =	vshll.u32 v8, $0x3;
	v10 =	vand.u32 $0x7F, v10;
	v11 =	vand.u32 $0x7F, v11  }
0x2d: {  	v9 =	vshll.u32 v9, $0x3;
	v12 =	vshll.u32 v12, $0x3;
	v14 =	vand.u32 $0x7F, v14  }
0x2e: {  	v16 =	vand.u32 $0x7F, v16;
	v20 =	vshll.u32 v20, $0x3;
	v28 =	vand.u32 $0x7F, v28  }
0x2f: {  	v54 =	vshll.u32 v30, $0x3;
	v7 =	vand.u32 $0x3C00, v7;
	v8 =	vand.u32 $0x3C00, v8  }
0x30: {  	v5 =	vor.u32 v5, v6;
	v6 =	vand.u32 $0x3C00, v9;
	v20 =	vand.u32 $0x3C00, v20  }
0x31: {  	v7 =	vor.u32 v14, v7;
	v9 =	vor.u32 v2, v5;
	v5 =	vand.u32 $0x3C00, v12  }
0x32: {  	_ =	swait.ge [sflag:s9], $0x8000;
	v6 =	vor.u32 v11, v6;
	v12 =	vmov s24;
	v11 =	vor.u32 v2, v7  }
0x33: {  	p0 =	seq.s32 s18, $0x0;
	s23 =	simm.s32 $0x2;
	[sflag:s9] =	ssyncset.done $0x0;
	v6 =	vor.u32 v2, v6;
	v7 =	vand.u32 $0x7F, v13;
	v5 =	vor.u32 v10, v5  }
0x34: {  	s19 =	simm.s32 @!p0 $0x3;
	[sflag:s9] =	ssyncadd.s32 $0xFFFF8000;
	s24 =	simm.s32 $0xD;
	v10 =	vmov s23;
	v13 =	vmov s25;
	v12 =	vshll.u32 v12, $0x3  }
0x35: {  	_ =	swait.ge @!p0 [sflag:s19], $0x8000;
	v24 =	vmov s24;
	v32 =	vxor.u32 s24, v1;
	v7 =	vor.u32 v7, v8  }
0x36: {  	[sflag:s19] =	ssyncset.done @!p0 $0x0;
	s25 =	simm.s32 $0xE;
	v8 =	vor.u32 v2, v5;
	v10 =	vshll.u32 v10, $0x3;
	v12 =	vand.u32 $0x3C00, v12  }
0x37: {  	[sflag:s19] =	ssyncadd.s32 @!p0 $0xFFFF8000;
	v27 =	vmov s25;
	v24 =	vshll.u32 v24, $0x3;
	v29 =	vxor.u32 s25, v1  }
0x38: {  	v5 =	vld [tilespmem:$0x1FF00];
	v14 =	vor.u32 v2, v7;
	v7 =	vshll.u32 v13, $0x3;
	v13 =	vxor.u32 s23, v1  }
0x39: {  	v32 =	vand.u32 $0x7F, v32;
	v10 =	vand.u32 $0x3C00, v10;
	v13 =	vand.u32 $0x7F, v13;
	v15 =	vld.idx.msk [tilespmem:v9+s10+$0x0], $0xffff  }
0x3a: {  	v24 =	vand.u32 $0x3C00, v24;
	v7 =	vand.u32 $0x3C00, v7;
	v10 =	vor.u32 v13, v10;
	v17 =	vld.idx.msk [tilespmem:v11+s10+$0x0], $0xffff  }
0x3b: {  	v50 =	vand.u32 $0x7F, v29;
	v7 =	vor.u32 v16, v7;
	v19 =	vld.idx.msk [tilespmem:v6+s10+$0x0], $0xffff;
	v10 =	vor.u32 v2, v10  }
0x3c: {  	s23 =	simm.s32 $0xC;
	v27 =	vshll.u32 v27, $0x3;
	v13 =	vand.u32 $0x7F, v18;
	v7 =	vor.u32 v2, v7;
	v18 =	vld.idx.msk [tilespmem:v8+s10+$0x0], $0xffff  }
0x3d: {  	v23 =	vmov s23;
	v24 =	vor.u32 v32, v24;
	v12 =	vor.u32 v13, v12;
	v13 =	vld.idx.msk [tilespmem:v14+s10+$0x0], $0xffff  }
0x3e: {  	v53 =	vxor.u32 s23, v1;
	v12 =	vor.u32 v2, v12;
	v15 =	vand.u32 $0x7FFFFFFF, v15  }
0x3f: {  	v23 =	vshll.u32 v23, $0x3;
	v16 =	vand.u32 $0x7FFFFFFF, v17;
	vm0 =	vgt.s32 v5, v15  }
0x40: {  	v15 =	vand.u32 $0x7FFFFFFF, v19;
	v19 =	vld.idx.msk [tilespmem:v10+s10+$0x0], $0xffff;
	vm1 =	vgt.s32 v5, v16;
	v16 =	vsel vm0, $0x0, v3  }
0x41: {  	v25 =	vld.idx.msk [tilespmem:v7+s10+$0x0], $0xffff;
	vm0 =	vgt.s32 v5, v15;
	v18 =	vand.u32 $0x7FFFFFFF, v18;
	v17 =	vsel vm1, $0x0, v3  }
0x42: {  	v15 =	vsel vm0, $0x0, v3;
	v13 =	vand.u32 $0x7FFFFFFF, v13;
	vm1 =	vgt.s32 v5, v18;
	[tilespmem:v9+s11+$0x0] =	vst.idx.msk $0xffff, v16  }
0x43: {  	v23 =	vand.u32 $0x3C00, v23;
	v18 =	vxor.u32 s26, v1;
	vm0 =	vgt.s32 v5, v13;
	[tilespmem:v6+s11+$0x0] =	vst.idx.msk $0xffff, v15;
	v15 =	vld.idx.msk [tilespmem:v12+s10+$0x0], $0xffff  }
0x44: {  	v13 =	vsel vm1, $0x0, v3;
	v18 =	vand.u32 $0x7F, v18;
	v9 =	vld.idx.msk [tilespmem:v9+s3+$0x0], $0xffff;
	[tilespmem:v11+s11+$0x0] =	vst.idx.msk $0xffff, v17;
	v17 =	vand.u32 $0x7F, v33  }
0x45: {  	v52 =	vld.idx.msk [tilespmem:v6+s3+$0x0], $0xffff;
	v6 =	vand.u32 $0x3C00, v27;
	v57 =	vsel vm0, $0x0, v3;
	v19 =	vand.u32 $0x7FFFFFFF, v19  }
0x46: {  	v25 =	vand.u32 $0x7FFFFFFF, v25;
	v6 =	vor.u32 v50, v6;
	vm1 =	vgt.s32 v5, v19  }
0x47: {  	[tilespmem:v14+s11+$0x0] =	vst.idx.msk $0xffff, v57;
	v19 =	vshll.u32 v26, $0x3;
	v49 =	vsel vm1, $0x0, v3;
	vm1 =	vgt.s32 v5, v25  }
0x48: {  	v14 =	vld.idx.msk [tilespmem:v14+s3+$0x0], $0xffff;
	v19 =	vand.u32 $0x3C00, v19;
	v25 =	vand.u32 $0x7F, v55;
	v51 =	vsel vm1, $0x0, v3;
	[tilespmem:v10+s11+$0x0] =	vst.idx.msk $0xffff, v49  }
0x49: {  	v15 =	vand.u32 $0x7FFFFFFF, v15;
	v9 =	vshrl.u32 v9, $0x11;
	[tilespmem:v7+s11+$0x0] =	vst.idx.msk $0xffff, v51;
	v56 =	vld.idx.msk [tilespmem:v10+s3+$0x0], $0xffff;
	v10 =	vor.u32 v2, v6  }
0x4a: {  	v6 =	vor.u32 v18, v19;
	v18 =	vor.u32 v25, v20;
	vm0 =	vgt.s32 v5, v15;
	v16 =	vld.idx.msk [tilespmem:v7+s3+$0x0], $0xffff  }
0x4b: {  	v9 =	vand.u32 $0x3FF0, v9;
	v7 =	vshll.u32 v22, $0x3;
	v22 =	vand.u32 $0x3C00, v54  }
0x4c: {  	v58 =	vand.u32 $0x3C00, v7;
	v7 =	vor.u32 v2, v6;
	v6 =	vor.u32 v2, v18  }
0x4d: {  	v14 =	vshrl.u32 v14, $0x11;
	v15 =	vor.u32 v17, v58;
	v17 =	vshrl.u32 v52, $0x11  }
0x4e: {  	[tilespmem:v8+s11+$0x0] =	vst.idx.msk $0xffff, v13;
	v18 =	vld.idx.msk [tilespmem:v11+s3+$0x0], $0xffff;
	v14 =	vand.u32 $0x3FF0, v14;
	v17 =	vand.u32 $0x3FF0, v17;
	v11 =	vshrl.u32 v56, $0x11  }
0x4f: {  	v8 =	vld.idx.msk [tilespmem:v8+s3+$0x0], $0xffff;
	v13 =	vshrl.u32 v16, $0x11;
	v16 =	vshll.u32 v21, $0x3;
	v11 =	vand.u32 $0x3FF0, v11  }
0x50: {  	v21 =	vor.u32 v28, v22;
	v20 =	vor.u32 v1, v11;
	v11 =	vand.u32 $0x7F, v53  }
0x51: {  	v14 =	vor.u32 v1, v14;
	v60 =	vld.idx.msk [tilespmem:v10+s10+$0x0], $0xffff;
	v23 =	vor.u32 v11, v23;
	v11 =	vor.u32 v2, v21  }
0x52: {  	v22 =	vld.idx.msk [tilespmem:v7+s10+$0x0], $0xffff;
	v21 =	vor.u32 v1, v9;
	v9 =	vor.u32 v2, v23;
	v23 =	vsel vm0, $0x0, v3  }
0x53: {  	v19 =	vand.u32 $0x7F, v31;
	v63 =	vor.u32 v1, v17;
	v59 =	vld.idx.msk [tilespmem:v6+s10+$0x0], $0xffff;
	v18 =	vshrl.u32 v18, $0x11;
	[tilespmem:v12+s11+$0x0] =	vst.idx.msk $0xffff, v23  }
0x54: {  	v16 =	vand.u32 $0x3C00, v16;
	v18 =	vand.u32 $0x3FF0, v18;
	v23 =	vshrl.u32 v8, $0x11;
	v61 =	vld.idx.msk [tilespmem:v12+s3+$0x0], $0xffff  }
0x55: {  	v8 =	vor.u32 v19, v16;
	v16 =	vor.u32 v1, v18;
	[tilespmem:v20+s12+$0x0] =	vst.idx.add.s32.msk $0xffff, v4;
	v20 =	vand.u32 $0x3FF0, v13  }
0x56: {  	v13 =	vor.u32 v2, v8;
	v8 =	vor.u32 v2, v15;
	v15 =	vand.u32 $0x3FF0, v23;
	v23 =	vld.idx.msk [tilespmem:v11+s10+$0x0], $0xffff  }
0x57: {  	v17 =	vand.u32 $0x7FFFFFFF, v60;
	v18 =	vand.u32 $0x7FFFFFFF, v22;
	v22 =	vor.u32 v1, v15;
	v62 =	vld.idx.msk [tilespmem:v9+s10+$0x0], $0xffff  }
0x58: {  	[tilespmem:v63+s12+$0x0] =	vst.idx.add.s32.msk $0xffff, v4;
	v12 =	vor.u32 v2, v24;
	v15 =	vand.u32 $0x7FFFFFFF, v59;
	vm0 =	vgt.s32 v5, v18  }
0x59: {  	[tilespmem:v21+s12+$0x0] =	vst.idx.add.s32.msk $0xffff, v4;
	vm1 =	vgt.s32 v5, v15;
	v19 =	vsel vm0, $0x0, v3;
	vm0 =	vgt.s32 v5, v17  }
0x5a: {  	v17 =	vor.u32 v1, v20;
	[tilespmem:v16+s12+$0x0] =	vst.idx.add.s32.msk $0xffff, v4;
	v15 =	vsel vm1, $0x0, v3;
	v16 =	vshrl.u32 v61, $0x11  }
0x5b: {  	[tilespmem:v7+s11+$0x0] =	vst.idx.msk $0xffff, v19;
	v19 =	vsel vm0, $0x0, v3;
	v18 =	vld.idx.msk [tilespmem:v13+s10+$0x0], $0xffff;
	v16 =	vand.u32 $0x3FF0, v16;
	v21 =	vand.u32 $0x7FFFFFFF, v23  }
0x5c: {  	s20 =	simm.s32 $0x10;
	s19 =	sshll.u32 s18, $0x1;
	[tilespmem:v22+s12+$0x0] =	vst.idx.add.s32.msk $0xffff, v4;
	v16 =	vor.u32 v1, v16;
	v20 =	vand.u32 $0x7FFFFFFF, v62;
	vm1 =	vgt.s32 v5, v21  }
.LBB2_5:
0x5d: {  	s21 =	sadd.s32 $0x1, s20  }
0x5e: {  	v21 =	vxor.u32 s20, v1;
	s22 =	sadd.s32 $0x2, s20;
	s23 =	sadd.s32 $0x3, s20;
	vm0 =	vgt.s32 v5, v20;
	v20 =	vld.idx.msk [tilespmem:v12+s10+$0x0], $0xffff;
	[tilespmem:v10+s11+$0x0] =	vst.idx.msk $0xffff, v19;
	v19 =	vsel vm1, $0x0, v3;
	s24 =	smov.u32 s20  }
0x5f: {  	s25 =	sadd.s32 $0x4, s20;
	s26 =	sadd.s32 $0x5, s20;
	s28 =	sadd.s32 $0x7, s20;
	v22 =	vmov s21;
	v23 =	vmov s22;
	v24 =	vmov s23;
	[tilespmem:v11+s11+$0x0] =	vst.idx.msk $0xffff, v19  }
0x60: {  	p1 =	slt.u32 s20, $0x7F8;
	s20 =	sadd.s32 $0x8, s20;
	v19 =	vmov s25;
	v25 =	vmov s26;
	s29 =	sadd.s32 $0x6, s24;
	v18 =	vand.u32 $0x7FFFFFFF, v18;
	[tilespmem:v17+s12+$0x0] =	vst.idx.add.s32.msk $0xffff, v4  }
0x61: {  	v17 =	vmov s24;
	v26 =	vmov s29;
	vm1 =	vgt.s32 v5, v18;
	[tilespmem:v14+s12+$0x0] =	vst.idx.add.s32.msk $0xffff, v4  }
0x62: {  	v14 =	vshll.u32 v17, $0x3;
	v17 =	vshll.u32 v22, $0x3;
	v18 =	vsel vm1, $0x0, v3;
	[tilespmem:v16+s12+$0x0] =	vst.idx.add.s32.msk $0xffff, v4  }
0x63: {  	v14 =	vand.u32 $0x3C00, v14;
	v16 =	vshll.u32 v19, $0x3;
	v19 =	vxor.u32 s28, v1;
	[tilespmem:v13+s11+$0x0] =	vst.idx.msk $0xffff, v18  }
0x64: {  	v17 =	vand.u32 $0x3C00, v17;
	v18 =	vand.u32 $0x7F, v21;
	v19 =	vand.u32 $0x7F, v19;
	[tilespmem:v6+s11+$0x0] =	vst.idx.msk $0xffff, v15;
	v15 =	vld.idx.msk [tilespmem:v10+s3+$0x0], $0xffff  }
0x65: {  	v16 =	vand.u32 $0x3C00, v16;
	v20 =	vand.u32 $0x7FFFFFFF, v20;
	v10 =	vshll.u32 v25, $0x3  }
0x66: {  	v22 =	vmov s28;
	v21 =	vxor.u32 s29, v1;
	vm1 =	vgt.s32 v5, v20  }
0x67: {  	v20 =	vand.u32 $0x7F, v21;
	v10 =	vand.u32 $0x3C00, v10;
	v25 =	vsel vm1, $0x0, v3;
	v21 =	vld.idx.msk [tilespmem:v8+s10+$0x0], $0xffff  }
0x68: {  	v27 =	vxor.u32 s22, v1;
	v28 =	vxor.u32 s26, v1;
	v26 =	vshll.u32 v26, $0x3;
	[tilespmem:v12+s11+$0x0] =	vst.idx.msk $0xffff, v25  }
0x69: {  	v29 =	vxor.u32 s25, v1;
	v22 =	vshll.u32 v22, $0x3;
	v25 =	vxor.u32 s23, v1;
	v12 =	vld.idx.msk [tilespmem:v12+s3+$0x0], $0xffff  }
0x6a: {  	v30 =	vxor.u32 s21, v1;
	v28 =	vand.u32 $0x7F, v28;
	v26 =	vand.u32 $0x3C00, v26;
	v13 =	vld.idx.msk [tilespmem:v13+s3+$0x0], $0xffff  }
0x6b: {  	v31 =	vsel vm0, $0x0, v3;
	v24 =	vshll.u32 v24, $0x3;
	v22 =	vand.u32 $0x3C00, v22  }
0x6c: {  	v30 =	vand.u32 $0x7F, v30;
	v28 =	vor.u32 v28, v10;
	v10 =	vor.u32 v20, v26;
	v20 =	vld.idx.msk [tilespmem:v7+s3+$0x0], $0xffff  }
0x6d: {  	v24 =	vand.u32 $0x3C00, v24;
	v10 =	vor.u32 v2, v10;
	v21 =	vand.u32 $0x7FFFFFFF, v21  }
0x6e: {  	v7 =	vor.u32 v18, v14;
	v14 =	vor.u32 v30, v17;
	v17 =	vand.u32 $0x7F, v25  }
0x6f: {  	v7 =	vor.u32 v2, v7;
	vm0 =	vgt.s32 v5, v21;
	v18 =	vld.idx.msk [tilespmem:v6+s3+$0x0], $0xffff;
	v6 =	vor.u32 v2, v14  }
0x70: {  	v12 =	vshrl.u32 v12, $0x11;
	v14 =	vor.u32 v17, v24;
	v13 =	vshrl.u32 v13, $0x11;
	v17 =	vld.idx.msk [tilespmem:v11+s3+$0x0], $0xffff  }
0x71: {  	v15 =	vshrl.u32 v15, $0x11;
	v21 =	vshll.u32 v23, $0x3;
	v11 =	vand.u32 $0x3FF0, v13;
	[tilespmem:v9+s11+$0x0] =	vst.idx.msk $0xffff, v31  }
0x72: {  	v13 =	vand.u32 $0x7F, v27;
	v20 =	vshrl.u32 v20, $0x11;
	v23 =	vor.u32 v1, v11;
	v24 =	vld.idx.msk [tilespmem:v9+s3+$0x0], $0xffff  }
0x73: {  	v11 =	vor.u32 v19, v22;
	v9 =	vand.u32 $0x7F, v29;
	v19 =	vand.u32 $0x3FF0, v20  }
0x74: {  	v11 =	vor.u32 v2, v11;
	v9 =	vor.u32 v9, v16;
	v16 =	vor.u32 v1, v19;
	v20 =	vld.idx.msk [tilespmem:v7+s10+$0x0], $0xffff  }
0x75: {  	v22 =	vsel vm0, $0x0, v3;
	v9 =	vor.u32 v2, v9;
	v18 =	vshrl.u32 v18, $0x11;
	v19 =	vld.idx.msk [tilespmem:v6+s10+$0x0], $0xffff  }
0x76: {  	v21 =	vand.u32 $0x3C00, v21;
	v18 =	vand.u32 $0x3FF0, v18;
	v17 =	vshrl.u32 v17, $0x11;
	v25 =	vld.idx.msk [tilespmem:v10+s10+$0x0], $0xffff;
	[tilespmem:v8+s11+$0x0] =	vst.idx.msk $0xffff, v22  }
0x77: {  	v13 =	vor.u32 v13, v21;
	v21 =	vand.u32 $0x3FF0, v12;
	v18 =	vor.u32 v1, v18;
	[tilespmem:v23+s12+$0x0] =	vst.idx.add.s32.msk $0xffff, v4  }
0x78: {  	v13 =	vor.u32 v2, v13;
	v22 =	vld.idx.msk [tilespmem:v8+s3+$0x0], $0xffff;
	v8 =	vor.u32 v2, v14;
	v14 =	vand.u32 $0x3FF0, v17  }
0x79: {  	v15 =	vand.u32 $0x3FF0, v15;
	v12 =	vor.u32 v2, v28;
	v17 =	vshrl.u32 v24, $0x11;
	v23 =	vld.idx.msk [tilespmem:v11+s10+$0x0], $0xffff  }
0x7a: {  	v20 =	vand.u32 $0x7FFFFFFF, v20;
	v17 =	vand.u32 $0x3FF0, v17;
	v26 =	vor.u32 v1, v14;
	v24 =	vld.idx.msk [tilespmem:v9+s10+$0x0], $0xffff  }
0x7b: {  	v27 =	vor.u32 v1, v15;
	vm0 =	vgt.s32 v5, v20;
	v14 =	vand.u32 $0x7FFFFFFF, v19;
	[tilespmem:v16+s12+$0x0] =	vst.idx.add.s32.msk $0xffff, v4  }
.Ltmp3:
0x7c: {  	v16 =	vsel vm0, $0x0, v3;
	vm0 =	vgt.s32 v5, v14;
	v14 =	vand.u32 $0x7FFFFFFF, v25;
	[tilespmem:v18+s12+$0x0] =	vst.idx.add.s32.msk $0xffff, v4;
	(pc) =	sbr.rel @p1 .LBB2_5-.Ltmp3, $4  }
0x7d: {  	v15 =	vsel vm0, $0x0, v3;
	vm0 =	vgt.s32 v5, v14;
	v14 =	vor.u32 v1, v17;
	v18 =	vld.idx.msk [tilespmem:v13+s10+$0x0], $0xffff  }
0x7e: {  	v17 =	vor.u32 v1, v21;
	v19 =	vsel vm0, $0x0, v3;
	[tilespmem:v7+s11+$0x0] =	vst.idx.msk $0xffff, v16;
	v16 =	vshrl.u32 v22, $0x11  }
0x7f: {  	v21 =	vand.u32 $0x7FFFFFFF, v23;
	v16 =	vand.u32 $0x3FF0, v16;
	[tilespmem:v26+s12+$0x0] =	vst.idx.add.s32.msk $0xffff, v4  }
0x80: {  	v20 =	vand.u32 $0x7FFFFFFF, v24;
	vm1 =	vgt.s32 v5, v21;
	v16 =	vor.u32 v1, v16;
	[tilespmem:v27+s12+$0x0] =	vst.idx.add.s32.msk $0xffff, v4  }
0x81: {  	_ =	sdelay $0x3  }
0x82: {  	v21 =	vld.idx.msk [tilespmem:v12+s10+$0x0], $0xffff;
	v18 =	vand.u32 $0x7FFFFFFF, v18  }
0x83: {  	vm0 =	vgt.s32 v5, v18  }
0x84: {  	v22 =	vld.idx.msk [tilespmem:v8+s10+$0x0], $0xffff;
	v18 =	vsel vm0, $0x0, v3  }
0x85: {  	v7 =	vld.idx.msk [tilespmem:v7+s3+$0x0], $0xffff;
	[tilespmem:v13+s11+$0x0] =	vst.idx.msk $0xffff, v18  }
0x86: {  	[tilespmem:v6+s11+$0x0] =	vst.idx.msk $0xffff, v15;
	v13 =	vld.idx.msk [tilespmem:v13+s3+$0x0], $0xffff  }
0x87: {  	v15 =	vsel vm1, $0x0, v3;
	[tilespmem:v10+s11+$0x0] =	vst.idx.msk $0xffff, v19;
	v6 =	vld.idx.msk [tilespmem:v6+s3+$0x0], $0xffff;
	v62 =	vand.u32 $0x7FFFFFFF, v21  }
0x88: {  	[tilespmem:v11+s11+$0x0] =	vst.idx.msk $0xffff, v15;
	v10 =	vld.idx.msk [tilespmem:v10+s3+$0x0], $0xffff;
	vm0 =	vgt.s32 v5, v62  }
0x89: {  	vm1 =	vgt.s32 v5, v20;
	v11 =	vld.idx.msk [tilespmem:v11+s3+$0x0], $0xffff;
	v63 =	vand.u32 $0x7FFFFFFF, v22;
	v15 =	vsel vm0, $0x0, v3  }
0x8a: {  	vm0 =	vgt.s32 v5, v63;
	[tilespmem:v12+s11+$0x0] =	vst.idx.msk $0xffff, v15;
	v15 =	vsel vm1, $0x0, v3  }
0x8b: {  	v7 =	vshrl.u32 v7, $0x11;
	v5 =	vld.idx.msk [tilespmem:v12+s3+$0x0], $0xffff;
	[tilespmem:v9+s11+$0x0] =	vst.idx.msk $0xffff, v15;
	v12 =	vshrl.u32 v13, $0x11;
	v13 =	vsel vm0, $0x0, v3  }
0x8c: {  	v7 =	vand.u32 $0x3FF0, v7;
	v6 =	vshrl.u32 v6, $0x11;
	v9 =	vld.idx.msk [tilespmem:v9+s3+$0x0], $0xffff;
	[tilespmem:v8+s11+$0x0] =	vst.idx.msk $0xffff, v13  }
0x8d: {  	v10 =	vshrl.u32 v10, $0x11;
	v7 =	vor.u32 v1, v7;
	v6 =	vand.u32 $0x3FF0, v6;
	v8 =	vld.idx.msk [tilespmem:v8+s3+$0x0], $0xffff  }
0x8e: {  	v11 =	vshrl.u32 v11, $0x11;
	v10 =	vand.u32 $0x3FF0, v10;
	v6 =	vor.u32 v1, v6  }
0x8f: {  	[tilespmem:v17+s12+$0x0] =	vst.idx.add.s32.msk $0xffff, v4;
	v11 =	vand.u32 $0x3FF0, v11;
	v10 =	vor.u32 v1, v10  }
0x90: {  	[tilespmem:v14+s12+$0x0] =	vst.idx.add.s32.msk $0xffff, v4;
	v11 =	vor.u32 v1, v11;
	v12 =	vand.u32 $0x3FF0, v12;
	v5 =	vshrl.u32 v5, $0x11  }
0x91: {  	[tilespmem:v16+s12+$0x0] =	vst.idx.add.s32.msk $0xffff, v4;
	v12 =	vor.u32 v1, v12;
	v5 =	vand.u32 $0x3FF0, v5;
	v9 =	vshrl.u32 v9, $0x11  }
0x92: {  	[tilespmem:v7+s12+$0x0] =	vst.idx.add.s32.msk $0xffff, v4;
	v9 =	vand.u32 $0x3FF0, v9;
	v5 =	vor.u32 v1, v5;
	v8 =	vshrl.u32 v8, $0x11  }
0x93: {  	[tilespmem:v6+s12+$0x0] =	vst.idx.add.s32.msk $0xffff, v4;
	v7 =	vor.u32 v1, v9;
	v8 =	vand.u32 $0x3FF0, v8  }
0x94: {  	[tilespmem:v10+s12+$0x0] =	vst.idx.add.s32.msk $0xffff, v4;
	v6 =	vor.u32 v1, v8  }
0x95: {  	[tilespmem:v11+s12+$0x0] =	vst.idx.add.s32.msk $0xffff, v4  }
0x96: {  	s20 =	sshll.u32 @!p0 s18, $0x10;
	[tilespmem:v12+s12+$0x0] =	vst.idx.add.s32.msk $0xffff, v4  }
0x97: {  	s20 =	sadd.s32 @!p0 s20, s5;
	[tilespmem:v5+s12+$0x0] =	vst.idx.add.s32.msk $0xffff, v4  }
0x98: {  	s21 =	simm.s32 @!p0 $0x0;
	s19 =	sor.u32 $0x1, s19;
	s20 =	sshrl.u32 @!p0 s20, $0x3;
	[tilespmem:v7+s12+$0x0] =	vst.idx.add.s32.msk $0xffff, v4  }
0x99: {  	s22 =	simm.s32 @!p0 $0x10000;
	s31 =	sshll.u32 s19, $0xC;
	s20 =	sadd.s32 @!p0 s1, s20;
	[tilespmem:v6+s12+$0x0] =	vst.idx.add.s32.msk $0xffff, v4  }
0x9a: {  	[hbm4b:s20+s21] =	stream.linear.scatter @!p0 [tilespmem:s22], [sflag:$0x3], $0x8000, $0x38;
	[tilespmem:$0x1FF80] =	vst v63  }
0x9b: {  	s20 =	sadd.s32 s31, s4;
	s21 =	simm.s32 $0x1BFF0  }
0x9c: {  	[tilespmem:s10], [sflag:$0x2] =	stream.linear.gather [hbm4b:s20+s3], $0x8000, $0x38;
	[tilespmem:$0x1FF80] =	vst v63  }
0x9d: {  	v5 =	vld [tilespmem:s21+$0x0]  }
0x9e: {  	v6 =	vld [tilespmem:s21+$0xFFFFFFF0]  }
0x9f: {  	v7 =	vld [tilespmem:s21+$0xFFFFFFE0];
	_ =	sdelay $0x1  }
0xa0: {  	v10 =	vimm.s32 $0x0;
	s20 =	simm.s32 $0x1BFB0;
	v11 =	vld [tilespmem:s21+$0xFFFFFFD0]  }
0xa1: {  	v14 =	vld [tilespmem:s20+$0x0];
	v5 =	vadd.s32 v10, v5  }
0xa2: {  	[tilespmem:s21+$0x0] =	vst v0;
	vm1 =	vlt.s32 v5, $0x133;
	v9 =	vadd.s32 v5, v6  }
0xa3: {  	[tilespmem:s21+$0xFFFFFFE0] =	vst v0;
	v6 =	vsel vm1, $0x1, v0;
	vm0 =	vlt.s32 v9, $0x133;
	v7 =	vadd.s32 v9, v7  }
0xa4: {  	[tilespmem:s20+$0x0] =	vst v0;
	v8 =	vld [tilespmem:s20+$0xFFFFFFF0];
	v13 =	vsel vm1, v5, v10;
	v12 =	vadd.s32 v6, v10;
	v5 =	vsel vm0, $0x1, v0  }
0xa5: {  	[tilespmem:s21+$0xFFFFFFF0] =	vst v0;
	v6 =	vld [tilespmem:s20+$0xFFFFFFE0];
	vm1 =	vlt.s32 v7, $0x133;
	v11 =	vadd.s32 v7, v11;
	v12 =	vadd.s32 v5, v12  }
0xa6: {  	s23 =	simm.s32 $0x1BF70;
	s22 =	simm.s32 $0x4;
	[tilespmem:s20+$0xFFFFFFE0] =	vst v0;
	v10 =	vadd.s32 v11, v14;
	v5 =	vld [tilespmem:s20+$0xFFFFFFD0];
	v14 =	vsel vm1, $0x1, v0;
	vm2 =	vlt.s32 v11, $0x133  }
.LBB2_7:
0xa7: {  	v15 =	vld [tilespmem:s23+$0x0];
	s22 =	sadd.s32 $0x4, s22;
	vm3 =	vlt.s32 v10, $0x133;
	v9 =	vsel vm0, v9, v13;
	[tilespmem:s21+$0xFFFFFFD0] =	vst v0;
	v13 =	vsel vm2, $0x1, v0;
	s21 =	smov.u32 s20;
	s20 =	smov.u32 s23  }
0xa8: {  	v12 =	vadd.s32 v14, v12;
	[tilespmem:s23+$0x0] =	vst v0;
	p1 =	slt.u32 s22, $0x3FC;
	v7 =	vsel vm1, v7, v9  }
.Ltmp4:
0xa9: {  	v12 =	vadd.s32 v13, v12;
	v9 =	vadd.s32 v10, v8;
	v11 =	vsel vm2, v11, v7;
	(pc) =	sbr.rel @p1 .LBB2_7-.Ltmp4, $4  }
0xaa: {  	v13 =	vsel vm3, $0x1, v0;
	vm0 =	vlt.s32 v9, $0x133;
	v7 =	vadd.s32 v9, v6  }
0xab: {  	v12 =	vadd.s32 v13, v12;
	v13 =	vsel vm3, v10, v11;
	v8 =	vld [tilespmem:s23+$0xFFFFFFF0];
	v10 =	vsel vm0, $0x1, v0  }
0xac: {  	vm1 =	vlt.s32 v7, $0x133;
	v11 =	vadd.s32 v7, v5;
	v6 =	vld [tilespmem:s23+$0xFFFFFFE0];
	[tilespmem:s21+$0xFFFFFFF0] =	vst v0;
	v12 =	vadd.s32 v10, v12  }
0xad: {  	v10 =	vadd.s32 v11, v15;
	s23 =	sadd.s32 $0xFFFFFFC0, s23;
	v14 =	vsel vm1, $0x1, v0;
	vm2 =	vlt.s32 v11, $0x133;
	[tilespmem:s20+$0xFFFFFFE0] =	vst v0;
	v5 =	vld [tilespmem:s20+$0xFFFFFFD0]  }
0xae: {  	vm3 =	vlt.s32 v10, $0x133;
	v9 =	vsel vm0, v9, v13  }
0xaf: {  	v13 =	vsel vm2, $0x1, v0;
	v12 =	vadd.s32 v14, v12;
	s24 =	simm.s32 $0x1;
	s28 =	simm.s32 $0x5;
	v7 =	vsel vm1, v7, v9  }
0xb0: {  	v9 =	vadd.s32 v13, v12;
	v12 =	vxor.u32 s24, v1;
	v13 =	vxor.u32 s28, v1  }
0xb1: {  	v8 =	vadd.s32 v10, v8;
	v7 =	vsel vm2, v11, v7;
	v11 =	vsel vm3, $0x1, v0  }
0xb2: {  	s22 =	simm.s32 $0x0;
	vm0 =	vlt.s32 v8, $0x133;
	v6 =	vadd.s32 v8, v6;
	v9 =	vadd.s32 v11, v9  }
0xb3: {  	v7 =	vsel vm3, v10, v7;
	v10 =	vmov s22;
	v11 =	vsel vm0, $0x1, v0  }
0xb4: {  	v10 =	vshll.u32 v10, $0x3;
	v9 =	vadd.s32 v11, v9;
	v11 =	vxor.u32 s22, v1  }
0xb5: {  	v14 =	vadd.s32 v6, v5;
	v10 =	vand.u32 $0x3C00, v10;
	v5 =	vand.u32 $0x7F, v11  }
0xb6: {  	vm1 =	vlt.s32 v6, $0x133;
	v7 =	vsel vm0, v8, v7;
	v5 =	vor.u32 v5, v10  }
0xb7: {  	vm4 =	vlt.s32 v14, $0x133;
	v8 =	vor.u32 v2, v5;
	v5 =	vmov s24  }
0xb8: {  	v11 =	vsel vm1, $0x1, v0;
	v10 =	vsel vm4, $0x1, v0;
	v5 =	vshll.u32 v5, $0x3  }
0xb9: {  	[tilespmem:s21+$0xFFFFFFD0] =	vst v0;
	v9 =	vadd.s32 v11, v9;
	v11 =	vand.u32 $0x7F, v12;
	v5 =	vand.u32 $0x3C00, v5  }
0xba: {  	[tilespmem:s20+$0xFFFFFFF0] =	vst v0;
	s25 =	simm.s32 $0x2;
	v6 =	vsel vm1, v6, v7;
	v7 =	vadd.s32 v10, v9;
	v9 =	vor.u32 v11, v5  }
0xbb: {  	[tilespmem:s20+$0xFFFFFFD0] =	vst v0;
	v5 =	vsub.s32 $0x3FF, v7;
	v7 =	vor.u32 v2, v9;
	v9 =	vmov s25  }
0xbc: {  	s29 =	simm.s32 $0x4;
	v16 =	vmov s28;
	v11 =	vxor.u32 s25, v1;
	v8 =	vld.idx.msk [tilespmem:v8+s3+$0x0], $0xffff;
	v9 =	vshll.u32 v9, $0x3  }
0xbd: {  	v18 =	vmov s29;
	v11 =	vand.u32 $0x7F, v11;
	v9 =	vand.u32 $0x3C00, v9  }
0xbe: {  	s26 =	simm.s32 $0x3;
	v13 =	vand.u32 $0x7F, v13;
	v10 =	vimm.s32 $0x0;
	v9 =	vor.u32 v11, v9  }
0xbf: {  	v12 =	vshll.u32 v10, $0x4;
	v11 =	vmov s26;
	v9 =	vor.u32 v2, v9  }
0xc0: {  	v15 =	vor.u32 v1, v12;
	v12 =	vxor.u32 s26, v1;
	v11 =	vshll.u32 v11, $0x3;
	v7 =	vld.idx.msk [tilespmem:v7+s3+$0x0], $0xffff  }
0xc1: {  	v12 =	vand.u32 $0x7F, v12;
	v11 =	vand.u32 $0x3C00, v11;
	v8 =	vand.u32 $0x7FFFFFFF, v8  }
0xc2: {  	vm1 =	vlt.s32 v10, $0x3F0;
	v11 =	vor.u32 v12, v11;
	v17 =	vshrl.u32 v8, $0x15  }
0xc3: {  	v12 =	vxor.u32 s29, v1;
	v11 =	vor.u32 v2, v11;
	vm0 =	veq.s32 v17, v5  }
0xc4: {  	v12 =	vand.u32 $0x7F, v12;
	v17 =	vshll.u32 v18, $0x3;
	v9 =	vld.idx.msk [tilespmem:v9+s3+$0x0], $0xffff;
	vm5 =	vmand vm1, vm0  }
0xc5: {  	v17 =	vand.u32 $0x3C00, v17;
	v18 =	vsel vm5, $0x1, v0;
	v7 =	vand.u32 $0x7FFFFFFF, v7  }
0xc6: {  	v12 =	vor.u32 v12, v17;
	v17 =	vadd.s32 v18, v10;
	v10 =	vshrl.u32 v7, $0x15  }
0xc7: {  	s30 =	simm.s32 $0x6;
	v12 =	vor.u32 v2, v12;
	vm0 =	veq.s32 v10, v5;
	vm1 =	vlt.s32 v17, $0x3F0  }
0xc8: {  	v18 =	vmov s30;
	v10 =	vld.idx.msk [tilespmem:v11+s3+$0x0], $0xffff;
	v11 =	vshll.u32 v16, $0x3;
	vm0 =	vmand vm0, vm1  }
0xc9: {  	v11 =	vand.u32 $0x3C00, v11;
	v16 =	vsel vm0, $0x1, v0;
	v9 =	vand.u32 $0x7FFFFFFF, v9  }
0xca: {  	v11 =	vor.u32 v13, v11;
	v16 =	vadd.s32 v16, v17;
	v13 =	vshrl.u32 v9, $0x15  }
0xcb: {  	s31 =	simm.s32 $0x7;
	v11 =	vor.u32 v2, v11;
	vm1 =	veq.s32 v13, v5;
	vm2 =	vlt.s32 v16, $0x3F0  }
0xcc: {  	v21 =	vmov s31;
	v18 =	vshll.u32 v18, $0x3;
	v12 =	vld.idx.msk [tilespmem:v12+s3+$0x0], $0xffff;
	vm1 =	vmand vm1, vm2  }
0xcd: {  	v18 =	vand.u32 $0x3C00, v18;
	v10 =	vand.u32 $0x7FFFFFFF, v10;
	v19 =	vsel vm1, $0x1, v0  }
0xce: {  	v13 =	vxor.u32 s30, v1;
	v20 =	vadd.s32 v19, v16;
	v19 =	vshrl.u32 v10, $0x15  }
0xcf: {  	v13 =	vand.u32 $0x7F, v13;
	vm2 =	veq.s32 v19, v5;
	vm3 =	vlt.s32 v20, $0x3F0  }
0xd0: {  	v21 =	vshll.u32 v21, $0x3;
	v13 =	vor.u32 v13, v18;
	v11 =	vld.idx.msk [tilespmem:v11+s3+$0x0], $0xffff;
	vm2 =	vmand vm2, vm3  }
0xd1: {  	v18 =	vor.u32 v2, v13;
	v12 =	vand.u32 $0x7FFFFFFF, v12;
	v13 =	vsel vm2, $0x1, v0  }
0xd2: {  	v19 =	vxor.u32 s31, v1;
	v22 =	vadd.s32 v13, v20;
	v13 =	vshrl.u32 v12, $0x15  }
0xd3: {  	vm3 =	veq.s32 v13, v5;
	v13 =	vand.u32 $0x7F, v19;
	v19 =	vand.u32 $0x3C00, v21  }
0xd4: {  	vm6 =	vlt.s32 v22, $0x3F0;
	v19 =	vor.u32 v13, v19  }
0xd5: {  	vm3 =	vmand vm3, vm6;
	v13 =	vand.u32 $0x7FFFFFFF, v11;
	v11 =	vor.u32 v2, v19  }
0xd6: {  	v6 =	vsel vm4, v14, v6;
	v17 =	vshll.u32 v17, $0x4;
	v23 =	vld.idx.msk [tilespmem:v18+s3+$0x0], $0xffff;
	v21 =	vsel vm3, $0x1, v0  }
0xd7: {  	v14 =	vshll.u32 v22, $0x4;
	v18 =	vshrl.u32 v13, $0x15;
	v19 =	vadd.s32 v21, v22  }
0xd8: {  	vm4 =	veq.s32 v18, v5;
	v21 =	vshll.u32 v16, $0x4;
	v18 =	vor.u32 v1, v14  }
0xd9: {  	[tilespmem:v15+s13+$0x0] =	vst.idx.msk vm5, v8;
	v16 =	vshll.u32 v20, $0x4;
	vm6 =	vlt.s32 v19, $0x3F0;
	v20 =	vshll.u32 v19, $0x4  }
0xda: {  	v16 =	vor.u32 v1, v16;
	v15 =	vor.u32 v1, v21;
	vm4 =	vmand vm4, vm6;
	v8 =	vld.idx.msk [tilespmem:v11+s3+$0x0], $0xffff  }
0xdb: {  	s20 =	simm.s32 $0x8;
	s21 =	simm.s32 $0x10;
	v14 =	vor.u32 v1, v20;
	v20 =	vsel vm4, $0x1, v0;
	v11 =	vand.u32 $0x7FFFFFFF, v23  }
.LBB2_9:
0xdc: {  	p1 =	slt.u32 s21, $0x7F8;
	v17 =	vor.u32 v1, v17;
	v19 =	vadd.s32 v20, v19;
	v20 =	vshrl.u32 v11, $0x15  }
0xdd: {  	[tilespmem:v18+s13+$0x0] =	vst.idx.msk vm3, v12;
	vm3 =	veq.s32 v20, v5;
	vm5 =	vlt.s32 v19, $0x3F0;
	v12 =	vshll.u32 v19, $0x4  }
0xde: {  	v18 =	vmov s20;
	v20 =	vxor.u32 s20, v1;
	vm3 =	vmand vm3, vm5  }
0xdf: {  	v20 =	vand.u32 $0x7F, v20;
	v8 =	vand.u32 $0x7FFFFFFF, v8;
	[tilespmem:v16+s13+$0x0] =	vst.idx.msk vm2, v10;
	v10 =	vsel vm3, $0x1, v0  }
0xe0: {  	v16 =	vshll.u32 v18, $0x3;
	[tilespmem:v14+s13+$0x0] =	vst.idx.msk vm4, v13;
	v10 =	vadd.s32 v10, v19;
	v13 =	vshrl.u32 v8, $0x15  }
0xe1: {  	v14 =	vand.u32 $0x3C00, v16;
	[tilespmem:v15+s13+$0x0] =	vst.idx.msk vm1, v9;
	vm1 =	veq.s32 v13, v5;
	vm2 =	vlt.s32 v10, $0x3F0  }
0xe2: {  	s22 =	sadd.s32 $0x1, s20;
	v9 =	vor.u32 v20, v14;
	[tilespmem:v17+s13+$0x0] =	vst.idx.msk vm0, v7;
	vm0 =	vmand vm1, vm2;
	v7 =	vshll.u32 v10, $0x4  }
0xe3: {  	v13 =	vmov s22;
	v9 =	vor.u32 v2, v9;
	v14 =	vsel vm0, $0x1, v0  }
0xe4: {  	v15 =	vxor.u32 s22, v1;
	v13 =	vshll.u32 v13, $0x3;
	v10 =	vadd.s32 v14, v10  }
0xe5: {  	v15 =	vand.u32 $0x7F, v15;
	v13 =	vand.u32 $0x3C00, v13;
	v14 =	vshll.u32 v10, $0x4  }
0xe6: {  	v12 =	vor.u32 v1, v12;
	s22 =	sadd.s32 $0x2, s20;
	v7 =	vor.u32 v1, v7;
	v13 =	vor.u32 v15, v13  }
0xe7: {  	v15 =	vmov s22;
	v13 =	vor.u32 v2, v13;
	v14 =	vor.u32 v1, v14  }
0xe8: {  	v16 =	vxor.u32 s22, v1;
	s22 =	sadd.s32 $0x7, s20;
	v15 =	vshll.u32 v15, $0x3;
	v9 =	vld.idx.msk [tilespmem:v9+s3+$0x0], $0xffff  }
0xe9: {  	s23 =	sadd.s32 $0x6, s20;
	v16 =	vand.u32 $0x7F, v16;
	v17 =	vxor.u32 s22, v1;
	v15 =	vand.u32 $0x3C00, v15  }
0xea: {  	s24 =	sadd.s32 $0x3, s20;
	v18 =	vmov s22;
	v15 =	vor.u32 v16, v15;
	v16 =	vxor.u32 s23, v1  }
0xeb: {  	v19 =	vmov s24;
	v20 =	vmov s23;
	s22 =	sadd.s32 $0x5, s20;
	v15 =	vor.u32 v2, v15;
	[tilespmem:v7+s13+$0x0] =	vst.idx.msk vm0, v8  }
0xec: {  	v8 =	vxor.u32 s24, v1;
	v7 =	vld.idx.msk [tilespmem:v13+s3+$0x0], $0xffff;
	v13 =	vshll.u32 v19, $0x3;
	v19 =	vxor.u32 s22, v1;
	[tilespmem:v12+s13+$0x0] =	vst.idx.msk vm3, v11  }
0xed: {  	s23 =	sadd.s32 $0x4, s20;
	s20 =	smov.u32 s21;
	v8 =	vand.u32 $0x7F, v8;
	v12 =	vmov s22;
	v11 =	vand.u32 $0x3C00, v13  }
0xee: {  	v13 =	vand.u32 $0x7FFFFFFF, v9;
	v9 =	vxor.u32 s23, v1;
	v8 =	vor.u32 v8, v11  }
0xef: {  	v21 =	vmov s23;
	v11 =	vshrl.u32 v13, $0x15;
	v8 =	vor.u32 v2, v8  }
0xf0: {  	vm1 =	vlt.s32 v10, $0x3F0;
	vm0 =	veq.s32 v11, v5;
	v11 =	vld.idx.msk [tilespmem:v15+s3+$0x0], $0xffff;
	v15 =	vshll.u32 v21, $0x3  }
0xf1: {  	v9 =	vand.u32 $0x7F, v9;
	vm1 =	vmand vm1, vm0;
	v15 =	vand.u32 $0x3C00, v15  }
0xf2: {  	v21 =	vsel vm1, $0x1, v0;
	v7 =	vand.u32 $0x7FFFFFFF, v7;
	v9 =	vor.u32 v9, v15  }
0xf3: {  	v15 =	vadd.s32 v21, v10;
	v10 =	vshrl.u32 v7, $0x15;
	v21 =	vor.u32 v2, v9  }
0xf4: {  	vm0 =	veq.s32 v10, v5;
	vm2 =	vlt.s32 v15, $0x3F0;
	v9 =	vshll.u32 v12, $0x3;
	v8 =	vld.idx.msk [tilespmem:v8+s3+$0x0], $0xffff  }
0xf5: {  	v10 =	vand.u32 $0x7F, v19;
	vm0 =	vmand vm0, vm2;
	v12 =	vand.u32 $0x3C00, v9  }
0xf6: {  	v19 =	vsel vm0, $0x1, v0;
	v9 =	vand.u32 $0x7FFFFFFF, v11;
	v10 =	vor.u32 v10, v12  }
0xf7: {  	v11 =	vadd.s32 v19, v15;
	v12 =	vshrl.u32 v9, $0x15;
	[tilespmem:v14+s13+$0x0] =	vst.idx.msk vm1, v13;
	v13 =	vor.u32 v2, v10  }
0xf8: {  	vm1 =	veq.s32 v12, v5;
	vm2 =	vlt.s32 v11, $0x3F0;
	v10 =	vshll.u32 v20, $0x3;
	v12 =	vld.idx.msk [tilespmem:v21+s3+$0x0], $0xffff  }
0xf9: {  	v14 =	vand.u32 $0x7F, v16;
	vm1 =	vmand vm1, vm2;
	v16 =	vand.u32 $0x3C00, v10  }
0xfa: {  	v19 =	vsel vm1, $0x1, v0;
	v10 =	vand.u32 $0x7FFFFFFF, v8;
	v8 =	vor.u32 v14, v16  }
0xfb: {  	v14 =	vadd.s32 v19, v11;
	v16 =	vshrl.u32 v10, $0x15;
	v8 =	vor.u32 v2, v8  }
0xfc: {  	vm2 =	veq.s32 v16, v5;
	vm3 =	vlt.s32 v14, $0x3F0;
	v16 =	vshll.u32 v18, $0x3;
	v13 =	vld.idx.msk [tilespmem:v13+s3+$0x0], $0xffff  }
0xfd: {  	v17 =	vand.u32 $0x7F, v17;
	vm2 =	vmand vm2, vm3;
	v16 =	vand.u32 $0x3C00, v16  }
0xfe: {  	v18 =	vsel vm2, $0x1, v0;
	v12 =	vand.u32 $0x7FFFFFFF, v12;
	v16 =	vor.u32 v17, v16  }
0xff: {  	v19 =	vadd.s32 v18, v14;
	v17 =	vshrl.u32 v12, $0x15;
	v16 =	vor.u32 v2, v16  }
0x100: {  	vm3 =	veq.s32 v17, v5;
	vm4 =	vlt.s32 v19, $0x3F0;
	v18 =	vshll.u32 v19, $0x4;
	v21 =	vld.idx.msk [tilespmem:v8+s3+$0x0], $0xffff  }
0x101: {  	v11 =	vshll.u32 v11, $0x4;
	v14 =	vshll.u32 v14, $0x4;
	vm3 =	vmand vm3, vm4  }
.Ltmp5:
0x102: {  	v17 =	vshll.u32 v15, $0x4;
	v8 =	vsel vm3, $0x1, v0;
	v13 =	vand.u32 $0x7FFFFFFF, v13;
	(pc) =	sbr.rel @p1 .LBB2_9-.Ltmp5, $4  }
0x103: {  	v18 =	vor.u32 v1, v18;
	v19 =	vadd.s32 v8, v19;
	v8 =	vshrl.u32 v13, $0x15  }
0x104: {  	vm4 =	veq.s32 v8, v5;
	vm5 =	vlt.s32 v19, $0x3F0;
	v15 =	vshll.u32 v19, $0x4;
	v8 =	vld.idx.msk [tilespmem:v16+s3+$0x0], $0xffff  }
0x105: {  	v16 =	vor.u32 v1, v14;
	vm4 =	vmand vm4, vm5;
	v14 =	vor.u32 v1, v15  }
0x106: {  	s21 =	sadd.s32 $0x8, s21;
	v15 =	vor.u32 v1, v11;
	v20 =	vsel vm4, $0x1, v0;
	v11 =	vand.u32 $0x7FFFFFFF, v21  }
0x107: {  	v21 =	vshrl.u32 v11, $0x15;
	v20 =	vadd.s32 v20, v19;
	v59 =	vmov s20  }
0x108: {  	v60 =	vxor.u32 s20, v1;
	s21 =	sadd.s32 $0x1, s20;
	vm5 =	veq.s32 v21, v5;
	vm6 =	vlt.s32 v20, $0x3F0  }
0x109: {  	v22 =	vand.u32 $0x7F, v60;
	v61 =	vshll.u32 v59, $0x3;
	v35 =	vmov s21  }
0x10a: {  	s26 =	sadd.s32 $0x2, s20;
	v36 =	vxor.u32 s21, v1;
	v62 =	vand.u32 $0x7FFFFFFF, v8;
	v8 =	vand.u32 $0x3C00, v61  }
0x10b: {  	s28 =	sadd.s32 $0x7, s20;
	v37 =	vmov s26;
	v25 =	vxor.u32 s26, v1;
	v8 =	vor.u32 v22, v8  }
0x10c: {  	s22 =	sadd.s32 $0x6, s20;
	v26 =	vxor.u32 s28, v1;
	vm5 =	vmand vm5, vm6;
	v8 =	vor.u32 v2, v8  }
0x10d: {  	v38 =	vxor.u32 s22, v1;
	v23 =	vsel vm5, $0x1, v0;
	v22 =	vshll.u32 v35, $0x3  }
0x10e: {  	s23 =	sadd.s32 $0x3, s20;
	v63 =	vadd.s32 v23, v20;
	v23 =	vand.u32 $0x7F, v36;
	v22 =	vand.u32 $0x3C00, v22  }
0x10f: {  	s29 =	sadd.s32 $0x5, s20;
	v28 =	vmov s23;
	v29 =	vmov s22;
	v22 =	vor.u32 v23, v22  }
0x110: {  	s30 =	sadd.s32 $0x4, s20;
	v30 =	vxor.u32 s23, v1;
	v31 =	vxor.u32 s29, v1;
	v22 =	vor.u32 v2, v22  }
0x111: {  	v32 =	vmov s29;
	v39 =	vxor.u32 s30, v1;
	v23 =	vshll.u32 v37, $0x3;
	v8 =	vld.idx.msk [tilespmem:v8+s3+$0x0], $0xffff  }
0x112: {  	v25 =	vand.u32 $0x7F, v25;
	v28 =	vshll.u32 v28, $0x3;
	v23 =	vand.u32 $0x3C00, v23  }
0x113: {  	v30 =	vand.u32 $0x7F, v30;
	v34 =	vshrl.u32 v62, $0x15;
	v23 =	vor.u32 v25, v23  }
0x114: {  	vm11 =	veq.s32 v34, v5;
	vm7 =	vlt.s32 v63, $0x3F0;
	v23 =	vor.u32 v2, v23  }
0x115: {  	v32 =	vshll.u32 v32, $0x3;
	v28 =	vand.u32 $0x3C00, v28;
	vm6 =	vmand vm11, vm7;
	v22 =	vld.idx.msk [tilespmem:v22+s3+$0x0], $0xffff  }
0x116: {  	v34 =	vmov s30;
	v24 =	vsel vm6, $0x1, v0;
	v33 =	vand.u32 $0x7FFFFFFF, v8  }
0x117: {  	v24 =	vadd.s32 v24, v63;
	v8 =	vor.u32 v30, v28;
	v40 =	vshrl.u32 v33, $0x15  }
0x118: {  	vm8 =	vlt.s32 v24, $0x3F0;
	v8 =	vor.u32 v2, v8;
	vm12 =	veq.s32 v40, v5  }
0x119: {  	v41 =	vshll.u32 v34, $0x3;
	v23 =	vld.idx.msk [tilespmem:v23+s3+$0x0], $0xffff;
	v28 =	vand.u32 $0x7F, v39;
	vm8 =	vmand vm8, vm12  }
0x11a: {  	v30 =	vand.u32 $0x3C00, v41;
	v22 =	vand.u32 $0x7FFFFFFF, v22;
	v42 =	vsel vm8, $0x1, v0  }
0x11b: {  	v28 =	vor.u32 v28, v30;
	v44 =	vshrl.u32 v22, $0x15;
	v43 =	vadd.s32 v42, v24  }
0x11c: {  	v28 =	vor.u32 v2, v28;
	vm13 =	veq.s32 v44, v5;
	vm9 =	vlt.s32 v43, $0x3F0  }
0x11d: {  	v31 =	vand.u32 $0x7F, v31;
	v29 =	vshll.u32 v29, $0x3;
	v8 =	vld.idx.msk [tilespmem:v8+s3+$0x0], $0xffff;
	vm7 =	vmand vm13, vm9  }
0x11e: {  	v32 =	vand.u32 $0x3C00, v32;
	v23 =	vand.u32 $0x7FFFFFFF, v23;
	v45 =	vsel vm7, $0x1, v0  }
0x11f: {  	v31 =	vor.u32 v31, v32;
	v47 =	vshrl.u32 v23, $0x15;
	v46 =	vadd.s32 v45, v43  }
0x120: {  	v31 =	vor.u32 v2, v31;
	vm14 =	veq.s32 v47, v5;
	vm10 =	vlt.s32 v46, $0x3F0  }
0x121: {  	v27 =	vmov s28;
	v29 =	vand.u32 $0x3C00, v29;
	v28 =	vld.idx.msk [tilespmem:v28+s3+$0x0], $0xffff;
	vm9 =	vmand vm14, vm10  }
0x122: {  	v25 =	vand.u32 $0x7F, v38;
	v35 =	vand.u32 $0x7FFFFFFF, v8;
	v48 =	vsel vm9, $0x1, v0  }
0x123: {  	v8 =	vor.u32 v25, v29;
	v50 =	vshrl.u32 v35, $0x15;
	v49 =	vadd.s32 v48, v46  }
0x124: {  	v8 =	vor.u32 v2, v8;
	vm15 =	veq.s32 v50, v5;
	vm11 =	vlt.s32 v49, $0x3F0  }
0x125: {  	v27 =	vshll.u32 v27, $0x3;
	v26 =	vand.u32 $0x7F, v26;
	v51 =	vld.idx.msk [tilespmem:v31+s3+$0x0], $0xffff;
	vm10 =	vmand vm15, vm11  }
0x126: {  	v27 =	vand.u32 $0x3C00, v27;
	v28 =	vand.u32 $0x7FFFFFFF, v28;
	v52 =	vsel vm10, $0x1, v0  }
0x127: {  	v26 =	vor.u32 v26, v27;
	v54 =	vshrl.u32 v28, $0x15;
	v53 =	vadd.s32 v52, v49  }
0x128: {  	v26 =	vor.u32 v2, v26;
	vm11 =	veq.s32 v54, v5;
	vm12 =	vlt.s32 v53, $0x3F0  }
0x129: {  	v8 =	vld.idx.msk [tilespmem:v8+s3+$0x0], $0xffff;
	vm12 =	vmand vm11, vm12  }
0x12a: {  	v29 =	vand.u32 $0x7FFFFFFF, v51;
	v55 =	vsel vm12, $0x1, v0  }
0x12b: {  	v56 =	vshrl.u32 v29, $0x15;
	v31 =	vadd.s32 v55, v53  }
0x12c: {  	vm11 =	veq.s32 v56, v5;
	vm13 =	vlt.s32 v31, $0x3F0  }
0x12d: {  	v26 =	vld.idx.msk [tilespmem:v26+s3+$0x0], $0xffff;
	vm13 =	vmand vm11, vm13  }
0x12e: {  	v36 =	vand.u32 $0x7FFFFFFF, v8;
	v57 =	vsel vm13, $0x1, v0  }
0x12f: {  	v8 =	vshrl.u32 v36, $0x15;
	v34 =	vadd.s32 v57, v31  }
0x130: {  	vm11 =	veq.s32 v8, v5;
	vm14 =	vlt.s32 v34, $0x3F0  }
0x131: {  	vm11 =	vmand vm11, vm14  }
0x132: {  	v26 =	vand.u32 $0x7FFFFFFF, v26;
	v8 =	vsel vm11, $0x1, v0  }
0x133: {  	v37 =	vadd.s32 v8, v34;
	v8 =	vshrl.u32 v26, $0x15  }
0x134: {  	vm14 =	veq.s32 v8, v5;
	vm15 =	vlt.s32 v37, $0x3F0  }
0x135: {  	vm14 =	vmand vm14, vm15  }
0x136: {  	v8 =	vsel vm14, $0x1, v0  }
0x137: {  	v8 =	vadd.s32 v8, v37  }
0x138: {  	v38 =	vxor.u32 $0x80000000, v8  }
0x139: {  	(xrf0) =	vmax.scan.msk.u32 $0xffff, v38;
	_ =	sdelay $0x5  }
0x13a: {  	v38, _, _ =	vpop (xrf0)  }
0x13b: {  	(v2sf) =	vpush v38, $0xF;
	_ =	sdelay $0x8  }
0x13c: {  	[tilespmem:v18+s13+$0x0] =	vst.idx.msk vm3, v12;
	v58 =	vshll.u32 v20, $0x4  }
0x13d: {  	[tilespmem:v16+s13+$0x0] =	vst.idx.msk vm2, v10;
	v12 =	vor.u32 v1, v58;
	v10 =	vshll.u32 v24, $0x4  }
0x13e: {  	v21 =	vshll.u32 v63, $0x4;
	v10 =	vor.u32 v1, v10  }
0x13f: {  	v59 =	vor.u32 v1, v21  }
0x140: {  	v17 =	vor.u32 v1, v17;
	[tilespmem:v14+s13+$0x0] =	vst.idx.msk vm4, v13  }
0x141: {  	[tilespmem:v15+s13+$0x0] =	vst.idx.msk vm1, v9;
	v9 =	vshll.u32 v49, $0x4  }
0x142: {  	[tilespmem:v12+s13+$0x0] =	vst.idx.msk vm5, v11;
	v11 =	vshll.u32 v43, $0x4;
	v9 =	vor.u32 v1, v9;
	s22 =	spop (v2sf)  }
0x143: {  	[tilespmem:v10+s13+$0x0] =	vst.idx.msk vm8, v33;
	v10 =	vor.u32 v1, v11;
	v61 =	vshll.u32 v46, $0x4;
	s20 =	sxor.u32 $0x80000000, s22  }
0x144: {  	[tilespmem:v59+s13+$0x0] =	vst.idx.msk vm6, v62;
	v62 =	vor.u32 v1, v61;
	v60 =	vshll.u32 v53, $0x4;
	s31 =	sshra.s32 s20, $0x1F  }
0x145: {  	[tilespmem:v17+s13+$0x0] =	vst.idx.msk vm0, v7;
	v13 =	vor.u32 v1, v60;
	v7 =	vshll.u32 v31, $0x4;
	s21 =	sshrl.u32 s31, $0x1E  }
0x146: {  	v7 =	vor.u32 v1, v7;
	v63 =	vshll.u32 v34, $0x4;
	s21 =	sadd.s32 s21, s20  }
0x147: {  	[tilespmem:v9+s13+$0x0] =	vst.idx.msk vm10, v35;
	v9 =	vor.u32 v1, v63;
	v11 =	vshll.u32 v37, $0x4;
	s21 =	sand.u32 $0xFFFFFFFC, s21  }
0x148: {  	[tilespmem:v10+s13+$0x0] =	vst.idx.msk vm7, v22;
	v11 =	vor.u32 v1, v11;
	p1 =	slt.s32 s21, $0x1  }
.Ltmp6:
0x149: {  	[tilespmem:v62+s13+$0x0] =	vst.idx.msk vm9, v23;
	(pc) =	sbr.rel @p1 .LBB2_14-.Ltmp6, $4  }
0x14a: {  	[tilespmem:v13+s13+$0x0] =	vst.idx.msk vm12, v28  }
0x14b: {  	[tilespmem:v7+s13+$0x0] =	vst.idx.msk vm13, v29  }
0x14c: {  	[tilespmem:v9+s13+$0x0] =	vst.idx.msk vm11, v36  }
0x14d: {  	[tilespmem:v11+s13+$0x0] =	vst.idx.msk vm14, v26  }
0x14e: {  	s23 =	simm.s32 $0x1C020  }
0x14f: {  	v7 =	vld [tilespmem:s23+$0x10];
	_ =	sdelay $0x1  }
0x150: {  	s24 =	simm.s32 $0x0;
	s25 =	simm.s32 $0x1;
	v9 =	vld [tilespmem:s23+$0xFFFFFFF0]  }
0x151: {  	s30 =	simm.s32 $0x2;
	v10 =	vmov s24;
	v11 =	vmov s25;
	v12 =	vld [tilespmem:s23+$0x0]  }
0x152: {  	s31 =	simm.s32 $0x3;
	v13 =	vld [tilespmem:s23+$0xFFFFFFE0];
	vm1 =	vlt.s32 v10, v8;
	vm0 =	vlt.s32 v11, v8;
	v10 =	vmov s30  }
0x153: {  	p2 =	sgt.s32 s21, $0x4;
	v11 =	vmov s31;
	vm2 =	vlt.s32 v10, v8;
	v10 =	vshra.s32 v7, $0x15  }
.Ltmp7:
0x154: {  	vm3 =	vlt.s32 v11, v8;
	v7 =	vshrl.u32 v7, $0xA;
	vm4 =	veq.s32 v10, v5;
	(pc) =	sbr.rel @!p2 .LBB2_13-.Ltmp7, $4  }
0x155: {  	v14 =	vshra.s32 v9, $0x15;
	v7 =	vand.u32 $0x7F0, v7;
	vm3 =	vmand vm3, vm4  }
0x156: {  	v9 =	vshrl.u32 v9, $0xA;
	v15 =	vshra.s32 v12, $0x15;
	v7 =	vor.u32 v1, v7  }
0x157: {  	v16 =	vshra.s32 v13, $0x15;
	v11 =	vshrl.u32 v13, $0xA;
	v10 =	vshrl.u32 v12, $0xA  }
0x158: {  	s23 =	simm.s32 $0x4;
	s24 =	simm.s32 $0x1C060;
	vm6 =	veq.s32 v16, v5;
	vm5 =	veq.s32 v14, v5;
	vm4 =	veq.s32 v15, v5  }
.LBB2_12:
0x159: {  	v12 =	vld [tilespmem:s24+$0x10];
	v11 =	vand.u32 $0x7F0, v11;
	v9 =	vand.u32 $0x7F0, v9;
	v10 =	vand.u32 $0x7F0, v10;
	s25 =	smov.u32 s23;
	s23 =	sadd.s32 $0x4, s23  }
0x15a: {  	vm6 =	vmand vm1, vm6;
	vm5 =	vmand vm0, vm5;
	vm4 =	vmand vm2, vm4;
	v13 =	vld [tilespmem:s24+$0xFFFFFFF0];
	p2 =	slt.s32 s23, s21  }
0x15b: {  	s26 =	sadd.s32 $0x1, s25;
	v11 =	vor.u32 v1, v11;
	v14 =	vor.u32 v1, v9;
	[tilespmem:v7+s12+$0x0] =	vst.idx.add.s32.msk vm3, v4  }
0x15c: {  	v16 =	vor.u32 v1, v10;
	v7 =	vmov s25;
	v9 =	vmov s26;
	s26 =	sadd.s32 $0x2, s25;
	v15 =	vld [tilespmem:s24+$0x0]  }
0x15d: {  	s25 =	sadd.s32 $0x3, s25;
	vm1 =	vlt.s32 v7, v8;
	vm0 =	vlt.s32 v9, v8;
	v7 =	vmov s26;
	v10 =	vld [tilespmem:s24+$0xFFFFFFE0]  }
0x15e: {  	v9 =	vmov s25;
	vm2 =	vlt.s32 v7, v8;
	v7 =	vshra.s32 v12, $0x15  }
.Ltmp8:
0x15f: {  	vm3 =	vlt.s32 v9, v8;
	vm7 =	veq.s32 v7, v5;
	v7 =	vshrl.u32 v12, $0xA;
	(pc) =	sbr.rel @p2 .LBB2_12-.Ltmp8, $4  }
0x160: {  	v12 =	vshra.s32 v13, $0x15;
	vm3 =	vmand vm3, vm7;
	v7 =	vand.u32 $0x7F0, v7;
	[tilespmem:v11+s12+$0x0] =	vst.idx.add.s32.msk vm6, v4  }
0x161: {  	v9 =	vshrl.u32 v13, $0xA;
	v13 =	vshra.s32 v15, $0x15;
	v7 =	vor.u32 v1, v7;
	[tilespmem:v14+s12+$0x0] =	vst.idx.add.s32.msk vm5, v4  }
0x162: {  	v14 =	vshra.s32 v10, $0x15;
	v11 =	vshrl.u32 v10, $0xA;
	v10 =	vshrl.u32 v15, $0xA;
	[tilespmem:v16+s12+$0x0] =	vst.idx.add.s32.msk vm4, v4  }
0x163: {  	s24 =	sadd.s32 $0x40, s24;
	vm5 =	veq.s32 v12, v5;
	vm4 =	veq.s32 v13, v5;
	vm6 =	veq.s32 v14, v5  }
.LBB2_13:
0x164: {  	v11 =	vand.u32 $0x7F0, v11;
	vm1 =	vmand vm1, vm6  }
0x165: {  	v9 =	vand.u32 $0x7F0, v9;
	vm0 =	vmand vm0, vm5;
	v11 =	vor.u32 v1, v11  }
0x166: {  	v10 =	vand.u32 $0x7F0, v10;
	vm2 =	vmand vm2, vm4;
	v9 =	vor.u32 v1, v9  }
0x167: {  	v10 =	vor.u32 v1, v10;
	_ =	sdelay $0x1  }
0x168: {  	[tilespmem:v7+s12+$0x0] =	vst.idx.add.s32.msk vm3, v4  }
0x169: {  	[tilespmem:v11+s12+$0x0] =	vst.idx.add.s32.msk vm1, v4  }
0x16a: {  	[tilespmem:v9+s12+$0x0] =	vst.idx.add.s32.msk vm0, v4  }
0x16b: {  	[tilespmem:v10+s12+$0x0] =	vst.idx.add.s32.msk vm2, v4  }
.LBB2_14:
0x16c: {  	p2 =	slt.s32 s21, s20  }
.Ltmp9:
0x16d: {  	_ = 	snop;
	(pc) =	sbr.rel @!p2 .LBB2_15-.Ltmp9, $4  }
0x16e: {  	_ = 	snop  }
0x16f: {  	s24 =	ssub.s32 s20, s21  }
0x170: {  	s23 =	sshll.u32 s22, $0x6;
	s25 =	sshll.u32 s24, $0x6  }
0x171: {  	s22 =	ssub.s32 $0x0, s24;
	s23 =	ssub.s32 s23, s25  }
0x172: {  	s26 =	sshra.s32 s23, $0x2  }
0x173: {  	s25 =	ssub.s32 $0x0, s24;
	s26 =	sadd.s32 $0x1C000, s26  }
.LBB2_92:
0x174: {  	v7 =	vld [tilespmem:s26+$0x0];
	_ =	sdelay $0x3  }
0x175: {  	s28 =	sadd.s32 s25, s20  }
0x176: {  	v10 =	vmov s28;
	v9 =	vshra.s32 v7, $0x15  }
0x177: {  	vm0 =	vlt.s32 v10, v8;
	v7 =	vshrl.u32 v7, $0xA;
	vm1 =	veq.s32 v9, v5  }
0x178: {  	s25 =	sadd.s32 $0x1, s25;
	v7 =	vand.u32 $0x7F0, v7;
	vm0 =	vmand vm0, vm1  }
0x179: {  	p3 =	seq.s32 s25, $0x0;
	v7 =	vor.u32 v1, v7  }
.Ltmp10:
0x17a: {  	_ = 	snop;
	(pc) =	sbr.rel @!p3 .LBB2_92-.Ltmp10, $2  }
0x17b: {  	_ =	sdelay $0x2  }
0x17c: {  	s26 =	sadd.s32 $0x10, s26;
	[tilespmem:v7+s12+$0x0] =	vst.idx.add.s32.msk vm0, v4  }
.LBB2_15:
0x17d: {  	s26 =	simm.s32 $0x187F0  }
0x17e: {  	v9 =	vld [tilespmem:s26+$0x0]  }
0x17f: {  	v10 =	vld [tilespmem:s26+$0xFFFFFFF0]  }
0x180: {  	v11 =	vld [tilespmem:s26+$0xFFFFFFE0];
	_ =	sdelay $0x1  }
0x181: {  	v7 =	vimm.s32 $0x0;
	s25 =	simm.s32 $0x187B0;
	v14 =	vld [tilespmem:s26+$0xFFFFFFD0]  }
0x182: {  	v6 =	vsub.s32 $0x133, v6;
	v17 =	vld [tilespmem:s25+$0x0];
	v9 =	vadd.s32 v7, v9  }
0x183: {  	[tilespmem:s26+$0x0] =	vst v0;
	vm1 =	vlt.s32 v9, v6;
	v13 =	vadd.s32 v9, v10  }
0x184: {  	[tilespmem:s26+$0xFFFFFFE0] =	vst v0;
	v15 =	vsel vm1, $0x1, v0;
	vm0 =	vlt.s32 v13, v6;
	v10 =	vadd.s32 v13, v11  }
0x185: {  	[tilespmem:s25+$0x0] =	vst v0;
	v12 =	vld [tilespmem:s25+$0xFFFFFFF0];
	v16 =	vsel vm1, v9, v7;
	v11 =	vadd.s32 v15, v7;
	v7 =	vsel vm0, $0x1, v0  }
0x186: {  	[tilespmem:s26+$0xFFFFFFF0] =	vst v0;
	v9 =	vld [tilespmem:s25+$0xFFFFFFE0];
	vm1 =	vlt.s32 v10, v6;
	v14 =	vadd.s32 v10, v14;
	v15 =	vadd.s32 v7, v11  }
0x187: {  	s28 =	simm.s32 $0x4;
	s29 =	simm.s32 $0x18770;
	[tilespmem:s25+$0xFFFFFFE0] =	vst v0;
	v7 =	vadd.s32 v14, v17;
	v11 =	vld [tilespmem:s25+$0xFFFFFFD0];
	v17 =	vsel vm1, $0x1, v0;
	vm2 =	vlt.s32 v14, v6  }
.LBB2_16:
0x188: {  	v18 =	vld [tilespmem:s29+$0x0];
	s28 =	sadd.s32 $0x4, s28;
	vm3 =	vlt.s32 v7, v6;
	v13 =	vsel vm0, v13, v16;
	[tilespmem:s26+$0xFFFFFFD0] =	vst v0;
	v16 =	vsel vm2, $0x1, v0;
	s26 =	smov.u32 s25;
	s25 =	smov.u32 s29  }
0x189: {  	v15 =	vadd.s32 v17, v15;
	[tilespmem:s29+$0x0] =	vst v0;
	p3 =	slt.u32 s28, $0x7C;
	v10 =	vsel vm1, v10, v13  }
.Ltmp11:
0x18a: {  	v15 =	vadd.s32 v16, v15;
	v13 =	vadd.s32 v7, v12;
	v14 =	vsel vm2, v14, v10;
	(pc) =	sbr.rel @p3 .LBB2_16-.Ltmp11, $4  }
0x18b: {  	v16 =	vsel vm3, $0x1, v0;
	vm0 =	vlt.s32 v13, v6;
	v10 =	vadd.s32 v13, v9  }
0x18c: {  	v15 =	vadd.s32 v16, v15;
	v16 =	vsel vm3, v7, v14;
	v12 =	vld [tilespmem:s29+$0xFFFFFFF0];
	v7 =	vsel vm0, $0x1, v0  }
0x18d: {  	vm1 =	vlt.s32 v10, v6;
	v14 =	vadd.s32 v10, v11;
	v9 =	vld [tilespmem:s29+$0xFFFFFFE0];
	[tilespmem:s26+$0xFFFFFFF0] =	vst v0;
	v15 =	vadd.s32 v7, v15  }
0x18e: {  	v7 =	vadd.s32 v14, v18;
	s29 =	sadd.s32 $0xFFFFFFC0, s29;
	v17 =	vsel vm1, $0x1, v0;
	vm2 =	vlt.s32 v14, v6;
	[tilespmem:s25+$0xFFFFFFE0] =	vst v0;
	v11 =	vld [tilespmem:s25+$0xFFFFFFD0]  }
0x18f: {  	v13 =	vsel vm0, v13, v16;
	v59 =	vsel vm2, $0x1, v0;
	v15 =	vadd.s32 v17, v15  }
0x190: {  	vm3 =	vlt.s32 v7, v6;
	v10 =	vsel vm1, v10, v13;
	v60 =	vadd.s32 v59, v15  }
0x191: {  	v61 =	vsel vm3, $0x1, v0;
	v12 =	vadd.s32 v7, v12;
	v10 =	vsel vm2, v14, v10  }
0x192: {  	v13 =	vadd.s32 v61, v60;
	vm13 =	vlt.s32 v12, v6;
	v9 =	vadd.s32 v12, v9  }
0x193: {  	v62 =	vsel vm13, $0x1, v0;
	vm14 =	vlt.s32 v9, v6;
	v11 =	vadd.s32 v9, v11  }
.Ltmp12:
0x194: {  	v13 =	vadd.s32 v62, v13;
	v63 =	vsel vm14, $0x1, v0;
	vm15 =	vlt.s32 v11, v6;
	(pc) =	sbr.rel @p1 .LBB2_21-.Ltmp12, $4  }
0x195: {  	v7 =	vsel vm3, v7, v10;
	v10 =	vsel vm15, $0x1, v0;
	v13 =	vadd.s32 v63, v13  }
0x196: {  	[tilespmem:s26+$0xFFFFFFD0] =	vst v0;
	v7 =	vsel vm13, v12, v7;
	v10 =	vadd.s32 v10, v13  }
0x197: {  	[tilespmem:s25+$0xFFFFFFF0] =	vst v0;
	v9 =	vsel vm14, v9, v7;
	v7 =	vshll.u32 v5, $0x7;
	v10 =	vsub.s32 $0x7F, v10  }
0x198: {  	[tilespmem:s25+$0xFFFFFFD0] =	vst v0;
	v9 =	vsel vm15, v11, v9;
	v10 =	vor.u32 v7, v10  }
0x199: {  	s25 =	simm.s32 $0x1C020  }
0x19a: {  	v11 =	vld [tilespmem:s25+$0x10];
	_ =	sdelay $0x1  }
0x19b: {  	s26 =	simm.s32 $0x0;
	s28 =	simm.s32 $0x1;
	v12 =	vld [tilespmem:s25+$0xFFFFFFF0]  }
0x19c: {  	s30 =	simm.s32 $0x2;
	v13 =	vmov s26;
	v14 =	vmov s28;
	v15 =	vld [tilespmem:s25+$0x0]  }
0x19d: {  	s31 =	simm.s32 $0x3;
	v16 =	vld [tilespmem:s25+$0xFFFFFFE0];
	vm1 =	vlt.s32 v13, v8;
	vm0 =	vlt.s32 v14, v8;
	v13 =	vmov s30  }
0x19e: {  	p3 =	sgt.s32 s21, $0x4;
	v14 =	vmov s31;
	vm2 =	vlt.s32 v13, v8;
	v13 =	vshra.s32 v11, $0xE  }
.Ltmp13:
0x19f: {  	vm3 =	vlt.s32 v14, v8;
	v11 =	vshrl.u32 v11, $0x3;
	vm4 =	veq.s32 v13, v10;
	(pc) =	sbr.rel @!p3 .LBB2_20-.Ltmp13, $4  }
0x1a0: {  	v17 =	vshra.s32 v12, $0xE;
	v11 =	vand.u32 $0x7F0, v11;
	vm3 =	vmand vm3, vm4  }
0x1a1: {  	v12 =	vshrl.u32 v12, $0x3;
	v18 =	vshra.s32 v15, $0xE;
	v11 =	vor.u32 v1, v11  }
0x1a2: {  	v19 =	vshra.s32 v16, $0xE;
	v14 =	vshrl.u32 v16, $0x3;
	v13 =	vshrl.u32 v15, $0x3  }
0x1a3: {  	s25 =	simm.s32 $0x4;
	s26 =	simm.s32 $0x1C060;
	vm6 =	veq.s32 v19, v10;
	vm5 =	veq.s32 v17, v10;
	vm4 =	veq.s32 v18, v10  }
.LBB2_19:
0x1a4: {  	v15 =	vld [tilespmem:s26+$0x10];
	v14 =	vand.u32 $0x7F0, v14;
	v12 =	vand.u32 $0x7F0, v12;
	v13 =	vand.u32 $0x7F0, v13;
	s28 =	smov.u32 s25;
	s25 =	sadd.s32 $0x4, s25  }
0x1a5: {  	vm6 =	vmand vm1, vm6;
	vm5 =	vmand vm0, vm5;
	vm4 =	vmand vm2, vm4;
	v16 =	vld [tilespmem:s26+$0xFFFFFFF0];
	p3 =	slt.s32 s25, s21  }
0x1a6: {  	s29 =	sadd.s32 $0x1, s28;
	v14 =	vor.u32 v1, v14;
	v17 =	vor.u32 v1, v12;
	[tilespmem:v11+s12+$0x0] =	vst.idx.add.s32.msk vm3, v4  }
0x1a7: {  	v19 =	vor.u32 v1, v13;
	v11 =	vmov s28;
	v12 =	vmov s29;
	s29 =	sadd.s32 $0x2, s28;
	v18 =	vld [tilespmem:s26+$0x0]  }
0x1a8: {  	s28 =	sadd.s32 $0x3, s28;
	vm1 =	vlt.s32 v11, v8;
	vm0 =	vlt.s32 v12, v8;
	v11 =	vmov s29;
	v13 =	vld [tilespmem:s26+$0xFFFFFFE0]  }
0x1a9: {  	v12 =	vmov s28;
	vm2 =	vlt.s32 v11, v8;
	v11 =	vshra.s32 v15, $0xE  }
.Ltmp14:
0x1aa: {  	vm3 =	vlt.s32 v12, v8;
	vm7 =	veq.s32 v11, v10;
	v11 =	vshrl.u32 v15, $0x3;
	(pc) =	sbr.rel @p3 .LBB2_19-.Ltmp14, $4  }
0x1ab: {  	v15 =	vshra.s32 v16, $0xE;
	vm3 =	vmand vm3, vm7;
	v11 =	vand.u32 $0x7F0, v11;
	[tilespmem:v14+s12+$0x0] =	vst.idx.add.s32.msk vm6, v4  }
0x1ac: {  	v12 =	vshrl.u32 v16, $0x3;
	v16 =	vshra.s32 v18, $0xE;
	v11 =	vor.u32 v1, v11;
	[tilespmem:v17+s12+$0x0] =	vst.idx.add.s32.msk vm5, v4  }
0x1ad: {  	v17 =	vshra.s32 v13, $0xE;
	v14 =	vshrl.u32 v13, $0x3;
	v13 =	vshrl.u32 v18, $0x3;
	[tilespmem:v19+s12+$0x0] =	vst.idx.add.s32.msk vm4, v4  }
0x1ae: {  	s26 =	sadd.s32 $0x40, s26;
	vm5 =	veq.s32 v15, v10;
	vm4 =	veq.s32 v16, v10;
	vm6 =	veq.s32 v17, v10  }
.LBB2_20:
0x1af: {  	v14 =	vand.u32 $0x7F0, v14;
	vm1 =	vmand vm1, vm6  }
0x1b0: {  	v12 =	vand.u32 $0x7F0, v12;
	vm0 =	vmand vm0, vm5;
	v14 =	vor.u32 v1, v14  }
0x1b1: {  	v13 =	vand.u32 $0x7F0, v13;
	vm2 =	vmand vm2, vm4;
	v12 =	vor.u32 v1, v12  }
0x1b2: {  	v13 =	vor.u32 v1, v13;
	_ =	sdelay $0x1  }
0x1b3: {  	[tilespmem:v11+s12+$0x0] =	vst.idx.add.s32.msk vm3, v4  }
0x1b4: {  	[tilespmem:v14+s12+$0x0] =	vst.idx.add.s32.msk vm1, v4  }
0x1b5: {  	[tilespmem:v12+s12+$0x0] =	vst.idx.add.s32.msk vm0, v4  }
0x1b6: {  	[tilespmem:v13+s12+$0x0] =	vst.idx.add.s32.msk vm2, v4  }
.LBB2_21:
.Ltmp15:
0x1b7: {  	(pc) =	sbr.rel @!p2 .LBB2_22-.Ltmp15, $1  }
0x1b8: {  	_ =	sdelay $0x3  }
0x1b9: {  	s25 =	sshra.s32 s23, $0x2  }
0x1ba: {  	s24 =	ssub.s32 $0x0, s24;
	s25 =	sadd.s32 $0x1C000, s25  }
.LBB2_94:
0x1bb: {  	v11 =	vld [tilespmem:s25+$0x0];
	_ =	sdelay $0x3  }
0x1bc: {  	s26 =	sadd.s32 s24, s20  }
0x1bd: {  	v13 =	vmov s26;
	v12 =	vshra.s32 v11, $0xE  }
0x1be: {  	vm0 =	vlt.s32 v13, v8;
	v11 =	vshrl.u32 v11, $0x3;
	vm1 =	veq.s32 v12, v10  }
0x1bf: {  	s24 =	sadd.s32 $0x1, s24;
	v11 =	vand.u32 $0x7F0, v11;
	vm0 =	vmand vm0, vm1  }
0x1c0: {  	p3 =	seq.s32 s24, $0x0;
	v11 =	vor.u32 v1, v11  }
.Ltmp16:
0x1c1: {  	_ = 	snop;
	(pc) =	sbr.rel @!p3 .LBB2_94-.Ltmp16, $2  }
0x1c2: {  	_ =	sdelay $0x2  }
0x1c3: {  	s25 =	sadd.s32 $0x10, s25;
	[tilespmem:v11+s12+$0x0] =	vst.idx.add.s32.msk vm0, v4  }
.LBB2_22:
0x1c4: {  	s25 =	simm.s32 $0x187F0  }
0x1c5: {  	v12 =	vld [tilespmem:s25+$0x0]  }
0x1c6: {  	v13 =	vld [tilespmem:s25+$0xFFFFFFF0]  }
0x1c7: {  	v14 =	vld [tilespmem:s25+$0xFFFFFFE0];
	_ =	sdelay $0x1  }
0x1c8: {  	v11 =	vimm.s32 $0x0;
	s24 =	simm.s32 $0x187B0;
	v17 =	vld [tilespmem:s25+$0xFFFFFFD0]  }
0x1c9: {  	v9 =	vsub.s32 v6, v9;
	v20 =	vld [tilespmem:s24+$0x0];
	v12 =	vadd.s32 v11, v12  }
0x1ca: {  	[tilespmem:s25+$0x0] =	vst v0;
	vm1 =	vlt.s32 v12, v9;
	v16 =	vadd.s32 v12, v13  }
0x1cb: {  	[tilespmem:s25+$0xFFFFFFE0] =	vst v0;
	v18 =	vsel vm1, $0x1, v0;
	vm0 =	vlt.s32 v16, v9;
	v13 =	vadd.s32 v16, v14  }
0x1cc: {  	[tilespmem:s24+$0x0] =	vst v0;
	v15 =	vld [tilespmem:s24+$0xFFFFFFF0];
	v19 =	vsel vm1, v12, v11;
	v14 =	vadd.s32 v18, v11;
	v11 =	vsel vm0, $0x1, v0  }
0x1cd: {  	[tilespmem:s25+$0xFFFFFFF0] =	vst v0;
	v12 =	vld [tilespmem:s24+$0xFFFFFFE0];
	vm1 =	vlt.s32 v13, v9;
	v17 =	vadd.s32 v13, v17;
	v18 =	vadd.s32 v11, v14  }
0x1ce: {  	s26 =	simm.s32 $0x4;
	s28 =	simm.s32 $0x18770;
	[tilespmem:s24+$0xFFFFFFE0] =	vst v0;
	v11 =	vadd.s32 v17, v20;
	v14 =	vld [tilespmem:s24+$0xFFFFFFD0];
	v20 =	vsel vm1, $0x1, v0;
	vm2 =	vlt.s32 v17, v9  }
.LBB2_23:
0x1cf: {  	v21 =	vld [tilespmem:s28+$0x0];
	s26 =	sadd.s32 $0x4, s26;
	vm3 =	vlt.s32 v11, v9;
	v16 =	vsel vm0, v16, v19;
	[tilespmem:s25+$0xFFFFFFD0] =	vst v0;
	v19 =	vsel vm2, $0x1, v0;
	s25 =	smov.u32 s24;
	s24 =	smov.u32 s28  }
0x1d0: {  	v18 =	vadd.s32 v20, v18;
	[tilespmem:s28+$0x0] =	vst v0;
	p3 =	slt.u32 s26, $0x7C;
	v13 =	vsel vm1, v13, v16  }
.Ltmp17:
0x1d1: {  	v18 =	vadd.s32 v19, v18;
	v16 =	vadd.s32 v11, v15;
	v17 =	vsel vm2, v17, v13;
	(pc) =	sbr.rel @p3 .LBB2_23-.Ltmp17, $4  }
0x1d2: {  	v19 =	vsel vm3, $0x1, v0;
	vm0 =	vlt.s32 v16, v9;
	v13 =	vadd.s32 v16, v12  }
0x1d3: {  	v18 =	vadd.s32 v19, v18;
	v19 =	vsel vm3, v11, v17;
	v15 =	vld [tilespmem:s28+$0xFFFFFFF0];
	v11 =	vsel vm0, $0x1, v0  }
0x1d4: {  	vm1 =	vlt.s32 v13, v9;
	v17 =	vadd.s32 v13, v14;
	v12 =	vld [tilespmem:s28+$0xFFFFFFE0];
	[tilespmem:s25+$0xFFFFFFF0] =	vst v0;
	v18 =	vadd.s32 v11, v18  }
0x1d5: {  	v11 =	vadd.s32 v17, v21;
	s28 =	sadd.s32 $0xFFFFFFC0, s28;
	v20 =	vsel vm1, $0x1, v0;
	vm2 =	vlt.s32 v17, v9;
	[tilespmem:s24+$0xFFFFFFE0] =	vst v0;
	v14 =	vld [tilespmem:s24+$0xFFFFFFD0]  }
0x1d6: {  	v16 =	vsel vm0, v16, v19;
	v57 =	vsel vm2, $0x1, v0;
	v18 =	vadd.s32 v20, v18  }
0x1d7: {  	vm3 =	vlt.s32 v11, v9;
	v13 =	vsel vm1, v13, v16;
	v58 =	vadd.s32 v57, v18  }
0x1d8: {  	v59 =	vsel vm3, $0x1, v0;
	v15 =	vadd.s32 v11, v15;
	v13 =	vsel vm2, v17, v13  }
0x1d9: {  	v16 =	vadd.s32 v59, v58;
	vm13 =	vlt.s32 v15, v9;
	v12 =	vadd.s32 v15, v12  }
0x1da: {  	v60 =	vsel vm13, $0x1, v0;
	vm14 =	vlt.s32 v12, v9;
	v14 =	vadd.s32 v12, v14  }
.Ltmp18:
0x1db: {  	v16 =	vadd.s32 v60, v16;
	v61 =	vsel vm14, $0x1, v0;
	vm15 =	vlt.s32 v14, v9;
	(pc) =	sbr.rel @p1 .LBB2_28-.Ltmp18, $4  }
0x1dc: {  	v11 =	vsel vm3, v11, v13;
	v62 =	vsel vm15, $0x1, v0;
	v16 =	vadd.s32 v61, v16  }
0x1dd: {  	[tilespmem:s25+$0xFFFFFFD0] =	vst v0;
	v11 =	vsel vm13, v15, v11;
	v13 =	vadd.s32 v62, v16  }
0x1de: {  	[tilespmem:s24+$0xFFFFFFF0] =	vst v0;
	v10 =	vshll.u32 v10, $0x7;
	v11 =	vsel vm14, v12, v11;
	v63 =	vsub.s32 $0x7F, v13  }
0x1df: {  	[tilespmem:s24+$0xFFFFFFD0] =	vst v0;
	v11 =	vsel vm15, v14, v11;
	v10 =	vor.u32 v10, v63  }
0x1e0: {  	s24 =	simm.s32 $0x1C020  }
0x1e1: {  	v12 =	vld [tilespmem:s24+$0x10];
	_ =	sdelay $0x1  }
0x1e2: {  	s25 =	simm.s32 $0x0;
	s26 =	simm.s32 $0x1;
	v13 =	vld [tilespmem:s24+$0xFFFFFFF0]  }
0x1e3: {  	s30 =	simm.s32 $0x2;
	v14 =	vmov s25;
	v15 =	vmov s26;
	v16 =	vld [tilespmem:s24+$0x0]  }
0x1e4: {  	s31 =	simm.s32 $0x3;
	v17 =	vld [tilespmem:s24+$0xFFFFFFE0];
	vm1 =	vlt.s32 v14, v8;
	vm0 =	vlt.s32 v15, v8;
	v14 =	vmov s30  }
0x1e5: {  	p1 =	sgt.s32 s21, $0x4;
	v15 =	vmov s31;
	vm2 =	vlt.s32 v14, v8;
	v14 =	vshra.s32 v12, $0x7  }
.Ltmp19:
0x1e6: {  	vm3 =	vlt.s32 v15, v8;
	v12 =	vshll.u32 v12, $0x4;
	vm4 =	veq.s32 v14, v10;
	(pc) =	sbr.rel @!p1 .LBB2_27-.Ltmp19, $4  }
0x1e7: {  	v18 =	vshra.s32 v13, $0x7;
	v12 =	vor.u32 v1, v12;
	vm3 =	vmand vm3, vm4  }
0x1e8: {  	v13 =	vshll.u32 v13, $0x4;
	v19 =	vshra.s32 v16, $0x7;
	v12 =	vand.u32 $0x7FF, v12  }
0x1e9: {  	v20 =	vshra.s32 v17, $0x7;
	v15 =	vshll.u32 v17, $0x4;
	v14 =	vshll.u32 v16, $0x4  }
0x1ea: {  	s24 =	simm.s32 $0x4;
	s25 =	simm.s32 $0x1C060;
	vm6 =	veq.s32 v20, v10;
	vm5 =	veq.s32 v18, v10;
	vm4 =	veq.s32 v19, v10  }
.LBB2_26:
0x1eb: {  	v16 =	vld [tilespmem:s25+$0x10];
	v15 =	vor.u32 v1, v15;
	v13 =	vor.u32 v1, v13;
	v14 =	vor.u32 v1, v14;
	s26 =	smov.u32 s24;
	s24 =	sadd.s32 $0x4, s24  }
0x1ec: {  	vm6 =	vmand vm1, vm6;
	vm5 =	vmand vm0, vm5;
	vm4 =	vmand vm2, vm4;
	v17 =	vld [tilespmem:s25+$0xFFFFFFF0];
	p1 =	slt.s32 s24, s21  }
0x1ed: {  	s28 =	sadd.s32 $0x1, s26;
	v15 =	vand.u32 $0x7FF, v15;
	v18 =	vand.u32 $0x7FF, v13;
	v19 =	vand.u32 $0x7FF, v14;
	[tilespmem:v12+s12+$0x0] =	vst.idx.add.s32.msk vm3, v4  }
0x1ee: {  	v12 =	vmov s26;
	v13 =	vmov s28;
	s28 =	sadd.s32 $0x2, s26;
	v14 =	vld [tilespmem:s25+$0x0]  }
0x1ef: {  	s26 =	sadd.s32 $0x3, s26;
	vm1 =	vlt.s32 v12, v8;
	vm0 =	vlt.s32 v13, v8;
	v12 =	vmov s28;
	v20 =	vld [tilespmem:s25+$0xFFFFFFE0]  }
0x1f0: {  	v13 =	vmov s26;
	vm2 =	vlt.s32 v12, v8;
	v12 =	vshra.s32 v16, $0x7  }
.Ltmp20:
0x1f1: {  	vm3 =	vlt.s32 v13, v8;
	vm7 =	veq.s32 v12, v10;
	v12 =	vshll.u32 v16, $0x4;
	(pc) =	sbr.rel @p1 .LBB2_26-.Ltmp20, $4  }
0x1f2: {  	v16 =	vshra.s32 v17, $0x7;
	vm3 =	vmand vm3, vm7;
	v12 =	vor.u32 v1, v12;
	[tilespmem:v15+s12+$0x0] =	vst.idx.add.s32.msk vm6, v4  }
0x1f3: {  	v13 =	vshll.u32 v17, $0x4;
	v17 =	vshra.s32 v14, $0x7;
	v12 =	vand.u32 $0x7FF, v12;
	[tilespmem:v18+s12+$0x0] =	vst.idx.add.s32.msk vm5, v4  }
0x1f4: {  	v14 =	vshll.u32 v14, $0x4;
	v18 =	vshra.s32 v20, $0x7;
	v15 =	vshll.u32 v20, $0x4;
	[tilespmem:v19+s12+$0x0] =	vst.idx.add.s32.msk vm4, v4  }
0x1f5: {  	s25 =	sadd.s32 $0x40, s25;
	vm5 =	veq.s32 v16, v10;
	vm4 =	veq.s32 v17, v10;
	vm6 =	veq.s32 v18, v10  }
.LBB2_27:
0x1f6: {  	v15 =	vor.u32 v1, v15;
	vm1 =	vmand vm1, vm6  }
0x1f7: {  	v13 =	vor.u32 v1, v13;
	vm0 =	vmand vm0, vm5;
	v15 =	vand.u32 $0x7FF, v15  }
0x1f8: {  	v14 =	vor.u32 v1, v14;
	vm2 =	vmand vm2, vm4;
	v13 =	vand.u32 $0x7FF, v13  }
0x1f9: {  	v14 =	vand.u32 $0x7FF, v14;
	_ =	sdelay $0x1  }
0x1fa: {  	[tilespmem:v12+s12+$0x0] =	vst.idx.add.s32.msk vm3, v4  }
0x1fb: {  	[tilespmem:v15+s12+$0x0] =	vst.idx.add.s32.msk vm1, v4  }
0x1fc: {  	[tilespmem:v13+s12+$0x0] =	vst.idx.add.s32.msk vm0, v4  }
0x1fd: {  	[tilespmem:v14+s12+$0x0] =	vst.idx.add.s32.msk vm2, v4  }
.LBB2_28:
.Ltmp21:
0x1fe: {  	(pc) =	sbr.rel @!p2 .LBB2_29-.Ltmp21, $1  }
0x1ff: {  	_ =	sdelay $0x3  }
0x200: {  	s21 =	sshra.s32 s23, $0x2  }
0x201: {  	s21 =	sadd.s32 $0x1C000, s21  }
.LBB2_96:
0x202: {  	v12 =	vld [tilespmem:s21+$0x0];
	_ =	sdelay $0x3  }
0x203: {  	s23 =	sadd.s32 s22, s20  }
0x204: {  	v14 =	vmov s23;
	v13 =	vshra.s32 v12, $0x7  }
0x205: {  	vm0 =	vlt.s32 v14, v8;
	v12 =	vshll.u32 v12, $0x4;
	vm1 =	veq.s32 v13, v10  }
0x206: {  	s22 =	sadd.s32 $0x1, s22;
	v12 =	vor.u32 v1, v12;
	vm0 =	vmand vm0, vm1  }
0x207: {  	p1 =	seq.s32 s22, $0x0;
	v12 =	vand.u32 $0x7FF, v12  }
.Ltmp22:
0x208: {  	_ = 	snop;
	(pc) =	sbr.rel @!p1 .LBB2_96-.Ltmp22, $2  }
0x209: {  	_ =	sdelay $0x2  }
0x20a: {  	s21 =	sadd.s32 $0x10, s21;
	[tilespmem:v12+s12+$0x0] =	vst.idx.add.s32.msk vm0, v4  }
.LBB2_29:
0x20b: {  	s21 =	simm.s32 $0x187F0  }
0x20c: {  	v8 =	vsub.s32 v9, v11;
	v9 =	vld [tilespmem:s21+$0x0]  }
0x20d: {  	v12 =	vld [tilespmem:s21+$0xFFFFFFF0];
	_ =	sdelay $0x1  }
0x20e: {  	v13 =	vld [tilespmem:s21+$0xFFFFFFE0]  }
0x20f: {  	v11 =	vimm.s32 $0x0  }
0x210: {  	s22 =	simm.s32 $0x187B0;
	v14 =	vld [tilespmem:s21+$0xFFFFFFD0];
	v9 =	vadd.s32 v11, v9  }
0x211: {  	[tilespmem:s21+$0x0] =	vst v0;
	v15 =	vld [tilespmem:s22+$0x0];
	vm0 =	vlt.s32 v9, v8;
	v9 =	vadd.s32 v9, v12  }
0x212: {  	[tilespmem:s21+$0xFFFFFFE0] =	vst v0;
	v12 =	vsel vm0, $0x1, v0;
	vm0 =	vlt.s32 v9, v8  }
0x213: {  	[tilespmem:s21+$0xFFFFFFD0] =	vst v0;
	v13 =	vadd.s32 v9, v13;
	v12 =	vadd.s32 v12, v11;
	v16 =	vsel vm0, $0x1, v0  }
0x214: {  	[tilespmem:s22+$0x0] =	vst v0;
	vm0 =	vlt.s32 v13, v8;
	v16 =	vadd.s32 v16, v12;
	v12 =	vld [tilespmem:s22+$0xFFFFFFF0]  }
0x215: {  	v9 =	vld [tilespmem:s22+$0xFFFFFFE0];
	[tilespmem:s22+$0xFFFFFFE0] =	vst v0;
	v18 =	vadd.s32 v13, v14;
	v17 =	vsel vm0, $0x1, v0  }
0x216: {  	s23 =	simm.s32 $0x4;
	s24 =	simm.s32 $0x18770;
	v11 =	vld [tilespmem:s22+$0xFFFFFFD0];
	[tilespmem:s22+$0xFFFFFFD0] =	vst v0;
	v13 =	vadd.s32 v18, v15;
	vm0 =	vlt.s32 v18, v8;
	v14 =	vadd.s32 v17, v16  }
.LBB2_30:
0x217: {  	s23 =	sadd.s32 $0x4, s23  }
0x218: {  	v15 =	vld [tilespmem:s24+$0x0];
	[tilespmem:s21+$0xFFFFFFF0] =	vst v0;
	v16 =	vsel vm0, $0x1, v0;
	s21 =	smov.u32 s22;
	s22 =	smov.u32 s24;
	p1 =	slt.u32 s23, $0x7C  }
.Ltmp23:
0x219: {  	vm0 =	vlt.s32 v13, v8;
	[tilespmem:s24+$0x0] =	vst v0;
	v13 =	vadd.s32 v13, v12;
	v14 =	vadd.s32 v16, v14;
	(pc) =	sbr.rel @p1 .LBB2_30-.Ltmp23, $4  }
0x21a: {  	v16 =	vsel vm0, $0x1, v0;
	v12 =	vld [tilespmem:s24+$0xFFFFFFF0];
	vm0 =	vlt.s32 v13, v8;
	v13 =	vadd.s32 v13, v9  }
0x21b: {  	v14 =	vadd.s32 v16, v14;
	v9 =	vld [tilespmem:s24+$0xFFFFFFE0];
	v16 =	vsel vm0, $0x1, v0;
	vm0 =	vlt.s32 v13, v8  }
0x21c: {  	v17 =	vadd.s32 v13, v11;
	[tilespmem:s24+$0xFFFFFFE0] =	vst v0;
	v14 =	vadd.s32 v16, v14;
	v16 =	vsel vm0, $0x1, v0;
	v11 =	vld [tilespmem:s24+$0xFFFFFFD0]  }
0x21d: {  	s24 =	sadd.s32 $0xFFFFFFC0, s24;
	vm0 =	vlt.s32 v17, v8;
	v13 =	vadd.s32 v17, v15;
	[tilespmem:s22+$0xFFFFFFD0] =	vst v0;
	v14 =	vadd.s32 v16, v14  }
0x21e: {  	v15 =	vsel vm0, $0x1, v0;
	vm12 =	vlt.s32 v13, v8  }
0x21f: {  	v12 =	vadd.s32 v13, v12;
	v59 =	vadd.s32 v15, v14;
	v60 =	vsel vm12, $0x1, v0  }
0x220: {  	vm13 =	vlt.s32 v12, v8;
	v9 =	vadd.s32 v12, v9;
	v61 =	vadd.s32 v60, v59  }
0x221: {  	v62 =	vsel vm13, $0x1, v0;
	vm14 =	vlt.s32 v9, v8;
	v9 =	vadd.s32 v9, v11  }
0x222: {  	p1 =	slt.s32 s20, $0x3F0;
	v11 =	vadd.s32 v62, v61;
	v63 =	vsel vm14, $0x1, v0;
	vm15 =	vlt.s32 v9, v8  }
.Ltmp24:
0x223: {  	v8 =	vadd.s32 v63, v11;
	v9 =	vsel vm15, $0x1, v0;
	(pc) =	sbr.rel @p1 .LBB2_45-.Ltmp24, $4  }
0x224: {  	v8 =	vadd.s32 v9, v8  }
0x225: {  	[tilespmem:s21+$0xFFFFFFF0] =	vst v0;
	v9 =	vshll.u32 v10, $0x7;
	v8 =	vsub.s32 $0x7F, v8  }
0x226: {  	[tilespmem:s22+$0xFFFFFFF0] =	vst v0;
	v8 =	vor.u32 v9, v8  }
0x227: {  	s20 =	simm.s32 $0x0;
	[tilespmem:$0x1FF00] =	vst v8  }
0x228: {  	v8 =	vmov s20  }
0x229: {  	v9 =	vxor.u32 s20, v1;
	v8 =	vshll.u32 v8, $0x3  }
0x22a: {  	s21 =	sadd.s32 $0x3, s20;
	v9 =	vand.u32 $0x7F, v9;
	v8 =	vand.u32 $0x3C00, v8  }
0x22b: {  	v8 =	vor.u32 v9, v8;
	v9 =	vmov s21  }
0x22c: {  	v10 =	vxor.u32 s21, v1;
	v8 =	vor.u32 v2, v8;
	v9 =	vshll.u32 v9, $0x3  }
0x22d: {  	s26 =	sadd.s32 $0x2, s20;
	v10 =	vand.u32 $0x7F, v10;
	v9 =	vand.u32 $0x3C00, v9  }
0x22e: {  	s28 =	sadd.s32 $0x1, s20;
	v11 =	vxor.u32 s26, v1;
	v9 =	vor.u32 v10, v9;
	v10 =	vmov s26  }
0x22f: {  	v12 =	vmov s28;
	v9 =	vor.u32 v2, v9;
	v10 =	vshll.u32 v10, $0x3  }
0x230: {  	v11 =	vand.u32 $0x7F, v11;
	v12 =	vshll.u32 v12, $0x3;
	v10 =	vand.u32 $0x3C00, v10  }
0x231: {  	s29 =	sadd.s32 $0x4, s20;
	v13 =	vxor.u32 s28, v1;
	v12 =	vand.u32 $0x3C00, v12;
	v8 =	vld.idx.msk [tilespmem:v8+s3+$0x0], $0xffff;
	v10 =	vor.u32 v11, v10  }
0x232: {  	v11 =	vand.u32 $0x7F, v13;
	v13 =	vmov s29;
	v10 =	vor.u32 v2, v10  }
0x233: {  	v11 =	vor.u32 v11, v12;
	v12 =	vxor.u32 s29, v1;
	v13 =	vshll.u32 v13, $0x3  }
0x234: {  	v12 =	vand.u32 $0x7F, v12;
	v13 =	vand.u32 $0x3C00, v13;
	v9 =	vld.idx.msk [tilespmem:v9+s3+$0x0], $0xffff  }
0x235: {  	v11 =	vor.u32 v2, v11;
	v12 =	vor.u32 v12, v13  }
0x236: {  	s30 =	sadd.s32 $0x3, s29;
	v12 =	vor.u32 v2, v12;
	v8 =	vand.u32 $0x7FFFFFFF, v8  }
0x237: {  	v13 =	vshrl.u32 v8, $0xA;
	v8 =	vshrl.u32 v8, $0x15;
	v14 =	vld.idx.msk [tilespmem:v10+s3+$0x0], $0xffff;
	v10 =	vmov s30  }
0x238: {  	v13 =	vand.u32 $0x7F0, v13;
	vm0 =	veq.s32 v8, v5;
	v10 =	vshll.u32 v10, $0x3  }
0x239: {  	v8 =	vor.u32 v1, v13;
	v13 =	vxor.u32 s30, v1;
	v9 =	vand.u32 $0x7FFFFFFF, v9  }
0x23a: {  	v11 =	vld.idx.msk [tilespmem:v11+s3+$0x0], $0xffff;
	v10 =	vand.u32 $0x3C00, v10;
	v13 =	vand.u32 $0x7F, v13;
	v15 =	vshrl.u32 v9, $0xA  }
0x23b: {  	s31 =	sadd.s32 $0x2, s29;
	v9 =	vshrl.u32 v9, $0x15;
	v10 =	vor.u32 v13, v10;
	v13 =	vand.u32 $0x7F0, v15  }
0x23c: {  	vm1 =	veq.s32 v9, v5;
	v15 =	vmov s31;
	v10 =	vor.u32 v2, v10  }
0x23d: {  	v9 =	vor.u32 v1, v13;
	v13 =	vxor.u32 s31, v1;
	v16 =	vand.u32 $0x7FFFFFFF, v14  }
0x23e: {  	v14 =	vshll.u32 v15, $0x3;
	v13 =	vand.u32 $0x7F, v13;
	v15 =	vshrl.u32 v16, $0x15  }
0x23f: {  	v11 =	vand.u32 $0x7FFFFFFF, v11;
	vm2 =	veq.s32 v15, v5;
	v15 =	vshrl.u32 v16, $0xA  }
0x240: {  	v16 =	vshrl.u32 v11, $0x15;
	v11 =	vshrl.u32 v11, $0xA;
	v17 =	vand.u32 $0x7F0, v15  }
0x241: {  	s20 =	sadd.s32 $0x4, s29;
	s21 =	sadd.s32 $0x1, s29;
	v12 =	vld.idx.msk [tilespmem:v12+s3+$0x0], $0xffff;
	vm3 =	veq.s32 v16, v5;
	v15 =	vand.u32 $0x7F0, v11;
	v11 =	vor.u32 v1, v17  }
.LBB2_33:
0x242: {  	p1 =	slt.u32 s20, $0x7FC;
	v16 =	vmov s21;
	v14 =	vand.u32 $0x3C00, v14;
	v15 =	vor.u32 v1, v15  }
0x243: {  	v17 =	vxor.u32 s21, v1;
	v16 =	vshll.u32 v16, $0x3;
	v13 =	vor.u32 v13, v14;
	[tilespmem:v8+s12+$0x0] =	vst.idx.add.s32.msk vm0, v4  }
0x244: {  	v8 =	vand.u32 $0x7F, v17;
	v14 =	vand.u32 $0x3C00, v16;
	v13 =	vor.u32 v2, v13;
	v10 =	vld.idx.msk [tilespmem:v10+s3+$0x0], $0xffff  }
0x245: {  	v16 =	vmov s20;
	v8 =	vor.u32 v8, v14;
	[tilespmem:v9+s12+$0x0] =	vst.idx.add.s32.msk vm1, v4  }
0x246: {  	v9 =	vxor.u32 s20, v1;
	v14 =	vshll.u32 v16, $0x3;
	v16 =	vor.u32 v2, v8;
	[tilespmem:v11+s12+$0x0] =	vst.idx.add.s32.msk vm2, v4  }
0x247: {  	v8 =	vand.u32 $0x7F, v9;
	v9 =	vand.u32 $0x3C00, v14;
	v11 =	vand.u32 $0x7FFFFFFF, v12;
	[tilespmem:v15+s12+$0x0] =	vst.idx.add.s32.msk vm3, v4  }
0x248: {  	v8 =	vor.u32 v8, v9;
	v9 =	vshrl.u32 v11, $0xA  }
0x249: {  	s21 =	sadd.s32 $0x3, s20;
	v12 =	vor.u32 v2, v8;
	v8 =	vshrl.u32 v11, $0x15;
	v9 =	vand.u32 $0x7F0, v9;
	v11 =	vld.idx.msk [tilespmem:v13+s3+$0x0], $0xffff  }
0x24a: {  	v13 =	vmov s21;
	vm0 =	veq.s32 v8, v5;
	v8 =	vor.u32 v1, v9  }
0x24b: {  	v9 =	vxor.u32 s21, v1;
	v10 =	vand.u32 $0x7FFFFFFF, v10;
	v13 =	vshll.u32 v13, $0x3;
	v15 =	vld.idx.msk [tilespmem:v16+s3+$0x0], $0xffff  }
0x24c: {  	v9 =	vand.u32 $0x7F, v9;
	v14 =	vshrl.u32 v10, $0xA;
	v13 =	vand.u32 $0x3C00, v13  }
0x24d: {  	v14 =	vand.u32 $0x7F0, v14;
	v9 =	vor.u32 v9, v13;
	v13 =	vshrl.u32 v10, $0x15  }
0x24e: {  	s21 =	sadd.s32 $0x2, s20;
	v10 =	vor.u32 v2, v9;
	vm1 =	veq.s32 v13, v5;
	v9 =	vor.u32 v1, v14  }
.Ltmp25:
0x24f: {  	v14 =	vmov s21;
	v13 =	vxor.u32 s21, v1;
	v11 =	vand.u32 $0x7FFFFFFF, v11;
	(pc) =	sbr.rel @p1 .LBB2_33-.Ltmp25, $4  }
0x250: {  	v13 =	vand.u32 $0x7F, v13;
	v14 =	vshll.u32 v14, $0x3;
	v16 =	vshrl.u32 v11, $0x15  }
0x251: {  	v11 =	vshrl.u32 v11, $0xA;
	v15 =	vand.u32 $0x7FFFFFFF, v15;
	vm2 =	veq.s32 v16, v5  }
0x252: {  	v11 =	vand.u32 $0x7F0, v11;
	v16 =	vshrl.u32 v15, $0x15;
	v15 =	vshrl.u32 v15, $0xA  }
0x253: {  	s21 =	sadd.s32 $0x1, s20;
	s20 =	sadd.s32 $0x4, s20;
	v11 =	vor.u32 v1, v11;
	vm3 =	veq.s32 v16, v5;
	v15 =	vand.u32 $0x7F0, v15;
	v12 =	vld.idx.msk [tilespmem:v12+s3+$0x0], $0xffff  }
0x254: {  	v16 =	vmov s21;
	v14 =	vand.u32 $0x3C00, v14  }
0x255: {  	v17 =	vxor.u32 s21, v1;
	v16 =	vshll.u32 v16, $0x3;
	v13 =	vor.u32 v13, v14  }
0x256: {  	v14 =	vand.u32 $0x7F, v17;
	v16 =	vand.u32 $0x3C00, v16;
	v13 =	vor.u32 v2, v13  }
0x257: {  	v14 =	vor.u32 v14, v16  }
0x258: {  	v14 =	vor.u32 v2, v14  }
0x259: {  	v10 =	vld.idx.msk [tilespmem:v10+s3+$0x0], $0xffff;
	_ =	sdelay $0x1  }
0x25a: {  	v13 =	vld.idx.msk [tilespmem:v13+s3+$0x0], $0xffff  }
0x25b: {  	v12 =	vand.u32 $0x7FFFFFFF, v12  }
0x25c: {  	v15 =	vor.u32 v1, v15;
	v16 =	vshrl.u32 v12, $0xA;
	v14 =	vld.idx.msk [tilespmem:v14+s3+$0x0], $0xffff  }
0x25d: {  	v12 =	vshrl.u32 v12, $0x15;
	v10 =	vand.u32 $0x7FFFFFFF, v10;
	v16 =	vand.u32 $0x7F0, v16  }
0x25e: {  	vm4 =	veq.s32 v12, v5;
	v12 =	vor.u32 v1, v16;
	v16 =	vshrl.u32 v10, $0xA  }
0x25f: {  	v10 =	vshrl.u32 v10, $0x15;
	v16 =	vand.u32 $0x7F0, v16;
	v13 =	vand.u32 $0x7FFFFFFF, v13  }
0x260: {  	vm5 =	veq.s32 v10, v5;
	v10 =	vor.u32 v1, v16;
	v16 =	vshrl.u32 v13, $0x15  }
0x261: {  	v13 =	vshrl.u32 v13, $0xA;
	v14 =	vand.u32 $0x7FFFFFFF, v14;
	vm6 =	veq.s32 v16, v5  }
0x262: {  	[tilespmem:v8+s12+$0x0] =	vst.idx.add.s32.msk vm0, v4;
	v13 =	vand.u32 $0x7F0, v13;
	v8 =	vshrl.u32 v14, $0x15;
	v14 =	vshrl.u32 v14, $0xA  }
0x263: {  	[tilespmem:v9+s12+$0x0] =	vst.idx.add.s32.msk vm1, v4;
	vm0 =	veq.s32 v8, v5;
	v5 =	vand.u32 $0x7F0, v14;
	v8 =	vor.u32 v1, v13  }
0x264: {  	[tilespmem:v11+s12+$0x0] =	vst.idx.add.s32.msk vm2, v4;
	v5 =	vor.u32 v1, v5  }
0x265: {  	[tilespmem:v15+s12+$0x0] =	vst.idx.add.s32.msk vm3, v4  }
0x266: {  	[tilespmem:v12+s12+$0x0] =	vst.idx.add.s32.msk vm4, v4  }
0x267: {  	[tilespmem:v10+s12+$0x0] =	vst.idx.add.s32.msk vm5, v4  }
0x268: {  	[tilespmem:v8+s12+$0x0] =	vst.idx.add.s32.msk vm6, v4  }
0x269: {  	s21 =	simm.s32 $0x187F0;
	[tilespmem:v5+s12+$0x0] =	vst.idx.add.s32.msk vm0, v4  }
0x26a: {  	v5 =	vld [tilespmem:s21+$0x0]  }
0x26b: {  	v8 =	vld [tilespmem:s21+$0xFFFFFFF0]  }
0x26c: {  	v9 =	vld [tilespmem:s21+$0xFFFFFFE0];
	_ =	sdelay $0x1  }
0x26d: {  	v11 =	vimm.s32 $0x0;
	s20 =	simm.s32 $0x187B0;
	v13 =	vld [tilespmem:s21+$0xFFFFFFD0]  }
0x26e: {  	v16 =	vld [tilespmem:s20+$0x0];
	v5 =	vadd.s32 v11, v5  }
0x26f: {  	[tilespmem:s21+$0x0] =	vst v0;
	vm1 =	vlt.s32 v5, v6;
	v12 =	vadd.s32 v5, v8  }
0x270: {  	[tilespmem:s21+$0xFFFFFFE0] =	vst v0;
	v8 =	vsel vm1, $0x1, v0;
	vm0 =	vlt.s32 v12, v6;
	v10 =	vadd.s32 v12, v9  }
0x271: {  	[tilespmem:s20+$0x0] =	vst v0;
	v9 =	vld [tilespmem:s20+$0xFFFFFFF0];
	v15 =	vsel vm1, v5, v11;
	v14 =	vadd.s32 v8, v11;
	v5 =	vsel vm0, $0x1, v0  }
0x272: {  	[tilespmem:s21+$0xFFFFFFF0] =	vst v0;
	v8 =	vld [tilespmem:s20+$0xFFFFFFE0];
	vm1 =	vlt.s32 v10, v6;
	v13 =	vadd.s32 v10, v13;
	v14 =	vadd.s32 v5, v14  }
0x273: {  	s22 =	simm.s32 $0x4;
	s23 =	simm.s32 $0x18770;
	[tilespmem:s20+$0xFFFFFFE0] =	vst v0;
	v11 =	vadd.s32 v13, v16;
	v5 =	vld [tilespmem:s20+$0xFFFFFFD0];
	v16 =	vsel vm1, $0x1, v0;
	vm2 =	vlt.s32 v13, v6  }
.LBB2_35:
0x274: {  	v17 =	vld [tilespmem:s23+$0x0];
	s22 =	sadd.s32 $0x4, s22;
	vm3 =	vlt.s32 v11, v6;
	v12 =	vsel vm0, v12, v15;
	[tilespmem:s21+$0xFFFFFFD0] =	vst v0;
	v15 =	vsel vm2, $0x1, v0;
	s21 =	smov.u32 s20;
	s20 =	smov.u32 s23  }
0x275: {  	v14 =	vadd.s32 v16, v14;
	[tilespmem:s23+$0x0] =	vst v0;
	p1 =	slt.u32 s22, $0x7C;
	v10 =	vsel vm1, v10, v12  }
.Ltmp26:
0x276: {  	v14 =	vadd.s32 v15, v14;
	v12 =	vadd.s32 v11, v9;
	v13 =	vsel vm2, v13, v10;
	(pc) =	sbr.rel @p1 .LBB2_35-.Ltmp26, $4  }
0x277: {  	v15 =	vsel vm3, $0x1, v0;
	vm0 =	vlt.s32 v12, v6;
	v10 =	vadd.s32 v12, v8  }
0x278: {  	v14 =	vadd.s32 v15, v14;
	v15 =	vsel vm3, v11, v13;
	v9 =	vld [tilespmem:s23+$0xFFFFFFF0];
	v11 =	vsel vm0, $0x1, v0  }
0x279: {  	vm1 =	vlt.s32 v10, v6;
	v13 =	vadd.s32 v10, v5;
	v8 =	vld [tilespmem:s23+$0xFFFFFFE0];
	[tilespmem:s21+$0xFFFFFFF0] =	vst v0;
	v14 =	vadd.s32 v11, v14  }
0x27a: {  	v11 =	vadd.s32 v13, v17;
	s23 =	sadd.s32 $0xFFFFFFC0, s23;
	v16 =	vsel vm1, $0x1, v0;
	vm2 =	vlt.s32 v13, v6;
	[tilespmem:s20+$0xFFFFFFE0] =	vst v0;
	v5 =	vld [tilespmem:s20+$0xFFFFFFD0]  }
0x27b: {  	s22 =	simm.s32 $0x0  }
0x27c: {  	v12 =	vsel vm0, v12, v15;
	s25 =	simm.s32 $0x3;
	vm0 =	vlt.s32 v11, v6;
	v15 =	vmov s22  }
0x27d: {  	v17 =	vxor.u32 s22, v1;
	v18 =	vmov s25;
	v19 =	vxor.u32 s25, v1  }
0x27e: {  	v10 =	vsel vm1, v10, v12;
	v12 =	vadd.s32 v16, v14;
	v14 =	vsel vm2, $0x1, v0  }
0x27f: {  	v9 =	vadd.s32 v11, v9;
	v12 =	vadd.s32 v14, v12;
	v14 =	vsel vm0, $0x1, v0  }
0x280: {  	v10 =	vsel vm2, v13, v10;
	v13 =	vand.u32 $0x7F, v17;
	v12 =	vadd.s32 v14, v12  }
0x281: {  	vm1 =	vlt.s32 v9, v6;
	v8 =	vadd.s32 v9, v8;
	v10 =	vsel vm0, v11, v10  }
0x282: {  	v11 =	vsel vm1, $0x1, v0;
	vm0 =	vlt.s32 v8, v6;
	v5 =	vadd.s32 v8, v5  }
0x283: {  	v9 =	vsel vm1, v9, v10;
	v11 =	vadd.s32 v11, v12;
	v12 =	vshll.u32 v15, $0x3  }
0x284: {  	v14 =	vsel vm0, $0x1, v0;
	vm2 =	vlt.s32 v5, v6;
	v8 =	vsel vm0, v8, v9  }
0x285: {  	v9 =	vshll.u32 v18, $0x3;
	v12 =	vand.u32 $0x3C00, v12;
	v10 =	vsel vm2, $0x1, v0  }
0x286: {  	v11 =	vadd.s32 v14, v11;
	v9 =	vand.u32 $0x3C00, v9;
	v12 =	vor.u32 v13, v12  }
0x287: {  	s28 =	simm.s32 $0x1;
	v10 =	vadd.s32 v10, v11;
	v11 =	vand.u32 $0x7F, v19;
	v12 =	vor.u32 v2, v12  }
0x288: {  	s26 =	simm.s32 $0x2;
	v5 =	vsel vm2, v5, v8;
	v14 =	vxor.u32 s28, v1;
	v9 =	vor.u32 v11, v9  }
0x289: {  	[tilespmem:s21+$0xFFFFFFD0] =	vst v0;
	v8 =	vsub.s32 $0x7F, v10;
	v10 =	vmov s26;
	v9 =	vor.u32 v2, v9  }
0x28a: {  	[tilespmem:s20+$0xFFFFFFF0] =	vst v0;
	v13 =	vmov s28;
	v11 =	vxor.u32 s26, v1;
	v10 =	vshll.u32 v10, $0x3  }
0x28b: {  	[tilespmem:s20+$0xFFFFFFD0] =	vst v0;
	v13 =	vshll.u32 v13, $0x3;
	v11 =	vand.u32 $0x7F, v11;
	v10 =	vand.u32 $0x3C00, v10  }
0x28c: {  	v13 =	vand.u32 $0x3C00, v13;
	v10 =	vor.u32 v11, v10;
	v11 =	vand.u32 $0x7F, v14;
	v12 =	vld.idx.msk [tilespmem:v12+s3+$0x0], $0xffff  }
0x28d: {  	s29 =	simm.s32 $0x4;
	v11 =	vor.u32 v11, v13  }
0x28e: {  	v14 =	vmov s29;
	v11 =	vor.u32 v2, v11;
	v9 =	vld.idx.msk [tilespmem:v9+s3+$0x0], $0xffff  }
0x28f: {  	v10 =	vor.u32 v2, v10;
	v13 =	vxor.u32 s29, v1;
	v14 =	vshll.u32 v14, $0x3  }
0x290: {  	v13 =	vand.u32 $0x7F, v13;
	v14 =	vand.u32 $0x3C00, v14  }
0x291: {  	v7 =	vor.u32 v7, v8;
	v8 =	vor.u32 v13, v14;
	v12 =	vand.u32 $0x7FFFFFFF, v12  }
0x292: {  	v15 =	vor.u32 v2, v8;
	v13 =	vshrl.u32 v12, $0x3  }
0x293: {  	s30 =	simm.s32 $0x7;
	v11 =	vld.idx.msk [tilespmem:v11+s3+$0x0], $0xffff;
	v8 =	vshrl.u32 v12, $0xE;
	v9 =	vand.u32 $0x7FFFFFFF, v9;
	v12 =	vand.u32 $0x7F0, v13  }
0x294: {  	v13 =	vld.idx.msk [tilespmem:v10+s3+$0x0], $0xffff;
	v10 =	vmov s30;
	vm0 =	veq.s32 v8, v7;
	v14 =	vshrl.u32 v9, $0x3  }
0x295: {  	v8 =	vor.u32 v1, v12;
	v12 =	vxor.u32 s30, v1;
	v10 =	vshll.u32 v10, $0x3  }
0x296: {  	v9 =	vshrl.u32 v9, $0xE;
	v12 =	vand.u32 $0x7F, v12;
	v10 =	vand.u32 $0x3C00, v10  }
0x297: {  	s31 =	simm.s32 $0x6;
	vm1 =	veq.s32 v9, v7;
	v10 =	vor.u32 v12, v10  }
0x298: {  	v12 =	vand.u32 $0x7F0, v14;
	v14 =	vxor.u32 s31, v1;
	v11 =	vand.u32 $0x7FFFFFFF, v11  }
0x299: {  	v9 =	vor.u32 v1, v12;
	v12 =	vmov s31;
	v16 =	vand.u32 $0x7FFFFFFF, v13  }
0x29a: {  	v13 =	vand.u32 $0x7F, v14;
	v14 =	vshll.u32 v12, $0x3;
	v12 =	vshrl.u32 v16, $0xE  }
0x29b: {  	v10 =	vor.u32 v2, v10;
	vm2 =	veq.s32 v12, v7;
	v12 =	vshrl.u32 v16, $0x3  }
0x29c: {  	v16 =	vshrl.u32 v11, $0xE;
	v11 =	vshrl.u32 v11, $0x3;
	v17 =	vand.u32 $0x7F0, v12  }
0x29d: {  	s21 =	simm.s32 $0x5;
	s20 =	simm.s32 $0x8;
	v12 =	vld.idx.msk [tilespmem:v15+s3+$0x0], $0xffff;
	vm3 =	veq.s32 v16, v7;
	v15 =	vand.u32 $0x7F0, v11;
	v11 =	vor.u32 v1, v17  }
.LBB2_37:
0x29e: {  	p1 =	slt.u32 s20, $0x7FC;
	v16 =	vmov s21;
	v14 =	vand.u32 $0x3C00, v14;
	v15 =	vor.u32 v1, v15  }
0x29f: {  	v17 =	vxor.u32 s21, v1;
	v16 =	vshll.u32 v16, $0x3;
	v13 =	vor.u32 v13, v14;
	[tilespmem:v8+s12+$0x0] =	vst.idx.add.s32.msk vm0, v4  }
0x2a0: {  	v8 =	vand.u32 $0x7F, v17;
	v14 =	vand.u32 $0x3C00, v16;
	v13 =	vor.u32 v2, v13;
	v10 =	vld.idx.msk [tilespmem:v10+s3+$0x0], $0xffff  }
0x2a1: {  	v16 =	vmov s20;
	v8 =	vor.u32 v8, v14;
	[tilespmem:v9+s12+$0x0] =	vst.idx.add.s32.msk vm1, v4  }
0x2a2: {  	v9 =	vxor.u32 s20, v1;
	v14 =	vshll.u32 v16, $0x3;
	v16 =	vor.u32 v2, v8;
	[tilespmem:v11+s12+$0x0] =	vst.idx.add.s32.msk vm2, v4  }
0x2a3: {  	v8 =	vand.u32 $0x7F, v9;
	v9 =	vand.u32 $0x3C00, v14;
	v11 =	vand.u32 $0x7FFFFFFF, v12;
	[tilespmem:v15+s12+$0x0] =	vst.idx.add.s32.msk vm3, v4  }
0x2a4: {  	v8 =	vor.u32 v8, v9;
	v9 =	vshrl.u32 v11, $0x3  }
0x2a5: {  	s21 =	sadd.s32 $0x3, s20;
	v12 =	vor.u32 v2, v8;
	v8 =	vshrl.u32 v11, $0xE;
	v9 =	vand.u32 $0x7F0, v9;
	v11 =	vld.idx.msk [tilespmem:v13+s3+$0x0], $0xffff  }
0x2a6: {  	v13 =	vmov s21;
	vm0 =	veq.s32 v8, v7;
	v8 =	vor.u32 v1, v9  }
0x2a7: {  	v9 =	vxor.u32 s21, v1;
	v10 =	vand.u32 $0x7FFFFFFF, v10;
	v13 =	vshll.u32 v13, $0x3;
	v15 =	vld.idx.msk [tilespmem:v16+s3+$0x0], $0xffff  }
0x2a8: {  	v9 =	vand.u32 $0x7F, v9;
	v14 =	vshrl.u32 v10, $0x3;
	v13 =	vand.u32 $0x3C00, v13  }
0x2a9: {  	v14 =	vand.u32 $0x7F0, v14;
	v9 =	vor.u32 v9, v13;
	v13 =	vshrl.u32 v10, $0xE  }
0x2aa: {  	s21 =	sadd.s32 $0x2, s20;
	v10 =	vor.u32 v2, v9;
	vm1 =	veq.s32 v13, v7;
	v9 =	vor.u32 v1, v14  }
.Ltmp27:
0x2ab: {  	v14 =	vmov s21;
	v13 =	vxor.u32 s21, v1;
	v11 =	vand.u32 $0x7FFFFFFF, v11;
	(pc) =	sbr.rel @p1 .LBB2_37-.Ltmp27, $4  }
0x2ac: {  	v13 =	vand.u32 $0x7F, v13;
	v14 =	vshll.u32 v14, $0x3;
	v16 =	vshrl.u32 v11, $0xE  }
0x2ad: {  	v11 =	vshrl.u32 v11, $0x3;
	v15 =	vand.u32 $0x7FFFFFFF, v15;
	vm2 =	veq.s32 v16, v7  }
0x2ae: {  	v11 =	vand.u32 $0x7F0, v11;
	v16 =	vshrl.u32 v15, $0xE;
	v15 =	vshrl.u32 v15, $0x3  }
0x2af: {  	s21 =	sadd.s32 $0x1, s20;
	s20 =	sadd.s32 $0x4, s20;
	v11 =	vor.u32 v1, v11;
	vm3 =	veq.s32 v16, v7;
	v15 =	vand.u32 $0x7F0, v15;
	v12 =	vld.idx.msk [tilespmem:v12+s3+$0x0], $0xffff  }
0x2b0: {  	v16 =	vmov s21;
	v14 =	vand.u32 $0x3C00, v14  }
0x2b1: {  	v17 =	vxor.u32 s21, v1;
	v16 =	vshll.u32 v16, $0x3;
	v13 =	vor.u32 v13, v14  }
0x2b2: {  	v14 =	vand.u32 $0x7F, v17;
	v16 =	vand.u32 $0x3C00, v16;
	v13 =	vor.u32 v2, v13  }
0x2b3: {  	v14 =	vor.u32 v14, v16  }
0x2b4: {  	v14 =	vor.u32 v2, v14  }
0x2b5: {  	v10 =	vld.idx.msk [tilespmem:v10+s3+$0x0], $0xffff;
	_ =	sdelay $0x1  }
0x2b6: {  	v13 =	vld.idx.msk [tilespmem:v13+s3+$0x0], $0xffff  }
0x2b7: {  	v12 =	vand.u32 $0x7FFFFFFF, v12  }
0x2b8: {  	v15 =	vor.u32 v1, v15;
	v16 =	vshrl.u32 v12, $0x3;
	v14 =	vld.idx.msk [tilespmem:v14+s3+$0x0], $0xffff  }
0x2b9: {  	v12 =	vshrl.u32 v12, $0xE;
	v10 =	vand.u32 $0x7FFFFFFF, v10;
	v16 =	vand.u32 $0x7F0, v16  }
0x2ba: {  	vm4 =	veq.s32 v12, v7;
	v12 =	vor.u32 v1, v16;
	v16 =	vshrl.u32 v10, $0x3  }
0x2bb: {  	v10 =	vshrl.u32 v10, $0xE;
	v16 =	vand.u32 $0x7F0, v16;
	v13 =	vand.u32 $0x7FFFFFFF, v13  }
0x2bc: {  	vm5 =	veq.s32 v10, v7;
	v10 =	vor.u32 v1, v16;
	v16 =	vshrl.u32 v13, $0xE  }
0x2bd: {  	v13 =	vshrl.u32 v13, $0x3;
	v14 =	vand.u32 $0x7FFFFFFF, v14;
	vm6 =	veq.s32 v16, v7  }
0x2be: {  	[tilespmem:v8+s12+$0x0] =	vst.idx.add.s32.msk vm0, v4;
	v13 =	vand.u32 $0x7F0, v13;
	v8 =	vshrl.u32 v14, $0xE;
	v14 =	vshrl.u32 v14, $0x3  }
0x2bf: {  	[tilespmem:v9+s12+$0x0] =	vst.idx.add.s32.msk vm1, v4;
	v9 =	vor.u32 v1, v13;
	vm0 =	veq.s32 v8, v7;
	v8 =	vand.u32 $0x7F0, v14  }
0x2c0: {  	[tilespmem:v11+s12+$0x0] =	vst.idx.add.s32.msk vm2, v4;
	v8 =	vor.u32 v1, v8  }
0x2c1: {  	[tilespmem:v15+s12+$0x0] =	vst.idx.add.s32.msk vm3, v4  }
0x2c2: {  	[tilespmem:v12+s12+$0x0] =	vst.idx.add.s32.msk vm4, v4  }
0x2c3: {  	[tilespmem:v10+s12+$0x0] =	vst.idx.add.s32.msk vm5, v4  }
0x2c4: {  	[tilespmem:v9+s12+$0x0] =	vst.idx.add.s32.msk vm6, v4  }
0x2c5: {  	s21 =	simm.s32 $0x187F0;
	[tilespmem:v8+s12+$0x0] =	vst.idx.add.s32.msk vm0, v4  }
0x2c6: {  	v8 =	vld [tilespmem:s21+$0x0]  }
0x2c7: {  	v9 =	vld [tilespmem:s21+$0xFFFFFFF0]  }
0x2c8: {  	v10 =	vld [tilespmem:s21+$0xFFFFFFE0];
	_ =	sdelay $0x1  }
0x2c9: {  	s20 =	simm.s32 $0x187B0;
	v12 =	vimm.s32 $0x0;
	v13 =	vld [tilespmem:s21+$0xFFFFFFD0]  }
0x2ca: {  	v5 =	vsub.s32 v6, v5;
	v6 =	vadd.s32 v12, v8;
	v8 =	vld [tilespmem:s20+$0x0]  }
0x2cb: {  	[tilespmem:s21+$0x0] =	vst v0;
	vm1 =	vlt.s32 v6, v5;
	v11 =	vadd.s32 v6, v9  }
0x2cc: {  	[tilespmem:s21+$0xFFFFFFE0] =	vst v0;
	v14 =	vsel vm1, $0x1, v0;
	vm0 =	vlt.s32 v11, v5;
	v9 =	vadd.s32 v11, v10  }
0x2cd: {  	[tilespmem:s21+$0xFFFFFFF0] =	vst v0;
	v10 =	vld [tilespmem:s20+$0xFFFFFFF0];
	v15 =	vadd.s32 v14, v12;
	v14 =	vsel vm1, v6, v12;
	v12 =	vsel vm0, $0x1, v0  }
0x2ce: {  	[tilespmem:s20+$0x0] =	vst v0;
	v6 =	vld [tilespmem:s20+$0xFFFFFFE0];
	vm1 =	vlt.s32 v9, v5;
	v13 =	vadd.s32 v9, v13;
	v15 =	vadd.s32 v12, v15  }
0x2cf: {  	s22 =	simm.s32 $0x4;
	s23 =	simm.s32 $0x18770;
	[tilespmem:s20+$0xFFFFFFE0] =	vst v0;
	v16 =	vsel vm1, $0x1, v0;
	vm2 =	vlt.s32 v13, v5;
	v12 =	vadd.s32 v13, v8;
	v8 =	vld [tilespmem:s20+$0xFFFFFFD0]  }
.LBB2_39:
0x2d0: {  	v17 =	vld [tilespmem:s23+$0x0];
	s22 =	sadd.s32 $0x4, s22;
	vm3 =	vlt.s32 v12, v5;
	v11 =	vsel vm0, v11, v14;
	[tilespmem:s21+$0xFFFFFFD0] =	vst v0;
	v14 =	vsel vm2, $0x1, v0;
	s21 =	smov.u32 s20;
	s20 =	smov.u32 s23  }
0x2d1: {  	v15 =	vadd.s32 v16, v15;
	[tilespmem:s23+$0x0] =	vst v0;
	p1 =	slt.u32 s22, $0x7C;
	v9 =	vsel vm1, v9, v11  }
.Ltmp28:
0x2d2: {  	v14 =	vadd.s32 v14, v15;
	v11 =	vadd.s32 v12, v10;
	v13 =	vsel vm2, v13, v9;
	(pc) =	sbr.rel @p1 .LBB2_39-.Ltmp28, $4  }
0x2d3: {  	v15 =	vsel vm3, $0x1, v0;
	vm0 =	vlt.s32 v11, v5;
	v9 =	vadd.s32 v11, v6  }
0x2d4: {  	v15 =	vadd.s32 v15, v14;
	v14 =	vsel vm3, v12, v13;
	v10 =	vld [tilespmem:s23+$0xFFFFFFF0];
	v12 =	vsel vm0, $0x1, v0  }
0x2d5: {  	vm1 =	vlt.s32 v9, v5;
	v13 =	vadd.s32 v9, v8;
	v6 =	vld [tilespmem:s23+$0xFFFFFFE0];
	[tilespmem:s21+$0xFFFFFFF0] =	vst v0;
	v15 =	vadd.s32 v12, v15  }
0x2d6: {  	v12 =	vadd.s32 v13, v17;
	s23 =	sadd.s32 $0xFFFFFFC0, s23;
	v16 =	vsel vm1, $0x1, v0;
	vm2 =	vlt.s32 v13, v5;
	[tilespmem:s20+$0xFFFFFFE0] =	vst v0;
	v8 =	vld [tilespmem:s20+$0xFFFFFFD0]  }
0x2d7: {  	s22 =	simm.s32 $0x0;
	v11 =	vsel vm0, v11, v14  }
0x2d8: {  	s23 =	simm.s32 $0x3;
	v14 =	vadd.s32 v16, v15;
	vm0 =	vlt.s32 v12, v5;
	v17 =	vmov s22  }
0x2d9: {  	v18 =	vxor.u32 s22, v1;
	v19 =	vmov s23;
	v20 =	vxor.u32 s23, v1  }
0x2da: {  	v9 =	vsel vm1, v9, v11;
	v11 =	vsel vm2, $0x1, v0;
	v10 =	vadd.s32 v12, v10  }
0x2db: {  	v11 =	vadd.s32 v11, v14;
	v14 =	vsel vm0, $0x1, v0;
	v9 =	vsel vm2, v13, v9  }
0x2dc: {  	vm1 =	vlt.s32 v10, v5;
	v11 =	vadd.s32 v14, v11;
	v9 =	vsel vm0, v12, v9  }
0x2dd: {  	v6 =	vadd.s32 v10, v6;
	v12 =	vshll.u32 v17, $0x3;
	v14 =	vand.u32 $0x7F, v18  }
0x2de: {  	v13 =	vsel vm1, $0x1, v0;
	vm0 =	vlt.s32 v6, v5;
	v8 =	vadd.s32 v6, v8  }
0x2df: {  	v12 =	vand.u32 $0x3C00, v12;
	v9 =	vsel vm1, v10, v9;
	v11 =	vadd.s32 v13, v11  }
0x2e0: {  	v13 =	vsel vm0, $0x1, v0;
	vm2 =	vlt.s32 v8, v5;
	v10 =	vor.u32 v14, v12  }
0x2e1: {  	v12 =	vsel vm2, $0x1, v0;
	v11 =	vadd.s32 v13, v11;
	v10 =	vor.u32 v2, v10  }
0x2e2: {  	v6 =	vsel vm0, v6, v9;
	v9 =	vadd.s32 v12, v11;
	v11 =	vshll.u32 v19, $0x3  }
0x2e3: {  	[tilespmem:s21+$0xFFFFFFD0] =	vst v0;
	s28 =	simm.s32 $0x1;
	v8 =	vsel vm2, v8, v6;
	v6 =	vand.u32 $0x7F, v20;
	v11 =	vand.u32 $0x3C00, v11  }
0x2e4: {  	[tilespmem:s20+$0xFFFFFFF0] =	vst v0;
	v7 =	vshll.u32 v7, $0x7;
	s26 =	simm.s32 $0x2;
	v14 =	vxor.u32 s28, v1;
	v6 =	vor.u32 v6, v11  }
0x2e5: {  	[tilespmem:s20+$0xFFFFFFD0] =	vst v0;
	v13 =	vmov s28;
	v11 =	vmov s26;
	v6 =	vor.u32 v2, v6  }
0x2e6: {  	v12 =	vxor.u32 s26, v1;
	v13 =	vshll.u32 v13, $0x3;
	v11 =	vshll.u32 v11, $0x3;
	v10 =	vld.idx.msk [tilespmem:v10+s3+$0x0], $0xffff  }
0x2e7: {  	v9 =	vsub.s32 $0x7F, v9;
	v12 =	vand.u32 $0x7F, v12;
	v11 =	vand.u32 $0x3C00, v11  }
0x2e8: {  	s29 =	simm.s32 $0x4;
	v13 =	vand.u32 $0x3C00, v13;
	v11 =	vor.u32 v12, v11;
	v12 =	vand.u32 $0x7F, v14  }
0x2e9: {  	v14 =	vmov s29;
	v11 =	vor.u32 v2, v11;
	v12 =	vor.u32 v12, v13  }
0x2ea: {  	v14 =	vshll.u32 v14, $0x3;
	v12 =	vor.u32 v2, v12;
	v13 =	vld.idx.msk [tilespmem:v6+s3+$0x0], $0xffff;
	v6 =	vxor.u32 s29, v1  }
0x2eb: {  	v14 =	vand.u32 $0x3C00, v14;
	v15 =	vand.u32 $0x7F, v6;
	v10 =	vand.u32 $0x7FFFFFFF, v10  }
0x2ec: {  	v6 =	vor.u32 v7, v9;
	v7 =	vor.u32 v15, v14;
	v9 =	vshll.u32 v10, $0x4  }
0x2ed: {  	s30 =	simm.s32 $0x7;
	v15 =	vor.u32 v2, v7;
	v7 =	vshrl.u32 v10, $0x7;
	v9 =	vor.u32 v1, v9  }
0x2ee: {  	v11 =	vld.idx.msk [tilespmem:v11+s3+$0x0], $0xffff;
	v10 =	vmov s30;
	vm0 =	veq.s32 v7, v6;
	v7 =	vand.u32 $0x7FF, v9  }
0x2ef: {  	v9 =	vxor.u32 s30, v1;
	v10 =	vshll.u32 v10, $0x3;
	v13 =	vand.u32 $0x7FFFFFFF, v13  }
0x2f0: {  	v12 =	vld.idx.msk [tilespmem:v12+s3+$0x0], $0xffff;
	v9 =	vand.u32 $0x7F, v9;
	v10 =	vand.u32 $0x3C00, v10;
	v14 =	vshll.u32 v13, $0x4  }
0x2f1: {  	s31 =	simm.s32 $0x6;
	v9 =	vor.u32 v9, v10;
	v13 =	vshrl.u32 v13, $0x7;
	v14 =	vor.u32 v1, v14  }
0x2f2: {  	v10 =	vor.u32 v2, v9;
	vm1 =	veq.s32 v13, v6;
	v13 =	vxor.u32 s31, v1  }
0x2f3: {  	v9 =	vand.u32 $0x7FF, v14;
	v14 =	vmov s31;
	v11 =	vand.u32 $0x7FFFFFFF, v11  }
0x2f4: {  	v13 =	vand.u32 $0x7F, v13;
	v14 =	vshll.u32 v14, $0x3;
	v16 =	vshrl.u32 v11, $0x7  }
0x2f5: {  	v12 =	vand.u32 $0x7FFFFFFF, v12;
	v11 =	vshll.u32 v11, $0x4;
	vm2 =	veq.s32 v16, v6  }
0x2f6: {  	v16 =	vshrl.u32 v12, $0x7;
	v17 =	vshll.u32 v12, $0x4;
	v11 =	vor.u32 v1, v11  }
0x2f7: {  	s21 =	simm.s32 $0x5;
	s20 =	simm.s32 $0x8;
	v12 =	vld.idx.msk [tilespmem:v15+s3+$0x0], $0xffff;
	vm3 =	veq.s32 v16, v6;
	v15 =	vor.u32 v1, v17;
	v11 =	vand.u32 $0x7FF, v11  }
.LBB2_41:
0x2f8: {  	p1 =	slt.u32 s20, $0x7FC;
	v16 =	vmov s21;
	v14 =	vand.u32 $0x3C00, v14;
	v15 =	vand.u32 $0x7FF, v15  }
0x2f9: {  	v17 =	vxor.u32 s21, v1;
	v16 =	vshll.u32 v16, $0x3;
	v13 =	vor.u32 v13, v14;
	[tilespmem:v7+s12+$0x0] =	vst.idx.add.s32.msk vm0, v4  }
0x2fa: {  	v7 =	vand.u32 $0x7F, v17;
	v14 =	vand.u32 $0x3C00, v16;
	v13 =	vor.u32 v2, v13;
	v10 =	vld.idx.msk [tilespmem:v10+s3+$0x0], $0xffff  }
0x2fb: {  	v16 =	vmov s20;
	v7 =	vor.u32 v7, v14;
	[tilespmem:v9+s12+$0x0] =	vst.idx.add.s32.msk vm1, v4  }
0x2fc: {  	v9 =	vxor.u32 s20, v1;
	v14 =	vshll.u32 v16, $0x3;
	v16 =	vor.u32 v2, v7;
	[tilespmem:v11+s12+$0x0] =	vst.idx.add.s32.msk vm2, v4  }
0x2fd: {  	v7 =	vand.u32 $0x7F, v9;
	v9 =	vand.u32 $0x3C00, v14;
	v11 =	vand.u32 $0x7FFFFFFF, v12;
	[tilespmem:v15+s12+$0x0] =	vst.idx.add.s32.msk vm3, v4  }
0x2fe: {  	v7 =	vor.u32 v7, v9;
	v9 =	vshll.u32 v11, $0x4  }
0x2ff: {  	s21 =	sadd.s32 $0x3, s20;
	v12 =	vor.u32 v2, v7;
	v7 =	vshrl.u32 v11, $0x7;
	v9 =	vor.u32 v1, v9;
	v11 =	vld.idx.msk [tilespmem:v13+s3+$0x0], $0xffff  }
0x300: {  	v13 =	vmov s21;
	vm0 =	veq.s32 v7, v6;
	v7 =	vand.u32 $0x7FF, v9  }
0x301: {  	v9 =	vxor.u32 s21, v1;
	v10 =	vand.u32 $0x7FFFFFFF, v10;
	v13 =	vshll.u32 v13, $0x3;
	v15 =	vld.idx.msk [tilespmem:v16+s3+$0x0], $0xffff  }
0x302: {  	v9 =	vand.u32 $0x7F, v9;
	v14 =	vshll.u32 v10, $0x4;
	v13 =	vand.u32 $0x3C00, v13  }
0x303: {  	v14 =	vor.u32 v1, v14;
	v9 =	vor.u32 v9, v13;
	v13 =	vshrl.u32 v10, $0x7  }
0x304: {  	s21 =	sadd.s32 $0x2, s20;
	v10 =	vor.u32 v2, v9;
	vm1 =	veq.s32 v13, v6;
	v9 =	vand.u32 $0x7FF, v14  }
.Ltmp29:
0x305: {  	v14 =	vmov s21;
	v13 =	vxor.u32 s21, v1;
	v11 =	vand.u32 $0x7FFFFFFF, v11;
	(pc) =	sbr.rel @p1 .LBB2_41-.Ltmp29, $4  }
0x306: {  	v13 =	vand.u32 $0x7F, v13;
	v14 =	vshll.u32 v14, $0x3;
	v16 =	vshrl.u32 v11, $0x7  }
0x307: {  	v11 =	vshll.u32 v11, $0x4;
	v15 =	vand.u32 $0x7FFFFFFF, v15;
	vm2 =	veq.s32 v16, v6  }
0x308: {  	v11 =	vor.u32 v1, v11;
	v16 =	vshrl.u32 v15, $0x7;
	v15 =	vshll.u32 v15, $0x4  }
0x309: {  	s21 =	sadd.s32 $0x1, s20;
	s20 =	sadd.s32 $0x4, s20;
	v11 =	vand.u32 $0x7FF, v11;
	vm3 =	veq.s32 v16, v6;
	v15 =	vor.u32 v1, v15;
	v12 =	vld.idx.msk [tilespmem:v12+s3+$0x0], $0xffff  }
0x30a: {  	v16 =	vmov s21;
	v14 =	vand.u32 $0x3C00, v14  }
0x30b: {  	v17 =	vxor.u32 s21, v1;
	v16 =	vshll.u32 v16, $0x3;
	v13 =	vor.u32 v13, v14  }
0x30c: {  	v57 =	vand.u32 $0x7F, v17;
	v16 =	vand.u32 $0x3C00, v16;
	v13 =	vor.u32 v2, v13  }
0x30d: {  	v14 =	vor.u32 v57, v16  }
0x30e: {  	v14 =	vor.u32 v2, v14  }
0x30f: {  	v10 =	vld.idx.msk [tilespmem:v10+s3+$0x0], $0xffff;
	_ =	sdelay $0x1  }
0x310: {  	v13 =	vld.idx.msk [tilespmem:v13+s3+$0x0], $0xffff  }
0x311: {  	v12 =	vand.u32 $0x7FFFFFFF, v12  }
0x312: {  	v15 =	vand.u32 $0x7FF, v15;
	v58 =	vshll.u32 v12, $0x4;
	v14 =	vld.idx.msk [tilespmem:v14+s3+$0x0], $0xffff  }
0x313: {  	v12 =	vshrl.u32 v12, $0x7;
	v10 =	vand.u32 $0x7FFFFFFF, v10;
	v16 =	vor.u32 v1, v58  }
0x314: {  	vm4 =	veq.s32 v12, v6;
	v60 =	vshll.u32 v10, $0x4;
	v10 =	vshrl.u32 v10, $0x7  }
0x315: {  	v59 =	vand.u32 $0x7FF, v16;
	v16 =	vor.u32 v1, v60;
	v13 =	vand.u32 $0x7FFFFFFF, v13  }
0x316: {  	vm5 =	veq.s32 v10, v6;
	v10 =	vand.u32 $0x7FF, v16;
	v61 =	vshrl.u32 v13, $0x7  }
0x317: {  	v13 =	vshll.u32 v13, $0x4;
	v14 =	vand.u32 $0x7FFFFFFF, v14;
	vm6 =	veq.s32 v61, v6  }
0x318: {  	[tilespmem:v7+s12+$0x0] =	vst.idx.add.s32.msk vm0, v4;
	v13 =	vor.u32 v1, v13;
	v7 =	vshrl.u32 v14, $0x7;
	v14 =	vshll.u32 v14, $0x4  }
0x319: {  	[tilespmem:v9+s12+$0x0] =	vst.idx.add.s32.msk vm1, v4;
	v9 =	vand.u32 $0x7FF, v13;
	vm0 =	veq.s32 v7, v6;
	v7 =	vor.u32 v1, v14  }
0x31a: {  	[tilespmem:v11+s12+$0x0] =	vst.idx.add.s32.msk vm2, v4;
	v7 =	vand.u32 $0x7FF, v7  }
0x31b: {  	[tilespmem:v15+s12+$0x0] =	vst.idx.add.s32.msk vm3, v4  }
0x31c: {  	[tilespmem:v59+s12+$0x0] =	vst.idx.add.s32.msk vm4, v4  }
0x31d: {  	[tilespmem:v10+s12+$0x0] =	vst.idx.add.s32.msk vm5, v4  }
0x31e: {  	[tilespmem:v9+s12+$0x0] =	vst.idx.add.s32.msk vm6, v4  }
0x31f: {  	s20 =	simm.s32 $0x187F0;
	[tilespmem:v7+s12+$0x0] =	vst.idx.add.s32.msk vm0, v4  }
0x320: {  	v7 =	vld [tilespmem:s20+$0x0];
	_ =	sdelay $0x1  }
0x321: {  	v9 =	vld [tilespmem:s20+$0xFFFFFFF0]  }
0x322: {  	v10 =	vld [tilespmem:s20+$0xFFFFFFE0]  }
0x323: {  	v11 =	vimm.s32 $0x0;
	v12 =	vld [tilespmem:s20+$0xFFFFFFD0]  }
0x324: {  	s21 =	simm.s32 $0x187B0;
	v5 =	vsub.s32 v5, v8;
	v7 =	vadd.s32 v11, v7  }
0x325: {  	[tilespmem:s20+$0x0] =	vst v0;
	v62 =	vld [tilespmem:s21+$0x0];
	vm0 =	vlt.s32 v7, v5  }
0x326: {  	[tilespmem:s20+$0xFFFFFFE0] =	vst v0;
	v7 =	vadd.s32 v7, v9;
	v8 =	vsel vm0, $0x1, v0  }
0x327: {  	[tilespmem:s20+$0xFFFFFFD0] =	vst v0;
	vm0 =	vlt.s32 v7, v5;
	v9 =	vadd.s32 v7, v10;
	v10 =	vadd.s32 v8, v11  }
0x328: {  	[tilespmem:s21+$0x0] =	vst v0;
	v11 =	vsel vm0, $0x1, v0;
	vm0 =	vlt.s32 v9, v5;
	v12 =	vadd.s32 v9, v12;
	v9 =	vld [tilespmem:s21+$0xFFFFFFF0]  }
0x329: {  	v7 =	vld [tilespmem:s21+$0xFFFFFFE0];
	[tilespmem:s21+$0xFFFFFFE0] =	vst v0;
	v11 =	vadd.s32 v11, v10;
	v63 =	vsel vm0, $0x1, v0  }
0x32a: {  	s22 =	simm.s32 $0x4;
	s23 =	simm.s32 $0x18770;
	v8 =	vld [tilespmem:s21+$0xFFFFFFD0];
	[tilespmem:s21+$0xFFFFFFD0] =	vst v0;
	v10 =	vadd.s32 v12, v62;
	vm0 =	vlt.s32 v12, v5;
	v11 =	vadd.s32 v63, v11  }
.LBB2_43:
0x32b: {  	s22 =	sadd.s32 $0x4, s22  }
0x32c: {  	v12 =	vld [tilespmem:s23+$0x0];
	[tilespmem:s20+$0xFFFFFFF0] =	vst v0;
	v13 =	vsel vm0, $0x1, v0;
	s20 =	smov.u32 s21;
	s21 =	smov.u32 s23;
	p1 =	slt.u32 s22, $0x7C  }
.Ltmp30:
0x32d: {  	vm0 =	vlt.s32 v10, v5;
	[tilespmem:s23+$0x0] =	vst v0;
	v10 =	vadd.s32 v10, v9;
	v11 =	vadd.s32 v13, v11;
	(pc) =	sbr.rel @p1 .LBB2_43-.Ltmp30, $4  }
0x32e: {  	v13 =	vsel vm0, $0x1, v0;
	v9 =	vld [tilespmem:s23+$0xFFFFFFF0];
	vm0 =	vlt.s32 v10, v5;
	v10 =	vadd.s32 v10, v7  }
0x32f: {  	v11 =	vadd.s32 v13, v11;
	v7 =	vld [tilespmem:s23+$0xFFFFFFE0];
	v13 =	vsel vm0, $0x1, v0;
	vm0 =	vlt.s32 v10, v5  }
0x330: {  	v14 =	vadd.s32 v10, v8;
	[tilespmem:s23+$0xFFFFFFE0] =	vst v0;
	v11 =	vadd.s32 v13, v11;
	v13 =	vsel vm0, $0x1, v0;
	v8 =	vld [tilespmem:s23+$0xFFFFFFD0]  }
0x331: {  	s23 =	sadd.s32 $0xFFFFFFC0, s23;
	vm0 =	vlt.s32 v14, v5;
	v10 =	vadd.s32 v14, v12;
	[tilespmem:s21+$0xFFFFFFD0] =	vst v0;
	v11 =	vadd.s32 v13, v11  }
0x332: {  	v12 =	vsel vm0, $0x1, v0;
	vm12 =	vlt.s32 v10, v5  }
0x333: {  	v9 =	vadd.s32 v10, v9;
	v10 =	vadd.s32 v12, v11;
	v11 =	vsel vm12, $0x1, v0  }
0x334: {  	vm13 =	vlt.s32 v9, v5;
	v7 =	vadd.s32 v9, v7;
	v9 =	vadd.s32 v11, v10  }
0x335: {  	v10 =	vsel vm13, $0x1, v0;
	vm14 =	vlt.s32 v7, v5;
	v7 =	vadd.s32 v7, v8  }
0x336: {  	v8 =	vadd.s32 v10, v9;
	v9 =	vsel vm14, $0x1, v0;
	vm15 =	vlt.s32 v7, v5  }
0x337: {  	v5 =	vadd.s32 v9, v8;
	v7 =	vsel vm15, $0x1, v0  }
0x338: {  	v5 =	vadd.s32 v7, v5  }
0x339: {  	[tilespmem:s20+$0xFFFFFFF0] =	vst v0;
	v6 =	vshll.u32 v6, $0x7;
	v5 =	vsub.s32 $0x7F, v5  }
0x33a: {  	[tilespmem:s21+$0xFFFFFFF0] =	vst v0;
	v8 =	vor.u32 v6, v5  }
0x33b: {  	[tilespmem:$0x1FF00] =	vst v8  }
.LBB2_45:
0x33c: {  	s20 =	simm.s32 $0x0  }
0x33d: {  	s21 =	simm.s32 $0x1;
	s22 =	simm.s32 $0x4;
	s28 =	simm.s32 $0x6;
	v5 =	vxor.u32 s20, v1;
	v6 =	vmov s20  }
0x33e: {  	s23 =	simm.s32 $0x7;
	v7 =	vmov s21;
	v9 =	vmov s22;
	v10 =	vmov s28  }
0x33f: {  	s31 =	simm.s32 $0x5;
	v11 =	vxor.u32 s23, v1;
	v12 =	vxor.u32 s28, v1;
	v13 =	vmov s23  }
0x340: {  	s30 =	simm.s32 $0x3;
	s24 =	simm.s32 $0xC;
	s25 =	simm.s32 $0xD;
	v14 =	vxor.u32 s22, v1;
	v15 =	vxor.u32 s21, v1;
	v16 =	vxor.u32 s31, v1  }
0x341: {  	s26 =	simm.s32 $0xE;
	v18 =	vxor.u32 s30, v1;
	v23 =	vmov s24;
	v24 =	vmov s25  }
0x342: {  	v27 =	vmov s26;
	v29 =	vxor.u32 s26, v1;
	v32 =	vxor.u32 s25, v1  }
0x343: {  	v54 =	vxor.u32 s24, v1;
	v6 =	vshll.u32 v6, $0x3;
	v7 =	vshll.u32 v7, $0x3  }
0x344: {  	v9 =	vshll.u32 v9, $0x3;
	v5 =	vand.u32 $0x7F, v5;
	v11 =	vand.u32 $0x7F, v11  }
0x345: {  	s28 =	simm.s32 $0x9;
	v12 =	vand.u32 $0x7F, v12;
	v10 =	vshll.u32 v10, $0x3;
	v13 =	vshll.u32 v13, $0x3  }
0x346: {  	s23 =	simm.s32 $0x8;
	v15 =	vand.u32 $0x7F, v15;
	v16 =	vand.u32 $0x7F, v16;
	v20 =	vmov s28  }
0x347: {  	v26 =	vmov s23;
	v23 =	vshll.u32 v23, $0x3;
	v24 =	vshll.u32 v24, $0x3  }
0x348: {  	v51 =	vand.u32 $0x7F, v29;
	v27 =	vshll.u32 v27, $0x3;
	v32 =	vand.u32 $0x7F, v32  }
0x349: {  	v56 =	vxor.u32 s28, v1;
	v6 =	vand.u32 $0x3C00, v6;
	v7 =	vand.u32 $0x3C00, v7  }
0x34a: {  	v9 =	vand.u32 $0x3C00, v9;
	v5 =	vor.u32 v5, v6;
	v6 =	vand.u32 $0x3C00, v10  }
0x34b: {  	v7 =	vor.u32 v15, v7;
	v10 =	vand.u32 $0x3C00, v13;
	v13 =	vmov s31  }
0x34c: {  	_ =	swait.ge [sflag:s14], $0x8000;
	s29 =	simm.s32 $0x2;
	v5 =	vor.u32 v2, v5;
	v6 =	vor.u32 v12, v6;
	v7 =	vor.u32 v2, v7  }
0x34d: {  	[sflag:s14] =	ssyncset.done $0x0;
	v12 =	vand.u32 $0x7F, v14;
	v10 =	vor.u32 v11, v10;
	v11 =	vmov s29  }
0x34e: {  	s20 =	simm.s32 @!p0 $0x3;
	[sflag:s14] =	ssyncadd.s32 $0xFFFF8000;
	v13 =	vshll.u32 v13, $0x3;
	v14 =	vxor.u32 s29, v1;
	v6 =	vor.u32 v2, v6  }
0x34f: {  	_ =	swait.ge @!p0 [sflag:s20], $0x8000;
	v9 =	vor.u32 v12, v9;
	v12 =	vor.u32 v2, v10;
	v10 =	vmov s30  }
0x350: {  	[sflag:s20] =	ssyncset.done @!p0 $0x0;
	v11 =	vshll.u32 v11, $0x3;
	v14 =	vand.u32 $0x7F, v14;
	v13 =	vand.u32 $0x3C00, v13  }
0x351: {  	[sflag:s20] =	ssyncadd.s32 @!p0 $0xFFFF8000;
	v9 =	vor.u32 v2, v9;
	v11 =	vand.u32 $0x3C00, v11;
	v10 =	vshll.u32 v10, $0x3  }
0x352: {  	v11 =	vor.u32 v14, v11;
	v10 =	vand.u32 $0x3C00, v10;
	v14 =	vand.u32 $0x7F, v18;
	v15 =	vld.idx.msk [tilespmem:v5+s3+$0x0], $0xffff  }
0x353: {  	v20 =	vshll.u32 v20, $0x3;
	v13 =	vor.u32 v16, v13;
	v10 =	vor.u32 v14, v10;
	v17 =	vld.idx.msk [tilespmem:v7+s3+$0x0], $0xffff  }
0x354: {  	v23 =	vand.u32 $0x3C00, v23;
	v16 =	vor.u32 v2, v10;
	v10 =	vor.u32 v2, v13;
	v19 =	vld.idx.msk [tilespmem:v6+s3+$0x0], $0xffff  }
0x355: {  	v24 =	vand.u32 $0x3C00, v24;
	s31 =	simm.s32 $0xF;
	v20 =	vand.u32 $0x3C00, v20;
	v11 =	vor.u32 v2, v11  }
0x356: {  	v24 =	vor.u32 v32, v24;
	s29 =	simm.s32 $0xA;
	v28 =	vxor.u32 s31, v1;
	v30 =	vmov s31;
	v18 =	vld.idx.msk [tilespmem:v12+s3+$0x0], $0xffff  }
0x357: {  	s30 =	simm.s32 $0xB;
	v21 =	vmov s29;
	v28 =	vand.u32 $0x7F, v28;
	v31 =	vxor.u32 s29, v1;
	v14 =	vld.idx.msk [tilespmem:v9+s3+$0x0], $0xffff  }
0x358: {  	v55 =	vshll.u32 v30, $0x3;
	v22 =	vmov s30;
	v13 =	vand.u32 $0x7FFFFFFF, v15  }
0x359: {  	v15 =	vand.u32 $0x7FFFFFFF, v17;
	v25 =	vld.idx.msk [tilespmem:v10+s3+$0x0], $0xffff;
	vm0 =	vgt.s32 v8, v13;
	v13 =	vand.u32 $0x7FFFFFFF, v19  }
0x35a: {  	vm1 =	vgt.s32 v8, v15;
	v19 =	vld.idx.msk [tilespmem:v11+s3+$0x0], $0xffff;
	v15 =	vsel vm0, $0x0, v3;
	vm0 =	vgt.s32 v8, v13  }
0x35b: {  	v33 =	vxor.u32 s30, v1;
	v18 =	vand.u32 $0x7FFFFFFF, v18;
	v13 =	vsel vm0, $0x0, v3;
	[tilespmem:v5+s11+$0x0] =	vst.idx.msk $0xffff, v15  }
0x35c: {  	v17 =	vsel vm1, $0x0, v3;
	v14 =	vand.u32 $0x7FFFFFFF, v14;
	vm1 =	vgt.s32 v8, v18;
	[tilespmem:v6+s11+$0x0] =	vst.idx.msk $0xffff, v13;
	v13 =	vld.idx.msk [tilespmem:v16+s3+$0x0], $0xffff  }
0x35d: {  	v18 =	vxor.u32 s23, v1;
	vm0 =	vgt.s32 v8, v14;
	v14 =	vsel vm1, $0x0, v3;
	[tilespmem:v7+s11+$0x0] =	vst.idx.msk $0xffff, v17;
	v58 =	vld.idx.msk [tilespmem:v5+s10+$0x0], $0xffff  }
0x35e: {  	v18 =	vand.u32 $0x7F, v18;
	v17 =	vand.u32 $0x7F, v33;
	v57 =	vsel vm0, $0x0, v3;
	v7 =	vld.idx.msk [tilespmem:v7+s10+$0x0], $0xffff  }
0x35f: {  	[tilespmem:v12+s11+$0x0] =	vst.idx.msk $0xffff, v14;
	v14 =	vshll.u32 v21, $0x3;
	v25 =	vand.u32 $0x7FFFFFFF, v25;
	v53 =	vld.idx.msk [tilespmem:v6+s10+$0x0], $0xffff;
	v19 =	vand.u32 $0x7FFFFFFF, v19  }
0x360: {  	v6 =	vand.u32 $0x3C00, v27;
	v12 =	vld.idx.msk [tilespmem:v12+s10+$0x0], $0xffff;
	[tilespmem:v9+s11+$0x0] =	vst.idx.msk $0xffff, v57;
	v14 =	vand.u32 $0x3C00, v14;
	vm1 =	vgt.s32 v8, v19  }
0x361: {  	v6 =	vor.u32 v51, v6;
	v21 =	vld.idx.msk [tilespmem:v9+s10+$0x0], $0xffff;
	v9 =	vand.u32 $0x7F, v54;
	v50 =	vsel vm1, $0x0, v3  }
0x362: {  	v19 =	vshll.u32 v26, $0x3;
	v9 =	vor.u32 v9, v23;
	vm1 =	vgt.s32 v8, v25;
	[tilespmem:v11+s11+$0x0] =	vst.idx.msk $0xffff, v50  }
0x363: {  	v19 =	vand.u32 $0x3C00, v19;
	v25 =	vand.u32 $0x7F, v56;
	v52 =	vsel vm1, $0x0, v3;
	v11 =	vld.idx.msk [tilespmem:v11+s10+$0x0], $0xffff  }
0x364: {  	v9 =	vor.u32 v2, v9;
	v13 =	vand.u32 $0x7FFFFFFF, v13;
	v5 =	vor.u32 v18, v19;
	[tilespmem:v10+s11+$0x0] =	vst.idx.msk $0xffff, v52  }
0x365: {  	v18 =	vor.u32 v25, v20;
	vm0 =	vgt.s32 v8, v13;
	v15 =	vld.idx.msk [tilespmem:v10+s10+$0x0], $0xffff;
	v10 =	vshll.u32 v22, $0x3  }
0x366: {  	v59 =	vand.u32 $0x3C00, v10;
	v10 =	vor.u32 v2, v6;
	v6 =	vor.u32 v2, v5  }
0x367: {  	v19 =	vshrl.u32 v58, $0x11;
	v60 =	vsel vm0, $0x0, v3;
	v5 =	vor.u32 v2, v18  }
0x368: {  	v7 =	vshrl.u32 v7, $0x11;
	v19 =	vand.u32 $0x3FF0, v19;
	[tilespmem:v16+s11+$0x0] =	vst.idx.msk $0xffff, v60;
	v11 =	vshrl.u32 v11, $0x11  }
0x369: {  	v7 =	vand.u32 $0x3FF0, v7;
	v22 =	vand.u32 $0x3C00, v55;
	v16 =	vld.idx.msk [tilespmem:v16+s10+$0x0], $0xffff;
	v11 =	vand.u32 $0x3FF0, v11  }
0x36a: {  	v12 =	vshrl.u32 v12, $0x11;
	v20 =	vor.u32 v1, v11;
	v11 =	vor.u32 v28, v22  }
0x36b: {  	v19 =	vor.u32 v1, v19;
	v18 =	vand.u32 $0x7F, v31;
	v22 =	vld.idx.msk [tilespmem:v6+s3+$0x0], $0xffff;
	v11 =	vor.u32 v2, v11  }
0x36c: {  	v17 =	vor.u32 v17, v59;
	v14 =	vor.u32 v18, v14;
	v18 =	vor.u32 v1, v7;
	v23 =	vld.idx.msk [tilespmem:v5+s3+$0x0], $0xffff  }
0x36d: {  	v7 =	vor.u32 v2, v17;
	v13 =	vshrl.u32 v15, $0x11;
	v15 =	vshrl.u32 v53, $0x11  }
0x36e: {  	v17 =	vshrl.u32 v21, $0x11;
	v61 =	vld.idx.msk [tilespmem:v10+s3+$0x0], $0xffff;
	v15 =	vand.u32 $0x3FF0, v15;
	v16 =	vshrl.u32 v16, $0x11  }
0x36f: {  	[tilespmem:v20+s12+$0x0] =	vst.idx.add.s32.msk $0xffff, v4;
	v20 =	vand.u32 $0x3FF0, v13;
	v13 =	vor.u32 v2, v14;
	v14 =	vand.u32 $0x3FF0, v12  }
0x370: {  	v16 =	vand.u32 $0x3FF0, v16;
	v22 =	vand.u32 $0x7FFFFFFF, v22;
	v21 =	vld.idx.msk [tilespmem:v11+s3+$0x0], $0xffff;
	v62 =	vor.u32 v1, v14  }
0x371: {  	v63 =	vld.idx.msk [tilespmem:v9+s3+$0x0], $0xffff;
	v14 =	vand.u32 $0x3FF0, v17;
	v17 =	vand.u32 $0x7FFFFFFF, v23;
	v23 =	vor.u32 v1, v15  }
0x372: {  	[tilespmem:v19+s12+$0x0] =	vst.idx.add.s32.msk $0xffff, v4;
	v16 =	vor.u32 v1, v16;
	vm0 =	vgt.s32 v8, v22  }
0x373: {  	[tilespmem:v18+s12+$0x0] =	vst.idx.add.s32.msk $0xffff, v4;
	v12 =	vor.u32 v2, v24;
	vm1 =	vgt.s32 v8, v17;
	v19 =	vsel vm0, $0x0, v3  }
0x374: {  	v17 =	vand.u32 $0x7FFFFFFF, v61;
	v14 =	vor.u32 v1, v14;
	v15 =	vsel vm1, $0x0, v3;
	[tilespmem:v6+s11+$0x0] =	vst.idx.msk $0xffff, v19;
	v18 =	vld.idx.msk [tilespmem:v13+s3+$0x0], $0xffff  }
0x375: {  	vm0 =	vgt.s32 v8, v17;
	v17 =	vor.u32 v1, v20;
	v21 =	vand.u32 $0x7FFFFFFF, v21;
	[tilespmem:v62+s12+$0x0] =	vst.idx.add.s32.msk $0xffff, v4  }
0x376: {  	s20 =	simm.s32 $0x10;
	v20 =	vand.u32 $0x7FFFFFFF, v63;
	v19 =	vsel vm0, $0x0, v3;
	[tilespmem:v23+s12+$0x0] =	vst.idx.add.s32.msk $0xffff, v4;
	vm1 =	vgt.s32 v8, v21  }
.LBB2_46:
0x377: {  	s21 =	sadd.s32 $0x1, s20  }
0x378: {  	v21 =	vxor.u32 s20, v1;
	s22 =	sadd.s32 $0x2, s20;
	s23 =	sadd.s32 $0x3, s20;
	vm0 =	vgt.s32 v8, v20;
	v20 =	vld.idx.msk [tilespmem:v12+s3+$0x0], $0xffff;
	[tilespmem:v10+s11+$0x0] =	vst.idx.msk $0xffff, v19;
	v19 =	vsel vm1, $0x0, v3;
	s24 =	smov.u32 s20  }
0x379: {  	s25 =	sadd.s32 $0x4, s20;
	s26 =	sadd.s32 $0x5, s20;
	s28 =	sadd.s32 $0x7, s20;
	v22 =	vmov s21;
	v23 =	vmov s22;
	v24 =	vmov s23;
	[tilespmem:v11+s11+$0x0] =	vst.idx.msk $0xffff, v19  }
0x37a: {  	p0 =	slt.u32 s20, $0x7F8;
	s20 =	sadd.s32 $0x8, s20;
	v19 =	vmov s25;
	v25 =	vmov s26;
	s29 =	sadd.s32 $0x6, s24;
	v18 =	vand.u32 $0x7FFFFFFF, v18;
	[tilespmem:v17+s12+$0x0] =	vst.idx.add.s32.msk $0xffff, v4  }
0x37b: {  	v17 =	vmov s24;
	v26 =	vmov s29;
	vm1 =	vgt.s32 v8, v18;
	[tilespmem:v14+s12+$0x0] =	vst.idx.add.s32.msk $0xffff, v4  }
0x37c: {  	v14 =	vshll.u32 v17, $0x3;
	v17 =	vshll.u32 v22, $0x3;
	v18 =	vsel vm1, $0x0, v3;
	[tilespmem:v16+s12+$0x0] =	vst.idx.add.s32.msk $0xffff, v4  }
0x37d: {  	v14 =	vand.u32 $0x3C00, v14;
	v16 =	vshll.u32 v19, $0x3;
	v19 =	vxor.u32 s28, v1;
	[tilespmem:v13+s11+$0x0] =	vst.idx.msk $0xffff, v18  }
0x37e: {  	v17 =	vand.u32 $0x3C00, v17;
	v18 =	vand.u32 $0x7F, v21;
	v19 =	vand.u32 $0x7F, v19;
	[tilespmem:v5+s11+$0x0] =	vst.idx.msk $0xffff, v15;
	v15 =	vld.idx.msk [tilespmem:v10+s10+$0x0], $0xffff  }
0x37f: {  	v16 =	vand.u32 $0x3C00, v16;
	v20 =	vand.u32 $0x7FFFFFFF, v20;
	v10 =	vshll.u32 v25, $0x3  }
0x380: {  	v22 =	vmov s28;
	v21 =	vxor.u32 s29, v1;
	vm1 =	vgt.s32 v8, v20  }
0x381: {  	v20 =	vand.u32 $0x7F, v21;
	v10 =	vand.u32 $0x3C00, v10;
	v25 =	vsel vm1, $0x0, v3;
	v21 =	vld.idx.msk [tilespmem:v7+s3+$0x0], $0xffff  }
0x382: {  	v27 =	vxor.u32 s22, v1;
	v28 =	vxor.u32 s26, v1;
	v26 =	vshll.u32 v26, $0x3;
	[tilespmem:v12+s11+$0x0] =	vst.idx.msk $0xffff, v25  }
0x383: {  	v29 =	vxor.u32 s25, v1;
	v22 =	vshll.u32 v22, $0x3;
	v25 =	vxor.u32 s23, v1;
	v12 =	vld.idx.msk [tilespmem:v12+s10+$0x0], $0xffff  }
0x384: {  	v30 =	vxor.u32 s21, v1;
	v28 =	vand.u32 $0x7F, v28;
	v26 =	vand.u32 $0x3C00, v26;
	v13 =	vld.idx.msk [tilespmem:v13+s10+$0x0], $0xffff  }
0x385: {  	v31 =	vsel vm0, $0x0, v3;
	v24 =	vshll.u32 v24, $0x3;
	v22 =	vand.u32 $0x3C00, v22  }
0x386: {  	v30 =	vand.u32 $0x7F, v30;
	v28 =	vor.u32 v28, v10;
	v10 =	vor.u32 v20, v26;
	v20 =	vld.idx.msk [tilespmem:v6+s10+$0x0], $0xffff  }
0x387: {  	v24 =	vand.u32 $0x3C00, v24;
	v10 =	vor.u32 v2, v10;
	v21 =	vand.u32 $0x7FFFFFFF, v21  }
0x388: {  	v6 =	vor.u32 v18, v14;
	v14 =	vor.u32 v30, v17;
	v17 =	vand.u32 $0x7F, v25  }
0x389: {  	v6 =	vor.u32 v2, v6;
	vm0 =	vgt.s32 v8, v21;
	v18 =	vld.idx.msk [tilespmem:v5+s10+$0x0], $0xffff;
	v5 =	vor.u32 v2, v14  }
0x38a: {  	v12 =	vshrl.u32 v12, $0x11;
	v14 =	vor.u32 v17, v24;
	v13 =	vshrl.u32 v13, $0x11;
	v17 =	vld.idx.msk [tilespmem:v11+s10+$0x0], $0xffff  }
0x38b: {  	v15 =	vshrl.u32 v15, $0x11;
	v21 =	vshll.u32 v23, $0x3;
	v11 =	vand.u32 $0x3FF0, v13;
	[tilespmem:v9+s11+$0x0] =	vst.idx.msk $0xffff, v31  }
0x38c: {  	v13 =	vand.u32 $0x7F, v27;
	v20 =	vshrl.u32 v20, $0x11;
	v23 =	vor.u32 v1, v11;
	v24 =	vld.idx.msk [tilespmem:v9+s10+$0x0], $0xffff  }
0x38d: {  	v11 =	vor.u32 v19, v22;
	v9 =	vand.u32 $0x7F, v29;
	v19 =	vand.u32 $0x3FF0, v20  }
0x38e: {  	v11 =	vor.u32 v2, v11;
	v9 =	vor.u32 v9, v16;
	v16 =	vor.u32 v1, v19;
	v20 =	vld.idx.msk [tilespmem:v6+s3+$0x0], $0xffff  }
0x38f: {  	v22 =	vsel vm0, $0x0, v3;
	v9 =	vor.u32 v2, v9;
	v18 =	vshrl.u32 v18, $0x11;
	v19 =	vld.idx.msk [tilespmem:v5+s3+$0x0], $0xffff  }
0x390: {  	v21 =	vand.u32 $0x3C00, v21;
	v18 =	vand.u32 $0x3FF0, v18;
	v17 =	vshrl.u32 v17, $0x11;
	v25 =	vld.idx.msk [tilespmem:v10+s3+$0x0], $0xffff;
	[tilespmem:v7+s11+$0x0] =	vst.idx.msk $0xffff, v22  }
0x391: {  	v13 =	vor.u32 v13, v21;
	v21 =	vand.u32 $0x3FF0, v12;
	v18 =	vor.u32 v1, v18;
	[tilespmem:v23+s12+$0x0] =	vst.idx.add.s32.msk $0xffff, v4  }
0x392: {  	v13 =	vor.u32 v2, v13;
	v22 =	vld.idx.msk [tilespmem:v7+s10+$0x0], $0xffff;
	v7 =	vor.u32 v2, v14;
	v14 =	vand.u32 $0x3FF0, v17  }
0x393: {  	v15 =	vand.u32 $0x3FF0, v15;
	v12 =	vor.u32 v2, v28;
	v17 =	vshrl.u32 v24, $0x11;
	v23 =	vld.idx.msk [tilespmem:v11+s3+$0x0], $0xffff  }
0x394: {  	v20 =	vand.u32 $0x7FFFFFFF, v20;
	v17 =	vand.u32 $0x3FF0, v17;
	v26 =	vor.u32 v1, v14;
	v24 =	vld.idx.msk [tilespmem:v9+s3+$0x0], $0xffff  }
0x395: {  	v27 =	vor.u32 v1, v15;
	vm0 =	vgt.s32 v8, v20;
	v14 =	vand.u32 $0x7FFFFFFF, v19;
	[tilespmem:v16+s12+$0x0] =	vst.idx.add.s32.msk $0xffff, v4  }
.Ltmp31:
0x396: {  	v16 =	vsel vm0, $0x0, v3;
	vm0 =	vgt.s32 v8, v14;
	v14 =	vand.u32 $0x7FFFFFFF, v25;
	[tilespmem:v18+s12+$0x0] =	vst.idx.add.s32.msk $0xffff, v4;
	(pc) =	sbr.rel @p0 .LBB2_46-.Ltmp31, $4  }
0x397: {  	v15 =	vsel vm0, $0x0, v3;
	vm0 =	vgt.s32 v8, v14;
	v14 =	vor.u32 v1, v17;
	v18 =	vld.idx.msk [tilespmem:v13+s3+$0x0], $0xffff  }
0x398: {  	v17 =	vor.u32 v1, v21;
	v19 =	vsel vm0, $0x0, v3;
	[tilespmem:v6+s11+$0x0] =	vst.idx.msk $0xffff, v16;
	v16 =	vshrl.u32 v22, $0x11  }
0x399: {  	v21 =	vand.u32 $0x7FFFFFFF, v23;
	v16 =	vand.u32 $0x3FF0, v16;
	[tilespmem:v26+s12+$0x0] =	vst.idx.add.s32.msk $0xffff, v4  }
0x39a: {  	v20 =	vand.u32 $0x7FFFFFFF, v24;
	vm1 =	vgt.s32 v8, v21;
	v16 =	vor.u32 v1, v16;
	[tilespmem:v27+s12+$0x0] =	vst.idx.add.s32.msk $0xffff, v4  }
0x39b: {  	_ =	sdelay $0x3  }
0x39c: {  	v21 =	vld.idx.msk [tilespmem:v12+s3+$0x0], $0xffff;
	v18 =	vand.u32 $0x7FFFFFFF, v18  }
0x39d: {  	vm0 =	vgt.s32 v8, v18  }
0x39e: {  	v22 =	vld.idx.msk [tilespmem:v7+s3+$0x0], $0xffff;
	v18 =	vsel vm0, $0x0, v3  }
0x39f: {  	v6 =	vld.idx.msk [tilespmem:v6+s10+$0x0], $0xffff;
	[tilespmem:v13+s11+$0x0] =	vst.idx.msk $0xffff, v18  }
0x3a0: {  	[tilespmem:v5+s11+$0x0] =	vst.idx.msk $0xffff, v15;
	v13 =	vld.idx.msk [tilespmem:v13+s10+$0x0], $0xffff  }
0x3a1: {  	v15 =	vsel vm1, $0x0, v3;
	[tilespmem:v10+s11+$0x0] =	vst.idx.msk $0xffff, v19;
	v5 =	vld.idx.msk [tilespmem:v5+s10+$0x0], $0xffff;
	v62 =	vand.u32 $0x7FFFFFFF, v21  }
0x3a2: {  	[tilespmem:v11+s11+$0x0] =	vst.idx.msk $0xffff, v15;
	v10 =	vld.idx.msk [tilespmem:v10+s10+$0x0], $0xffff;
	vm0 =	vgt.s32 v8, v62  }
0x3a3: {  	vm1 =	vgt.s32 v8, v20;
	v11 =	vld.idx.msk [tilespmem:v11+s10+$0x0], $0xffff;
	v63 =	vand.u32 $0x7FFFFFFF, v22;
	v15 =	vsel vm0, $0x0, v3  }
0x3a4: {  	vm0 =	vgt.s32 v8, v63;
	[tilespmem:v12+s11+$0x0] =	vst.idx.msk $0xffff, v15;
	v15 =	vsel vm1, $0x0, v3  }
0x3a5: {  	v6 =	vshrl.u32 v6, $0x11;
	v8 =	vld.idx.msk [tilespmem:v12+s10+$0x0], $0xffff;
	[tilespmem:v9+s11+$0x0] =	vst.idx.msk $0xffff, v15;
	v12 =	vshrl.u32 v13, $0x11;
	v13 =	vsel vm0, $0x0, v3  }
0x3a6: {  	v6 =	vand.u32 $0x3FF0, v6;
	v5 =	vshrl.u32 v5, $0x11;
	v9 =	vld.idx.msk [tilespmem:v9+s10+$0x0], $0xffff;
	[tilespmem:v7+s11+$0x0] =	vst.idx.msk $0xffff, v13  }
0x3a7: {  	v10 =	vshrl.u32 v10, $0x11;
	v6 =	vor.u32 v1, v6;
	v5 =	vand.u32 $0x3FF0, v5;
	v7 =	vld.idx.msk [tilespmem:v7+s10+$0x0], $0xffff  }
0x3a8: {  	v11 =	vshrl.u32 v11, $0x11;
	v10 =	vand.u32 $0x3FF0, v10;
	v5 =	vor.u32 v1, v5  }
0x3a9: {  	[tilespmem:v17+s12+$0x0] =	vst.idx.add.s32.msk $0xffff, v4;
	v11 =	vand.u32 $0x3FF0, v11;
	v10 =	vor.u32 v1, v10  }
0x3aa: {  	[tilespmem:v14+s12+$0x0] =	vst.idx.add.s32.msk $0xffff, v4;
	v11 =	vor.u32 v1, v11;
	v12 =	vand.u32 $0x3FF0, v12;
	v8 =	vshrl.u32 v8, $0x11  }
0x3ab: {  	[tilespmem:v16+s12+$0x0] =	vst.idx.add.s32.msk $0xffff, v4;
	v12 =	vor.u32 v1, v12;
	v8 =	vand.u32 $0x3FF0, v8;
	v9 =	vshrl.u32 v9, $0x11  }
0x3ac: {  	[tilespmem:v6+s12+$0x0] =	vst.idx.add.s32.msk $0xffff, v4;
	v9 =	vand.u32 $0x3FF0, v9;
	v8 =	vor.u32 v1, v8;
	v7 =	vshrl.u32 v7, $0x11  }
0x3ad: {  	[tilespmem:v5+s12+$0x0] =	vst.idx.add.s32.msk $0xffff, v4;
	v6 =	vor.u32 v1, v9;
	v7 =	vand.u32 $0x3FF0, v7  }
0x3ae: {  	[tilespmem:v10+s12+$0x0] =	vst.idx.add.s32.msk $0xffff, v4;
	v5 =	vor.u32 v1, v7  }
0x3af: {  	[tilespmem:v11+s12+$0x0] =	vst.idx.add.s32.msk $0xffff, v4  }
0x3b0: {  	s19 =	sshll.u32 s19, $0xF;
	[tilespmem:v12+s12+$0x0] =	vst.idx.add.s32.msk $0xffff, v4  }
0x3b1: {  	s19 =	sadd.s32 s19, s5;
	[tilespmem:v8+s12+$0x0] =	vst.idx.add.s32.msk $0xffff, v4  }
0x3b2: {  	s19 =	sshrl.u32 s19, $0x3;
	[tilespmem:v6+s12+$0x0] =	vst.idx.add.s32.msk $0xffff, v4  }
0x3b3: {  	p0 =	seq.s32 s18, $0x1F;
	s19 =	sadd.s32 s1, s19;
	[tilespmem:v5+s12+$0x0] =	vst.idx.add.s32.msk $0xffff, v4  }
0x3b4: {  	[hbm4b:s19+s3] =	stream.linear.scatter [tilespmem:s11], [sflag:$0x3], $0x8000, $0x38;
	[tilespmem:$0x1FF80] =	vst v63  }
0x3b5: {  	s19 =	sshll.u32 @!p0 s18, $0xD  }
0x3b6: {  	s20 =	simm.s32 @!p0 $0x0;
	s19 =	sadd.s32 @!p0 s19, s6  }
0x3b7: {  	[tilespmem:s20], [sflag:$0x1] =	stream.linear.gather @!p0 [hbm4b:s19+s20], $0x8000, $0x38;
	[tilespmem:$0x1FF80] =	vst v63  }
0x3b8: {  	s20 =	simm.s32 $0x1BFF0  }
0x3b9: {  	v5 =	vld [tilespmem:s20+$0x0]  }
0x3ba: {  	v6 =	vld [tilespmem:s20+$0xFFFFFFF0]  }
0x3bb: {  	v7 =	vld [tilespmem:s20+$0xFFFFFFE0];
	_ =	sdelay $0x1  }
0x3bc: {  	v10 =	vimm.s32 $0x0;
	s19 =	simm.s32 $0x1BFB0;
	v11 =	vld [tilespmem:s20+$0xFFFFFFD0]  }
0x3bd: {  	v14 =	vld [tilespmem:s19+$0x0];
	v5 =	vadd.s32 v10, v5  }
0x3be: {  	[tilespmem:s20+$0x0] =	vst v0;
	vm1 =	vlt.s32 v5, $0x133;
	v9 =	vadd.s32 v5, v6  }
0x3bf: {  	[tilespmem:s20+$0xFFFFFFE0] =	vst v0;
	v6 =	vsel vm1, $0x1, v0;
	vm0 =	vlt.s32 v9, $0x133;
	v7 =	vadd.s32 v9, v7  }
0x3c0: {  	[tilespmem:s19+$0x0] =	vst v0;
	v8 =	vld [tilespmem:s19+$0xFFFFFFF0];
	v13 =	vsel vm1, v5, v10;
	v12 =	vadd.s32 v6, v10;
	v5 =	vsel vm0, $0x1, v0  }
0x3c1: {  	[tilespmem:s20+$0xFFFFFFF0] =	vst v0;
	v6 =	vld [tilespmem:s19+$0xFFFFFFE0];
	vm1 =	vlt.s32 v7, $0x133;
	v11 =	vadd.s32 v7, v11;
	v12 =	vadd.s32 v5, v12  }
0x3c2: {  	s21 =	simm.s32 $0x4;
	s22 =	simm.s32 $0x1BF70;
	[tilespmem:s19+$0xFFFFFFE0] =	vst v0;
	v10 =	vadd.s32 v11, v14;
	v5 =	vld [tilespmem:s19+$0xFFFFFFD0];
	v14 =	vsel vm1, $0x1, v0;
	vm2 =	vlt.s32 v11, $0x133  }
.LBB2_48:
0x3c3: {  	v15 =	vld [tilespmem:s22+$0x0];
	s21 =	sadd.s32 $0x4, s21;
	vm3 =	vlt.s32 v10, $0x133;
	v9 =	vsel vm0, v9, v13;
	[tilespmem:s20+$0xFFFFFFD0] =	vst v0;
	v13 =	vsel vm2, $0x1, v0;
	s20 =	smov.u32 s19;
	s19 =	smov.u32 s22  }
0x3c4: {  	v12 =	vadd.s32 v14, v12;
	[tilespmem:s22+$0x0] =	vst v0;
	p0 =	slt.u32 s21, $0x3FC;
	v7 =	vsel vm1, v7, v9  }
.Ltmp32:
0x3c5: {  	v12 =	vadd.s32 v13, v12;
	v9 =	vadd.s32 v10, v8;
	v11 =	vsel vm2, v11, v7;
	(pc) =	sbr.rel @p0 .LBB2_48-.Ltmp32, $4  }
0x3c6: {  	v13 =	vsel vm3, $0x1, v0;
	vm0 =	vlt.s32 v9, $0x133;
	v7 =	vadd.s32 v9, v6  }
0x3c7: {  	v12 =	vadd.s32 v13, v12;
	v13 =	vsel vm3, v10, v11;
	v8 =	vld [tilespmem:s22+$0xFFFFFFF0];
	v10 =	vsel vm0, $0x1, v0  }
0x3c8: {  	vm1 =	vlt.s32 v7, $0x133;
	v11 =	vadd.s32 v7, v5;
	v6 =	vld [tilespmem:s22+$0xFFFFFFE0];
	[tilespmem:s20+$0xFFFFFFF0] =	vst v0;
	v12 =	vadd.s32 v10, v12  }
0x3c9: {  	v10 =	vadd.s32 v11, v15;
	s22 =	sadd.s32 $0xFFFFFFC0, s22;
	v14 =	vsel vm1, $0x1, v0;
	vm2 =	vlt.s32 v11, $0x133;
	[tilespmem:s19+$0xFFFFFFE0] =	vst v0;
	v5 =	vld [tilespmem:s19+$0xFFFFFFD0]  }
0x3ca: {  	vm3 =	vlt.s32 v10, $0x133;
	v9 =	vsel vm0, v9, v13  }
0x3cb: {  	v13 =	vsel vm2, $0x1, v0;
	v12 =	vadd.s32 v14, v12;
	s24 =	simm.s32 $0x1;
	s28 =	simm.s32 $0x5;
	v7 =	vsel vm1, v7, v9  }
0x3cc: {  	v9 =	vadd.s32 v13, v12;
	v12 =	vxor.u32 s24, v1;
	v13 =	vxor.u32 s28, v1  }
0x3cd: {  	v8 =	vadd.s32 v10, v8;
	v7 =	vsel vm2, v11, v7;
	v11 =	vsel vm3, $0x1, v0  }
0x3ce: {  	s21 =	simm.s32 $0x0;
	vm0 =	vlt.s32 v8, $0x133;
	v6 =	vadd.s32 v8, v6;
	v9 =	vadd.s32 v11, v9  }
0x3cf: {  	v7 =	vsel vm3, v10, v7;
	v10 =	vmov s21;
	v11 =	vsel vm0, $0x1, v0  }
0x3d0: {  	v10 =	vshll.u32 v10, $0x3;
	v9 =	vadd.s32 v11, v9;
	v11 =	vxor.u32 s21, v1  }
0x3d1: {  	v14 =	vadd.s32 v6, v5;
	v10 =	vand.u32 $0x3C00, v10;
	v5 =	vand.u32 $0x7F, v11  }
0x3d2: {  	vm1 =	vlt.s32 v6, $0x133;
	v7 =	vsel vm0, v8, v7;
	v5 =	vor.u32 v5, v10  }
0x3d3: {  	vm4 =	vlt.s32 v14, $0x133;
	v8 =	vor.u32 v2, v5;
	v5 =	vmov s24  }
0x3d4: {  	v11 =	vsel vm1, $0x1, v0;
	v10 =	vsel vm4, $0x1, v0;
	v5 =	vshll.u32 v5, $0x3  }
0x3d5: {  	[tilespmem:s20+$0xFFFFFFD0] =	vst v0;
	v9 =	vadd.s32 v11, v9;
	v11 =	vand.u32 $0x7F, v12;
	v5 =	vand.u32 $0x3C00, v5  }
0x3d6: {  	[tilespmem:s19+$0xFFFFFFF0] =	vst v0;
	s25 =	simm.s32 $0x2;
	v6 =	vsel vm1, v6, v7;
	v7 =	vadd.s32 v10, v9;
	v9 =	vor.u32 v11, v5  }
0x3d7: {  	[tilespmem:s19+$0xFFFFFFD0] =	vst v0;
	v5 =	vsub.s32 $0x3FF, v7;
	v7 =	vor.u32 v2, v9;
	v9 =	vmov s25  }
0x3d8: {  	s29 =	simm.s32 $0x4;
	v16 =	vmov s28;
	v11 =	vxor.u32 s25, v1;
	v8 =	vld.idx.msk [tilespmem:v8+s10+$0x0], $0xffff;
	v9 =	vshll.u32 v9, $0x3  }
0x3d9: {  	v18 =	vmov s29;
	v11 =	vand.u32 $0x7F, v11;
	v9 =	vand.u32 $0x3C00, v9  }
0x3da: {  	s26 =	simm.s32 $0x3;
	v13 =	vand.u32 $0x7F, v13;
	v10 =	vimm.s32 $0x0;
	v9 =	vor.u32 v11, v9  }
0x3db: {  	v12 =	vshll.u32 v10, $0x4;
	v11 =	vmov s26;
	v9 =	vor.u32 v2, v9  }
0x3dc: {  	v15 =	vor.u32 v1, v12;
	v12 =	vxor.u32 s26, v1;
	v11 =	vshll.u32 v11, $0x3;
	v7 =	vld.idx.msk [tilespmem:v7+s10+$0x0], $0xffff  }
0x3dd: {  	v12 =	vand.u32 $0x7F, v12;
	v11 =	vand.u32 $0x3C00, v11;
	v8 =	vand.u32 $0x7FFFFFFF, v8  }
0x3de: {  	vm1 =	vlt.s32 v10, $0x3F0;
	v11 =	vor.u32 v12, v11;
	v17 =	vshrl.u32 v8, $0x15  }
0x3df: {  	v12 =	vxor.u32 s29, v1;
	v11 =	vor.u32 v2, v11;
	vm0 =	veq.s32 v17, v5  }
0x3e0: {  	v12 =	vand.u32 $0x7F, v12;
	v17 =	vshll.u32 v18, $0x3;
	v9 =	vld.idx.msk [tilespmem:v9+s10+$0x0], $0xffff;
	vm5 =	vmand vm1, vm0  }
0x3e1: {  	v17 =	vand.u32 $0x3C00, v17;
	v18 =	vsel vm5, $0x1, v0;
	v7 =	vand.u32 $0x7FFFFFFF, v7  }
0x3e2: {  	v12 =	vor.u32 v12, v17;
	v17 =	vadd.s32 v18, v10;
	v10 =	vshrl.u32 v7, $0x15  }
0x3e3: {  	s30 =	simm.s32 $0x6;
	v12 =	vor.u32 v2, v12;
	vm0 =	veq.s32 v10, v5;
	vm1 =	vlt.s32 v17, $0x3F0  }
0x3e4: {  	v18 =	vmov s30;
	v10 =	vld.idx.msk [tilespmem:v11+s10+$0x0], $0xffff;
	v11 =	vshll.u32 v16, $0x3;
	vm0 =	vmand vm0, vm1  }
0x3e5: {  	v11 =	vand.u32 $0x3C00, v11;
	v16 =	vsel vm0, $0x1, v0;
	v9 =	vand.u32 $0x7FFFFFFF, v9  }
0x3e6: {  	v11 =	vor.u32 v13, v11;
	v16 =	vadd.s32 v16, v17;
	v13 =	vshrl.u32 v9, $0x15  }
0x3e7: {  	s31 =	simm.s32 $0x7;
	v11 =	vor.u32 v2, v11;
	vm1 =	veq.s32 v13, v5;
	vm2 =	vlt.s32 v16, $0x3F0  }
0x3e8: {  	v21 =	vmov s31;
	v18 =	vshll.u32 v18, $0x3;
	v12 =	vld.idx.msk [tilespmem:v12+s10+$0x0], $0xffff;
	vm1 =	vmand vm1, vm2  }
0x3e9: {  	v18 =	vand.u32 $0x3C00, v18;
	v10 =	vand.u32 $0x7FFFFFFF, v10;
	v19 =	vsel vm1, $0x1, v0  }
0x3ea: {  	v13 =	vxor.u32 s30, v1;
	v20 =	vadd.s32 v19, v16;
	v19 =	vshrl.u32 v10, $0x15  }
0x3eb: {  	v13 =	vand.u32 $0x7F, v13;
	vm2 =	veq.s32 v19, v5;
	vm3 =	vlt.s32 v20, $0x3F0  }
0x3ec: {  	v21 =	vshll.u32 v21, $0x3;
	v13 =	vor.u32 v13, v18;
	v11 =	vld.idx.msk [tilespmem:v11+s10+$0x0], $0xffff;
	vm2 =	vmand vm2, vm3  }
0x3ed: {  	v18 =	vor.u32 v2, v13;
	v12 =	vand.u32 $0x7FFFFFFF, v12;
	v13 =	vsel vm2, $0x1, v0  }
0x3ee: {  	v19 =	vxor.u32 s31, v1;
	v22 =	vadd.s32 v13, v20;
	v13 =	vshrl.u32 v12, $0x15  }
0x3ef: {  	vm3 =	veq.s32 v13, v5;
	v13 =	vand.u32 $0x7F, v19;
	v19 =	vand.u32 $0x3C00, v21  }
0x3f0: {  	vm6 =	vlt.s32 v22, $0x3F0;
	v19 =	vor.u32 v13, v19  }
0x3f1: {  	vm3 =	vmand vm3, vm6;
	v13 =	vand.u32 $0x7FFFFFFF, v11;
	v11 =	vor.u32 v2, v19  }
0x3f2: {  	v6 =	vsel vm4, v14, v6;
	v17 =	vshll.u32 v17, $0x4;
	v23 =	vld.idx.msk [tilespmem:v18+s10+$0x0], $0xffff;
	v21 =	vsel vm3, $0x1, v0  }
0x3f3: {  	v14 =	vshll.u32 v22, $0x4;
	v18 =	vshrl.u32 v13, $0x15;
	v19 =	vadd.s32 v21, v22  }
0x3f4: {  	vm4 =	veq.s32 v18, v5;
	v21 =	vshll.u32 v16, $0x4;
	v18 =	vor.u32 v1, v14  }
0x3f5: {  	[tilespmem:v15+s13+$0x0] =	vst.idx.msk vm5, v8;
	v16 =	vshll.u32 v20, $0x4;
	vm6 =	vlt.s32 v19, $0x3F0;
	v20 =	vshll.u32 v19, $0x4  }
0x3f6: {  	v16 =	vor.u32 v1, v16;
	v15 =	vor.u32 v1, v21;
	vm4 =	vmand vm4, vm6;
	v8 =	vld.idx.msk [tilespmem:v11+s10+$0x0], $0xffff  }
0x3f7: {  	s19 =	simm.s32 $0x8;
	s20 =	simm.s32 $0x10;
	v14 =	vor.u32 v1, v20;
	v20 =	vsel vm4, $0x1, v0;
	v11 =	vand.u32 $0x7FFFFFFF, v23  }
.LBB2_50:
0x3f8: {  	p0 =	slt.u32 s20, $0x7F8;
	v17 =	vor.u32 v1, v17;
	v19 =	vadd.s32 v20, v19;
	v20 =	vshrl.u32 v11, $0x15  }
0x3f9: {  	[tilespmem:v18+s13+$0x0] =	vst.idx.msk vm3, v12;
	vm3 =	veq.s32 v20, v5;
	vm5 =	vlt.s32 v19, $0x3F0;
	v12 =	vshll.u32 v19, $0x4  }
0x3fa: {  	v18 =	vmov s19;
	v20 =	vxor.u32 s19, v1;
	vm3 =	vmand vm3, vm5  }
0x3fb: {  	v20 =	vand.u32 $0x7F, v20;
	v8 =	vand.u32 $0x7FFFFFFF, v8;
	[tilespmem:v16+s13+$0x0] =	vst.idx.msk vm2, v10;
	v10 =	vsel vm3, $0x1, v0  }
0x3fc: {  	v16 =	vshll.u32 v18, $0x3;
	[tilespmem:v14+s13+$0x0] =	vst.idx.msk vm4, v13;
	v10 =	vadd.s32 v10, v19;
	v13 =	vshrl.u32 v8, $0x15  }
0x3fd: {  	v14 =	vand.u32 $0x3C00, v16;
	[tilespmem:v15+s13+$0x0] =	vst.idx.msk vm1, v9;
	vm1 =	veq.s32 v13, v5;
	vm2 =	vlt.s32 v10, $0x3F0  }
0x3fe: {  	s21 =	sadd.s32 $0x1, s19;
	v9 =	vor.u32 v20, v14;
	[tilespmem:v17+s13+$0x0] =	vst.idx.msk vm0, v7;
	vm0 =	vmand vm1, vm2;
	v7 =	vshll.u32 v10, $0x4  }
0x3ff: {  	v13 =	vmov s21;
	v9 =	vor.u32 v2, v9;
	v14 =	vsel vm0, $0x1, v0  }
0x400: {  	v15 =	vxor.u32 s21, v1;
	v13 =	vshll.u32 v13, $0x3;
	v10 =	vadd.s32 v14, v10  }
0x401: {  	v15 =	vand.u32 $0x7F, v15;
	v13 =	vand.u32 $0x3C00, v13;
	v14 =	vshll.u32 v10, $0x4  }
0x402: {  	v12 =	vor.u32 v1, v12;
	s21 =	sadd.s32 $0x2, s19;
	v7 =	vor.u32 v1, v7;
	v13 =	vor.u32 v15, v13  }
0x403: {  	v15 =	vmov s21;
	v13 =	vor.u32 v2, v13;
	v14 =	vor.u32 v1, v14  }
0x404: {  	v16 =	vxor.u32 s21, v1;
	s21 =	sadd.s32 $0x7, s19;
	v15 =	vshll.u32 v15, $0x3;
	v9 =	vld.idx.msk [tilespmem:v9+s10+$0x0], $0xffff  }
0x405: {  	s22 =	sadd.s32 $0x6, s19;
	v16 =	vand.u32 $0x7F, v16;
	v17 =	vxor.u32 s21, v1;
	v15 =	vand.u32 $0x3C00, v15  }
0x406: {  	s23 =	sadd.s32 $0x3, s19;
	v18 =	vmov s21;
	v15 =	vor.u32 v16, v15;
	v16 =	vxor.u32 s22, v1  }
0x407: {  	v19 =	vmov s23;
	v20 =	vmov s22;
	s21 =	sadd.s32 $0x5, s19;
	v15 =	vor.u32 v2, v15;
	[tilespmem:v7+s13+$0x0] =	vst.idx.msk vm0, v8  }
0x408: {  	v8 =	vxor.u32 s23, v1;
	v7 =	vld.idx.msk [tilespmem:v13+s10+$0x0], $0xffff;
	v13 =	vshll.u32 v19, $0x3;
	v19 =	vxor.u32 s21, v1;
	[tilespmem:v12+s13+$0x0] =	vst.idx.msk vm3, v11  }
0x409: {  	s22 =	sadd.s32 $0x4, s19;
	s19 =	smov.u32 s20;
	v8 =	vand.u32 $0x7F, v8;
	v12 =	vmov s21;
	v11 =	vand.u32 $0x3C00, v13  }
0x40a: {  	v13 =	vand.u32 $0x7FFFFFFF, v9;
	v9 =	vxor.u32 s22, v1;
	v8 =	vor.u32 v8, v11  }
0x40b: {  	v21 =	vmov s22;
	v11 =	vshrl.u32 v13, $0x15;
	v8 =	vor.u32 v2, v8  }
0x40c: {  	vm1 =	vlt.s32 v10, $0x3F0;
	vm0 =	veq.s32 v11, v5;
	v11 =	vld.idx.msk [tilespmem:v15+s10+$0x0], $0xffff;
	v15 =	vshll.u32 v21, $0x3  }
0x40d: {  	v9 =	vand.u32 $0x7F, v9;
	vm1 =	vmand vm1, vm0;
	v15 =	vand.u32 $0x3C00, v15  }
0x40e: {  	v21 =	vsel vm1, $0x1, v0;
	v7 =	vand.u32 $0x7FFFFFFF, v7;
	v9 =	vor.u32 v9, v15  }
0x40f: {  	v15 =	vadd.s32 v21, v10;
	v10 =	vshrl.u32 v7, $0x15;
	v21 =	vor.u32 v2, v9  }
0x410: {  	vm0 =	veq.s32 v10, v5;
	vm2 =	vlt.s32 v15, $0x3F0;
	v9 =	vshll.u32 v12, $0x3;
	v8 =	vld.idx.msk [tilespmem:v8+s10+$0x0], $0xffff  }
0x411: {  	v10 =	vand.u32 $0x7F, v19;
	vm0 =	vmand vm0, vm2;
	v12 =	vand.u32 $0x3C00, v9  }
0x412: {  	v19 =	vsel vm0, $0x1, v0;
	v9 =	vand.u32 $0x7FFFFFFF, v11;
	v10 =	vor.u32 v10, v12  }
0x413: {  	v11 =	vadd.s32 v19, v15;
	v12 =	vshrl.u32 v9, $0x15;
	[tilespmem:v14+s13+$0x0] =	vst.idx.msk vm1, v13;
	v13 =	vor.u32 v2, v10  }
0x414: {  	vm1 =	veq.s32 v12, v5;
	vm2 =	vlt.s32 v11, $0x3F0;
	v10 =	vshll.u32 v20, $0x3;
	v12 =	vld.idx.msk [tilespmem:v21+s10+$0x0], $0xffff  }
0x415: {  	v14 =	vand.u32 $0x7F, v16;
	vm1 =	vmand vm1, vm2;
	v16 =	vand.u32 $0x3C00, v10  }
0x416: {  	v19 =	vsel vm1, $0x1, v0;
	v10 =	vand.u32 $0x7FFFFFFF, v8;
	v8 =	vor.u32 v14, v16  }
0x417: {  	v14 =	vadd.s32 v19, v11;
	v16 =	vshrl.u32 v10, $0x15;
	v8 =	vor.u32 v2, v8  }
0x418: {  	vm2 =	veq.s32 v16, v5;
	vm3 =	vlt.s32 v14, $0x3F0;
	v16 =	vshll.u32 v18, $0x3;
	v13 =	vld.idx.msk [tilespmem:v13+s10+$0x0], $0xffff  }
0x419: {  	v17 =	vand.u32 $0x7F, v17;
	vm2 =	vmand vm2, vm3;
	v16 =	vand.u32 $0x3C00, v16  }
0x41a: {  	v18 =	vsel vm2, $0x1, v0;
	v12 =	vand.u32 $0x7FFFFFFF, v12;
	v16 =	vor.u32 v17, v16  }
0x41b: {  	v19 =	vadd.s32 v18, v14;
	v17 =	vshrl.u32 v12, $0x15;
	v16 =	vor.u32 v2, v16  }
0x41c: {  	vm3 =	veq.s32 v17, v5;
	vm4 =	vlt.s32 v19, $0x3F0;
	v18 =	vshll.u32 v19, $0x4;
	v21 =	vld.idx.msk [tilespmem:v8+s10+$0x0], $0xffff  }
0x41d: {  	v11 =	vshll.u32 v11, $0x4;
	v14 =	vshll.u32 v14, $0x4;
	vm3 =	vmand vm3, vm4  }
.Ltmp33:
0x41e: {  	v17 =	vshll.u32 v15, $0x4;
	v8 =	vsel vm3, $0x1, v0;
	v13 =	vand.u32 $0x7FFFFFFF, v13;
	(pc) =	sbr.rel @p0 .LBB2_50-.Ltmp33, $4  }
0x41f: {  	v18 =	vor.u32 v1, v18;
	v19 =	vadd.s32 v8, v19;
	v8 =	vshrl.u32 v13, $0x15  }
0x420: {  	vm4 =	veq.s32 v8, v5;
	vm5 =	vlt.s32 v19, $0x3F0;
	v15 =	vshll.u32 v19, $0x4;
	v8 =	vld.idx.msk [tilespmem:v16+s10+$0x0], $0xffff  }
0x421: {  	v16 =	vor.u32 v1, v14;
	vm4 =	vmand vm4, vm5;
	v14 =	vor.u32 v1, v15  }
0x422: {  	s20 =	sadd.s32 $0x8, s20;
	v15 =	vor.u32 v1, v11;
	v20 =	vsel vm4, $0x1, v0;
	v11 =	vand.u32 $0x7FFFFFFF, v21  }
0x423: {  	v21 =	vshrl.u32 v11, $0x15;
	v20 =	vadd.s32 v20, v19;
	v59 =	vmov s19  }
0x424: {  	v60 =	vxor.u32 s19, v1;
	s20 =	sadd.s32 $0x1, s19;
	vm5 =	veq.s32 v21, v5;
	vm6 =	vlt.s32 v20, $0x3F0  }
0x425: {  	v22 =	vand.u32 $0x7F, v60;
	v61 =	vshll.u32 v59, $0x3;
	v35 =	vmov s20  }
0x426: {  	s26 =	sadd.s32 $0x2, s19;
	v36 =	vxor.u32 s20, v1;
	v62 =	vand.u32 $0x7FFFFFFF, v8;
	v8 =	vand.u32 $0x3C00, v61  }
0x427: {  	s28 =	sadd.s32 $0x7, s19;
	v37 =	vmov s26;
	v25 =	vxor.u32 s26, v1;
	v8 =	vor.u32 v22, v8  }
0x428: {  	s21 =	sadd.s32 $0x6, s19;
	v26 =	vxor.u32 s28, v1;
	vm5 =	vmand vm5, vm6;
	v8 =	vor.u32 v2, v8  }
0x429: {  	v38 =	vxor.u32 s21, v1;
	v23 =	vsel vm5, $0x1, v0;
	v22 =	vshll.u32 v35, $0x3  }
0x42a: {  	s22 =	sadd.s32 $0x3, s19;
	v63 =	vadd.s32 v23, v20;
	v23 =	vand.u32 $0x7F, v36;
	v22 =	vand.u32 $0x3C00, v22  }
0x42b: {  	s29 =	sadd.s32 $0x5, s19;
	v28 =	vmov s22;
	v29 =	vmov s21;
	v22 =	vor.u32 v23, v22  }
0x42c: {  	s30 =	sadd.s32 $0x4, s19;
	v30 =	vxor.u32 s22, v1;
	v31 =	vxor.u32 s29, v1;
	v22 =	vor.u32 v2, v22  }
0x42d: {  	v32 =	vmov s29;
	v39 =	vxor.u32 s30, v1;
	v23 =	vshll.u32 v37, $0x3;
	v8 =	vld.idx.msk [tilespmem:v8+s10+$0x0], $0xffff  }
0x42e: {  	v25 =	vand.u32 $0x7F, v25;
	v28 =	vshll.u32 v28, $0x3;
	v23 =	vand.u32 $0x3C00, v23  }
0x42f: {  	v30 =	vand.u32 $0x7F, v30;
	v34 =	vshrl.u32 v62, $0x15;
	v23 =	vor.u32 v25, v23  }
0x430: {  	vm11 =	veq.s32 v34, v5;
	vm7 =	vlt.s32 v63, $0x3F0;
	v23 =	vor.u32 v2, v23  }
0x431: {  	v32 =	vshll.u32 v32, $0x3;
	v28 =	vand.u32 $0x3C00, v28;
	vm6 =	vmand vm11, vm7;
	v22 =	vld.idx.msk [tilespmem:v22+s10+$0x0], $0xffff  }
0x432: {  	v34 =	vmov s30;
	v24 =	vsel vm6, $0x1, v0;
	v33 =	vand.u32 $0x7FFFFFFF, v8  }
0x433: {  	v24 =	vadd.s32 v24, v63;
	v8 =	vor.u32 v30, v28;
	v40 =	vshrl.u32 v33, $0x15  }
0x434: {  	vm8 =	vlt.s32 v24, $0x3F0;
	v8 =	vor.u32 v2, v8;
	vm12 =	veq.s32 v40, v5  }
0x435: {  	v41 =	vshll.u32 v34, $0x3;
	v23 =	vld.idx.msk [tilespmem:v23+s10+$0x0], $0xffff;
	v28 =	vand.u32 $0x7F, v39;
	vm8 =	vmand vm8, vm12  }
0x436: {  	v30 =	vand.u32 $0x3C00, v41;
	v22 =	vand.u32 $0x7FFFFFFF, v22;
	v42 =	vsel vm8, $0x1, v0  }
0x437: {  	v28 =	vor.u32 v28, v30;
	v44 =	vshrl.u32 v22, $0x15;
	v43 =	vadd.s32 v42, v24  }
0x438: {  	v28 =	vor.u32 v2, v28;
	vm13 =	veq.s32 v44, v5;
	vm9 =	vlt.s32 v43, $0x3F0  }
0x439: {  	v31 =	vand.u32 $0x7F, v31;
	v29 =	vshll.u32 v29, $0x3;
	v8 =	vld.idx.msk [tilespmem:v8+s10+$0x0], $0xffff;
	vm7 =	vmand vm13, vm9  }
0x43a: {  	v32 =	vand.u32 $0x3C00, v32;
	v23 =	vand.u32 $0x7FFFFFFF, v23;
	v45 =	vsel vm7, $0x1, v0  }
0x43b: {  	v31 =	vor.u32 v31, v32;
	v47 =	vshrl.u32 v23, $0x15;
	v46 =	vadd.s32 v45, v43  }
0x43c: {  	v31 =	vor.u32 v2, v31;
	vm14 =	veq.s32 v47, v5;
	vm10 =	vlt.s32 v46, $0x3F0  }
0x43d: {  	v27 =	vmov s28;
	v29 =	vand.u32 $0x3C00, v29;
	v28 =	vld.idx.msk [tilespmem:v28+s10+$0x0], $0xffff;
	vm9 =	vmand vm14, vm10  }
0x43e: {  	v25 =	vand.u32 $0x7F, v38;
	v35 =	vand.u32 $0x7FFFFFFF, v8;
	v48 =	vsel vm9, $0x1, v0  }
0x43f: {  	v8 =	vor.u32 v25, v29;
	v50 =	vshrl.u32 v35, $0x15;
	v49 =	vadd.s32 v48, v46  }
0x440: {  	v8 =	vor.u32 v2, v8;
	vm15 =	veq.s32 v50, v5;
	vm11 =	vlt.s32 v49, $0x3F0  }
0x441: {  	v27 =	vshll.u32 v27, $0x3;
	v26 =	vand.u32 $0x7F, v26;
	v51 =	vld.idx.msk [tilespmem:v31+s10+$0x0], $0xffff;
	vm10 =	vmand vm15, vm11  }
0x442: {  	v27 =	vand.u32 $0x3C00, v27;
	v28 =	vand.u32 $0x7FFFFFFF, v28;
	v52 =	vsel vm10, $0x1, v0  }
0x443: {  	v26 =	vor.u32 v26, v27;
	v54 =	vshrl.u32 v28, $0x15;
	v53 =	vadd.s32 v52, v49  }
0x444: {  	v26 =	vor.u32 v2, v26;
	vm11 =	veq.s32 v54, v5;
	vm12 =	vlt.s32 v53, $0x3F0  }
0x445: {  	v8 =	vld.idx.msk [tilespmem:v8+s10+$0x0], $0xffff;
	vm12 =	vmand vm11, vm12  }
0x446: {  	v29 =	vand.u32 $0x7FFFFFFF, v51;
	v55 =	vsel vm12, $0x1, v0  }
0x447: {  	v56 =	vshrl.u32 v29, $0x15;
	v31 =	vadd.s32 v55, v53  }
0x448: {  	vm11 =	veq.s32 v56, v5;
	vm13 =	vlt.s32 v31, $0x3F0  }
0x449: {  	v26 =	vld.idx.msk [tilespmem:v26+s10+$0x0], $0xffff;
	vm13 =	vmand vm11, vm13  }
0x44a: {  	v36 =	vand.u32 $0x7FFFFFFF, v8;
	v57 =	vsel vm13, $0x1, v0  }
0x44b: {  	v8 =	vshrl.u32 v36, $0x15;
	v34 =	vadd.s32 v57, v31  }
0x44c: {  	vm11 =	veq.s32 v8, v5;
	vm14 =	vlt.s32 v34, $0x3F0  }
0x44d: {  	vm11 =	vmand vm11, vm14  }
0x44e: {  	v26 =	vand.u32 $0x7FFFFFFF, v26;
	v8 =	vsel vm11, $0x1, v0  }
0x44f: {  	v37 =	vadd.s32 v8, v34;
	v8 =	vshrl.u32 v26, $0x15  }
0x450: {  	vm14 =	veq.s32 v8, v5;
	vm15 =	vlt.s32 v37, $0x3F0  }
0x451: {  	vm14 =	vmand vm14, vm15  }
0x452: {  	v8 =	vsel vm14, $0x1, v0  }
0x453: {  	v8 =	vadd.s32 v8, v37  }
0x454: {  	v38 =	vxor.u32 $0x80000000, v8  }
0x455: {  	(xrf0) =	vmax.scan.msk.u32 $0xffff, v38;
	_ =	sdelay $0x5  }
0x456: {  	v38, _, _ =	vpop (xrf0)  }
0x457: {  	(v2sf) =	vpush v38, $0xF;
	_ =	sdelay $0x8  }
0x458: {  	[tilespmem:v18+s13+$0x0] =	vst.idx.msk vm3, v12;
	v58 =	vshll.u32 v20, $0x4  }
0x459: {  	[tilespmem:v16+s13+$0x0] =	vst.idx.msk vm2, v10;
	v12 =	vor.u32 v1, v58;
	v10 =	vshll.u32 v24, $0x4  }
0x45a: {  	v21 =	vshll.u32 v63, $0x4;
	v10 =	vor.u32 v1, v10  }
0x45b: {  	v59 =	vor.u32 v1, v21  }
0x45c: {  	v17 =	vor.u32 v1, v17;
	[tilespmem:v14+s13+$0x0] =	vst.idx.msk vm4, v13  }
0x45d: {  	[tilespmem:v15+s13+$0x0] =	vst.idx.msk vm1, v9;
	v9 =	vshll.u32 v49, $0x4  }
0x45e: {  	[tilespmem:v12+s13+$0x0] =	vst.idx.msk vm5, v11;
	v11 =	vshll.u32 v43, $0x4;
	v9 =	vor.u32 v1, v9;
	s21 =	spop (v2sf)  }
0x45f: {  	[tilespmem:v10+s13+$0x0] =	vst.idx.msk vm8, v33;
	v10 =	vor.u32 v1, v11;
	v61 =	vshll.u32 v46, $0x4;
	s19 =	sxor.u32 $0x80000000, s21  }
0x460: {  	[tilespmem:v59+s13+$0x0] =	vst.idx.msk vm6, v62;
	v62 =	vor.u32 v1, v61;
	v60 =	vshll.u32 v53, $0x4;
	s31 =	sshra.s32 s19, $0x1F  }
0x461: {  	[tilespmem:v17+s13+$0x0] =	vst.idx.msk vm0, v7;
	v13 =	vor.u32 v1, v60;
	v7 =	vshll.u32 v31, $0x4;
	s20 =	sshrl.u32 s31, $0x1E  }
0x462: {  	v7 =	vor.u32 v1, v7;
	v63 =	vshll.u32 v34, $0x4;
	s20 =	sadd.s32 s20, s19  }
0x463: {  	[tilespmem:v9+s13+$0x0] =	vst.idx.msk vm10, v35;
	v9 =	vor.u32 v1, v63;
	v11 =	vshll.u32 v37, $0x4;
	s20 =	sand.u32 $0xFFFFFFFC, s20  }
0x464: {  	[tilespmem:v10+s13+$0x0] =	vst.idx.msk vm7, v22;
	v11 =	vor.u32 v1, v11;
	p0 =	slt.s32 s20, $0x1  }
.Ltmp34:
0x465: {  	[tilespmem:v62+s13+$0x0] =	vst.idx.msk vm9, v23;
	(pc) =	sbr.rel @p0 .LBB2_55-.Ltmp34, $4  }
0x466: {  	[tilespmem:v13+s13+$0x0] =	vst.idx.msk vm12, v28  }
0x467: {  	[tilespmem:v7+s13+$0x0] =	vst.idx.msk vm13, v29  }
0x468: {  	[tilespmem:v9+s13+$0x0] =	vst.idx.msk vm11, v36  }
0x469: {  	[tilespmem:v11+s13+$0x0] =	vst.idx.msk vm14, v26  }
0x46a: {  	s22 =	simm.s32 $0x1C020  }
0x46b: {  	v7 =	vld [tilespmem:s22+$0x10];
	_ =	sdelay $0x1  }
0x46c: {  	s23 =	simm.s32 $0x0;
	s24 =	simm.s32 $0x1;
	v9 =	vld [tilespmem:s22+$0xFFFFFFF0]  }
0x46d: {  	s30 =	simm.s32 $0x2;
	v10 =	vmov s23;
	v11 =	vmov s24;
	v12 =	vld [tilespmem:s22+$0x0]  }
0x46e: {  	s31 =	simm.s32 $0x3;
	v13 =	vld [tilespmem:s22+$0xFFFFFFE0];
	vm1 =	vlt.s32 v10, v8;
	vm0 =	vlt.s32 v11, v8;
	v10 =	vmov s30  }
0x46f: {  	p1 =	sgt.s32 s20, $0x4;
	v11 =	vmov s31;
	vm2 =	vlt.s32 v10, v8;
	v10 =	vshra.s32 v7, $0x15  }
.Ltmp35:
0x470: {  	vm3 =	vlt.s32 v11, v8;
	v7 =	vshrl.u32 v7, $0xA;
	vm4 =	veq.s32 v10, v5;
	(pc) =	sbr.rel @!p1 .LBB2_54-.Ltmp35, $4  }
0x471: {  	v14 =	vshra.s32 v9, $0x15;
	v7 =	vand.u32 $0x7F0, v7;
	vm3 =	vmand vm3, vm4  }
0x472: {  	v9 =	vshrl.u32 v9, $0xA;
	v15 =	vshra.s32 v12, $0x15;
	v7 =	vor.u32 v1, v7  }
0x473: {  	v16 =	vshra.s32 v13, $0x15;
	v11 =	vshrl.u32 v13, $0xA;
	v10 =	vshrl.u32 v12, $0xA  }
0x474: {  	s22 =	simm.s32 $0x4;
	s23 =	simm.s32 $0x1C060;
	vm6 =	veq.s32 v16, v5;
	vm5 =	veq.s32 v14, v5;
	vm4 =	veq.s32 v15, v5  }
.LBB2_53:
0x475: {  	v12 =	vld [tilespmem:s23+$0x10];
	v11 =	vand.u32 $0x7F0, v11;
	v9 =	vand.u32 $0x7F0, v9;
	v10 =	vand.u32 $0x7F0, v10;
	s24 =	smov.u32 s22;
	s22 =	sadd.s32 $0x4, s22  }
0x476: {  	vm6 =	vmand vm1, vm6;
	vm5 =	vmand vm0, vm5;
	vm4 =	vmand vm2, vm4;
	v13 =	vld [tilespmem:s23+$0xFFFFFFF0];
	p1 =	slt.s32 s22, s20  }
0x477: {  	s25 =	sadd.s32 $0x1, s24;
	v11 =	vor.u32 v1, v11;
	v14 =	vor.u32 v1, v9;
	[tilespmem:v7+s12+$0x0] =	vst.idx.add.s32.msk vm3, v4  }
0x478: {  	v16 =	vor.u32 v1, v10;
	v7 =	vmov s24;
	v9 =	vmov s25;
	s25 =	sadd.s32 $0x2, s24;
	v15 =	vld [tilespmem:s23+$0x0]  }
0x479: {  	s24 =	sadd.s32 $0x3, s24;
	vm1 =	vlt.s32 v7, v8;
	vm0 =	vlt.s32 v9, v8;
	v7 =	vmov s25;
	v10 =	vld [tilespmem:s23+$0xFFFFFFE0]  }
0x47a: {  	v9 =	vmov s24;
	vm2 =	vlt.s32 v7, v8;
	v7 =	vshra.s32 v12, $0x15  }
.Ltmp36:
0x47b: {  	vm3 =	vlt.s32 v9, v8;
	vm7 =	veq.s32 v7, v5;
	v7 =	vshrl.u32 v12, $0xA;
	(pc) =	sbr.rel @p1 .LBB2_53-.Ltmp36, $4  }
0x47c: {  	v12 =	vshra.s32 v13, $0x15;
	vm3 =	vmand vm3, vm7;
	v7 =	vand.u32 $0x7F0, v7;
	[tilespmem:v11+s12+$0x0] =	vst.idx.add.s32.msk vm6, v4  }
0x47d: {  	v9 =	vshrl.u32 v13, $0xA;
	v13 =	vshra.s32 v15, $0x15;
	v7 =	vor.u32 v1, v7;
	[tilespmem:v14+s12+$0x0] =	vst.idx.add.s32.msk vm5, v4  }
0x47e: {  	v14 =	vshra.s32 v10, $0x15;
	v11 =	vshrl.u32 v10, $0xA;
	v10 =	vshrl.u32 v15, $0xA;
	[tilespmem:v16+s12+$0x0] =	vst.idx.add.s32.msk vm4, v4  }
0x47f: {  	s23 =	sadd.s32 $0x40, s23;
	vm5 =	veq.s32 v12, v5;
	vm4 =	veq.s32 v13, v5;
	vm6 =	veq.s32 v14, v5  }
.LBB2_54:
0x480: {  	v11 =	vand.u32 $0x7F0, v11;
	vm1 =	vmand vm1, vm6  }
0x481: {  	v9 =	vand.u32 $0x7F0, v9;
	vm0 =	vmand vm0, vm5;
	v11 =	vor.u32 v1, v11  }
0x482: {  	v10 =	vand.u32 $0x7F0, v10;
	vm2 =	vmand vm2, vm4;
	v9 =	vor.u32 v1, v9  }
0x483: {  	v10 =	vor.u32 v1, v10;
	_ =	sdelay $0x1  }
0x484: {  	[tilespmem:v7+s12+$0x0] =	vst.idx.add.s32.msk vm3, v4  }
0x485: {  	[tilespmem:v11+s12+$0x0] =	vst.idx.add.s32.msk vm1, v4  }
0x486: {  	[tilespmem:v9+s12+$0x0] =	vst.idx.add.s32.msk vm0, v4  }
0x487: {  	[tilespmem:v10+s12+$0x0] =	vst.idx.add.s32.msk vm2, v4  }
.LBB2_55:
0x488: {  	p1 =	slt.s32 s20, s19  }
.Ltmp37:
0x489: {  	_ = 	snop;
	(pc) =	sbr.rel @!p1 .LBB2_56-.Ltmp37, $4  }
0x48a: {  	_ = 	snop  }
0x48b: {  	s23 =	ssub.s32 s19, s20  }
0x48c: {  	s22 =	sshll.u32 s21, $0x6;
	s24 =	sshll.u32 s23, $0x6  }
0x48d: {  	s21 =	ssub.s32 $0x0, s23;
	s22 =	ssub.s32 s22, s24  }
0x48e: {  	s25 =	sshra.s32 s22, $0x2  }
0x48f: {  	s24 =	ssub.s32 $0x0, s23;
	s25 =	sadd.s32 $0x1C000, s25  }
.LBB2_98:
0x490: {  	v7 =	vld [tilespmem:s25+$0x0];
	_ =	sdelay $0x3  }
0x491: {  	s26 =	sadd.s32 s24, s19  }
0x492: {  	v10 =	vmov s26;
	v9 =	vshra.s32 v7, $0x15  }
0x493: {  	vm0 =	vlt.s32 v10, v8;
	v7 =	vshrl.u32 v7, $0xA;
	vm1 =	veq.s32 v9, v5  }
0x494: {  	s24 =	sadd.s32 $0x1, s24;
	v7 =	vand.u32 $0x7F0, v7;
	vm0 =	vmand vm0, vm1  }
0x495: {  	p2 =	seq.s32 s24, $0x0;
	v7 =	vor.u32 v1, v7  }
.Ltmp38:
0x496: {  	_ = 	snop;
	(pc) =	sbr.rel @!p2 .LBB2_98-.Ltmp38, $2  }
0x497: {  	_ =	sdelay $0x2  }
0x498: {  	s25 =	sadd.s32 $0x10, s25;
	[tilespmem:v7+s12+$0x0] =	vst.idx.add.s32.msk vm0, v4  }
.LBB2_56:
0x499: {  	s25 =	simm.s32 $0x187F0  }
0x49a: {  	v9 =	vld [tilespmem:s25+$0x0]  }
0x49b: {  	v10 =	vld [tilespmem:s25+$0xFFFFFFF0]  }
0x49c: {  	v11 =	vld [tilespmem:s25+$0xFFFFFFE0];
	_ =	sdelay $0x1  }
0x49d: {  	v7 =	vimm.s32 $0x0;
	s24 =	simm.s32 $0x187B0;
	v14 =	vld [tilespmem:s25+$0xFFFFFFD0]  }
0x49e: {  	v6 =	vsub.s32 $0x133, v6;
	v17 =	vld [tilespmem:s24+$0x0];
	v9 =	vadd.s32 v7, v9  }
0x49f: {  	[tilespmem:s25+$0x0] =	vst v0;
	vm1 =	vlt.s32 v9, v6;
	v13 =	vadd.s32 v9, v10  }
0x4a0: {  	[tilespmem:s25+$0xFFFFFFE0] =	vst v0;
	v15 =	vsel vm1, $0x1, v0;
	vm0 =	vlt.s32 v13, v6;
	v10 =	vadd.s32 v13, v11  }
0x4a1: {  	[tilespmem:s24+$0x0] =	vst v0;
	v12 =	vld [tilespmem:s24+$0xFFFFFFF0];
	v16 =	vsel vm1, v9, v7;
	v11 =	vadd.s32 v15, v7;
	v7 =	vsel vm0, $0x1, v0  }
0x4a2: {  	[tilespmem:s25+$0xFFFFFFF0] =	vst v0;
	v9 =	vld [tilespmem:s24+$0xFFFFFFE0];
	vm1 =	vlt.s32 v10, v6;
	v14 =	vadd.s32 v10, v14;
	v15 =	vadd.s32 v7, v11  }
0x4a3: {  	s26 =	simm.s32 $0x4;
	s28 =	simm.s32 $0x18770;
	[tilespmem:s24+$0xFFFFFFE0] =	vst v0;
	v7 =	vadd.s32 v14, v17;
	v11 =	vld [tilespmem:s24+$0xFFFFFFD0];
	v17 =	vsel vm1, $0x1, v0;
	vm2 =	vlt.s32 v14, v6  }
.LBB2_57:
0x4a4: {  	v18 =	vld [tilespmem:s28+$0x0];
	s26 =	sadd.s32 $0x4, s26;
	vm3 =	vlt.s32 v7, v6;
	v13 =	vsel vm0, v13, v16;
	[tilespmem:s25+$0xFFFFFFD0] =	vst v0;
	v16 =	vsel vm2, $0x1, v0;
	s25 =	smov.u32 s24;
	s24 =	smov.u32 s28  }
0x4a5: {  	v15 =	vadd.s32 v17, v15;
	[tilespmem:s28+$0x0] =	vst v0;
	p2 =	slt.u32 s26, $0x7C;
	v10 =	vsel vm1, v10, v13  }
.Ltmp39:
0x4a6: {  	v15 =	vadd.s32 v16, v15;
	v13 =	vadd.s32 v7, v12;
	v14 =	vsel vm2, v14, v10;
	(pc) =	sbr.rel @p2 .LBB2_57-.Ltmp39, $4  }
0x4a7: {  	v16 =	vsel vm3, $0x1, v0;
	vm0 =	vlt.s32 v13, v6;
	v10 =	vadd.s32 v13, v9  }
0x4a8: {  	v15 =	vadd.s32 v16, v15;
	v16 =	vsel vm3, v7, v14;
	v12 =	vld [tilespmem:s28+$0xFFFFFFF0];
	v7 =	vsel vm0, $0x1, v0  }
0x4a9: {  	vm1 =	vlt.s32 v10, v6;
	v14 =	vadd.s32 v10, v11;
	v9 =	vld [tilespmem:s28+$0xFFFFFFE0];
	[tilespmem:s25+$0xFFFFFFF0] =	vst v0;
	v15 =	vadd.s32 v7, v15  }
0x4aa: {  	v7 =	vadd.s32 v14, v18;
	s28 =	sadd.s32 $0xFFFFFFC0, s28;
	v17 =	vsel vm1, $0x1, v0;
	vm2 =	vlt.s32 v14, v6;
	[tilespmem:s24+$0xFFFFFFE0] =	vst v0;
	v11 =	vld [tilespmem:s24+$0xFFFFFFD0]  }
0x4ab: {  	v13 =	vsel vm0, v13, v16;
	v59 =	vsel vm2, $0x1, v0;
	v15 =	vadd.s32 v17, v15  }
0x4ac: {  	vm3 =	vlt.s32 v7, v6;
	v10 =	vsel vm1, v10, v13;
	v60 =	vadd.s32 v59, v15  }
0x4ad: {  	v61 =	vsel vm3, $0x1, v0;
	v12 =	vadd.s32 v7, v12;
	v10 =	vsel vm2, v14, v10  }
0x4ae: {  	v13 =	vadd.s32 v61, v60;
	vm13 =	vlt.s32 v12, v6;
	v9 =	vadd.s32 v12, v9  }
0x4af: {  	v62 =	vsel vm13, $0x1, v0;
	vm14 =	vlt.s32 v9, v6;
	v11 =	vadd.s32 v9, v11  }
.Ltmp40:
0x4b0: {  	v13 =	vadd.s32 v62, v13;
	v63 =	vsel vm14, $0x1, v0;
	vm15 =	vlt.s32 v11, v6;
	(pc) =	sbr.rel @p0 .LBB2_62-.Ltmp40, $4  }
0x4b1: {  	v7 =	vsel vm3, v7, v10;
	v10 =	vsel vm15, $0x1, v0;
	v13 =	vadd.s32 v63, v13  }
0x4b2: {  	[tilespmem:s25+$0xFFFFFFD0] =	vst v0;
	v7 =	vsel vm13, v12, v7;
	v10 =	vadd.s32 v10, v13  }
0x4b3: {  	[tilespmem:s24+$0xFFFFFFF0] =	vst v0;
	v9 =	vsel vm14, v9, v7;
	v7 =	vshll.u32 v5, $0x7;
	v10 =	vsub.s32 $0x7F, v10  }
0x4b4: {  	[tilespmem:s24+$0xFFFFFFD0] =	vst v0;
	v9 =	vsel vm15, v11, v9;
	v10 =	vor.u32 v7, v10  }
0x4b5: {  	s24 =	simm.s32 $0x1C020  }
0x4b6: {  	v11 =	vld [tilespmem:s24+$0x10];
	_ =	sdelay $0x1  }
0x4b7: {  	s25 =	simm.s32 $0x0;
	s26 =	simm.s32 $0x1;
	v12 =	vld [tilespmem:s24+$0xFFFFFFF0]  }
0x4b8: {  	s30 =	simm.s32 $0x2;
	v13 =	vmov s25;
	v14 =	vmov s26;
	v15 =	vld [tilespmem:s24+$0x0]  }
0x4b9: {  	s31 =	simm.s32 $0x3;
	v16 =	vld [tilespmem:s24+$0xFFFFFFE0];
	vm1 =	vlt.s32 v13, v8;
	vm0 =	vlt.s32 v14, v8;
	v13 =	vmov s30  }
0x4ba: {  	p2 =	sgt.s32 s20, $0x4;
	v14 =	vmov s31;
	vm2 =	vlt.s32 v13, v8;
	v13 =	vshra.s32 v11, $0xE  }
.Ltmp41:
0x4bb: {  	vm3 =	vlt.s32 v14, v8;
	v11 =	vshrl.u32 v11, $0x3;
	vm4 =	veq.s32 v13, v10;
	(pc) =	sbr.rel @!p2 .LBB2_61-.Ltmp41, $4  }
0x4bc: {  	v17 =	vshra.s32 v12, $0xE;
	v11 =	vand.u32 $0x7F0, v11;
	vm3 =	vmand vm3, vm4  }
0x4bd: {  	v12 =	vshrl.u32 v12, $0x3;
	v18 =	vshra.s32 v15, $0xE;
	v11 =	vor.u32 v1, v11  }
0x4be: {  	v19 =	vshra.s32 v16, $0xE;
	v14 =	vshrl.u32 v16, $0x3;
	v13 =	vshrl.u32 v15, $0x3  }
0x4bf: {  	s24 =	simm.s32 $0x4;
	s25 =	simm.s32 $0x1C060;
	vm6 =	veq.s32 v19, v10;
	vm5 =	veq.s32 v17, v10;
	vm4 =	veq.s32 v18, v10  }
.LBB2_60:
0x4c0: {  	v15 =	vld [tilespmem:s25+$0x10];
	v14 =	vand.u32 $0x7F0, v14;
	v12 =	vand.u32 $0x7F0, v12;
	v13 =	vand.u32 $0x7F0, v13;
	s26 =	smov.u32 s24;
	s24 =	sadd.s32 $0x4, s24  }
0x4c1: {  	vm6 =	vmand vm1, vm6;
	vm5 =	vmand vm0, vm5;
	vm4 =	vmand vm2, vm4;
	v16 =	vld [tilespmem:s25+$0xFFFFFFF0];
	p2 =	slt.s32 s24, s20  }
0x4c2: {  	s28 =	sadd.s32 $0x1, s26;
	v14 =	vor.u32 v1, v14;
	v17 =	vor.u32 v1, v12;
	[tilespmem:v11+s12+$0x0] =	vst.idx.add.s32.msk vm3, v4  }
0x4c3: {  	v19 =	vor.u32 v1, v13;
	v11 =	vmov s26;
	v12 =	vmov s28;
	s28 =	sadd.s32 $0x2, s26;
	v18 =	vld [tilespmem:s25+$0x0]  }
0x4c4: {  	s26 =	sadd.s32 $0x3, s26;
	vm1 =	vlt.s32 v11, v8;
	vm0 =	vlt.s32 v12, v8;
	v11 =	vmov s28;
	v13 =	vld [tilespmem:s25+$0xFFFFFFE0]  }
0x4c5: {  	v12 =	vmov s26;
	vm2 =	vlt.s32 v11, v8;
	v11 =	vshra.s32 v15, $0xE  }
.Ltmp42:
0x4c6: {  	vm3 =	vlt.s32 v12, v8;
	vm7 =	veq.s32 v11, v10;
	v11 =	vshrl.u32 v15, $0x3;
	(pc) =	sbr.rel @p2 .LBB2_60-.Ltmp42, $4  }
0x4c7: {  	v15 =	vshra.s32 v16, $0xE;
	vm3 =	vmand vm3, vm7;
	v11 =	vand.u32 $0x7F0, v11;
	[tilespmem:v14+s12+$0x0] =	vst.idx.add.s32.msk vm6, v4  }
0x4c8: {  	v12 =	vshrl.u32 v16, $0x3;
	v16 =	vshra.s32 v18, $0xE;
	v11 =	vor.u32 v1, v11;
	[tilespmem:v17+s12+$0x0] =	vst.idx.add.s32.msk vm5, v4  }
0x4c9: {  	v17 =	vshra.s32 v13, $0xE;
	v14 =	vshrl.u32 v13, $0x3;
	v13 =	vshrl.u32 v18, $0x3;
	[tilespmem:v19+s12+$0x0] =	vst.idx.add.s32.msk vm4, v4  }
0x4ca: {  	s25 =	sadd.s32 $0x40, s25;
	vm5 =	veq.s32 v15, v10;
	vm4 =	veq.s32 v16, v10;
	vm6 =	veq.s32 v17, v10  }
.LBB2_61:
0x4cb: {  	v14 =	vand.u32 $0x7F0, v14;
	vm1 =	vmand vm1, vm6  }
0x4cc: {  	v12 =	vand.u32 $0x7F0, v12;
	vm0 =	vmand vm0, vm5;
	v14 =	vor.u32 v1, v14  }
0x4cd: {  	v13 =	vand.u32 $0x7F0, v13;
	vm2 =	vmand vm2, vm4;
	v12 =	vor.u32 v1, v12  }
0x4ce: {  	v13 =	vor.u32 v1, v13;
	_ =	sdelay $0x1  }
0x4cf: {  	[tilespmem:v11+s12+$0x0] =	vst.idx.add.s32.msk vm3, v4  }
0x4d0: {  	[tilespmem:v14+s12+$0x0] =	vst.idx.add.s32.msk vm1, v4  }
0x4d1: {  	[tilespmem:v12+s12+$0x0] =	vst.idx.add.s32.msk vm0, v4  }
0x4d2: {  	[tilespmem:v13+s12+$0x0] =	vst.idx.add.s32.msk vm2, v4  }
.LBB2_62:
.Ltmp43:
0x4d3: {  	(pc) =	sbr.rel @!p1 .LBB2_63-.Ltmp43, $1  }
0x4d4: {  	_ =	sdelay $0x3  }
0x4d5: {  	s24 =	sshra.s32 s22, $0x2  }
0x4d6: {  	s23 =	ssub.s32 $0x0, s23;
	s24 =	sadd.s32 $0x1C000, s24  }
.LBB2_100:
0x4d7: {  	v11 =	vld [tilespmem:s24+$0x0];
	_ =	sdelay $0x3  }
0x4d8: {  	s25 =	sadd.s32 s23, s19  }
0x4d9: {  	v13 =	vmov s25;
	v12 =	vshra.s32 v11, $0xE  }
0x4da: {  	vm0 =	vlt.s32 v13, v8;
	v11 =	vshrl.u32 v11, $0x3;
	vm1 =	veq.s32 v12, v10  }
0x4db: {  	s23 =	sadd.s32 $0x1, s23;
	v11 =	vand.u32 $0x7F0, v11;
	vm0 =	vmand vm0, vm1  }
0x4dc: {  	p2 =	seq.s32 s23, $0x0;
	v11 =	vor.u32 v1, v11  }
.Ltmp44:
0x4dd: {  	_ = 	snop;
	(pc) =	sbr.rel @!p2 .LBB2_100-.Ltmp44, $2  }
0x4de: {  	_ =	sdelay $0x2  }
0x4df: {  	s24 =	sadd.s32 $0x10, s24;
	[tilespmem:v11+s12+$0x0] =	vst.idx.add.s32.msk vm0, v4  }
.LBB2_63:
0x4e0: {  	s24 =	simm.s32 $0x187F0  }
0x4e1: {  	v12 =	vld [tilespmem:s24+$0x0]  }
0x4e2: {  	v13 =	vld [tilespmem:s24+$0xFFFFFFF0]  }
0x4e3: {  	v14 =	vld [tilespmem:s24+$0xFFFFFFE0];
	_ =	sdelay $0x1  }
0x4e4: {  	v11 =	vimm.s32 $0x0;
	s23 =	simm.s32 $0x187B0;
	v17 =	vld [tilespmem:s24+$0xFFFFFFD0]  }
0x4e5: {  	v9 =	vsub.s32 v6, v9;
	v20 =	vld [tilespmem:s23+$0x0];
	v12 =	vadd.s32 v11, v12  }
0x4e6: {  	[tilespmem:s24+$0x0] =	vst v0;
	vm1 =	vlt.s32 v12, v9;
	v16 =	vadd.s32 v12, v13  }
0x4e7: {  	[tilespmem:s24+$0xFFFFFFE0] =	vst v0;
	v18 =	vsel vm1, $0x1, v0;
	vm0 =	vlt.s32 v16, v9;
	v13 =	vadd.s32 v16, v14  }
0x4e8: {  	[tilespmem:s23+$0x0] =	vst v0;
	v15 =	vld [tilespmem:s23+$0xFFFFFFF0];
	v19 =	vsel vm1, v12, v11;
	v14 =	vadd.s32 v18, v11;
	v11 =	vsel vm0, $0x1, v0  }
0x4e9: {  	[tilespmem:s24+$0xFFFFFFF0] =	vst v0;
	v12 =	vld [tilespmem:s23+$0xFFFFFFE0];
	vm1 =	vlt.s32 v13, v9;
	v17 =	vadd.s32 v13, v17;
	v18 =	vadd.s32 v11, v14  }
0x4ea: {  	s25 =	simm.s32 $0x4;
	s26 =	simm.s32 $0x18770;
	[tilespmem:s23+$0xFFFFFFE0] =	vst v0;
	v11 =	vadd.s32 v17, v20;
	v14 =	vld [tilespmem:s23+$0xFFFFFFD0];
	v20 =	vsel vm1, $0x1, v0;
	vm2 =	vlt.s32 v17, v9  }
.LBB2_64:
0x4eb: {  	v21 =	vld [tilespmem:s26+$0x0];
	s25 =	sadd.s32 $0x4, s25;
	vm3 =	vlt.s32 v11, v9;
	v16 =	vsel vm0, v16, v19;
	[tilespmem:s24+$0xFFFFFFD0] =	vst v0;
	v19 =	vsel vm2, $0x1, v0;
	s24 =	smov.u32 s23;
	s23 =	smov.u32 s26  }
0x4ec: {  	v18 =	vadd.s32 v20, v18;
	[tilespmem:s26+$0x0] =	vst v0;
	p2 =	slt.u32 s25, $0x7C;
	v13 =	vsel vm1, v13, v16  }
.Ltmp45:
0x4ed: {  	v18 =	vadd.s32 v19, v18;
	v16 =	vadd.s32 v11, v15;
	v17 =	vsel vm2, v17, v13;
	(pc) =	sbr.rel @p2 .LBB2_64-.Ltmp45, $4  }
0x4ee: {  	v19 =	vsel vm3, $0x1, v0;
	vm0 =	vlt.s32 v16, v9;
	v13 =	vadd.s32 v16, v12  }
0x4ef: {  	v18 =	vadd.s32 v19, v18;
	v19 =	vsel vm3, v11, v17;
	v15 =	vld [tilespmem:s26+$0xFFFFFFF0];
	v11 =	vsel vm0, $0x1, v0  }
0x4f0: {  	vm1 =	vlt.s32 v13, v9;
	v17 =	vadd.s32 v13, v14;
	v12 =	vld [tilespmem:s26+$0xFFFFFFE0];
	[tilespmem:s24+$0xFFFFFFF0] =	vst v0;
	v18 =	vadd.s32 v11, v18  }
0x4f1: {  	v11 =	vadd.s32 v17, v21;
	s26 =	sadd.s32 $0xFFFFFFC0, s26;
	v20 =	vsel vm1, $0x1, v0;
	vm2 =	vlt.s32 v17, v9;
	[tilespmem:s23+$0xFFFFFFE0] =	vst v0;
	v14 =	vld [tilespmem:s23+$0xFFFFFFD0]  }
0x4f2: {  	v16 =	vsel vm0, v16, v19;
	v57 =	vsel vm2, $0x1, v0;
	v18 =	vadd.s32 v20, v18  }
0x4f3: {  	vm3 =	vlt.s32 v11, v9;
	v13 =	vsel vm1, v13, v16;
	v58 =	vadd.s32 v57, v18  }
0x4f4: {  	v59 =	vsel vm3, $0x1, v0;
	v15 =	vadd.s32 v11, v15;
	v13 =	vsel vm2, v17, v13  }
0x4f5: {  	v16 =	vadd.s32 v59, v58;
	vm13 =	vlt.s32 v15, v9;
	v12 =	vadd.s32 v15, v12  }
0x4f6: {  	v60 =	vsel vm13, $0x1, v0;
	vm14 =	vlt.s32 v12, v9;
	v14 =	vadd.s32 v12, v14  }
.Ltmp46:
0x4f7: {  	v16 =	vadd.s32 v60, v16;
	v61 =	vsel vm14, $0x1, v0;
	vm15 =	vlt.s32 v14, v9;
	(pc) =	sbr.rel @p0 .LBB2_69-.Ltmp46, $4  }
0x4f8: {  	v11 =	vsel vm3, v11, v13;
	v62 =	vsel vm15, $0x1, v0;
	v16 =	vadd.s32 v61, v16  }
0x4f9: {  	[tilespmem:s24+$0xFFFFFFD0] =	vst v0;
	v11 =	vsel vm13, v15, v11;
	v13 =	vadd.s32 v62, v16  }
0x4fa: {  	[tilespmem:s23+$0xFFFFFFF0] =	vst v0;
	v10 =	vshll.u32 v10, $0x7;
	v11 =	vsel vm14, v12, v11;
	v63 =	vsub.s32 $0x7F, v13  }
0x4fb: {  	[tilespmem:s23+$0xFFFFFFD0] =	vst v0;
	v11 =	vsel vm15, v14, v11;
	v10 =	vor.u32 v10, v63  }
0x4fc: {  	s23 =	simm.s32 $0x1C020  }
0x4fd: {  	v12 =	vld [tilespmem:s23+$0x10];
	_ =	sdelay $0x1  }
0x4fe: {  	s24 =	simm.s32 $0x0;
	s25 =	simm.s32 $0x1;
	v13 =	vld [tilespmem:s23+$0xFFFFFFF0]  }
0x4ff: {  	s30 =	simm.s32 $0x2;
	v14 =	vmov s24;
	v15 =	vmov s25;
	v16 =	vld [tilespmem:s23+$0x0]  }
0x500: {  	s31 =	simm.s32 $0x3;
	v17 =	vld [tilespmem:s23+$0xFFFFFFE0];
	vm1 =	vlt.s32 v14, v8;
	vm0 =	vlt.s32 v15, v8;
	v14 =	vmov s30  }
0x501: {  	p0 =	sgt.s32 s20, $0x4;
	v15 =	vmov s31;
	vm2 =	vlt.s32 v14, v8;
	v14 =	vshra.s32 v12, $0x7  }
.Ltmp47:
0x502: {  	vm3 =	vlt.s32 v15, v8;
	v12 =	vshll.u32 v12, $0x4;
	vm4 =	veq.s32 v14, v10;
	(pc) =	sbr.rel @!p0 .LBB2_68-.Ltmp47, $4  }
0x503: {  	v18 =	vshra.s32 v13, $0x7;
	v12 =	vor.u32 v1, v12;
	vm3 =	vmand vm3, vm4  }
0x504: {  	v13 =	vshll.u32 v13, $0x4;
	v19 =	vshra.s32 v16, $0x7;
	v12 =	vand.u32 $0x7FF, v12  }
0x505: {  	v20 =	vshra.s32 v17, $0x7;
	v15 =	vshll.u32 v17, $0x4;
	v14 =	vshll.u32 v16, $0x4  }
0x506: {  	s23 =	simm.s32 $0x4;
	s24 =	simm.s32 $0x1C060;
	vm6 =	veq.s32 v20, v10;
	vm5 =	veq.s32 v18, v10;
	vm4 =	veq.s32 v19, v10  }
.LBB2_67:
0x507: {  	v16 =	vld [tilespmem:s24+$0x10];
	v15 =	vor.u32 v1, v15;
	v13 =	vor.u32 v1, v13;
	v14 =	vor.u32 v1, v14;
	s25 =	smov.u32 s23;
	s23 =	sadd.s32 $0x4, s23  }
0x508: {  	vm6 =	vmand vm1, vm6;
	vm5 =	vmand vm0, vm5;
	vm4 =	vmand vm2, vm4;
	v17 =	vld [tilespmem:s24+$0xFFFFFFF0];
	p0 =	slt.s32 s23, s20  }
0x509: {  	s26 =	sadd.s32 $0x1, s25;
	v15 =	vand.u32 $0x7FF, v15;
	v18 =	vand.u32 $0x7FF, v13;
	v19 =	vand.u32 $0x7FF, v14;
	[tilespmem:v12+s12+$0x0] =	vst.idx.add.s32.msk vm3, v4  }
0x50a: {  	v12 =	vmov s25;
	v13 =	vmov s26;
	s26 =	sadd.s32 $0x2, s25;
	v14 =	vld [tilespmem:s24+$0x0]  }
0x50b: {  	s25 =	sadd.s32 $0x3, s25;
	vm1 =	vlt.s32 v12, v8;
	vm0 =	vlt.s32 v13, v8;
	v12 =	vmov s26;
	v20 =	vld [tilespmem:s24+$0xFFFFFFE0]  }
0x50c: {  	v13 =	vmov s25;
	vm2 =	vlt.s32 v12, v8;
	v12 =	vshra.s32 v16, $0x7  }
.Ltmp48:
0x50d: {  	vm3 =	vlt.s32 v13, v8;
	vm7 =	veq.s32 v12, v10;
	v12 =	vshll.u32 v16, $0x4;
	(pc) =	sbr.rel @p0 .LBB2_67-.Ltmp48, $4  }
0x50e: {  	v16 =	vshra.s32 v17, $0x7;
	vm3 =	vmand vm3, vm7;
	v12 =	vor.u32 v1, v12;
	[tilespmem:v15+s12+$0x0] =	vst.idx.add.s32.msk vm6, v4  }
0x50f: {  	v13 =	vshll.u32 v17, $0x4;
	v17 =	vshra.s32 v14, $0x7;
	v12 =	vand.u32 $0x7FF, v12;
	[tilespmem:v18+s12+$0x0] =	vst.idx.add.s32.msk vm5, v4  }
0x510: {  	v14 =	vshll.u32 v14, $0x4;
	v18 =	vshra.s32 v20, $0x7;
	v15 =	vshll.u32 v20, $0x4;
	[tilespmem:v19+s12+$0x0] =	vst.idx.add.s32.msk vm4, v4  }
0x511: {  	s24 =	sadd.s32 $0x40, s24;
	vm5 =	veq.s32 v16, v10;
	vm4 =	veq.s32 v17, v10;
	vm6 =	veq.s32 v18, v10  }
.LBB2_68:
0x512: {  	v15 =	vor.u32 v1, v15;
	vm1 =	vmand vm1, vm6  }
0x513: {  	v13 =	vor.u32 v1, v13;
	vm0 =	vmand vm0, vm5;
	v15 =	vand.u32 $0x7FF, v15  }
0x514: {  	v14 =	vor.u32 v1, v14;
	vm2 =	vmand vm2, vm4;
	v13 =	vand.u32 $0x7FF, v13  }
0x515: {  	v14 =	vand.u32 $0x7FF, v14;
	_ =	sdelay $0x1  }
0x516: {  	[tilespmem:v12+s12+$0x0] =	vst.idx.add.s32.msk vm3, v4  }
0x517: {  	[tilespmem:v15+s12+$0x0] =	vst.idx.add.s32.msk vm1, v4  }
0x518: {  	[tilespmem:v13+s12+$0x0] =	vst.idx.add.s32.msk vm0, v4  }
0x519: {  	[tilespmem:v14+s12+$0x0] =	vst.idx.add.s32.msk vm2, v4  }
.LBB2_69:
.Ltmp49:
0x51a: {  	(pc) =	sbr.rel @!p1 .LBB2_70-.Ltmp49, $1  }
0x51b: {  	_ =	sdelay $0x3  }
0x51c: {  	s20 =	sshra.s32 s22, $0x2  }
0x51d: {  	s20 =	sadd.s32 $0x1C000, s20  }
.LBB2_102:
0x51e: {  	v12 =	vld [tilespmem:s20+$0x0];
	_ =	sdelay $0x3  }
0x51f: {  	s22 =	sadd.s32 s21, s19  }
0x520: {  	v14 =	vmov s22;
	v13 =	vshra.s32 v12, $0x7  }
0x521: {  	vm0 =	vlt.s32 v14, v8;
	v12 =	vshll.u32 v12, $0x4;
	vm1 =	veq.s32 v13, v10  }
0x522: {  	s21 =	sadd.s32 $0x1, s21;
	v12 =	vor.u32 v1, v12;
	vm0 =	vmand vm0, vm1  }
0x523: {  	p0 =	seq.s32 s21, $0x0;
	v12 =	vand.u32 $0x7FF, v12  }
.Ltmp50:
0x524: {  	_ = 	snop;
	(pc) =	sbr.rel @!p0 .LBB2_102-.Ltmp50, $2  }
0x525: {  	_ =	sdelay $0x2  }
0x526: {  	s20 =	sadd.s32 $0x10, s20;
	[tilespmem:v12+s12+$0x0] =	vst.idx.add.s32.msk vm0, v4  }
.LBB2_70:
0x527: {  	s20 =	simm.s32 $0x187F0  }
0x528: {  	v8 =	vsub.s32 v9, v11;
	v9 =	vld [tilespmem:s20+$0x0]  }
0x529: {  	v12 =	vld [tilespmem:s20+$0xFFFFFFF0];
	_ =	sdelay $0x1  }
0x52a: {  	v13 =	vld [tilespmem:s20+$0xFFFFFFE0]  }
0x52b: {  	v11 =	vimm.s32 $0x0  }
0x52c: {  	s21 =	simm.s32 $0x187B0;
	v14 =	vld [tilespmem:s20+$0xFFFFFFD0];
	v9 =	vadd.s32 v11, v9  }
0x52d: {  	[tilespmem:s20+$0x0] =	vst v0;
	v15 =	vld [tilespmem:s21+$0x0];
	vm0 =	vlt.s32 v9, v8;
	v9 =	vadd.s32 v9, v12  }
0x52e: {  	[tilespmem:s20+$0xFFFFFFE0] =	vst v0;
	v12 =	vsel vm0, $0x1, v0;
	vm0 =	vlt.s32 v9, v8  }
0x52f: {  	[tilespmem:s20+$0xFFFFFFD0] =	vst v0;
	v13 =	vadd.s32 v9, v13;
	v12 =	vadd.s32 v12, v11;
	v16 =	vsel vm0, $0x1, v0  }
0x530: {  	[tilespmem:s21+$0x0] =	vst v0;
	vm0 =	vlt.s32 v13, v8;
	v16 =	vadd.s32 v16, v12;
	v12 =	vld [tilespmem:s21+$0xFFFFFFF0]  }
0x531: {  	v9 =	vld [tilespmem:s21+$0xFFFFFFE0];
	[tilespmem:s21+$0xFFFFFFE0] =	vst v0;
	v18 =	vadd.s32 v13, v14;
	v17 =	vsel vm0, $0x1, v0  }
0x532: {  	s22 =	simm.s32 $0x4;
	s23 =	simm.s32 $0x18770;
	v11 =	vld [tilespmem:s21+$0xFFFFFFD0];
	[tilespmem:s21+$0xFFFFFFD0] =	vst v0;
	v13 =	vadd.s32 v18, v15;
	vm0 =	vlt.s32 v18, v8;
	v14 =	vadd.s32 v17, v16  }
.LBB2_71:
0x533: {  	s22 =	sadd.s32 $0x4, s22  }
0x534: {  	v15 =	vld [tilespmem:s23+$0x0];
	[tilespmem:s20+$0xFFFFFFF0] =	vst v0;
	v16 =	vsel vm0, $0x1, v0;
	s20 =	smov.u32 s21;
	s21 =	smov.u32 s23;
	p0 =	slt.u32 s22, $0x7C  }
.Ltmp51:
0x535: {  	vm0 =	vlt.s32 v13, v8;
	[tilespmem:s23+$0x0] =	vst v0;
	v13 =	vadd.s32 v13, v12;
	v14 =	vadd.s32 v16, v14;
	(pc) =	sbr.rel @p0 .LBB2_71-.Ltmp51, $4  }
0x536: {  	v16 =	vsel vm0, $0x1, v0;
	v12 =	vld [tilespmem:s23+$0xFFFFFFF0];
	vm0 =	vlt.s32 v13, v8;
	v13 =	vadd.s32 v13, v9  }
0x537: {  	v14 =	vadd.s32 v16, v14;
	v9 =	vld [tilespmem:s23+$0xFFFFFFE0];
	v16 =	vsel vm0, $0x1, v0;
	vm0 =	vlt.s32 v13, v8  }
0x538: {  	v17 =	vadd.s32 v13, v11;
	[tilespmem:s23+$0xFFFFFFE0] =	vst v0;
	v14 =	vadd.s32 v16, v14;
	v16 =	vsel vm0, $0x1, v0;
	v11 =	vld [tilespmem:s23+$0xFFFFFFD0]  }
0x539: {  	s23 =	sadd.s32 $0xFFFFFFC0, s23;
	vm0 =	vlt.s32 v17, v8;
	v13 =	vadd.s32 v17, v15;
	[tilespmem:s21+$0xFFFFFFD0] =	vst v0;
	v14 =	vadd.s32 v16, v14  }
0x53a: {  	v15 =	vsel vm0, $0x1, v0;
	vm12 =	vlt.s32 v13, v8  }
0x53b: {  	v12 =	vadd.s32 v13, v12;
	v59 =	vadd.s32 v15, v14;
	v60 =	vsel vm12, $0x1, v0  }
0x53c: {  	vm13 =	vlt.s32 v12, v8;
	v9 =	vadd.s32 v12, v9;
	v61 =	vadd.s32 v60, v59  }
0x53d: {  	v62 =	vsel vm13, $0x1, v0;
	vm14 =	vlt.s32 v9, v8;
	v9 =	vadd.s32 v9, v11  }
0x53e: {  	p0 =	slt.s32 s19, $0x3F0;
	v11 =	vadd.s32 v62, v61;
	v63 =	vsel vm14, $0x1, v0;
	vm15 =	vlt.s32 v9, v8  }
.Ltmp52:
0x53f: {  	v8 =	vadd.s32 v63, v11;
	v9 =	vsel vm15, $0x1, v0;
	(pc) =	sbr.rel @p0 .LBB2_86-.Ltmp52, $4  }
0x540: {  	v8 =	vadd.s32 v9, v8  }
0x541: {  	[tilespmem:s20+$0xFFFFFFF0] =	vst v0;
	v9 =	vshll.u32 v10, $0x7;
	v8 =	vsub.s32 $0x7F, v8  }
0x542: {  	[tilespmem:s21+$0xFFFFFFF0] =	vst v0;
	v8 =	vor.u32 v9, v8  }
0x543: {  	s19 =	simm.s32 $0x0;
	[tilespmem:$0x1FF00] =	vst v8  }
0x544: {  	v8 =	vmov s19  }
0x545: {  	v9 =	vxor.u32 s19, v1;
	v8 =	vshll.u32 v8, $0x3  }
0x546: {  	s20 =	sadd.s32 $0x3, s19;
	v9 =	vand.u32 $0x7F, v9;
	v8 =	vand.u32 $0x3C00, v8  }
0x547: {  	v8 =	vor.u32 v9, v8;
	v9 =	vmov s20  }
0x548: {  	v10 =	vxor.u32 s20, v1;
	v8 =	vor.u32 v2, v8;
	v9 =	vshll.u32 v9, $0x3  }
0x549: {  	s26 =	sadd.s32 $0x2, s19;
	v10 =	vand.u32 $0x7F, v10;
	v9 =	vand.u32 $0x3C00, v9  }
0x54a: {  	s28 =	sadd.s32 $0x1, s19;
	v11 =	vxor.u32 s26, v1;
	v9 =	vor.u32 v10, v9;
	v10 =	vmov s26  }
0x54b: {  	v12 =	vmov s28;
	v9 =	vor.u32 v2, v9;
	v10 =	vshll.u32 v10, $0x3  }
0x54c: {  	v11 =	vand.u32 $0x7F, v11;
	v12 =	vshll.u32 v12, $0x3;
	v10 =	vand.u32 $0x3C00, v10  }
0x54d: {  	s29 =	sadd.s32 $0x4, s19;
	v13 =	vxor.u32 s28, v1;
	v12 =	vand.u32 $0x3C00, v12;
	v8 =	vld.idx.msk [tilespmem:v8+s10+$0x0], $0xffff;
	v10 =	vor.u32 v11, v10  }
0x54e: {  	v11 =	vand.u32 $0x7F, v13;
	v13 =	vmov s29;
	v10 =	vor.u32 v2, v10  }
0x54f: {  	v11 =	vor.u32 v11, v12;
	v12 =	vxor.u32 s29, v1;
	v13 =	vshll.u32 v13, $0x3  }
0x550: {  	v12 =	vand.u32 $0x7F, v12;
	v13 =	vand.u32 $0x3C00, v13;
	v9 =	vld.idx.msk [tilespmem:v9+s10+$0x0], $0xffff  }
0x551: {  	v11 =	vor.u32 v2, v11;
	v12 =	vor.u32 v12, v13  }
0x552: {  	s30 =	sadd.s32 $0x3, s29;
	v12 =	vor.u32 v2, v12;
	v8 =	vand.u32 $0x7FFFFFFF, v8  }
0x553: {  	v13 =	vshrl.u32 v8, $0xA;
	v8 =	vshrl.u32 v8, $0x15;
	v14 =	vld.idx.msk [tilespmem:v10+s10+$0x0], $0xffff;
	v10 =	vmov s30  }
0x554: {  	v13 =	vand.u32 $0x7F0, v13;
	vm0 =	veq.s32 v8, v5;
	v10 =	vshll.u32 v10, $0x3  }
0x555: {  	v8 =	vor.u32 v1, v13;
	v13 =	vxor.u32 s30, v1;
	v9 =	vand.u32 $0x7FFFFFFF, v9  }
0x556: {  	v11 =	vld.idx.msk [tilespmem:v11+s10+$0x0], $0xffff;
	v10 =	vand.u32 $0x3C00, v10;
	v13 =	vand.u32 $0x7F, v13;
	v15 =	vshrl.u32 v9, $0xA  }
0x557: {  	s31 =	sadd.s32 $0x2, s29;
	v9 =	vshrl.u32 v9, $0x15;
	v10 =	vor.u32 v13, v10;
	v13 =	vand.u32 $0x7F0, v15  }
0x558: {  	vm1 =	veq.s32 v9, v5;
	v15 =	vmov s31;
	v10 =	vor.u32 v2, v10  }
0x559: {  	v9 =	vor.u32 v1, v13;
	v13 =	vxor.u32 s31, v1;
	v16 =	vand.u32 $0x7FFFFFFF, v14  }
0x55a: {  	v14 =	vshll.u32 v15, $0x3;
	v13 =	vand.u32 $0x7F, v13;
	v15 =	vshrl.u32 v16, $0x15  }
0x55b: {  	v11 =	vand.u32 $0x7FFFFFFF, v11;
	vm2 =	veq.s32 v15, v5;
	v15 =	vshrl.u32 v16, $0xA  }
0x55c: {  	v16 =	vshrl.u32 v11, $0x15;
	v11 =	vshrl.u32 v11, $0xA;
	v17 =	vand.u32 $0x7F0, v15  }
0x55d: {  	s19 =	sadd.s32 $0x4, s29;
	s20 =	sadd.s32 $0x1, s29;
	v12 =	vld.idx.msk [tilespmem:v12+s10+$0x0], $0xffff;
	vm3 =	veq.s32 v16, v5;
	v15 =	vand.u32 $0x7F0, v11;
	v11 =	vor.u32 v1, v17  }
.LBB2_74:
0x55e: {  	p0 =	slt.u32 s19, $0x7FC;
	v16 =	vmov s20;
	v14 =	vand.u32 $0x3C00, v14;
	v15 =	vor.u32 v1, v15  }
0x55f: {  	v17 =	vxor.u32 s20, v1;
	v16 =	vshll.u32 v16, $0x3;
	v13 =	vor.u32 v13, v14;
	[tilespmem:v8+s12+$0x0] =	vst.idx.add.s32.msk vm0, v4  }
0x560: {  	v8 =	vand.u32 $0x7F, v17;
	v14 =	vand.u32 $0x3C00, v16;
	v13 =	vor.u32 v2, v13;
	v10 =	vld.idx.msk [tilespmem:v10+s10+$0x0], $0xffff  }
0x561: {  	v16 =	vmov s19;
	v8 =	vor.u32 v8, v14;
	[tilespmem:v9+s12+$0x0] =	vst.idx.add.s32.msk vm1, v4  }
0x562: {  	v9 =	vxor.u32 s19, v1;
	v14 =	vshll.u32 v16, $0x3;
	v16 =	vor.u32 v2, v8;
	[tilespmem:v11+s12+$0x0] =	vst.idx.add.s32.msk vm2, v4  }
0x563: {  	v8 =	vand.u32 $0x7F, v9;
	v9 =	vand.u32 $0x3C00, v14;
	v11 =	vand.u32 $0x7FFFFFFF, v12;
	[tilespmem:v15+s12+$0x0] =	vst.idx.add.s32.msk vm3, v4  }
0x564: {  	v8 =	vor.u32 v8, v9;
	v9 =	vshrl.u32 v11, $0xA  }
0x565: {  	s20 =	sadd.s32 $0x3, s19;
	v12 =	vor.u32 v2, v8;
	v8 =	vshrl.u32 v11, $0x15;
	v9 =	vand.u32 $0x7F0, v9;
	v11 =	vld.idx.msk [tilespmem:v13+s10+$0x0], $0xffff  }
0x566: {  	v13 =	vmov s20;
	vm0 =	veq.s32 v8, v5;
	v8 =	vor.u32 v1, v9  }
0x567: {  	v9 =	vxor.u32 s20, v1;
	v10 =	vand.u32 $0x7FFFFFFF, v10;
	v13 =	vshll.u32 v13, $0x3;
	v15 =	vld.idx.msk [tilespmem:v16+s10+$0x0], $0xffff  }
0x568: {  	v9 =	vand.u32 $0x7F, v9;
	v14 =	vshrl.u32 v10, $0xA;
	v13 =	vand.u32 $0x3C00, v13  }
0x569: {  	v14 =	vand.u32 $0x7F0, v14;
	v9 =	vor.u32 v9, v13;
	v13 =	vshrl.u32 v10, $0x15  }
0x56a: {  	s20 =	sadd.s32 $0x2, s19;
	v10 =	vor.u32 v2, v9;
	vm1 =	veq.s32 v13, v5;
	v9 =	vor.u32 v1, v14  }
.Ltmp53:
0x56b: {  	v14 =	vmov s20;
	v13 =	vxor.u32 s20, v1;
	v11 =	vand.u32 $0x7FFFFFFF, v11;
	(pc) =	sbr.rel @p0 .LBB2_74-.Ltmp53, $4  }
0x56c: {  	v13 =	vand.u32 $0x7F, v13;
	v14 =	vshll.u32 v14, $0x3;
	v16 =	vshrl.u32 v11, $0x15  }
0x56d: {  	v11 =	vshrl.u32 v11, $0xA;
	v15 =	vand.u32 $0x7FFFFFFF, v15;
	vm2 =	veq.s32 v16, v5  }
0x56e: {  	v11 =	vand.u32 $0x7F0, v11;
	v16 =	vshrl.u32 v15, $0x15;
	v15 =	vshrl.u32 v15, $0xA  }
0x56f: {  	s20 =	sadd.s32 $0x1, s19;
	s19 =	sadd.s32 $0x4, s19;
	v11 =	vor.u32 v1, v11;
	vm3 =	veq.s32 v16, v5;
	v15 =	vand.u32 $0x7F0, v15;
	v12 =	vld.idx.msk [tilespmem:v12+s10+$0x0], $0xffff  }
0x570: {  	v16 =	vmov s20;
	v14 =	vand.u32 $0x3C00, v14  }
0x571: {  	v17 =	vxor.u32 s20, v1;
	v16 =	vshll.u32 v16, $0x3;
	v13 =	vor.u32 v13, v14  }
0x572: {  	v14 =	vand.u32 $0x7F, v17;
	v16 =	vand.u32 $0x3C00, v16;
	v13 =	vor.u32 v2, v13  }
0x573: {  	v14 =	vor.u32 v14, v16  }
0x574: {  	v14 =	vor.u32 v2, v14  }
0x575: {  	v10 =	vld.idx.msk [tilespmem:v10+s10+$0x0], $0xffff;
	_ =	sdelay $0x1  }
0x576: {  	v13 =	vld.idx.msk [tilespmem:v13+s10+$0x0], $0xffff  }
0x577: {  	v12 =	vand.u32 $0x7FFFFFFF, v12  }
0x578: {  	v15 =	vor.u32 v1, v15;
	v16 =	vshrl.u32 v12, $0xA;
	v14 =	vld.idx.msk [tilespmem:v14+s10+$0x0], $0xffff  }
0x579: {  	v12 =	vshrl.u32 v12, $0x15;
	v10 =	vand.u32 $0x7FFFFFFF, v10;
	v16 =	vand.u32 $0x7F0, v16  }
0x57a: {  	vm4 =	veq.s32 v12, v5;
	v12 =	vor.u32 v1, v16;
	v16 =	vshrl.u32 v10, $0xA  }
0x57b: {  	v10 =	vshrl.u32 v10, $0x15;
	v16 =	vand.u32 $0x7F0, v16;
	v13 =	vand.u32 $0x7FFFFFFF, v13  }
0x57c: {  	vm5 =	veq.s32 v10, v5;
	v10 =	vor.u32 v1, v16;
	v16 =	vshrl.u32 v13, $0x15  }
0x57d: {  	v13 =	vshrl.u32 v13, $0xA;
	v14 =	vand.u32 $0x7FFFFFFF, v14;
	vm6 =	veq.s32 v16, v5  }
0x57e: {  	[tilespmem:v8+s12+$0x0] =	vst.idx.add.s32.msk vm0, v4;
	v13 =	vand.u32 $0x7F0, v13;
	v8 =	vshrl.u32 v14, $0x15;
	v14 =	vshrl.u32 v14, $0xA  }
0x57f: {  	[tilespmem:v9+s12+$0x0] =	vst.idx.add.s32.msk vm1, v4;
	vm0 =	veq.s32 v8, v5;
	v5 =	vand.u32 $0x7F0, v14;
	v8 =	vor.u32 v1, v13  }
0x580: {  	[tilespmem:v11+s12+$0x0] =	vst.idx.add.s32.msk vm2, v4;
	v5 =	vor.u32 v1, v5  }
0x581: {  	[tilespmem:v15+s12+$0x0] =	vst.idx.add.s32.msk vm3, v4  }
0x582: {  	[tilespmem:v12+s12+$0x0] =	vst.idx.add.s32.msk vm4, v4  }
0x583: {  	[tilespmem:v10+s12+$0x0] =	vst.idx.add.s32.msk vm5, v4  }
0x584: {  	[tilespmem:v8+s12+$0x0] =	vst.idx.add.s32.msk vm6, v4  }
0x585: {  	s20 =	simm.s32 $0x187F0;
	[tilespmem:v5+s12+$0x0] =	vst.idx.add.s32.msk vm0, v4  }
0x586: {  	v5 =	vld [tilespmem:s20+$0x0]  }
0x587: {  	v8 =	vld [tilespmem:s20+$0xFFFFFFF0]  }
0x588: {  	v9 =	vld [tilespmem:s20+$0xFFFFFFE0];
	_ =	sdelay $0x1  }
0x589: {  	v11 =	vimm.s32 $0x0;
	s19 =	simm.s32 $0x187B0;
	v13 =	vld [tilespmem:s20+$0xFFFFFFD0]  }
0x58a: {  	v16 =	vld [tilespmem:s19+$0x0];
	v5 =	vadd.s32 v11, v5  }
0x58b: {  	[tilespmem:s20+$0x0] =	vst v0;
	vm1 =	vlt.s32 v5, v6;
	v12 =	vadd.s32 v5, v8  }
0x58c: {  	[tilespmem:s20+$0xFFFFFFE0] =	vst v0;
	v8 =	vsel vm1, $0x1, v0;
	vm0 =	vlt.s32 v12, v6;
	v10 =	vadd.s32 v12, v9  }
0x58d: {  	[tilespmem:s19+$0x0] =	vst v0;
	v9 =	vld [tilespmem:s19+$0xFFFFFFF0];
	v15 =	vsel vm1, v5, v11;
	v14 =	vadd.s32 v8, v11;
	v5 =	vsel vm0, $0x1, v0  }
0x58e: {  	[tilespmem:s20+$0xFFFFFFF0] =	vst v0;
	v8 =	vld [tilespmem:s19+$0xFFFFFFE0];
	vm1 =	vlt.s32 v10, v6;
	v13 =	vadd.s32 v10, v13;
	v14 =	vadd.s32 v5, v14  }
0x58f: {  	s21 =	simm.s32 $0x4;
	s22 =	simm.s32 $0x18770;
	[tilespmem:s19+$0xFFFFFFE0] =	vst v0;
	v11 =	vadd.s32 v13, v16;
	v5 =	vld [tilespmem:s19+$0xFFFFFFD0];
	v16 =	vsel vm1, $0x1, v0;
	vm2 =	vlt.s32 v13, v6  }
.LBB2_76:
0x590: {  	v17 =	vld [tilespmem:s22+$0x0];
	s21 =	sadd.s32 $0x4, s21;
	vm3 =	vlt.s32 v11, v6;
	v12 =	vsel vm0, v12, v15;
	[tilespmem:s20+$0xFFFFFFD0] =	vst v0;
	v15 =	vsel vm2, $0x1, v0;
	s20 =	smov.u32 s19;
	s19 =	smov.u32 s22  }
0x591: {  	v14 =	vadd.s32 v16, v14;
	[tilespmem:s22+$0x0] =	vst v0;
	p0 =	slt.u32 s21, $0x7C;
	v10 =	vsel vm1, v10, v12  }
.Ltmp54:
0x592: {  	v14 =	vadd.s32 v15, v14;
	v12 =	vadd.s32 v11, v9;
	v13 =	vsel vm2, v13, v10;
	(pc) =	sbr.rel @p0 .LBB2_76-.Ltmp54, $4  }
0x593: {  	v15 =	vsel vm3, $0x1, v0;
	vm0 =	vlt.s32 v12, v6;
	v10 =	vadd.s32 v12, v8  }
0x594: {  	v14 =	vadd.s32 v15, v14;
	v15 =	vsel vm3, v11, v13;
	v9 =	vld [tilespmem:s22+$0xFFFFFFF0];
	v11 =	vsel vm0, $0x1, v0  }
0x595: {  	vm1 =	vlt.s32 v10, v6;
	v13 =	vadd.s32 v10, v5;
	v8 =	vld [tilespmem:s22+$0xFFFFFFE0];
	[tilespmem:s20+$0xFFFFFFF0] =	vst v0;
	v14 =	vadd.s32 v11, v14  }
0x596: {  	v11 =	vadd.s32 v13, v17;
	s22 =	sadd.s32 $0xFFFFFFC0, s22;
	v16 =	vsel vm1, $0x1, v0;
	vm2 =	vlt.s32 v13, v6;
	[tilespmem:s19+$0xFFFFFFE0] =	vst v0;
	v5 =	vld [tilespmem:s19+$0xFFFFFFD0]  }
0x597: {  	s21 =	simm.s32 $0x0  }
0x598: {  	v12 =	vsel vm0, v12, v15;
	s25 =	simm.s32 $0x3;
	vm0 =	vlt.s32 v11, v6;
	v15 =	vmov s21  }
0x599: {  	v17 =	vxor.u32 s21, v1;
	v18 =	vmov s25;
	v19 =	vxor.u32 s25, v1  }
0x59a: {  	v10 =	vsel vm1, v10, v12;
	v12 =	vadd.s32 v16, v14;
	v14 =	vsel vm2, $0x1, v0  }
0x59b: {  	v9 =	vadd.s32 v11, v9;
	v12 =	vadd.s32 v14, v12;
	v14 =	vsel vm0, $0x1, v0  }
0x59c: {  	v10 =	vsel vm2, v13, v10;
	v13 =	vand.u32 $0x7F, v17;
	v12 =	vadd.s32 v14, v12  }
0x59d: {  	vm1 =	vlt.s32 v9, v6;
	v8 =	vadd.s32 v9, v8;
	v10 =	vsel vm0, v11, v10  }
0x59e: {  	v11 =	vsel vm1, $0x1, v0;
	vm0 =	vlt.s32 v8, v6;
	v5 =	vadd.s32 v8, v5  }
0x59f: {  	v9 =	vsel vm1, v9, v10;
	v11 =	vadd.s32 v11, v12;
	v12 =	vshll.u32 v15, $0x3  }
0x5a0: {  	v14 =	vsel vm0, $0x1, v0;
	vm2 =	vlt.s32 v5, v6;
	v8 =	vsel vm0, v8, v9  }
0x5a1: {  	v9 =	vshll.u32 v18, $0x3;
	v12 =	vand.u32 $0x3C00, v12;
	v10 =	vsel vm2, $0x1, v0  }
0x5a2: {  	v11 =	vadd.s32 v14, v11;
	v9 =	vand.u32 $0x3C00, v9;
	v12 =	vor.u32 v13, v12  }
0x5a3: {  	s28 =	simm.s32 $0x1;
	v10 =	vadd.s32 v10, v11;
	v11 =	vand.u32 $0x7F, v19;
	v12 =	vor.u32 v2, v12  }
0x5a4: {  	s26 =	simm.s32 $0x2;
	v5 =	vsel vm2, v5, v8;
	v14 =	vxor.u32 s28, v1;
	v9 =	vor.u32 v11, v9  }
0x5a5: {  	[tilespmem:s20+$0xFFFFFFD0] =	vst v0;
	v8 =	vsub.s32 $0x7F, v10;
	v10 =	vmov s26;
	v9 =	vor.u32 v2, v9  }
0x5a6: {  	[tilespmem:s19+$0xFFFFFFF0] =	vst v0;
	v13 =	vmov s28;
	v11 =	vxor.u32 s26, v1;
	v10 =	vshll.u32 v10, $0x3  }
0x5a7: {  	[tilespmem:s19+$0xFFFFFFD0] =	vst v0;
	v13 =	vshll.u32 v13, $0x3;
	v11 =	vand.u32 $0x7F, v11;
	v10 =	vand.u32 $0x3C00, v10  }
0x5a8: {  	v13 =	vand.u32 $0x3C00, v13;
	v10 =	vor.u32 v11, v10;
	v11 =	vand.u32 $0x7F, v14;
	v12 =	vld.idx.msk [tilespmem:v12+s10+$0x0], $0xffff  }
0x5a9: {  	s29 =	simm.s32 $0x4;
	v11 =	vor.u32 v11, v13  }
0x5aa: {  	v14 =	vmov s29;
	v11 =	vor.u32 v2, v11;
	v9 =	vld.idx.msk [tilespmem:v9+s10+$0x0], $0xffff  }
0x5ab: {  	v10 =	vor.u32 v2, v10;
	v13 =	vxor.u32 s29, v1;
	v14 =	vshll.u32 v14, $0x3  }
0x5ac: {  	v13 =	vand.u32 $0x7F, v13;
	v14 =	vand.u32 $0x3C00, v14  }
0x5ad: {  	v7 =	vor.u32 v7, v8;
	v8 =	vor.u32 v13, v14;
	v12 =	vand.u32 $0x7FFFFFFF, v12  }
0x5ae: {  	v15 =	vor.u32 v2, v8;
	v13 =	vshrl.u32 v12, $0x3  }
0x5af: {  	s30 =	simm.s32 $0x7;
	v11 =	vld.idx.msk [tilespmem:v11+s10+$0x0], $0xffff;
	v8 =	vshrl.u32 v12, $0xE;
	v9 =	vand.u32 $0x7FFFFFFF, v9;
	v12 =	vand.u32 $0x7F0, v13  }
0x5b0: {  	v13 =	vld.idx.msk [tilespmem:v10+s10+$0x0], $0xffff;
	v10 =	vmov s30;
	vm0 =	veq.s32 v8, v7;
	v14 =	vshrl.u32 v9, $0x3  }
0x5b1: {  	v8 =	vor.u32 v1, v12;
	v12 =	vxor.u32 s30, v1;
	v10 =	vshll.u32 v10, $0x3  }
0x5b2: {  	v9 =	vshrl.u32 v9, $0xE;
	v12 =	vand.u32 $0x7F, v12;
	v10 =	vand.u32 $0x3C00, v10  }
0x5b3: {  	s31 =	simm.s32 $0x6;
	vm1 =	veq.s32 v9, v7;
	v10 =	vor.u32 v12, v10  }
0x5b4: {  	v12 =	vand.u32 $0x7F0, v14;
	v14 =	vxor.u32 s31, v1;
	v11 =	vand.u32 $0x7FFFFFFF, v11  }
0x5b5: {  	v9 =	vor.u32 v1, v12;
	v12 =	vmov s31;
	v16 =	vand.u32 $0x7FFFFFFF, v13  }
0x5b6: {  	v13 =	vand.u32 $0x7F, v14;
	v14 =	vshll.u32 v12, $0x3;
	v12 =	vshrl.u32 v16, $0xE  }
0x5b7: {  	v10 =	vor.u32 v2, v10;
	vm2 =	veq.s32 v12, v7;
	v12 =	vshrl.u32 v16, $0x3  }
0x5b8: {  	v16 =	vshrl.u32 v11, $0xE;
	v11 =	vshrl.u32 v11, $0x3;
	v17 =	vand.u32 $0x7F0, v12  }
0x5b9: {  	s20 =	simm.s32 $0x5;
	s19 =	simm.s32 $0x8;
	v12 =	vld.idx.msk [tilespmem:v15+s10+$0x0], $0xffff;
	vm3 =	veq.s32 v16, v7;
	v15 =	vand.u32 $0x7F0, v11;
	v11 =	vor.u32 v1, v17  }
.LBB2_78:
0x5ba: {  	p0 =	slt.u32 s19, $0x7FC;
	v16 =	vmov s20;
	v14 =	vand.u32 $0x3C00, v14;
	v15 =	vor.u32 v1, v15  }
0x5bb: {  	v17 =	vxor.u32 s20, v1;
	v16 =	vshll.u32 v16, $0x3;
	v13 =	vor.u32 v13, v14;
	[tilespmem:v8+s12+$0x0] =	vst.idx.add.s32.msk vm0, v4  }
0x5bc: {  	v8 =	vand.u32 $0x7F, v17;
	v14 =	vand.u32 $0x3C00, v16;
	v13 =	vor.u32 v2, v13;
	v10 =	vld.idx.msk [tilespmem:v10+s10+$0x0], $0xffff  }
0x5bd: {  	v16 =	vmov s19;
	v8 =	vor.u32 v8, v14;
	[tilespmem:v9+s12+$0x0] =	vst.idx.add.s32.msk vm1, v4  }
0x5be: {  	v9 =	vxor.u32 s19, v1;
	v14 =	vshll.u32 v16, $0x3;
	v16 =	vor.u32 v2, v8;
	[tilespmem:v11+s12+$0x0] =	vst.idx.add.s32.msk vm2, v4  }
0x5bf: {  	v8 =	vand.u32 $0x7F, v9;
	v9 =	vand.u32 $0x3C00, v14;
	v11 =	vand.u32 $0x7FFFFFFF, v12;
	[tilespmem:v15+s12+$0x0] =	vst.idx.add.s32.msk vm3, v4  }
0x5c0: {  	v8 =	vor.u32 v8, v9;
	v9 =	vshrl.u32 v11, $0x3  }
0x5c1: {  	s20 =	sadd.s32 $0x3, s19;
	v12 =	vor.u32 v2, v8;
	v8 =	vshrl.u32 v11, $0xE;
	v9 =	vand.u32 $0x7F0, v9;
	v11 =	vld.idx.msk [tilespmem:v13+s10+$0x0], $0xffff  }
0x5c2: {  	v13 =	vmov s20;
	vm0 =	veq.s32 v8, v7;
	v8 =	vor.u32 v1, v9  }
0x5c3: {  	v9 =	vxor.u32 s20, v1;
	v10 =	vand.u32 $0x7FFFFFFF, v10;
	v13 =	vshll.u32 v13, $0x3;
	v15 =	vld.idx.msk [tilespmem:v16+s10+$0x0], $0xffff  }
0x5c4: {  	v9 =	vand.u32 $0x7F, v9;
	v14 =	vshrl.u32 v10, $0x3;
	v13 =	vand.u32 $0x3C00, v13  }
0x5c5: {  	v14 =	vand.u32 $0x7F0, v14;
	v9 =	vor.u32 v9, v13;
	v13 =	vshrl.u32 v10, $0xE  }
0x5c6: {  	s20 =	sadd.s32 $0x2, s19;
	v10 =	vor.u32 v2, v9;
	vm1 =	veq.s32 v13, v7;
	v9 =	vor.u32 v1, v14  }
.Ltmp55:
0x5c7: {  	v14 =	vmov s20;
	v13 =	vxor.u32 s20, v1;
	v11 =	vand.u32 $0x7FFFFFFF, v11;
	(pc) =	sbr.rel @p0 .LBB2_78-.Ltmp55, $4  }
0x5c8: {  	v13 =	vand.u32 $0x7F, v13;
	v14 =	vshll.u32 v14, $0x3;
	v16 =	vshrl.u32 v11, $0xE  }
0x5c9: {  	v11 =	vshrl.u32 v11, $0x3;
	v15 =	vand.u32 $0x7FFFFFFF, v15;
	vm2 =	veq.s32 v16, v7  }
0x5ca: {  	v11 =	vand.u32 $0x7F0, v11;
	v16 =	vshrl.u32 v15, $0xE;
	v15 =	vshrl.u32 v15, $0x3  }
0x5cb: {  	s20 =	sadd.s32 $0x1, s19;
	s19 =	sadd.s32 $0x4, s19;
	v11 =	vor.u32 v1, v11;
	vm3 =	veq.s32 v16, v7;
	v15 =	vand.u32 $0x7F0, v15;
	v12 =	vld.idx.msk [tilespmem:v12+s10+$0x0], $0xffff  }
0x5cc: {  	v16 =	vmov s20;
	v14 =	vand.u32 $0x3C00, v14  }
0x5cd: {  	v17 =	vxor.u32 s20, v1;
	v16 =	vshll.u32 v16, $0x3;
	v13 =	vor.u32 v13, v14  }
0x5ce: {  	v14 =	vand.u32 $0x7F, v17;
	v16 =	vand.u32 $0x3C00, v16;
	v13 =	vor.u32 v2, v13  }
0x5cf: {  	v14 =	vor.u32 v14, v16  }
0x5d0: {  	v14 =	vor.u32 v2, v14  }
0x5d1: {  	v10 =	vld.idx.msk [tilespmem:v10+s10+$0x0], $0xffff;
	_ =	sdelay $0x1  }
0x5d2: {  	v13 =	vld.idx.msk [tilespmem:v13+s10+$0x0], $0xffff  }
0x5d3: {  	v12 =	vand.u32 $0x7FFFFFFF, v12  }
0x5d4: {  	v15 =	vor.u32 v1, v15;
	v16 =	vshrl.u32 v12, $0x3;
	v14 =	vld.idx.msk [tilespmem:v14+s10+$0x0], $0xffff  }
0x5d5: {  	v12 =	vshrl.u32 v12, $0xE;
	v10 =	vand.u32 $0x7FFFFFFF, v10;
	v16 =	vand.u32 $0x7F0, v16  }
0x5d6: {  	vm4 =	veq.s32 v12, v7;
	v12 =	vor.u32 v1, v16;
	v16 =	vshrl.u32 v10, $0x3  }
0x5d7: {  	v10 =	vshrl.u32 v10, $0xE;
	v16 =	vand.u32 $0x7F0, v16;
	v13 =	vand.u32 $0x7FFFFFFF, v13  }
0x5d8: {  	vm5 =	veq.s32 v10, v7;
	v10 =	vor.u32 v1, v16;
	v16 =	vshrl.u32 v13, $0xE  }
0x5d9: {  	v13 =	vshrl.u32 v13, $0x3;
	v14 =	vand.u32 $0x7FFFFFFF, v14;
	vm6 =	veq.s32 v16, v7  }
0x5da: {  	[tilespmem:v8+s12+$0x0] =	vst.idx.add.s32.msk vm0, v4;
	v13 =	vand.u32 $0x7F0, v13;
	v8 =	vshrl.u32 v14, $0xE;
	v14 =	vshrl.u32 v14, $0x3  }
0x5db: {  	[tilespmem:v9+s12+$0x0] =	vst.idx.add.s32.msk vm1, v4;
	v9 =	vor.u32 v1, v13;
	vm0 =	veq.s32 v8, v7;
	v8 =	vand.u32 $0x7F0, v14  }
0x5dc: {  	[tilespmem:v11+s12+$0x0] =	vst.idx.add.s32.msk vm2, v4;
	v8 =	vor.u32 v1, v8  }
0x5dd: {  	[tilespmem:v15+s12+$0x0] =	vst.idx.add.s32.msk vm3, v4  }
0x5de: {  	[tilespmem:v12+s12+$0x0] =	vst.idx.add.s32.msk vm4, v4  }
0x5df: {  	[tilespmem:v10+s12+$0x0] =	vst.idx.add.s32.msk vm5, v4  }
0x5e0: {  	[tilespmem:v9+s12+$0x0] =	vst.idx.add.s32.msk vm6, v4  }
0x5e1: {  	s20 =	simm.s32 $0x187F0;
	[tilespmem:v8+s12+$0x0] =	vst.idx.add.s32.msk vm0, v4  }
0x5e2: {  	v8 =	vld [tilespmem:s20+$0x0]  }
0x5e3: {  	v9 =	vld [tilespmem:s20+$0xFFFFFFF0]  }
0x5e4: {  	v10 =	vld [tilespmem:s20+$0xFFFFFFE0];
	_ =	sdelay $0x1  }
0x5e5: {  	s19 =	simm.s32 $0x187B0;
	v12 =	vimm.s32 $0x0;
	v13 =	vld [tilespmem:s20+$0xFFFFFFD0]  }
0x5e6: {  	v5 =	vsub.s32 v6, v5;
	v6 =	vadd.s32 v12, v8;
	v8 =	vld [tilespmem:s19+$0x0]  }
0x5e7: {  	[tilespmem:s20+$0x0] =	vst v0;
	vm1 =	vlt.s32 v6, v5;
	v11 =	vadd.s32 v6, v9  }
0x5e8: {  	[tilespmem:s20+$0xFFFFFFE0] =	vst v0;
	v14 =	vsel vm1, $0x1, v0;
	vm0 =	vlt.s32 v11, v5;
	v9 =	vadd.s32 v11, v10  }
0x5e9: {  	[tilespmem:s20+$0xFFFFFFF0] =	vst v0;
	v10 =	vld [tilespmem:s19+$0xFFFFFFF0];
	v15 =	vadd.s32 v14, v12;
	v14 =	vsel vm1, v6, v12;
	v12 =	vsel vm0, $0x1, v0  }
0x5ea: {  	[tilespmem:s19+$0x0] =	vst v0;
	v6 =	vld [tilespmem:s19+$0xFFFFFFE0];
	vm1 =	vlt.s32 v9, v5;
	v13 =	vadd.s32 v9, v13;
	v15 =	vadd.s32 v12, v15  }
0x5eb: {  	s21 =	simm.s32 $0x4;
	s22 =	simm.s32 $0x18770;
	[tilespmem:s19+$0xFFFFFFE0] =	vst v0;
	v16 =	vsel vm1, $0x1, v0;
	vm2 =	vlt.s32 v13, v5;
	v12 =	vadd.s32 v13, v8;
	v8 =	vld [tilespmem:s19+$0xFFFFFFD0]  }
.LBB2_80:
0x5ec: {  	v17 =	vld [tilespmem:s22+$0x0];
	s21 =	sadd.s32 $0x4, s21;
	vm3 =	vlt.s32 v12, v5;
	v11 =	vsel vm0, v11, v14;
	[tilespmem:s20+$0xFFFFFFD0] =	vst v0;
	v14 =	vsel vm2, $0x1, v0;
	s20 =	smov.u32 s19;
	s19 =	smov.u32 s22  }
0x5ed: {  	v15 =	vadd.s32 v16, v15;
	[tilespmem:s22+$0x0] =	vst v0;
	p0 =	slt.u32 s21, $0x7C;
	v9 =	vsel vm1, v9, v11  }
.Ltmp56:
0x5ee: {  	v14 =	vadd.s32 v14, v15;
	v11 =	vadd.s32 v12, v10;
	v13 =	vsel vm2, v13, v9;
	(pc) =	sbr.rel @p0 .LBB2_80-.Ltmp56, $4  }
0x5ef: {  	v15 =	vsel vm3, $0x1, v0;
	vm0 =	vlt.s32 v11, v5;
	v9 =	vadd.s32 v11, v6  }
0x5f0: {  	v15 =	vadd.s32 v15, v14;
	v14 =	vsel vm3, v12, v13;
	v10 =	vld [tilespmem:s22+$0xFFFFFFF0];
	v12 =	vsel vm0, $0x1, v0  }
0x5f1: {  	vm1 =	vlt.s32 v9, v5;
	v13 =	vadd.s32 v9, v8;
	v6 =	vld [tilespmem:s22+$0xFFFFFFE0];
	[tilespmem:s20+$0xFFFFFFF0] =	vst v0;
	v15 =	vadd.s32 v12, v15  }
0x5f2: {  	v12 =	vadd.s32 v13, v17;
	s22 =	sadd.s32 $0xFFFFFFC0, s22;
	v16 =	vsel vm1, $0x1, v0;
	vm2 =	vlt.s32 v13, v5;
	[tilespmem:s19+$0xFFFFFFE0] =	vst v0;
	v8 =	vld [tilespmem:s19+$0xFFFFFFD0]  }
0x5f3: {  	s21 =	simm.s32 $0x0;
	v11 =	vsel vm0, v11, v14  }
0x5f4: {  	s22 =	simm.s32 $0x3;
	v14 =	vadd.s32 v16, v15;
	vm0 =	vlt.s32 v12, v5;
	v17 =	vmov s21  }
0x5f5: {  	v18 =	vxor.u32 s21, v1;
	v19 =	vmov s22;
	v20 =	vxor.u32 s22, v1  }
0x5f6: {  	v9 =	vsel vm1, v9, v11;
	v11 =	vsel vm2, $0x1, v0;
	v10 =	vadd.s32 v12, v10  }
0x5f7: {  	v11 =	vadd.s32 v11, v14;
	v14 =	vsel vm0, $0x1, v0;
	v9 =	vsel vm2, v13, v9  }
0x5f8: {  	vm1 =	vlt.s32 v10, v5;
	v11 =	vadd.s32 v14, v11;
	v9 =	vsel vm0, v12, v9  }
0x5f9: {  	v6 =	vadd.s32 v10, v6;
	v12 =	vshll.u32 v17, $0x3;
	v14 =	vand.u32 $0x7F, v18  }
0x5fa: {  	v13 =	vsel vm1, $0x1, v0;
	vm0 =	vlt.s32 v6, v5;
	v8 =	vadd.s32 v6, v8  }
0x5fb: {  	v12 =	vand.u32 $0x3C00, v12;
	v9 =	vsel vm1, v10, v9;
	v11 =	vadd.s32 v13, v11  }
0x5fc: {  	v13 =	vsel vm0, $0x1, v0;
	vm2 =	vlt.s32 v8, v5;
	v10 =	vor.u32 v14, v12  }
0x5fd: {  	v12 =	vsel vm2, $0x1, v0;
	v11 =	vadd.s32 v13, v11;
	v10 =	vor.u32 v2, v10  }
0x5fe: {  	v6 =	vsel vm0, v6, v9;
	v9 =	vadd.s32 v12, v11;
	v11 =	vshll.u32 v19, $0x3  }
0x5ff: {  	[tilespmem:s20+$0xFFFFFFD0] =	vst v0;
	s28 =	simm.s32 $0x1;
	v8 =	vsel vm2, v8, v6;
	v6 =	vand.u32 $0x7F, v20;
	v11 =	vand.u32 $0x3C00, v11  }
0x600: {  	[tilespmem:s19+$0xFFFFFFF0] =	vst v0;
	v7 =	vshll.u32 v7, $0x7;
	s26 =	simm.s32 $0x2;
	v14 =	vxor.u32 s28, v1;
	v6 =	vor.u32 v6, v11  }
0x601: {  	[tilespmem:s19+$0xFFFFFFD0] =	vst v0;
	v13 =	vmov s28;
	v11 =	vmov s26;
	v6 =	vor.u32 v2, v6  }
0x602: {  	v12 =	vxor.u32 s26, v1;
	v13 =	vshll.u32 v13, $0x3;
	v11 =	vshll.u32 v11, $0x3;
	v10 =	vld.idx.msk [tilespmem:v10+s10+$0x0], $0xffff  }
0x603: {  	v9 =	vsub.s32 $0x7F, v9;
	v12 =	vand.u32 $0x7F, v12;
	v11 =	vand.u32 $0x3C00, v11  }
0x604: {  	s29 =	simm.s32 $0x4;
	v13 =	vand.u32 $0x3C00, v13;
	v11 =	vor.u32 v12, v11;
	v12 =	vand.u32 $0x7F, v14  }
0x605: {  	v14 =	vmov s29;
	v11 =	vor.u32 v2, v11;
	v12 =	vor.u32 v12, v13  }
0x606: {  	v14 =	vshll.u32 v14, $0x3;
	v12 =	vor.u32 v2, v12;
	v13 =	vld.idx.msk [tilespmem:v6+s10+$0x0], $0xffff;
	v6 =	vxor.u32 s29, v1  }
0x607: {  	v14 =	vand.u32 $0x3C00, v14;
	v15 =	vand.u32 $0x7F, v6;
	v10 =	vand.u32 $0x7FFFFFFF, v10  }
0x608: {  	v6 =	vor.u32 v7, v9;
	v7 =	vor.u32 v15, v14;
	v9 =	vshll.u32 v10, $0x4  }
0x609: {  	s30 =	simm.s32 $0x7;
	v15 =	vor.u32 v2, v7;
	v7 =	vshrl.u32 v10, $0x7;
	v9 =	vor.u32 v1, v9  }
0x60a: {  	v11 =	vld.idx.msk [tilespmem:v11+s10+$0x0], $0xffff;
	v10 =	vmov s30;
	vm0 =	veq.s32 v7, v6;
	v7 =	vand.u32 $0x7FF, v9  }
0x60b: {  	v9 =	vxor.u32 s30, v1;
	v10 =	vshll.u32 v10, $0x3;
	v13 =	vand.u32 $0x7FFFFFFF, v13  }
0x60c: {  	v12 =	vld.idx.msk [tilespmem:v12+s10+$0x0], $0xffff;
	v9 =	vand.u32 $0x7F, v9;
	v10 =	vand.u32 $0x3C00, v10;
	v14 =	vshll.u32 v13, $0x4  }
0x60d: {  	s31 =	simm.s32 $0x6;
	v9 =	vor.u32 v9, v10;
	v13 =	vshrl.u32 v13, $0x7;
	v14 =	vor.u32 v1, v14  }
0x60e: {  	v10 =	vor.u32 v2, v9;
	vm1 =	veq.s32 v13, v6;
	v13 =	vxor.u32 s31, v1  }
0x60f: {  	v9 =	vand.u32 $0x7FF, v14;
	v14 =	vmov s31;
	v11 =	vand.u32 $0x7FFFFFFF, v11  }
0x610: {  	v13 =	vand.u32 $0x7F, v13;
	v14 =	vshll.u32 v14, $0x3;
	v16 =	vshrl.u32 v11, $0x7  }
0x611: {  	v12 =	vand.u32 $0x7FFFFFFF, v12;
	v11 =	vshll.u32 v11, $0x4;
	vm2 =	veq.s32 v16, v6  }
0x612: {  	v16 =	vshrl.u32 v12, $0x7;
	v17 =	vshll.u32 v12, $0x4;
	v11 =	vor.u32 v1, v11  }
0x613: {  	s20 =	simm.s32 $0x5;
	s19 =	simm.s32 $0x8;
	v12 =	vld.idx.msk [tilespmem:v15+s10+$0x0], $0xffff;
	vm3 =	veq.s32 v16, v6;
	v15 =	vor.u32 v1, v17;
	v11 =	vand.u32 $0x7FF, v11  }
.LBB2_82:
0x614: {  	p0 =	slt.u32 s19, $0x7FC;
	v16 =	vmov s20;
	v14 =	vand.u32 $0x3C00, v14;
	v15 =	vand.u32 $0x7FF, v15  }
0x615: {  	v17 =	vxor.u32 s20, v1;
	v16 =	vshll.u32 v16, $0x3;
	v13 =	vor.u32 v13, v14;
	[tilespmem:v7+s12+$0x0] =	vst.idx.add.s32.msk vm0, v4  }
0x616: {  	v7 =	vand.u32 $0x7F, v17;
	v14 =	vand.u32 $0x3C00, v16;
	v13 =	vor.u32 v2, v13;
	v10 =	vld.idx.msk [tilespmem:v10+s10+$0x0], $0xffff  }
0x617: {  	v16 =	vmov s19;
	v7 =	vor.u32 v7, v14;
	[tilespmem:v9+s12+$0x0] =	vst.idx.add.s32.msk vm1, v4  }
0x618: {  	v9 =	vxor.u32 s19, v1;
	v14 =	vshll.u32 v16, $0x3;
	v16 =	vor.u32 v2, v7;
	[tilespmem:v11+s12+$0x0] =	vst.idx.add.s32.msk vm2, v4  }
0x619: {  	v7 =	vand.u32 $0x7F, v9;
	v9 =	vand.u32 $0x3C00, v14;
	v11 =	vand.u32 $0x7FFFFFFF, v12;
	[tilespmem:v15+s12+$0x0] =	vst.idx.add.s32.msk vm3, v4  }
0x61a: {  	v7 =	vor.u32 v7, v9;
	v9 =	vshll.u32 v11, $0x4  }
0x61b: {  	s20 =	sadd.s32 $0x3, s19;
	v12 =	vor.u32 v2, v7;
	v7 =	vshrl.u32 v11, $0x7;
	v9 =	vor.u32 v1, v9;
	v11 =	vld.idx.msk [tilespmem:v13+s10+$0x0], $0xffff  }
0x61c: {  	v13 =	vmov s20;
	vm0 =	veq.s32 v7, v6;
	v7 =	vand.u32 $0x7FF, v9  }
0x61d: {  	v9 =	vxor.u32 s20, v1;
	v10 =	vand.u32 $0x7FFFFFFF, v10;
	v13 =	vshll.u32 v13, $0x3;
	v15 =	vld.idx.msk [tilespmem:v16+s10+$0x0], $0xffff  }
0x61e: {  	v9 =	vand.u32 $0x7F, v9;
	v14 =	vshll.u32 v10, $0x4;
	v13 =	vand.u32 $0x3C00, v13  }
0x61f: {  	v14 =	vor.u32 v1, v14;
	v9 =	vor.u32 v9, v13;
	v13 =	vshrl.u32 v10, $0x7  }
0x620: {  	s20 =	sadd.s32 $0x2, s19;
	v10 =	vor.u32 v2, v9;
	vm1 =	veq.s32 v13, v6;
	v9 =	vand.u32 $0x7FF, v14  }
.Ltmp57:
0x621: {  	v14 =	vmov s20;
	v13 =	vxor.u32 s20, v1;
	v11 =	vand.u32 $0x7FFFFFFF, v11;
	(pc) =	sbr.rel @p0 .LBB2_82-.Ltmp57, $4  }
0x622: {  	v13 =	vand.u32 $0x7F, v13;
	v14 =	vshll.u32 v14, $0x3;
	v16 =	vshrl.u32 v11, $0x7  }
0x623: {  	v11 =	vshll.u32 v11, $0x4;
	v15 =	vand.u32 $0x7FFFFFFF, v15;
	vm2 =	veq.s32 v16, v6  }
0x624: {  	v11 =	vor.u32 v1, v11;
	v16 =	vshrl.u32 v15, $0x7;
	v15 =	vshll.u32 v15, $0x4  }
0x625: {  	s20 =	sadd.s32 $0x1, s19;
	s19 =	sadd.s32 $0x4, s19;
	v11 =	vand.u32 $0x7FF, v11;
	vm3 =	veq.s32 v16, v6;
	v15 =	vor.u32 v1, v15;
	v12 =	vld.idx.msk [tilespmem:v12+s10+$0x0], $0xffff  }
0x626: {  	v16 =	vmov s20;
	v14 =	vand.u32 $0x3C00, v14  }
0x627: {  	v17 =	vxor.u32 s20, v1;
	v16 =	vshll.u32 v16, $0x3;
	v13 =	vor.u32 v13, v14  }
0x628: {  	v57 =	vand.u32 $0x7F, v17;
	v16 =	vand.u32 $0x3C00, v16;
	v13 =	vor.u32 v2, v13  }
0x629: {  	v14 =	vor.u32 v57, v16  }
0x62a: {  	v14 =	vor.u32 v2, v14  }
0x62b: {  	v10 =	vld.idx.msk [tilespmem:v10+s10+$0x0], $0xffff;
	_ =	sdelay $0x1  }
0x62c: {  	v13 =	vld.idx.msk [tilespmem:v13+s10+$0x0], $0xffff  }
0x62d: {  	v12 =	vand.u32 $0x7FFFFFFF, v12  }
0x62e: {  	v15 =	vand.u32 $0x7FF, v15;
	v58 =	vshll.u32 v12, $0x4;
	v14 =	vld.idx.msk [tilespmem:v14+s10+$0x0], $0xffff  }
0x62f: {  	v12 =	vshrl.u32 v12, $0x7;
	v10 =	vand.u32 $0x7FFFFFFF, v10;
	v16 =	vor.u32 v1, v58  }
0x630: {  	vm4 =	veq.s32 v12, v6;
	v60 =	vshll.u32 v10, $0x4;
	v10 =	vshrl.u32 v10, $0x7  }
0x631: {  	v59 =	vand.u32 $0x7FF, v16;
	v16 =	vor.u32 v1, v60;
	v13 =	vand.u32 $0x7FFFFFFF, v13  }
0x632: {  	vm5 =	veq.s32 v10, v6;
	v10 =	vand.u32 $0x7FF, v16;
	v61 =	vshrl.u32 v13, $0x7  }
0x633: {  	v13 =	vshll.u32 v13, $0x4;
	v14 =	vand.u32 $0x7FFFFFFF, v14;
	vm6 =	veq.s32 v61, v6  }
0x634: {  	[tilespmem:v7+s12+$0x0] =	vst.idx.add.s32.msk vm0, v4;
	v13 =	vor.u32 v1, v13;
	v7 =	vshrl.u32 v14, $0x7;
	v14 =	vshll.u32 v14, $0x4  }
0x635: {  	[tilespmem:v9+s12+$0x0] =	vst.idx.add.s32.msk vm1, v4;
	v9 =	vand.u32 $0x7FF, v13;
	vm0 =	veq.s32 v7, v6;
	v7 =	vor.u32 v1, v14  }
0x636: {  	[tilespmem:v11+s12+$0x0] =	vst.idx.add.s32.msk vm2, v4;
	v7 =	vand.u32 $0x7FF, v7  }
0x637: {  	[tilespmem:v15+s12+$0x0] =	vst.idx.add.s32.msk vm3, v4  }
0x638: {  	[tilespmem:v59+s12+$0x0] =	vst.idx.add.s32.msk vm4, v4  }
0x639: {  	[tilespmem:v10+s12+$0x0] =	vst.idx.add.s32.msk vm5, v4  }
0x63a: {  	[tilespmem:v9+s12+$0x0] =	vst.idx.add.s32.msk vm6, v4  }
0x63b: {  	s19 =	simm.s32 $0x187F0;
	[tilespmem:v7+s12+$0x0] =	vst.idx.add.s32.msk vm0, v4  }
0x63c: {  	v7 =	vld [tilespmem:s19+$0x0];
	_ =	sdelay $0x1  }
0x63d: {  	v9 =	vld [tilespmem:s19+$0xFFFFFFF0]  }
0x63e: {  	v10 =	vld [tilespmem:s19+$0xFFFFFFE0]  }
0x63f: {  	v11 =	vimm.s32 $0x0;
	v12 =	vld [tilespmem:s19+$0xFFFFFFD0]  }
0x640: {  	s20 =	simm.s32 $0x187B0;
	v5 =	vsub.s32 v5, v8;
	v7 =	vadd.s32 v11, v7  }
0x641: {  	[tilespmem:s19+$0x0] =	vst v0;
	v62 =	vld [tilespmem:s20+$0x0];
	vm0 =	vlt.s32 v7, v5  }
0x642: {  	[tilespmem:s19+$0xFFFFFFE0] =	vst v0;
	v7 =	vadd.s32 v7, v9;
	v8 =	vsel vm0, $0x1, v0  }
0x643: {  	[tilespmem:s19+$0xFFFFFFD0] =	vst v0;
	vm0 =	vlt.s32 v7, v5;
	v9 =	vadd.s32 v7, v10;
	v10 =	vadd.s32 v8, v11  }
0x644: {  	[tilespmem:s20+$0x0] =	vst v0;
	v11 =	vsel vm0, $0x1, v0;
	vm0 =	vlt.s32 v9, v5;
	v12 =	vadd.s32 v9, v12;
	v9 =	vld [tilespmem:s20+$0xFFFFFFF0]  }
0x645: {  	v7 =	vld [tilespmem:s20+$0xFFFFFFE0];
	[tilespmem:s20+$0xFFFFFFE0] =	vst v0;
	v11 =	vadd.s32 v11, v10;
	v63 =	vsel vm0, $0x1, v0  }
0x646: {  	s21 =	simm.s32 $0x4;
	s22 =	simm.s32 $0x18770;
	v8 =	vld [tilespmem:s20+$0xFFFFFFD0];
	[tilespmem:s20+$0xFFFFFFD0] =	vst v0;
	v10 =	vadd.s32 v12, v62;
	vm0 =	vlt.s32 v12, v5;
	v11 =	vadd.s32 v63, v11  }
.LBB2_84:
0x647: {  	s21 =	sadd.s32 $0x4, s21  }
0x648: {  	v12 =	vld [tilespmem:s22+$0x0];
	[tilespmem:s19+$0xFFFFFFF0] =	vst v0;
	v13 =	vsel vm0, $0x1, v0;
	s19 =	smov.u32 s20;
	s20 =	smov.u32 s22;
	p0 =	slt.u32 s21, $0x7C  }
.Ltmp58:
0x649: {  	vm0 =	vlt.s32 v10, v5;
	[tilespmem:s22+$0x0] =	vst v0;
	v10 =	vadd.s32 v10, v9;
	v11 =	vadd.s32 v13, v11;
	(pc) =	sbr.rel @p0 .LBB2_84-.Ltmp58, $4  }
0x64a: {  	v13 =	vsel vm0, $0x1, v0;
	v9 =	vld [tilespmem:s22+$0xFFFFFFF0];
	vm0 =	vlt.s32 v10, v5;
	v10 =	vadd.s32 v10, v7  }
0x64b: {  	v11 =	vadd.s32 v13, v11;
	v7 =	vld [tilespmem:s22+$0xFFFFFFE0];
	v13 =	vsel vm0, $0x1, v0;
	vm0 =	vlt.s32 v10, v5  }
0x64c: {  	v14 =	vadd.s32 v10, v8;
	[tilespmem:s22+$0xFFFFFFE0] =	vst v0;
	v11 =	vadd.s32 v13, v11;
	v13 =	vsel vm0, $0x1, v0;
	v8 =	vld [tilespmem:s22+$0xFFFFFFD0]  }
0x64d: {  	s22 =	sadd.s32 $0xFFFFFFC0, s22;
	vm0 =	vlt.s32 v14, v5;
	v10 =	vadd.s32 v14, v12;
	[tilespmem:s20+$0xFFFFFFD0] =	vst v0;
	v11 =	vadd.s32 v13, v11  }
0x64e: {  	v12 =	vsel vm0, $0x1, v0;
	vm12 =	vlt.s32 v10, v5  }
0x64f: {  	v9 =	vadd.s32 v10, v9;
	v10 =	vadd.s32 v12, v11;
	v11 =	vsel vm12, $0x1, v0  }
0x650: {  	vm13 =	vlt.s32 v9, v5;
	v7 =	vadd.s32 v9, v7;
	v9 =	vadd.s32 v11, v10  }
0x651: {  	v10 =	vsel vm13, $0x1, v0;
	vm14 =	vlt.s32 v7, v5;
	v7 =	vadd.s32 v7, v8  }
0x652: {  	v8 =	vadd.s32 v10, v9;
	v9 =	vsel vm14, $0x1, v0;
	vm15 =	vlt.s32 v7, v5  }
.Ltmp59:
0x653: {  	v5 =	vadd.s32 v9, v8;
	v7 =	vsel vm15, $0x1, v0;
	(pc) =	sbr.rel .LBB2_86-.Ltmp59, $4  }
0x654: {  	v5 =	vadd.s32 v7, v5  }
0x655: {  	[tilespmem:s19+$0xFFFFFFF0] =	vst v0;
	v6 =	vshll.u32 v6, $0x7;
	v5 =	vsub.s32 $0x7F, v5  }
0x656: {  	[tilespmem:s20+$0xFFFFFFF0] =	vst v0;
	v8 =	vor.u32 v6, v5  }
0x657: {  	[tilespmem:$0x1FF00] =	vst v8  }
.LBB2_87:
0x658: {  	s17 =	simm.s32 $0x0;
	s18 =	simm.s32 $0x1;
	s19 =	simm.s32 $0x2  }
0x659: {  	s20 =	simm.s32 $0x3;
	s21 =	simm.s32 $0x4;
	s22 =	simm.s32 $0x5;
	v5 =	vxor.u32 s17, v1;
	v6 =	vmov s18;
	v7 =	vmov s19  }
0x65a: {  	s23 =	simm.s32 $0x7;
	v9 =	vxor.u32 s20, v1;
	v10 =	vmov s21;
	v11 =	vmov s22  }
0x65b: {  	v12 =	vxor.u32 s18, v1;
	v13 =	vmov s23;
	v14 =	vxor.u32 s19, v1  }
0x65c: {  	s24 =	simm.s32 $0x9;
	s28 =	simm.s32 $0xC;
	s29 =	simm.s32 $0xD;
	v15 =	vmov s17;
	v18 =	vxor.u32 s21, v1;
	v19 =	vxor.u32 s23, v1  }
0x65d: {  	s30 =	simm.s32 $0xF;
	s31 =	simm.s32 $0xE;
	v21 =	vmov s28;
	v22 =	vmov s29;
	v24 =	vxor.u32 s24, v1  }
0x65e: {  	v25 =	vmov s30;
	v28 =	vxor.u32 s31, v1;
	v59 =	vxor.u32 s29, v1  }
0x65f: {  	v31 =	vxor.u32 s28, v1;
	v33 =	vxor.u32 s30, v1;
	v5 =	vand.u32 $0x7F, v5  }
0x660: {  	s19 =	simm.s32 $0x6;
	v9 =	vand.u32 $0x7F, v9;
	v10 =	vshll.u32 v10, $0x3;
	v15 =	vshll.u32 v15, $0x3  }
0x661: {  	v14 =	vand.u32 $0x7F, v14;
	v12 =	vand.u32 $0x7F, v12;
	v16 =	vmov s19  }
0x662: {  	v13 =	vshll.u32 v13, $0x3;
	v11 =	vshll.u32 v11, $0x3;
	v6 =	vshll.u32 v6, $0x3  }
0x663: {  	s23 =	simm.s32 $0x8;
	v7 =	vshll.u32 v7, $0x3;
	v19 =	vand.u32 $0x7F, v19;
	v18 =	vand.u32 $0x7F, v18  }
0x664: {  	v24 =	vand.u32 $0x7F, v24;
	v22 =	vshll.u32 v22, $0x3;
	v30 =	vmov s23  }
0x665: {  	v33 =	vand.u32 $0x7F, v33;
	v10 =	vand.u32 $0x3C00, v10;
	v15 =	vand.u32 $0x3C00, v15  }
0x666: {  	v7 =	vand.u32 $0x3C00, v7;
	v13 =	vand.u32 $0x3C00, v13;
	v5 =	vor.u32 v5, v15  }
0x667: {  	v6 =	vand.u32 $0x3C00, v6;
	v17 =	vor.u32 v2, v5;
	v5 =	vxor.u32 s22, v1  }
0x668: {  	v11 =	vand.u32 $0x3C00, v11;
	v16 =	vshll.u32 v16, $0x3;
	v5 =	vand.u32 $0x7F, v5  }
0x669: {  	_ =	swait.ge [sflag:s15], $0x8000;
	v30 =	vshll.u32 v30, $0x3;
	v15 =	vxor.u32 s19, v1;
	v5 =	vor.u32 v5, v11  }
0x66a: {  	[sflag:s15] =	ssyncset.done $0x0;
	v13 =	vor.u32 v19, v13;
	v19 =	vor.u32 v2, v5;
	v5 =	vor.u32 v18, v10  }
0x66b: {  	[sflag:s15] =	ssyncadd.s32 $0xFFFF8000;
	v16 =	vand.u32 $0x3C00, v16;
	v10 =	vmov s20;
	v18 =	vor.u32 v2, v5  }
0x66c: {  	v7 =	vor.u32 v14, v7;
	v13 =	vor.u32 v2, v13;
	v5 =	vshll.u32 v10, $0x3;
	v11 =	vld.idx.msk [tilespmem:v17+s10+$0x0], $0xffff  }
0x66d: {  	s26 =	simm.s32 $0xB;
	v15 =	vand.u32 $0x7F, v15;
	v14 =	vand.u32 $0x3C00, v5;
	v5 =	vor.u32 v2, v7  }
0x66e: {  	s25 =	simm.s32 $0xA;
	v30 =	vand.u32 $0x3C00, v30;
	v10 =	vor.u32 v15, v16;
	v15 =	vxor.u32 s26, v1  }
0x66f: {  	v26 =	vor.u32 v2, v10;
	v7 =	vor.u32 v9, v14;
	v14 =	vmov s25  }
0x670: {  	v10 =	vxor.u32 s25, v1;
	v27 =	vand.u32 $0x7F, v15;
	v14 =	vshll.u32 v14, $0x3;
	v16 =	vld.idx.msk [tilespmem:v18+s10+$0x0], $0xffff  }
0x671: {  	v9 =	vand.u32 $0x7FFFFFFF, v11;
	v11 =	vor.u32 v12, v6;
	v6 =	vor.u32 v2, v7;
	v7 =	vld.idx.msk [tilespmem:v13+s10+$0x0], $0xffff  }
0x672: {  	v15 =	vshll.u32 v21, $0x3;
	v21 =	vand.u32 $0x7F, v10;
	v14 =	vand.u32 $0x3C00, v14;
	v23 =	vld.idx.msk [tilespmem:v5+s10+$0x0], $0xffff  }
0x673: {  	v10 =	vand.u32 $0x3C00, v15;
	v15 =	vmov s31;
	v14 =	vor.u32 v21, v14  }
0x674: {  	v14 =	vor.u32 v2, v14;
	vm0 =	vgt.s32 v8, v9;
	v9 =	vxor.u32 s23, v1  }
0x675: {  	v20 =	vor.u32 v2, v11;
	v11 =	vmov s24;
	v9 =	vand.u32 $0x7F, v9  }
0x676: {  	v32 =	vld.idx.msk [tilespmem:v26+s10+$0x0], $0xffff;
	v12 =	vsel vm0, $0x0, v3;
	v11 =	vshll.u32 v11, $0x3;
	v9 =	vor.u32 v9, v30  }
0x677: {  	v16 =	vand.u32 $0x7FFFFFFF, v16;
	v7 =	vand.u32 $0x7FFFFFFF, v7;
	v23 =	vand.u32 $0x7FFFFFFF, v23  }
0x678: {  	vm1 =	vgt.s32 v8, v16;
	v16 =	vand.u32 $0x3C00, v11;
	v11 =	vand.u32 $0x7F, v59  }
0x679: {  	v36 =	vld.idx.msk [tilespmem:v19+s10+$0x0], $0xffff;
	vm10 =	vgt.s32 v8, v7;
	v7 =	vshll.u32 v25, $0x3;
	v35 =	vsel vm1, $0x0, v3  }
0x67a: {  	v29 =	vld.idx.msk [tilespmem:v6+s10+$0x0], $0xffff;
	vm15 =	vgt.s32 v8, v23;
	v60 =	vand.u32 $0x3C00, v7;
	v7 =	vor.u32 v2, v9  }
0x67b: {  	v34 =	vld.idx.msk [tilespmem:v20+s10+$0x0], $0xffff;
	v9 =	vshll.u32 v15, $0x3;
	v15 =	vand.u32 $0x3C00, v22;
	v22 =	vand.u32 $0x7FFFFFFF, v32  }
0x67c: {  	v62 =	vsel vm10, $0x0, v3;
	[tilespmem:v18+s11+$0x0] =	vst.idx.msk $0xffff, v35;
	v18 =	vor.u32 v24, v16;
	v30 =	vor.u32 v33, v60  }
0x67d: {  	v11 =	vor.u32 v11, v15;
	vm11 =	vgt.s32 v8, v22;
	v22 =	vand.u32 $0x7F, v31  }
0x67e: {  	v15 =	vand.u32 $0x3C00, v9;
	v9 =	vor.u32 v2, v11;
	v10 =	vor.u32 v22, v10  }
0x67f: {  	v22 =	vand.u32 $0x7F, v28;
	v11 =	vor.u32 v2, v10;
	v10 =	vmov s26;
	v63 =	vld.idx.msk [tilespmem:v7+s10+$0x0], $0xffff  }
0x680: {  	[tilespmem:v13+s11+$0x0] =	vst.idx.msk $0xffff, v62;
	v29 =	vand.u32 $0x7FFFFFFF, v29;
	v13 =	vshll.u32 v10, $0x3;
	v10 =	vor.u32 v2, v30  }
0x681: {  	v15 =	vor.u32 v22, v15;
	v22 =	vand.u32 $0x7FFFFFFF, v36;
	v61 =	vand.u32 $0x7FFFFFFF, v34  }
0x682: {  	vm12 =	vgt.s32 v8, v29;
	vm2 =	vgt.s32 v8, v22;
	v13 =	vand.u32 $0x3C00, v13  }
0x683: {  	[tilespmem:v17+s11+$0x0] =	vst.idx.msk $0xffff, v12;
	v12 =	vsel vm2, $0x0, v3;
	vm13 =	vgt.s32 v8, v61;
	v13 =	vor.u32 v27, v13  }
0x684: {  	[tilespmem:v19+s11+$0x0] =	vst.idx.msk $0xffff, v12;
	v12 =	vsel vm11, $0x0, v3;
	v16 =	vor.u32 v2, v13;
	v17 =	vand.u32 $0x7FFFFFFF, v63  }
0x685: {  	[tilespmem:v26+s11+$0x0] =	vst.idx.msk $0xffff, v12;
	v13 =	vsel vm13, $0x0, v3;
	v19 =	vld.idx.msk [tilespmem:v10+s10+$0x0], $0xffff;
	vm14 =	vgt.s32 v8, v17  }
0x686: {  	s17 =	simm.s32 $0x10;
	v21 =	vsel vm12, $0x0, v3;
	[tilespmem:v20+s11+$0x0] =	vst.idx.msk $0xffff, v13;
	v20 =	vsel vm15, $0x0, v3;
	v17 =	vld.idx.msk [tilespmem:v11+s10+$0x0], $0xffff;
	v12 =	vsel vm14, $0x0, v3  }
.LBB2_88:
0x687: {  	s19 =	sadd.s32 $0x1, s17  }
0x688: {  	v22 =	vxor.u32 s17, v1;
	s20 =	sadd.s32 $0x2, s17;
	s18 =	sadd.s32 $0x3, s17;
	v13 =	vor.u32 v2, v18;
	[tilespmem:v6+s11+$0x0] =	vst.idx.msk $0xffff, v21;
	v6 =	vmov v16;
	s21 =	smov.u32 s17  }
0x689: {  	s22 =	sadd.s32 $0x4, s17;
	s23 =	sadd.s32 $0x5, s17;
	s24 =	sadd.s32 $0x6, s17;
	v18 =	vmov s19;
	v21 =	vmov s20;
	v23 =	vxor.u32 s18, v1;
	v24 =	vld.idx.msk [tilespmem:v14+s10+$0x0], $0xffff  }
0x68a: {  	p0 =	slt.u32 s17, $0x7F8;
	s17 =	sadd.s32 $0x8, s17;
	v22 =	vand.u32 $0x7F, v22;
	v25 =	vmov s22;
	v26 =	vmov s23;
	s25 =	sadd.s32 $0x7, s21;
	v16 =	vld.idx.msk [tilespmem:v16+s10+$0x0], $0xffff;
	[tilespmem:v5+s11+$0x0] =	vst.idx.msk $0xffff, v20;
	v5 =	vmovc v14  }
0x68b: {  	v28 =	vor.u32 v2, v15;
	v14 =	vxor.u32 s19, v1;
	v20 =	vmov s25;
	v27 =	vld.idx.msk [tilespmem:v9+s10+$0x0], $0xffff  }
0x68c: {  	v15 =	vxor.u32 s20, v1;
	v23 =	vand.u32 $0x7F, v23;
	v25 =	vshll.u32 v25, $0x3  }
0x68d: {  	v29 =	vand.u32 $0x7F, v15;
	v15 =	vand.u32 $0x3C00, v25;
	v19 =	vand.u32 $0x7FFFFFFF, v19  }
0x68e: {  	v14 =	vand.u32 $0x7F, v14;
	v25 =	vmov s24;
	vm0 =	vgt.s32 v8, v19  }
0x68f: {  	v20 =	vshll.u32 v20, $0x3;
	v17 =	vand.u32 $0x7FFFFFFF, v17;
	v19 =	vxor.u32 s24, v1;
	v30 =	vld.idx.msk [tilespmem:v13+s10+$0x0], $0xffff  }
0x690: {  	v31 =	vxor.u32 s23, v1;
	v26 =	vshll.u32 v26, $0x3;
	v24 =	vand.u32 $0x7FFFFFFF, v24  }
0x691: {  	v32 =	vmov s21;
	v33 =	vxor.u32 s22, v1;
	v18 =	vshll.u32 v18, $0x3;
	v34 =	vld.idx.msk [tilespmem:v28+s10+$0x0], $0xffff  }
0x692: {  	v32 =	vshll.u32 v32, $0x3;
	v21 =	vshll.u32 v21, $0x3;
	v35 =	vxor.u32 s25, v1  }
0x693: {  	v32 =	vand.u32 $0x3C00, v32;
	v21 =	vand.u32 $0x3C00, v21;
	v35 =	vand.u32 $0x7F, v35  }
0x694: {  	v22 =	vor.u32 v22, v32;
	v20 =	vand.u32 $0x3C00, v20;
	vm1 =	vgt.s32 v8, v17  }
0x695: {  	v18 =	vand.u32 $0x3C00, v18;
	v17 =	vor.u32 v2, v22;
	v22 =	vsel vm1, $0x0, v3  }
0x696: {  	v25 =	vshll.u32 v25, $0x3;
	v20 =	vor.u32 v35, v20;
	v16 =	vand.u32 $0x7FFFFFFF, v16;
	[tilespmem:v11+s11+$0x0] =	vst.idx.msk $0xffff, v22  }
0x697: {  	v11 =	vand.u32 $0x7F, v31;
	v22 =	vand.u32 $0x3C00, v26;
	v26 =	vand.u32 $0x7FFFFFFF, v34  }
0x698: {  	v11 =	vor.u32 v11, v22;
	v22 =	vand.u32 $0x3C00, v25;
	vm1 =	vgt.s32 v8, v26  }
0x699: {  	v30 =	vand.u32 $0x7FFFFFFF, v30;
	v25 =	vand.u32 $0x7F, v33;
	v26 =	vor.u32 v2, v11  }
0x69a: {  	v11 =	vor.u32 v25, v15;
	v15 =	vand.u32 $0x7F, v19;
	v19 =	vsel vm0, $0x0, v3;
	v31 =	vld.idx.msk [tilespmem:v17+s10+$0x0], $0xffff  }
0x69b: {  	v11 =	vor.u32 v2, v11;
	v15 =	vor.u32 v15, v22;
	v22 =	vand.u32 $0x7FFFFFFF, v27;
	[tilespmem:v10+s11+$0x0] =	vst.idx.msk $0xffff, v19  }
0x69c: {  	v18 =	vor.u32 v14, v18;
	vm0 =	vgt.s32 v8, v16;
	v10 =	vmov s18  }
0x69d: {  	vm2 =	vgt.s32 v8, v22;
	v14 =	vshll.u32 v10, $0x3;
	v10 =	vor.u32 v2, v20  }
.Ltmp60:
0x69e: {  	v16 =	vor.u32 v29, v21;
	v19 =	vand.u32 $0x3C00, v14;
	[tilespmem:v7+s11+$0x0] =	vst.idx.msk $0xffff, v12;
	v12 =	vsel vm2, $0x0, v3;
	v7 =	vmovc v17;
	(pc) =	sbr.rel @p0 .LBB2_88-.Ltmp60, $4  }
0x69f: {  	v14 =	vor.u32 v2, v16;
	v16 =	vor.u32 v23, v19;
	v19 =	vsel vm1, $0x0, v3;
	[tilespmem:v9+s11+$0x0] =	vst.idx.msk $0xffff, v12  }
0x6a0: {  	vm1 =	vgt.s32 v8, v30;
	v12 =	vand.u32 $0x7FFFFFFF, v31;
	v16 =	vor.u32 v2, v16;
	[tilespmem:v28+s11+$0x0] =	vst.idx.msk $0xffff, v19  }
0x6a1: {  	v20 =	vsel vm1, $0x0, v3;
	vm1 =	vgt.s32 v8, v24;
	v9 =	vmovc v26;
	vm2 =	vgt.s32 v8, v12;
	v17 =	vld.idx.msk [tilespmem:v11+s10+$0x0], $0xffff  }
0x6a2: {  	v21 =	vsel vm0, $0x0, v3;
	v12 =	vsel vm2, $0x0, v3;
	v19 =	vld.idx.msk [tilespmem:v10+s10+$0x0], $0xffff;
	[tilespmem:v13+s11+$0x0] =	vst.idx.msk $0xffff, v20;
	v20 =	vsel vm1, $0x0, v3  }
0x6a3: {  	_ =	sdelay $0x2  }
0x6a4: {  	v13 =	vor.u32 v2, v15  }
0x6a5: {  	v56 =	vor.u32 v2, v18;
	v57 =	vld.idx.msk [tilespmem:v9+s10+$0x0], $0xffff  }
0x6a6: {  	[tilespmem:v6+s11+$0x0] =	vst.idx.msk $0xffff, v21;
	v6 =	vld.idx.msk [tilespmem:v16+s10+$0x0], $0xffff  }
0x6a7: {  	[tilespmem:v5+s11+$0x0] =	vst.idx.msk $0xffff, v20;
	v5 =	vld.idx.msk [tilespmem:v14+s10+$0x0], $0xffff;
	_ =	sdelay $0x1  }
0x6a8: {  	v17 =	vand.u32 $0x7FFFFFFF, v17;
	v22 =	vld.idx.msk [tilespmem:v13+s10+$0x0], $0xffff  }
0x6a9: {  	vm0 =	vgt.s32 v8, v17;
	v58 =	vand.u32 $0x7FFFFFFF, v19;
	v23 =	vld.idx.msk [tilespmem:v56+s10+$0x0], $0xffff  }
0x6aa: {  	vm1 =	vgt.s32 v8, v58;
	v59 =	vsel vm0, $0x0, v3  }
0x6ab: {  	[tilespmem:v7+s11+$0x0] =	vst.idx.msk $0xffff, v12;
	v61 =	vand.u32 $0x7FFFFFFF, v57;
	v6 =	vand.u32 $0x7FFFFFFF, v6;
	v5 =	vand.u32 $0x7FFFFFFF, v5  }
0x6ac: {  	[tilespmem:v11+s11+$0x0] =	vst.idx.msk $0xffff, v59;
	v60 =	vsel vm1, $0x0, v3;
	vm11 =	vgt.s32 v8, v61;
	vm14 =	vgt.s32 v8, v6  }
0x6ad: {  	vm15 =	vgt.s32 v8, v5;
	[tilespmem:v10+s11+$0x0] =	vst.idx.msk $0xffff, v60;
	v7 =	vsel vm11, $0x0, v3;
	v62 =	vand.u32 $0x7FFFFFFF, v22  }
0x6ae: {  	v5 =	vsel vm14, $0x0, v3;
	[tilespmem:v9+s11+$0x0] =	vst.idx.msk $0xffff, v7;
	v63 =	vand.u32 $0x7FFFFFFF, v23;
	vm12 =	vgt.s32 v8, v62  }
0x6af: {  	[tilespmem:v16+s11+$0x0] =	vst.idx.msk $0xffff, v5;
	vm13 =	vgt.s32 v8, v63;
	v7 =	vsel vm12, $0x0, v3  }
0x6b0: {  	s16 =	sadd.s32 $0x1, s16;
	v6 =	vsel vm13, $0x0, v3;
	[tilespmem:v13+s11+$0x0] =	vst.idx.msk $0xffff, v7  }
0x6b1: {  	p0 =	sne.s32 s16, s8;
	[tilespmem:v56+s11+$0x0] =	vst.idx.msk $0xffff, v6;
	v6 =	vsel vm15, $0x0, v3  }
.Ltmp61:
0x6b2: {  	[tilespmem:v14+s11+$0x0] =	vst.idx.msk $0xffff, v6;
	(pc) =	sbr.rel @p0 .LBB2_1-.Ltmp61, $4  }
0x6b3: {  	[hbm4b:s7+s3] =	stream.linear.scatter [tilespmem:s11], [sflag:$0x3], $0x8000, $0x38;
	[tilespmem:$0x1FF80] =	vst v63  }
0x6b4: {  	_ =	swait.ge [sflag:s15], $0x8000  }
0x6b5: {  	[sflag:s15] =	ssyncset.done $0x0  }
0x6b6: {  	[sflag:s15] =	ssyncadd.s32 $0xFFFF8000  }
0x6b7: {  	_ =	sfence.sel $0x180000  }
0x6b8: {  	[bflag:$0x0] =	sbarrier.arrive $0xFFFF  }
0x6b9: {  	p0 =	sne.s32 s2, $0x0;
	_ =	strace $0x90000047  }
0x6ba: {  	s0 =	sadd.s32 @!p0 $0x100000, s0;
	[bflag:$0x2] =	sbarrier.arrive $0xFFFF  }
0x6bb: {  	[sflag:s0] =	ssyncadd.tile.s32 @!p0 $0x1;
	_ =	shalt  }
.Lfunc_end2:
_tile_overlayer_lowered:
.L_overlay_start_2:
0x6bc: {  	(tag) =	ssettag $0x2  }
0x6bd: {  	s0 =	rddreg [dreg:$0x0];
	s2 =	stileid.u32  }
0x6be: {  	s1 =	rddreg [dreg:$0x1];
	p0 =	sne.s32 s2, $0x0  }
0x6bf: {  	s3 =	rddreg [dreg:$0x2];
	[bflag:$0x3] =	sbarrier.arrive $0xFFFF;
	s2 =	simm.s32 @!p0 $0x1C04  }
0x6c0: {  	[timem:s3], [sflag:s2] =	dma.local @!p0 [hbm:s0], s1  }
0x6c1: {  	s0 =	simm.s32 @!p0 $0x4  }
0x6c2: {  	_ =	swait.ge @!p0 [sflag:s0], s1  }
0x6c3: {  	s1 =	ssub.s32 @!p0 $0x0, s1;
	[sflag:s0] =	ssyncset.done @!p0 $0x0  }
0x6c4: {  	[sflag:s0] =	ssyncadd.s32 @!p0 s1  }
0x6c5: {  	[bflag:$0x3] =	sbarrier.arrive $0xFFFF  }
0x6c6: {  	_ =	shalt  }

</sc_bundles>
